<compile_context>
chip_gen: v7x
topology: tpu7x:2x2x1
jax: 0.10.2.dev20260603
libtpu: 0.0.44.dev20260713+nightly
codegen_flags: <defaults>
</compile_context>

<pallas_src>
import functools

import jax
import jax.numpy as jnp
from jax import lax
from jax.experimental import pallas as pl
from jax.experimental.pallas import tpu as pltpu
from jax.experimental.pallas import tpu_sc as plsc

NBC = 16
NROWS = 1600
NCOLS = 1000
HALF_ROWS = 800
CHUNK_ROWS = 40
NCHUNKS = 63
RW = 1024
RHALF = 24 * RW
HALF_OUT = 10240


def _col0(k):
    return 16 * k if k < 62 else 984


_GROUPS = ((0, 16), (16, 32), (32, 48), (48, NCHUNKS))

_mesh = plsc.VectorSubcoreMesh(core_axis_name="c", subcore_axis_name="s")


def _worker():
    c_idx = lax.axis_index("c")
    s_idx = lax.axis_index("s")
    pair = s_idx // 2
    j = s_idx % 2
    bc = c_idx * 8 + pair
    return bc, j


@functools.partial(
    pl.kernel,
    mesh=_mesh,
    out_type=jax.ShapeDtypeStruct((NBC * 2 * RHALF,), jnp.float32),
    scratch_types=[
        pltpu.VMEM((CHUNK_ROWS, NCOLS), jnp.float32),
        pltpu.VMEM((CHUNK_ROWS, NCOLS), jnp.float32),
        pltpu.VMEM((RHALF,), jnp.float32),
        pltpu.SemaphoreType.DMA,
        pltpu.SemaphoreType.DMA,
    ],
)
def _reduce_sc(x_hbm, r_hbm, in0, in1, r_my, sem0, sem1):
    bc, j = _worker()
    row_base = j * HALF_ROWS

    def dma(blk, buf, sem):
        return pltpu.make_async_copy(
            x_hbm.at[bc, pl.ds(row_base + blk * CHUNK_ROWS, CHUNK_ROWS), :],
            buf, sem)

    def accumulate(blk, buf):
        for g0, g1 in _GROUPS:
            nk = g1 - g0
            zeros = tuple(jnp.zeros((16,), jnp.float32) for _ in range(nk))

            def r_body(r, acc, _g0=g0, _nk=nk):
                return tuple(
                    acc[i] + buf[r, pl.ds(_col0(_g0 + i), 16)]
                    for i in range(_nk))

            acc = plsc.parallel_loop(
                0, CHUNK_ROWS, unroll=2, carry=zeros)(r_body)
            for i in range(nk):
                r_my[pl.ds(blk * RW + _col0(g0 + i), 16)] = acc[i]

    dma(0, in0, sem0).start()
    dma(1, in1, sem1).start()

    def m_body(m, carry):
        dma(2 * m, in0, sem0).wait()
        accumulate(2 * m, in0)

        @pl.when(m < 9)
        def _():
            dma(2 * m + 2, in0, sem0).start()

        dma(2 * m + 1, in1, sem1).wait()
        accumulate(2 * m + 1, in1)

        @pl.when(m < 9)
        def _():
            dma(2 * m + 3, in1, sem1).start()

        return carry

    lax.fori_loop(0, 10, m_body, 0)

    pltpu.sync_copy(r_my, r_hbm.at[pl.ds((bc * 2 + j) * RHALF, RHALF)])


@functools.partial(
    pl.kernel,
    mesh=_mesh,
    compiler_params=pltpu.CompilerParams(
        use_tc_tiling_on_sc=False, needs_layout_passes=False),
    out_type=jax.ShapeDtypeStruct((NBC, 2 * HALF_OUT), jnp.float32),
    scratch_types=[
        pltpu.VMEM((20 * RW,), jnp.float32),
        pltpu.VMEM((20 * RW,), jnp.float32),
        pltpu.VMEM((HALF_OUT,), jnp.float32),
        pltpu.SemaphoreType.DMA,
        pltpu.SemaphoreType.DMA,
    ],
)
def _stitch_sc(r_hbm, out_hbm, r_a, r_b, out_v, sem_a, sem_b):
    bc, j = _worker()
    t0 = j * HALF_OUT

    cp_a = pltpu.make_async_copy(
        r_hbm.at[pl.ds((bc * 2) * RHALF, 20 * RW)], r_a, sem_a)
    cp_b = pltpu.make_async_copy(
        r_hbm.at[pl.ds((bc * 2 + 1) * RHALF, 20 * RW)], r_b, sem_b)
    cp_a.start()
    cp_b.start()
    cp_a.wait()
    cp_b.wait()

    zero = jnp.zeros((16,), jnp.float32)
    iot = lax.iota(jnp.int32, 16)
    scale = jnp.float32(0.025)

    def sample_idx(i):
        t = t0 + 16 * i + iot
        tf = t.astype(jnp.float32)
        s = (tf * jnp.float32(0.05) + jnp.float32(1e-3)).astype(jnp.int32)
        u = t - 20 * s
        return s, u

    def masked_chunk(i):
        s, u = sample_idx(i)
        u_row = lax.shift_left(u, 10)
        g1 = plsc.load_gather(r_a, [u_row + jnp.minimum(s, 999)])
        v1 = jnp.where(s <= 999, g1, zero)
        col2 = jnp.minimum(jnp.maximum(s - 1, 0), 999)
        g2 = plsc.load_gather(r_b, [u_row + col2])
        v2 = jnp.where((s >= 1) & (s <= 1000), g2, zero)
        out_v[pl.ds(16 * i, 16)] = (v1 + v2) * scale

    consts = []
    for c in range(5):
        off = 16 * c + iot
        offf = off.astype(jnp.float32)
        dsub = (offf * jnp.float32(0.05)
                + jnp.float32(1e-3)).astype(jnp.int32)
        u = off - 20 * dsub
        consts.append(lax.shift_left(u, 10) + dsub)

    def macro_loop(b_lo, b_hi, s_off):
        def body(b):
            s4 = jnp.broadcast_to(s_off + 4 * b, (16,))
            for c in range(5):
                idx1 = consts[c] + s4
                g1 = plsc.load_gather(r_a, [idx1])
                g2 = plsc.load_gather(r_b, [idx1 - 1])
                out_v[pl.ds(16 * (5 * b + c), 16)] = (g1 + g2) * scale

        plsc.parallel_loop(b_lo, b_hi, unroll=2)(body)

    @pl.when(j == 0)
    def _():
        for i in range(5):
            masked_chunk(i)
        macro_loop(1, 128, 0)

    @pl.when(j == 1)
    def _():
        macro_loop(0, 122, 512)
        masked_chunk(610)
        masked_chunk(611)

        def zbody(i):
            out_v[pl.ds(16 * i, 16)] = zero

        plsc.parallel_loop(612, 640)(zbody)

    pltpu.sync_copy(out_v, out_hbm.at[bc, pl.ds(t0, HALF_OUT)])


@jax.jit
def kernel(est_source):
    x = est_source.reshape(NBC, NROWS, NCOLS)
    r = _reduce_sc(x)
    full = _stitch_sc(r)
    return full[:, :20020].reshape(8, 2, 20020)

# --- scband reference (transcript-rebuilt; emitter-appended) ---
"""Pipeline reference for scband-decoder-5669356831490 (READ-ONLY COPY).

The authoritative reference and input builder live on the scoring server;
editing this copy changes nothing except your own understanding.
"""

import jax, jax.numpy as jnp
import numpy as np
import math

L = 40

def overlap_and_add(signal, frame_step):
    outer = signal.shape[:-2]
    frames, frame_length = signal.shape[-2:]
    subframe_length = math.gcd(frame_length, frame_step)
    subframe_step = frame_step // subframe_length
    subframes_per_frame = frame_length // subframe_length
    output_size = frame_step * (frames - 1) + frame_length
    output_subframes = output_size // subframe_length
    # flatten outer dims, split frames into subframes
    subframe_signal = signal.reshape(-1, frames * subframes_per_frame, subframe_length)
    # torch.arange(output_subframes).unfold(0, subframes_per_frame, subframe_step) -> [frames, subframes_per_frame]
    idx = (np.arange(frames)[:, None] * subframe_step + np.arange(subframes_per_frame)[None, :]).reshape(-1)
    idx = jnp.asarray(idx, dtype=jnp.int32)
    result = jnp.zeros((subframe_signal.shape[0], output_subframes, subframe_length), dtype=signal.dtype)
    # scatter-add: equivalent of torch index_add_ on dim -2
    result = result.at[:, idx, :].add(subframe_signal)
    return result.reshape(*outer, -1)


def setup_inputs(seed: int = 0) -> dict:
    key = jax.random.key(seed)
    est_source = jax.random.normal(key, (8, 2, 1600, 1000), dtype=jnp.float32)
    return {"est_source": est_source}


def reference(est_source):
    # est_source: [B, C, A, K]
    x = jnp.swapaxes(est_source, 2, 3)  # [B, C, K, A]
    B, C, K, A = x.shape
    # nn.AvgPool2d((1, L)): kernel (1, L), stride (1, L); A divisible by L
    x = x.reshape(B, C, K, A // L, L).mean(axis=-1)  # [B, C, K, A//L]
    return overlap_and_add(x, L // 2)

if __name__ == "__main__":
    import jax
    _d = setup_inputs()
    print(jax.jit(kernel)(*tuple(_d.values())))

</pallas_src>

<mosaic_0001>
#map = affine_map<(d0, d1) -> (0, 0, 0)>
#map1 = affine_map<(d0, d1) -> (0)>
module attributes {stable_mosaic.version = 14 : i64} {
  func.func @_reduce_sc(%arg0: i32, %arg1: i32, %arg2: memref<16x1600x1000xf32, #tpu.memory_space<hbm>>, %arg3: memref<786432xf32, #tpu.memory_space<hbm>>, %arg4: memref<40x1000xf32, #tpu.memory_space<vmem>>, %arg5: memref<40x1000xf32, #tpu.memory_space<vmem>>, %arg6: memref<24576xf32, #tpu.memory_space<vmem>>, %arg7: memref<!tpu.dma_semaphore, #tpu.memory_space<semaphore_mem>>, %arg8: memref<!tpu.dma_semaphore, #tpu.memory_space<semaphore_mem>>) attributes {dimension_semantics = [#tpu.dimension_semantics<core_parallel>, #tpu.dimension_semantics<subcore_parallel>], iteration_bounds = array<i64: 2, 16>, scalar_prefetch = 0 : i64, scratch_operands = 5 : i64, tpu.core_type = #tpu.core_type<sc_vector_subcore>, window_params = [{transform_indices = #map}, {transform_indices = #map1}]} {
    %jit3A = arith.constant 2 : i32
    %div3A = arith.divsi %arg1, %jit3A : i32
    %sign3A = arith.constant 0 : i32
    %sign3A_0 = arith.cmpi sgt, %arg1, %sign3A : i32
    %sign3A_1 = arith.extui %sign3A_0 : i1 to i32
    %sign3A_2 = arith.constant 0 : i32
    %sign3A_3 = arith.cmpi slt, %arg1, %sign3A_2 : i32
    %sign3A_4 = arith.extui %sign3A_3 : i1 to i32
    %sign3A_5 = arith.subi %sign3A_1, %sign3A_4 : i32
    %sign3A_6 = arith.constant 0 : i32
    %sign3A_7 = arith.cmpi sgt, %jit3A, %sign3A_6 : i32
    %sign3A_8 = arith.extui %sign3A_7 : i1 to i32
    %sign3A_9 = arith.constant 0 : i32
    %sign3A_10 = arith.cmpi slt, %jit3A, %sign3A_9 : i32
    %sign3A_11 = arith.extui %sign3A_10 : i1 to i32
    %sign3A_12 = arith.subi %sign3A_8, %sign3A_11 : i32
    %ne3A = arith.cmpi ne, %sign3A_5, %sign3A_12 : i32
    %rem3A = arith.remsi %arg1, %jit3A : i32
    %ne3A_13 = arith.constant 0 : i32
    %ne3A_14 = arith.cmpi ne, %rem3A, %ne3A_13 : i32
    %and3A = arith.andi %ne3A, %ne3A_14 : i1
    %sub3A = arith.constant 1 : i32
    %sub3A_15 = arith.subi %div3A, %sub3A : i32
    %select_n3A = arith.select %and3A, %sub3A_15, %div3A : i32
    %jit3A_16 = arith.constant 2 : i32
    %eq3A = arith.constant 0 : i32
    %eq3A_17 = arith.cmpi eq, %jit3A_16, %eq3A : i32
    %jit3A_18 = arith.constant 1 : i32
    %select_n3A_19 = arith.select %eq3A_17, %jit3A_18, %jit3A_16 : i32
    %rem3A_20 = arith.remsi %arg1, %select_n3A_19 : i32
    %ne3A_21 = arith.constant 0 : i32
    %ne3A_22 = arith.cmpi ne, %rem3A_20, %ne3A_21 : i32
    %lt3A = arith.constant 0 : i32
    %lt3A_23 = arith.cmpi slt, %rem3A_20, %lt3A : i32
    %lt3A_24 = arith.constant 0 : i32
    %lt3A_25 = arith.cmpi slt, %select_n3A_19, %lt3A_24 : i32
    %ne3A_26 = arith.xori %lt3A_23, %lt3A_25 : i1
    %and3A_27 = arith.andi %ne3A_26, %ne3A_22 : i1
    %add3A = arith.addi %rem3A_20, %select_n3A_19 : i32
    %select_n3A_28 = arith.select %and3A_27, %add3A, %rem3A_20 : i32
    %mul3A = arith.constant 8 : i32
    %mul3A_29 = arith.muli %arg0, %mul3A : i32
    %add3A_30 = arith.addi %mul3A_29, %select_n3A : i32
    %mul3A_31 = arith.constant 800 : i32
    %mul3A_32 = arith.muli %select_n3A_28, %mul3A_31 : i32
    %add3A_33 = arith.constant 0 : i32
    %add3A_34 = arith.addi %mul3A_32, %add3A_33 : i32
    %dma_start3A = arith.constant 0 : i32
    %dma_start3A_35 = tpu.memref_slice %arg2[%add3A_30, %add3A_34, %dma_start3A] : memref<16x1600x1000xf32, #tpu.memory_space<hbm>> -> memref<1x40x1000xf32, #tpu.memory_space<hbm>>
    %dma_start3A_36 = tpu.memref_squeeze %dma_start3A_35 : memref<1x40x1000xf32, #tpu.memory_space<hbm>> -> memref<40x1000xf32, #tpu.memory_space<hbm>>
    %dma_start3A_37 = arith.constant 0 : i32
    %dma_start3A_38 = tpu.memref_slice %arg2[%add3A_30, %add3A_34, %dma_start3A_37] : memref<16x1600x1000xf32, #tpu.memory_space<hbm>> -> memref<1x40x1000xf32, #tpu.memory_space<hbm>>
    %dma_start3A_39 = tpu.memref_squeeze %dma_start3A_38 : memref<1x40x1000xf32, #tpu.memory_space<hbm>> -> memref<40x1000xf32, #tpu.memory_space<hbm>>
    tpu.enqueue_dma source(%dma_start3A_39 : memref<40x1000xf32, #tpu.memory_space<hbm>>) target(%arg4 : memref<40x1000xf32, #tpu.memory_space<vmem>>) target_semaphore(%arg7 : memref<!tpu.dma_semaphore, #tpu.memory_space<semaphore_mem>>)
    %add3A_40 = arith.constant 40 : i32
    %add3A_41 = arith.addi %mul3A_32, %add3A_40 : i32
    %dma_start3A_42 = arith.constant 0 : i32
    %dma_start3A_43 = tpu.memref_slice %arg2[%add3A_30, %add3A_41, %dma_start3A_42] : memref<16x1600x1000xf32, #tpu.memory_space<hbm>> -> memref<1x40x1000xf32, #tpu.memory_space<hbm>>
    %dma_start3A_44 = tpu.memref_squeeze %dma_start3A_43 : memref<1x40x1000xf32, #tpu.memory_space<hbm>> -> memref<40x1000xf32, #tpu.memory_space<hbm>>
    %dma_start3A_45 = arith.constant 0 : i32
    %dma_start3A_46 = tpu.memref_slice %arg2[%add3A_30, %add3A_41, %dma_start3A_45] : memref<16x1600x1000xf32, #tpu.memory_space<hbm>> -> memref<1x40x1000xf32, #tpu.memory_space<hbm>>
    %dma_start3A_47 = tpu.memref_squeeze %dma_start3A_46 : memref<1x40x1000xf32, #tpu.memory_space<hbm>> -> memref<40x1000xf32, #tpu.memory_space<hbm>>
    tpu.enqueue_dma source(%dma_start3A_47 : memref<40x1000xf32, #tpu.memory_space<hbm>>) target(%arg5 : memref<40x1000xf32, #tpu.memory_space<vmem>>) target_semaphore(%arg8 : memref<!tpu.dma_semaphore, #tpu.memory_space<semaphore_mem>>)
    %scan3A = arith.constant 0 : i32
    %scan3A_48 = arith.constant 0 : i32
    %scan3A_49 = arith.constant 10 : i32
    %scan3A_50 = arith.addi %scan3A_48, %scan3A_49 : i32
    %scan3A_51 = arith.constant 1 : i32
    scf.for %scan3A_58 = %scan3A_48 to %scan3A_50 step %scan3A_51  : i32 {
      %mul3A_59 = arith.constant 2 : i32
      %mul3A_60 = arith.muli %mul3A_59, %scan3A_58 : i32
      %mul3A_61 = arith.constant 40 : i32
      %mul3A_62 = arith.muli %mul3A_60, %mul3A_61 : i32
      %add3A_63 = arith.addi %mul3A_32, %mul3A_62 : i32
      %dma_wait3A = arith.constant 0 : i32
      %dma_wait3A_64 = tpu.memref_slice %arg2[%add3A_30, %add3A_63, %dma_wait3A] : memref<16x1600x1000xf32, #tpu.memory_space<hbm>> -> memref<1x40x1000xf32, #tpu.memory_space<hbm>>
      %dma_wait3A_65 = tpu.memref_squeeze %dma_wait3A_64 : memref<1x40x1000xf32, #tpu.memory_space<hbm>> -> memref<40x1000xf32, #tpu.memory_space<hbm>>
      %dma_wait3A_66 = arith.constant 0 : i32
      %dma_wait3A_67 = tpu.memref_slice %arg2[%add3A_30, %add3A_63, %dma_wait3A_66] : memref<16x1600x1000xf32, #tpu.memory_space<hbm>> -> memref<1x40x1000xf32, #tpu.memory_space<hbm>>
      %dma_wait3A_68 = tpu.memref_squeeze %dma_wait3A_67 : memref<1x40x1000xf32, #tpu.memory_space<hbm>> -> memref<40x1000xf32, #tpu.memory_space<hbm>>
      tpu.wait_dma2 semaphore(%arg7 : memref<!tpu.dma_semaphore, #tpu.memory_space<semaphore_mem>>) src(%dma_wait3A_68 : memref<40x1000xf32, #tpu.memory_space<hbm>>) dst(%arg4 : memref<40x1000xf32, #tpu.memory_space<vmem>>)
      %mul3A_69 = arith.constant 2 : i32
      %mul3A_70 = arith.muli %mul3A_69, %scan3A_58 : i32
      %broadcast_in_dim3A = arith.constant 0.000000e+00 : f32
      %broadcast_in_dim3A_71 = vector.broadcast %broadcast_in_dim3A : f32 to vector<16xf32>
      %broadcast_in_dim3A_72 = arith.constant 0.000000e+00 : f32
      %broadcast_in_dim3A_73 = vector.broadcast %broadcast_in_dim3A_72 : f32 to vector<16xf32>
      %broadcast_in_dim3A_74 = arith.constant 0.000000e+00 : f32
      %broadcast_in_dim3A_75 = vector.broadcast %broadcast_in_dim3A_74 : f32 to vector<16xf32>
      %broadcast_in_dim3A_76 = arith.constant 0.000000e+00 : f32
      %broadcast_in_dim3A_77 = vector.broadcast %broadcast_in_dim3A_76 : f32 to vector<16xf32>
      %broadcast_in_dim3A_78 = arith.constant 0.000000e+00 : f32
      %broadcast_in_dim3A_79 = vector.broadcast %broadcast_in_dim3A_78 : f32 to vector<16xf32>
      %broadcast_in_dim3A_80 = arith.constant 0.000000e+00 : f32
      %broadcast_in_dim3A_81 = vector.broadcast %broadcast_in_dim3A_80 : f32 to vector<16xf32>
      %broadcast_in_dim3A_82 = arith.constant 0.000000e+00 : f32
      %broadcast_in_dim3A_83 = vector.broadcast %broadcast_in_dim3A_82 : f32 to vector<16xf32>
      %broadcast_in_dim3A_84 = arith.constant 0.000000e+00 : f32
      %broadcast_in_dim3A_85 = vector.broadcast %broadcast_in_dim3A_84 : f32 to vector<16xf32>
      %broadcast_in_dim3A_86 = arith.constant 0.000000e+00 : f32
      %broadcast_in_dim3A_87 = vector.broadcast %broadcast_in_dim3A_86 : f32 to vector<16xf32>
      %broadcast_in_dim3A_88 = arith.constant 0.000000e+00 : f32
      %broadcast_in_dim3A_89 = vector.broadcast %broadcast_in_dim3A_88 : f32 to vector<16xf32>
      %broadcast_in_dim3A_90 = arith.constant 0.000000e+00 : f32
      %broadcast_in_dim3A_91 = vector.broadcast %broadcast_in_dim3A_90 : f32 to vector<16xf32>
      %broadcast_in_dim3A_92 = arith.constant 0.000000e+00 : f32
      %broadcast_in_dim3A_93 = vector.broadcast %broadcast_in_dim3A_92 : f32 to vector<16xf32>
      %broadcast_in_dim3A_94 = arith.constant 0.000000e+00 : f32
      %broadcast_in_dim3A_95 = vector.broadcast %broadcast_in_dim3A_94 : f32 to vector<16xf32>
      %broadcast_in_dim3A_96 = arith.constant 0.000000e+00 : f32
      %broadcast_in_dim3A_97 = vector.broadcast %broadcast_in_dim3A_96 : f32 to vector<16xf32>
      %broadcast_in_dim3A_98 = arith.constant 0.000000e+00 : f32
      %broadcast_in_dim3A_99 = vector.broadcast %broadcast_in_dim3A_98 : f32 to vector<16xf32>
      %broadcast_in_dim3A_100 = arith.constant 0.000000e+00 : f32
      %broadcast_in_dim3A_101 = vector.broadcast %broadcast_in_dim3A_100 : f32 to vector<16xf32>
      %parallel_loop3A = arith.constant 0 : i32
      %parallel_loop3A_102 = arith.constant 40 : i32
      %parallel_loop3A_103 = arith.constant 1 : i32
      %parallel_loop3A_104:16 = scf.for %parallel_loop3A_1385 = %parallel_loop3A to %parallel_loop3A_102 step %parallel_loop3A_103 iter_args(%parallel_loop3A_1386 = %broadcast_in_dim3A_71, %parallel_loop3A_1387 = %broadcast_in_dim3A_73, %parallel_loop3A_1388 = %broadcast_in_dim3A_75, %parallel_loop3A_1389 = %broadcast_in_dim3A_77, %parallel_loop3A_1390 = %broadcast_in_dim3A_79, %parallel_loop3A_1391 = %broadcast_in_dim3A_81, %parallel_loop3A_1392 = %broadcast_in_dim3A_83, %parallel_loop3A_1393 = %broadcast_in_dim3A_85, %parallel_loop3A_1394 = %broadcast_in_dim3A_87, %parallel_loop3A_1395 = %broadcast_in_dim3A_89, %parallel_loop3A_1396 = %broadcast_in_dim3A_91, %parallel_loop3A_1397 = %broadcast_in_dim3A_93, %parallel_loop3A_1398 = %broadcast_in_dim3A_95, %parallel_loop3A_1399 = %broadcast_in_dim3A_97, %parallel_loop3A_1400 = %broadcast_in_dim3A_99, %parallel_loop3A_1401 = %broadcast_in_dim3A_101) -> (vector<16xf32>, vector<16xf32>, vector<16xf32>, vector<16xf32>, vector<16xf32>, vector<16xf32>, vector<16xf32>, vector<16xf32>, vector<16xf32>, vector<16xf32>, vector<16xf32>, vector<16xf32>, vector<16xf32>, vector<16xf32>, vector<16xf32>, vector<16xf32>)  : i32 {
        %parallel_loop3A_1402 = arith.index_cast %parallel_loop3A_1385 : i32 to index
        %parallel_loop3A_1403 = arith.constant 0 : index
        %parallel_loop3A_1404 = tpu.vector_load %arg4[%parallel_loop3A_1402, %parallel_loop3A_1403] {strides = array<i32>} : memref<40x1000xf32, #tpu.memory_space<vmem>>, vector<1x16xf32>,
        %parallel_loop3A_1405 = vector.shape_cast %parallel_loop3A_1404 : vector<1x16xf32> to vector<16xf32>
        %parallel_loop3A_1406 = arith.addf %parallel_loop3A_1386, %parallel_loop3A_1405 : vector<16xf32>
        %parallel_loop3A_1407 = arith.index_cast %parallel_loop3A_1385 : i32 to index
        %parallel_loop3A_1408 = arith.constant 16 : index
        %parallel_loop3A_1409 = tpu.vector_load %arg4[%parallel_loop3A_1407, %parallel_loop3A_1408] {strides = array<i32>} : memref<40x1000xf32, #tpu.memory_space<vmem>>, vector<1x16xf32>,
        %parallel_loop3A_1410 = vector.shape_cast %parallel_loop3A_1409 : vector<1x16xf32> to vector<16xf32>
        %parallel_loop3A_1411 = arith.addf %parallel_loop3A_1387, %parallel_loop3A_1410 : vector<16xf32>
        %parallel_loop3A_1412 = arith.index_cast %parallel_loop3A_1385 : i32 to index
        %parallel_loop3A_1413 = arith.constant 32 : index
        %parallel_loop3A_1414 = tpu.vector_load %arg4[%parallel_loop3A_1412, %parallel_loop3A_1413] {strides = array<i32>} : memref<40x1000xf32, #tpu.memory_space<vmem>>, vector<1x16xf32>,
        %parallel_loop3A_1415 = vector.shape_cast %parallel_loop3A_1414 : vector<1x16xf32> to vector<16xf32>
        %parallel_loop3A_1416 = arith.addf %parallel_loop3A_1388, %parallel_loop3A_1415 : vector<16xf32>
        %parallel_loop3A_1417 = arith.index_cast %parallel_loop3A_1385 : i32 to index
        %parallel_loop3A_1418 = arith.constant 48 : index
        %parallel_loop3A_1419 = tpu.vector_load %arg4[%parallel_loop3A_1417, %parallel_loop3A_1418] {strides = array<i32>} : memref<40x1000xf32, #tpu.memory_space<vmem>>, vector<1x16xf32>,
        %parallel_loop3A_1420 = vector.shape_cast %parallel_loop3A_1419 : vector<1x16xf32> to vector<16xf32>
        %parallel_loop3A_1421 = arith.addf %parallel_loop3A_1389, %parallel_loop3A_1420 : vector<16xf32>
        %parallel_loop3A_1422 = arith.index_cast %parallel_loop3A_1385 : i32 to index
        %parallel_loop3A_1423 = arith.constant 64 : index
        %parallel_loop3A_1424 = tpu.vector_load %arg4[%parallel_loop3A_1422, %parallel_loop3A_1423] {strides = array<i32>} : memref<40x1000xf32, #tpu.memory_space<vmem>>, vector<1x16xf32>,
        %parallel_loop3A_1425 = vector.shape_cast %parallel_loop3A_1424 : vector<1x16xf32> to vector<16xf32>
        %parallel_loop3A_1426 = arith.addf %parallel_loop3A_1390, %parallel_loop3A_1425 : vector<16xf32>
        %parallel_loop3A_1427 = arith.index_cast %parallel_loop3A_1385 : i32 to index
        %parallel_loop3A_1428 = arith.constant 80 : index
        %parallel_loop3A_1429 = tpu.vector_load %arg4[%parallel_loop3A_1427, %parallel_loop3A_1428] {strides = array<i32>} : memref<40x1000xf32, #tpu.memory_space<vmem>>, vector<1x16xf32>,
        %parallel_loop3A_1430 = vector.shape_cast %parallel_loop3A_1429 : vector<1x16xf32> to vector<16xf32>
        %parallel_loop3A_1431 = arith.addf %parallel_loop3A_1391, %parallel_loop3A_1430 : vector<16xf32>
        %parallel_loop3A_1432 = arith.index_cast %parallel_loop3A_1385 : i32 to index
        %parallel_loop3A_1433 = arith.constant 96 : index
        %parallel_loop3A_1434 = tpu.vector_load %arg4[%parallel_loop3A_1432, %parallel_loop3A_1433] {strides = array<i32>} : memref<40x1000xf32, #tpu.memory_space<vmem>>, vector<1x16xf32>,
        %parallel_loop3A_1435 = vector.shape_cast %parallel_loop3A_1434 : vector<1x16xf32> to vector<16xf32>
        %parallel_loop3A_1436 = arith.addf %parallel_loop3A_1392, %parallel_loop3A_1435 : vector<16xf32>
        %parallel_loop3A_1437 = arith.index_cast %parallel_loop3A_1385 : i32 to index
        %parallel_loop3A_1438 = arith.constant 112 : index
        %parallel_loop3A_1439 = tpu.vector_load %arg4[%parallel_loop3A_1437, %parallel_loop3A_1438] {strides = array<i32>} : memref<40x1000xf32, #tpu.memory_space<vmem>>, vector<1x16xf32>,
        %parallel_loop3A_1440 = vector.shape_cast %parallel_loop3A_1439 : vector<1x16xf32> to vector<16xf32>
        %parallel_loop3A_1441 = arith.addf %parallel_loop3A_1393, %parallel_loop3A_1440 : vector<16xf32>
        %parallel_loop3A_1442 = arith.index_cast %parallel_loop3A_1385 : i32 to index
        %parallel_loop3A_1443 = arith.constant 128 : index
        %parallel_loop3A_1444 = tpu.vector_load %arg4[%parallel_loop3A_1442, %parallel_loop3A_1443] {strides = array<i32>} : memref<40x1000xf32, #tpu.memory_space<vmem>>, vector<1x16xf32>,
        %parallel_loop3A_1445 = vector.shape_cast %parallel_loop3A_1444 : vector<1x16xf32> to vector<16xf32>
        %parallel_loop3A_1446 = arith.addf %parallel_loop3A_1394, %parallel_loop3A_1445 : vector<16xf32>
        %parallel_loop3A_1447 = arith.index_cast %parallel_loop3A_1385 : i32 to index
        %parallel_loop3A_1448 = arith.constant 144 : index
        %parallel_loop3A_1449 = tpu.vector_load %arg4[%parallel_loop3A_1447, %parallel_loop3A_1448] {strides = array<i32>} : memref<40x1000xf32, #tpu.memory_space<vmem>>, vector<1x16xf32>,
        %parallel_loop3A_1450 = vector.shape_cast %parallel_loop3A_1449 : vector<1x16xf32> to vector<16xf32>
        %parallel_loop3A_1451 = arith.addf %parallel_loop3A_1395, %parallel_loop3A_1450 : vector<16xf32>
        %parallel_loop3A_1452 = arith.index_cast %parallel_loop3A_1385 : i32 to index
        %parallel_loop3A_1453 = arith.constant 160 : index
        %parallel_loop3A_1454 = tpu.vector_load %arg4[%parallel_loop3A_1452, %parallel_loop3A_1453] {strides = array<i32>} : memref<40x1000xf32, #tpu.memory_space<vmem>>, vector<1x16xf32>,
        %parallel_loop3A_1455 = vector.shape_cast %parallel_loop3A_1454 : vector<1x16xf32> to vector<16xf32>
        %parallel_loop3A_1456 = arith.addf %parallel_loop3A_1396, %parallel_loop3A_1455 : vector<16xf32>
        %parallel_loop3A_1457 = arith.index_cast %parallel_loop3A_1385 : i32 to index
        %parallel_loop3A_1458 = arith.constant 176 : index
        %parallel_loop3A_1459 = tpu.vector_load %arg4[%parallel_loop3A_1457, %parallel_loop3A_1458] {strides = array<i32>} : memref<40x1000xf32, #tpu.memory_space<vmem>>, vector<1x16xf32>,
        %parallel_loop3A_1460 = vector.shape_cast %parallel_loop3A_1459 : vector<1x16xf32> to vector<16xf32>
        %parallel_loop3A_1461 = arith.addf %parallel_loop3A_1397, %parallel_loop3A_1460 : vector<16xf32>
        %parallel_loop3A_1462 = arith.index_cast %parallel_loop3A_1385 : i32 to index
        %parallel_loop3A_1463 = arith.constant 192 : index
        %parallel_loop3A_1464 = tpu.vector_load %arg4[%parallel_loop3A_1462, %parallel_loop3A_1463] {strides = array<i32>} : memref<40x1000xf32, #tpu.memory_space<vmem>>, vector<1x16xf32>,
        %parallel_loop3A_1465 = vector.shape_cast %parallel_loop3A_1464 : vector<1x16xf32> to vector<16xf32>
        %parallel_loop3A_1466 = arith.addf %parallel_loop3A_1398, %parallel_loop3A_1465 : vector<16xf32>
        %parallel_loop3A_1467 = arith.index_cast %parallel_loop3A_1385 : i32 to index
        %parallel_loop3A_1468 = arith.constant 208 : index
        %parallel_loop3A_1469 = tpu.vector_load %arg4[%parallel_loop3A_1467, %parallel_loop3A_1468] {strides = array<i32>} : memref<40x1000xf32, #tpu.memory_space<vmem>>, vector<1x16xf32>,
        %parallel_loop3A_1470 = vector.shape_cast %parallel_loop3A_1469 : vector<1x16xf32> to vector<16xf32>
        %parallel_loop3A_1471 = arith.addf %parallel_loop3A_1399, %parallel_loop3A_1470 : vector<16xf32>
        %parallel_loop3A_1472 = arith.index_cast %parallel_loop3A_1385 : i32 to index
        %parallel_loop3A_1473 = arith.constant 224 : index
        %parallel_loop3A_1474 = tpu.vector_load %arg4[%parallel_loop3A_1472, %parallel_loop3A_1473] {strides = array<i32>} : memref<40x1000xf32, #tpu.memory_space<vmem>>, vector<1x16xf32>,
        %parallel_loop3A_1475 = vector.shape_cast %parallel_loop3A_1474 : vector<1x16xf32> to vector<16xf32>
        %parallel_loop3A_1476 = arith.addf %parallel_loop3A_1400, %parallel_loop3A_1475 : vector<16xf32>
        %parallel_loop3A_1477 = arith.index_cast %parallel_loop3A_1385 : i32 to index
        %parallel_loop3A_1478 = arith.constant 240 : index
        %parallel_loop3A_1479 = tpu.vector_load %arg4[%parallel_loop3A_1477, %parallel_loop3A_1478] {strides = array<i32>} : memref<40x1000xf32, #tpu.memory_space<vmem>>, vector<1x16xf32>,
        %parallel_loop3A_1480 = vector.shape_cast %parallel_loop3A_1479 : vector<1x16xf32> to vector<16xf32>
        %parallel_loop3A_1481 = arith.addf %parallel_loop3A_1401, %parallel_loop3A_1480 : vector<16xf32>
        scf.yield %parallel_loop3A_1406, %parallel_loop3A_1411, %parallel_loop3A_1416, %parallel_loop3A_1421, %parallel_loop3A_1426, %parallel_loop3A_1431, %parallel_loop3A_1436, %parallel_loop3A_1441, %parallel_loop3A_1446, %parallel_loop3A_1451, %parallel_loop3A_1456, %parallel_loop3A_1461, %parallel_loop3A_1466, %parallel_loop3A_1471, %parallel_loop3A_1476, %parallel_loop3A_1481 : vector<16xf32>, vector<16xf32>, vector<16xf32>, vector<16xf32>, vector<16xf32>, vector<16xf32>, vector<16xf32>, vector<16xf32>, vector<16xf32>, vector<16xf32>, vector<16xf32>, vector<16xf32>, vector<16xf32>, vector<16xf32>, vector<16xf32>, vector<16xf32>
      } {sc.loop_unroll_factor = 2 : i64, sc.parallel_access}
      %mul3A_105 = arith.constant 1024 : i32
      %mul3A_106 = arith.muli %mul3A_70, %mul3A_105 : i32
      %add3A_107 = arith.constant 0 : i32
      %add3A_108 = arith.addi %mul3A_106, %add3A_107 : i32
      %swap3A = arith.index_cast %add3A_108 : i32 to index
      %swap3A_109 = tpu.vector_load %arg6[%swap3A] {strides = array<i32>} : memref<24576xf32, #tpu.memory_space<vmem>>, vector<16xf32>,
      %swap3A_110 = vector.shape_cast %swap3A_109 : vector<16xf32> to vector<16xf32>
      %swap3A_111 = vector.shape_cast %parallel_loop3A_104#0 : vector<16xf32> to vector<16xf32>
      tpu.vector_store %arg6[%swap3A], %swap3A_111 {strides = array<i32>} : memref<24576xf32, #tpu.memory_space<vmem>>, vector<16xf32>,
      %mul3A_112 = arith.constant 1024 : i32
      %mul3A_113 = arith.muli %mul3A_70, %mul3A_112 : i32
      %add3A_114 = arith.constant 16 : i32
      %add3A_115 = arith.addi %mul3A_113, %add3A_114 : i32
      %swap3A_116 = arith.index_cast %add3A_115 : i32 to index
      %swap3A_117 = tpu.vector_load %arg6[%swap3A_116] {strides = array<i32>} : memref<24576xf32, #tpu.memory_space<vmem>>, vector<16xf32>,
      %swap3A_118 = vector.shape_cast %swap3A_117 : vector<16xf32> to vector<16xf32>
      %swap3A_119 = vector.shape_cast %parallel_loop3A_104#1 : vector<16xf32> to vector<16xf32>
      tpu.vector_store %arg6[%swap3A_116], %swap3A_119 {strides = array<i32>} : memref<24576xf32, #tpu.memory_space<vmem>>, vector<16xf32>,
      %mul3A_120 = arith.constant 1024 : i32
      %mul3A_121 = arith.muli %mul3A_70, %mul3A_120 : i32
      %add3A_122 = arith.constant 32 : i32
      %add3A_123 = arith.addi %mul3A_121, %add3A_122 : i32
      %swap3A_124 = arith.index_cast %add3A_123 : i32 to index
      %swap3A_125 = tpu.vector_load %arg6[%swap3A_124] {strides = array<i32>} : memref<24576xf32, #tpu.memory_space<vmem>>, vector<16xf32>,
      %swap3A_126 = vector.shape_cast %swap3A_125 : vector<16xf32> to vector<16xf32>
      %swap3A_127 = vector.shape_cast %parallel_loop3A_104#2 : vector<16xf32> to vector<16xf32>
      tpu.vector_store %arg6[%swap3A_124], %swap3A_127 {strides = array<i32>} : memref<24576xf32, #tpu.memory_space<vmem>>, vector<16xf32>,
      %mul3A_128 = arith.constant 1024 : i32
      %mul3A_129 = arith.muli %mul3A_70, %mul3A_128 : i32
      %add3A_130 = arith.constant 48 : i32
      %add3A_131 = arith.addi %mul3A_129, %add3A_130 : i32
      %swap3A_132 = arith.index_cast %add3A_131 : i32 to index
      %swap3A_133 = tpu.vector_load %arg6[%swap3A_132] {strides = array<i32>} : memref<24576xf32, #tpu.memory_space<vmem>>, vector<16xf32>,
      %swap3A_134 = vector.shape_cast %swap3A_133 : vector<16xf32> to vector<16xf32>
      %swap3A_135 = vector.shape_cast %parallel_loop3A_104#3 : vector<16xf32> to vector<16xf32>
      tpu.vector_store %arg6[%swap3A_132], %swap3A_135 {strides = array<i32>} : memref<24576xf32, #tpu.memory_space<vmem>>, vector<16xf32>,
      %mul3A_136 = arith.constant 1024 : i32
      %mul3A_137 = arith.muli %mul3A_70, %mul3A_136 : i32
      %add3A_138 = arith.constant 64 : i32
      %add3A_139 = arith.addi %mul3A_137, %add3A_138 : i32
      %swap3A_140 = arith.index_cast %add3A_139 : i32 to index
      %swap3A_141 = tpu.vector_load %arg6[%swap3A_140] {strides = array<i32>} : memref<24576xf32, #tpu.memory_space<vmem>>, vector<16xf32>,
      %swap3A_142 = vector.shape_cast %swap3A_141 : vector<16xf32> to vector<16xf32>
      %swap3A_143 = vector.shape_cast %parallel_loop3A_104#4 : vector<16xf32> to vector<16xf32>
      tpu.vector_store %arg6[%swap3A_140], %swap3A_143 {strides = array<i32>} : memref<24576xf32, #tpu.memory_space<vmem>>, vector<16xf32>,
      %mul3A_144 = arith.constant 1024 : i32
      %mul3A_145 = arith.muli %mul3A_70, %mul3A_144 : i32
      %add3A_146 = arith.constant 80 : i32
      %add3A_147 = arith.addi %mul3A_145, %add3A_146 : i32
      %swap3A_148 = arith.index_cast %add3A_147 : i32 to index
      %swap3A_149 = tpu.vector_load %arg6[%swap3A_148] {strides = array<i32>} : memref<24576xf32, #tpu.memory_space<vmem>>, vector<16xf32>,
      %swap3A_150 = vector.shape_cast %swap3A_149 : vector<16xf32> to vector<16xf32>
      %swap3A_151 = vector.shape_cast %parallel_loop3A_104#5 : vector<16xf32> to vector<16xf32>
      tpu.vector_store %arg6[%swap3A_148], %swap3A_151 {strides = array<i32>} : memref<24576xf32, #tpu.memory_space<vmem>>, vector<16xf32>,
      %mul3A_152 = arith.constant 1024 : i32
      %mul3A_153 = arith.muli %mul3A_70, %mul3A_152 : i32
      %add3A_154 = arith.constant 96 : i32
      %add3A_155 = arith.addi %mul3A_153, %add3A_154 : i32
      %swap3A_156 = arith.index_cast %add3A_155 : i32 to index
      %swap3A_157 = tpu.vector_load %arg6[%swap3A_156] {strides = array<i32>} : memref<24576xf32, #tpu.memory_space<vmem>>, vector<16xf32>,
      %swap3A_158 = vector.shape_cast %swap3A_157 : vector<16xf32> to vector<16xf32>
      %swap3A_159 = vector.shape_cast %parallel_loop3A_104#6 : vector<16xf32> to vector<16xf32>
      tpu.vector_store %arg6[%swap3A_156], %swap3A_159 {strides = array<i32>} : memref<24576xf32, #tpu.memory_space<vmem>>, vector<16xf32>,
      %mul3A_160 = arith.constant 1024 : i32
      %mul3A_161 = arith.muli %mul3A_70, %mul3A_160 : i32
      %add3A_162 = arith.constant 112 : i32
      %add3A_163 = arith.addi %mul3A_161, %add3A_162 : i32
      %swap3A_164 = arith.index_cast %add3A_163 : i32 to index
      %swap3A_165 = tpu.vector_load %arg6[%swap3A_164] {strides = array<i32>} : memref<24576xf32, #tpu.memory_space<vmem>>, vector<16xf32>,
      %swap3A_166 = vector.shape_cast %swap3A_165 : vector<16xf32> to vector<16xf32>
      %swap3A_167 = vector.shape_cast %parallel_loop3A_104#7 : vector<16xf32> to vector<16xf32>
      tpu.vector_store %arg6[%swap3A_164], %swap3A_167 {strides = array<i32>} : memref<24576xf32, #tpu.memory_space<vmem>>, vector<16xf32>,
      %mul3A_168 = arith.constant 1024 : i32
      %mul3A_169 = arith.muli %mul3A_70, %mul3A_168 : i32
      %add3A_170 = arith.constant 128 : i32
      %add3A_171 = arith.addi %mul3A_169, %add3A_170 : i32
      %swap3A_172 = arith.index_cast %add3A_171 : i32 to index
      %swap3A_173 = tpu.vector_load %arg6[%swap3A_172] {strides = array<i32>} : memref<24576xf32, #tpu.memory_space<vmem>>, vector<16xf32>,
      %swap3A_174 = vector.shape_cast %swap3A_173 : vector<16xf32> to vector<16xf32>
      %swap3A_175 = vector.shape_cast %parallel_loop3A_104#8 : vector<16xf32> to vector<16xf32>
      tpu.vector_store %arg6[%swap3A_172], %swap3A_175 {strides = array<i32>} : memref<24576xf32, #tpu.memory_space<vmem>>, vector<16xf32>,
      %mul3A_176 = arith.constant 1024 : i32
      %mul3A_177 = arith.muli %mul3A_70, %mul3A_176 : i32
      %add3A_178 = arith.constant 144 : i32
      %add3A_179 = arith.addi %mul3A_177, %add3A_178 : i32
      %swap3A_180 = arith.index_cast %add3A_179 : i32 to index
      %swap3A_181 = tpu.vector_load %arg6[%swap3A_180] {strides = array<i32>} : memref<24576xf32, #tpu.memory_space<vmem>>, vector<16xf32>,
      %swap3A_182 = vector.shape_cast %swap3A_181 : vector<16xf32> to vector<16xf32>
      %swap3A_183 = vector.shape_cast %parallel_loop3A_104#9 : vector<16xf32> to vector<16xf32>
      tpu.vector_store %arg6[%swap3A_180], %swap3A_183 {strides = array<i32>} : memref<24576xf32, #tpu.memory_space<vmem>>, vector<16xf32>,
      %mul3A_184 = arith.constant 1024 : i32
      %mul3A_185 = arith.muli %mul3A_70, %mul3A_184 : i32
      %add3A_186 = arith.constant 160 : i32
      %add3A_187 = arith.addi %mul3A_185, %add3A_186 : i32
      %swap3A_188 = arith.index_cast %add3A_187 : i32 to index
      %swap3A_189 = tpu.vector_load %arg6[%swap3A_188] {strides = array<i32>} : memref<24576xf32, #tpu.memory_space<vmem>>, vector<16xf32>,
      %swap3A_190 = vector.shape_cast %swap3A_189 : vector<16xf32> to vector<16xf32>
      %swap3A_191 = vector.shape_cast %parallel_loop3A_104#10 : vector<16xf32> to vector<16xf32>
      tpu.vector_store %arg6[%swap3A_188], %swap3A_191 {strides = array<i32>} : memref<24576xf32, #tpu.memory_space<vmem>>, vector<16xf32>,
      %mul3A_192 = arith.constant 1024 : i32
      %mul3A_193 = arith.muli %mul3A_70, %mul3A_192 : i32
      %add3A_194 = arith.constant 176 : i32
      %add3A_195 = arith.addi %mul3A_193, %add3A_194 : i32
      %swap3A_196 = arith.index_cast %add3A_195 : i32 to index
      %swap3A_197 = tpu.vector_load %arg6[%swap3A_196] {strides = array<i32>} : memref<24576xf32, #tpu.memory_space<vmem>>, vector<16xf32>,
      %swap3A_198 = vector.shape_cast %swap3A_197 : vector<16xf32> to vector<16xf32>
      %swap3A_199 = vector.shape_cast %parallel_loop3A_104#11 : vector<16xf32> to vector<16xf32>
      tpu.vector_store %arg6[%swap3A_196], %swap3A_199 {strides = array<i32>} : memref<24576xf32, #tpu.memory_space<vmem>>, vector<16xf32>,
      %mul3A_200 = arith.constant 1024 : i32
      %mul3A_201 = arith.muli %mul3A_70, %mul3A_200 : i32
      %add3A_202 = arith.constant 192 : i32
      %add3A_203 = arith.addi %mul3A_201, %add3A_202 : i32
      %swap3A_204 = arith.index_cast %add3A_203 : i32 to index
      %swap3A_205 = tpu.vector_load %arg6[%swap3A_204] {strides = array<i32>} : memref<24576xf32, #tpu.memory_space<vmem>>, vector<16xf32>,
      %swap3A_206 = vector.shape_cast %swap3A_205 : vector<16xf32> to vector<16xf32>
      %swap3A_207 = vector.shape_cast %parallel_loop3A_104#12 : vector<16xf32> to vector<16xf32>
      tpu.vector_store %arg6[%swap3A_204], %swap3A_207 {strides = array<i32>} : memref<24576xf32, #tpu.memory_space<vmem>>, vector<16xf32>,
      %mul3A_208 = arith.constant 1024 : i32
      %mul3A_209 = arith.muli %mul3A_70, %mul3A_208 : i32
      %add3A_210 = arith.constant 208 : i32
      %add3A_211 = arith.addi %mul3A_209, %add3A_210 : i32
      %swap3A_212 = arith.index_cast %add3A_211 : i32 to index
      %swap3A_213 = tpu.vector_load %arg6[%swap3A_212] {strides = array<i32>} : memref<24576xf32, #tpu.memory_space<vmem>>, vector<16xf32>,
      %swap3A_214 = vector.shape_cast %swap3A_213 : vector<16xf32> to vector<16xf32>
      %swap3A_215 = vector.shape_cast %parallel_loop3A_104#13 : vector<16xf32> to vector<16xf32>
      tpu.vector_store %arg6[%swap3A_212], %swap3A_215 {strides = array<i32>} : memref<24576xf32, #tpu.memory_space<vmem>>, vector<16xf32>,
      %mul3A_216 = arith.constant 1024 : i32
      %mul3A_217 = arith.muli %mul3A_70, %mul3A_216 : i32
      %add3A_218 = arith.constant 224 : i32
      %add3A_219 = arith.addi %mul3A_217, %add3A_218 : i32
      %swap3A_220 = arith.index_cast %add3A_219 : i32 to index
      %swap3A_221 = tpu.vector_load %arg6[%swap3A_220] {strides = array<i32>} : memref<24576xf32, #tpu.memory_space<vmem>>, vector<16xf32>,
      %swap3A_222 = vector.shape_cast %swap3A_221 : vector<16xf32> to vector<16xf32>
      %swap3A_223 = vector.shape_cast %parallel_loop3A_104#14 : vector<16xf32> to vector<16xf32>
      tpu.vector_store %arg6[%swap3A_220], %swap3A_223 {strides = array<i32>} : memref<24576xf32, #tpu.memory_space<vmem>>, vector<16xf32>,
      %mul3A_224 = arith.constant 1024 : i32
      %mul3A_225 = arith.muli %mul3A_70, %mul3A_224 : i32
      %add3A_226 = arith.constant 240 : i32
      %add3A_227 = arith.addi %mul3A_225, %add3A_226 : i32
      %swap3A_228 = arith.index_cast %add3A_227 : i32 to index
      %swap3A_229 = tpu.vector_load %arg6[%swap3A_228] {strides = array<i32>} : memref<24576xf32, #tpu.memory_space<vmem>>, vector<16xf32>,
      %swap3A_230 = vector.shape_cast %swap3A_229 : vector<16xf32> to vector<16xf32>
      %swap3A_231 = vector.shape_cast %parallel_loop3A_104#15 : vector<16xf32> to vector<16xf32>
      tpu.vector_store %arg6[%swap3A_228], %swap3A_231 {strides = array<i32>} : memref<24576xf32, #tpu.memory_space<vmem>>, vector<16xf32>,
      %broadcast_in_dim3A_232 = arith.constant 0.000000e+00 : f32
      %broadcast_in_dim3A_233 = vector.broadcast %broadcast_in_dim3A_232 : f32 to vector<16xf32>
      %broadcast_in_dim3A_234 = arith.constant 0.000000e+00 : f32
      %broadcast_in_dim3A_235 = vector.broadcast %broadcast_in_dim3A_234 : f32 to vector<16xf32>
      %broadcast_in_dim3A_236 = arith.constant 0.000000e+00 : f32
      %broadcast_in_dim3A_237 = vector.broadcast %broadcast_in_dim3A_236 : f32 to vector<16xf32>
      %broadcast_in_dim3A_238 = arith.constant 0.000000e+00 : f32
      %broadcast_in_dim3A_239 = vector.broadcast %broadcast_in_dim3A_238 : f32 to vector<16xf32>
      %broadcast_in_dim3A_240 = arith.constant 0.000000e+00 : f32
      %broadcast_in_dim3A_241 = vector.broadcast %broadcast_in_dim3A_240 : f32 to vector<16xf32>
      %broadcast_in_dim3A_242 = arith.constant 0.000000e+00 : f32
      %broadcast_in_dim3A_243 = vector.broadcast %broadcast_in_dim3A_242 : f32 to vector<16xf32>
      %broadcast_in_dim3A_244 = arith.constant 0.000000e+00 : f32
      %broadcast_in_dim3A_245 = vector.broadcast %broadcast_in_dim3A_244 : f32 to vector<16xf32>
      %broadcast_in_dim3A_246 = arith.constant 0.000000e+00 : f32
      %broadcast_in_dim3A_247 = vector.broadcast %broadcast_in_dim3A_246 : f32 to vector<16xf32>
      %broadcast_in_dim3A_248 = arith.constant 0.000000e+00 : f32
      %broadcast_in_dim3A_249 = vector.broadcast %broadcast_in_dim3A_248 : f32 to vector<16xf32>
      %broadcast_in_dim3A_250 = arith.constant 0.000000e+00 : f32
      %broadcast_in_dim3A_251 = vector.broadcast %broadcast_in_dim3A_250 : f32 to vector<16xf32>
      %broadcast_in_dim3A_252 = arith.constant 0.000000e+00 : f32
      %broadcast_in_dim3A_253 = vector.broadcast %broadcast_in_dim3A_252 : f32 to vector<16xf32>
      %broadcast_in_dim3A_254 = arith.constant 0.000000e+00 : f32
      %broadcast_in_dim3A_255 = vector.broadcast %broadcast_in_dim3A_254 : f32 to vector<16xf32>
      %broadcast_in_dim3A_256 = arith.constant 0.000000e+00 : f32
      %broadcast_in_dim3A_257 = vector.broadcast %broadcast_in_dim3A_256 : f32 to vector<16xf32>
      %broadcast_in_dim3A_258 = arith.constant 0.000000e+00 : f32
      %broadcast_in_dim3A_259 = vector.broadcast %broadcast_in_dim3A_258 : f32 to vector<16xf32>
      %broadcast_in_dim3A_260 = arith.constant 0.000000e+00 : f32
      %broadcast_in_dim3A_261 = vector.broadcast %broadcast_in_dim3A_260 : f32 to vector<16xf32>
      %broadcast_in_dim3A_262 = arith.constant 0.000000e+00 : f32
      %broadcast_in_dim3A_263 = vector.broadcast %broadcast_in_dim3A_262 : f32 to vector<16xf32>
      %parallel_loop3A_264 = arith.constant 0 : i32
      %parallel_loop3A_265 = arith.constant 40 : i32
      %parallel_loop3A_266 = arith.constant 1 : i32
      %parallel_loop3A_267:16 = scf.for %parallel_loop3A_1385 = %parallel_loop3A_264 to %parallel_loop3A_265 step %parallel_loop3A_266 iter_args(%parallel_loop3A_1386 = %broadcast_in_dim3A_233, %parallel_loop3A_1387 = %broadcast_in_dim3A_235, %parallel_loop3A_1388 = %broadcast_in_dim3A_237, %parallel_loop3A_1389 = %broadcast_in_dim3A_239, %parallel_loop3A_1390 = %broadcast_in_dim3A_241, %parallel_loop3A_1391 = %broadcast_in_dim3A_243, %parallel_loop3A_1392 = %broadcast_in_dim3A_245, %parallel_loop3A_1393 = %broadcast_in_dim3A_247, %parallel_loop3A_1394 = %broadcast_in_dim3A_249, %parallel_loop3A_1395 = %broadcast_in_dim3A_251, %parallel_loop3A_1396 = %broadcast_in_dim3A_253, %parallel_loop3A_1397 = %broadcast_in_dim3A_255, %parallel_loop3A_1398 = %broadcast_in_dim3A_257, %parallel_loop3A_1399 = %broadcast_in_dim3A_259, %parallel_loop3A_1400 = %broadcast_in_dim3A_261, %parallel_loop3A_1401 = %broadcast_in_dim3A_263) -> (vector<16xf32>, vector<16xf32>, vector<16xf32>, vector<16xf32>, vector<16xf32>, vector<16xf32>, vector<16xf32>, vector<16xf32>, vector<16xf32>, vector<16xf32>, vector<16xf32>, vector<16xf32>, vector<16xf32>, vector<16xf32>, vector<16xf32>, vector<16xf32>)  : i32 {
        %parallel_loop3A_1402 = arith.index_cast %parallel_loop3A_1385 : i32 to index
        %parallel_loop3A_1403 = arith.constant 256 : index
        %parallel_loop3A_1404 = tpu.vector_load %arg4[%parallel_loop3A_1402, %parallel_loop3A_1403] {strides = array<i32>} : memref<40x1000xf32, #tpu.memory_space<vmem>>, vector<1x16xf32>,
        %parallel_loop3A_1405 = vector.shape_cast %parallel_loop3A_1404 : vector<1x16xf32> to vector<16xf32>
        %parallel_loop3A_1406 = arith.addf %parallel_loop3A_1386, %parallel_loop3A_1405 : vector<16xf32>
        %parallel_loop3A_1407 = arith.index_cast %parallel_loop3A_1385 : i32 to index
        %parallel_loop3A_1408 = arith.constant 272 : index
        %parallel_loop3A_1409 = tpu.vector_load %arg4[%parallel_loop3A_1407, %parallel_loop3A_1408] {strides = array<i32>} : memref<40x1000xf32, #tpu.memory_space<vmem>>, vector<1x16xf32>,
        %parallel_loop3A_1410 = vector.shape_cast %parallel_loop3A_1409 : vector<1x16xf32> to vector<16xf32>
        %parallel_loop3A_1411 = arith.addf %parallel_loop3A_1387, %parallel_loop3A_1410 : vector<16xf32>
        %parallel_loop3A_1412 = arith.index_cast %parallel_loop3A_1385 : i32 to index
        %parallel_loop3A_1413 = arith.constant 288 : index
        %parallel_loop3A_1414 = tpu.vector_load %arg4[%parallel_loop3A_1412, %parallel_loop3A_1413] {strides = array<i32>} : memref<40x1000xf32, #tpu.memory_space<vmem>>, vector<1x16xf32>,
        %parallel_loop3A_1415 = vector.shape_cast %parallel_loop3A_1414 : vector<1x16xf32> to vector<16xf32>
        %parallel_loop3A_1416 = arith.addf %parallel_loop3A_1388, %parallel_loop3A_1415 : vector<16xf32>
        %parallel_loop3A_1417 = arith.index_cast %parallel_loop3A_1385 : i32 to index
        %parallel_loop3A_1418 = arith.constant 304 : index
        %parallel_loop3A_1419 = tpu.vector_load %arg4[%parallel_loop3A_1417, %parallel_loop3A_1418] {strides = array<i32>} : memref<40x1000xf32, #tpu.memory_space<vmem>>, vector<1x16xf32>,
        %parallel_loop3A_1420 = vector.shape_cast %parallel_loop3A_1419 : vector<1x16xf32> to vector<16xf32>
        %parallel_loop3A_1421 = arith.addf %parallel_loop3A_1389, %parallel_loop3A_1420 : vector<16xf32>
        %parallel_loop3A_1422 = arith.index_cast %parallel_loop3A_1385 : i32 to index
        %parallel_loop3A_1423 = arith.constant 320 : index
        %parallel_loop3A_1424 = tpu.vector_load %arg4[%parallel_loop3A_1422, %parallel_loop3A_1423] {strides = array<i32>} : memref<40x1000xf32, #tpu.memory_space<vmem>>, vector<1x16xf32>,
        %parallel_loop3A_1425 = vector.shape_cast %parallel_loop3A_1424 : vector<1x16xf32> to vector<16xf32>
        %parallel_loop3A_1426 = arith.addf %parallel_loop3A_1390, %parallel_loop3A_1425 : vector<16xf32>
        %parallel_loop3A_1427 = arith.index_cast %parallel_loop3A_1385 : i32 to index
        %parallel_loop3A_1428 = arith.constant 336 : index
        %parallel_loop3A_1429 = tpu.vector_load %arg4[%parallel_loop3A_1427, %parallel_loop3A_1428] {strides = array<i32>} : memref<40x1000xf32, #tpu.memory_space<vmem>>, vector<1x16xf32>,
        %parallel_loop3A_1430 = vector.shape_cast %parallel_loop3A_1429 : vector<1x16xf32> to vector<16xf32>
        %parallel_loop3A_1431 = arith.addf %parallel_loop3A_1391, %parallel_loop3A_1430 : vector<16xf32>
        %parallel_loop3A_1432 = arith.index_cast %parallel_loop3A_1385 : i32 to index
        %parallel_loop3A_1433 = arith.constant 352 : index
        %parallel_loop3A_1434 = tpu.vector_load %arg4[%parallel_loop3A_1432, %parallel_loop3A_1433] {strides = array<i32>} : memref<40x1000xf32, #tpu.memory_space<vmem>>, vector<1x16xf32>,
        %parallel_loop3A_1435 = vector.shape_cast %parallel_loop3A_1434 : vector<1x16xf32> to vector<16xf32>
        %parallel_loop3A_1436 = arith.addf %parallel_loop3A_1392, %parallel_loop3A_1435 : vector<16xf32>
        %parallel_loop3A_1437 = arith.index_cast %parallel_loop3A_1385 : i32 to index
        %parallel_loop3A_1438 = arith.constant 368 : index
        %parallel_loop3A_1439 = tpu.vector_load %arg4[%parallel_loop3A_1437, %parallel_loop3A_1438] {strides = array<i32>} : memref<40x1000xf32, #tpu.memory_space<vmem>>, vector<1x16xf32>,
        %parallel_loop3A_1440 = vector.shape_cast %parallel_loop3A_1439 : vector<1x16xf32> to vector<16xf32>
        %parallel_loop3A_1441 = arith.addf %parallel_loop3A_1393, %parallel_loop3A_1440 : vector<16xf32>
        %parallel_loop3A_1442 = arith.index_cast %parallel_loop3A_1385 : i32 to index
        %parallel_loop3A_1443 = arith.constant 384 : index
        %parallel_loop3A_1444 = tpu.vector_load %arg4[%parallel_loop3A_1442, %parallel_loop3A_1443] {strides = array<i32>} : memref<40x1000xf32, #tpu.memory_space<vmem>>, vector<1x16xf32>,
        %parallel_loop3A_1445 = vector.shape_cast %parallel_loop3A_1444 : vector<1x16xf32> to vector<16xf32>
        %parallel_loop3A_1446 = arith.addf %parallel_loop3A_1394, %parallel_loop3A_1445 : vector<16xf32>
        %parallel_loop3A_1447 = arith.index_cast %parallel_loop3A_1385 : i32 to index
        %parallel_loop3A_1448 = arith.constant 400 : index
        %parallel_loop3A_1449 = tpu.vector_load %arg4[%parallel_loop3A_1447, %parallel_loop3A_1448] {strides = array<i32>} : memref<40x1000xf32, #tpu.memory_space<vmem>>, vector<1x16xf32>,
        %parallel_loop3A_1450 = vector.shape_cast %parallel_loop3A_1449 : vector<1x16xf32> to vector<16xf32>
        %parallel_loop3A_1451 = arith.addf %parallel_loop3A_1395, %parallel_loop3A_1450 : vector<16xf32>
        %parallel_loop3A_1452 = arith.index_cast %parallel_loop3A_1385 : i32 to index
        %parallel_loop3A_1453 = arith.constant 416 : index
        %parallel_loop3A_1454 = tpu.vector_load %arg4[%parallel_loop3A_1452, %parallel_loop3A_1453] {strides = array<i32>} : memref<40x1000xf32, #tpu.memory_space<vmem>>, vector<1x16xf32>,
        %parallel_loop3A_1455 = vector.shape_cast %parallel_loop3A_1454 : vector<1x16xf32> to vector<16xf32>
        %parallel_loop3A_1456 = arith.addf %parallel_loop3A_1396, %parallel_loop3A_1455 : vector<16xf32>
        %parallel_loop3A_1457 = arith.index_cast %parallel_loop3A_1385 : i32 to index
        %parallel_loop3A_1458 = arith.constant 432 : index
        %parallel_loop3A_1459 = tpu.vector_load %arg4[%parallel_loop3A_1457, %parallel_loop3A_1458] {strides = array<i32>} : memref<40x1000xf32, #tpu.memory_space<vmem>>, vector<1x16xf32>,
        %parallel_loop3A_1460 = vector.shape_cast %parallel_loop3A_1459 : vector<1x16xf32> to vector<16xf32>
        %parallel_loop3A_1461 = arith.addf %parallel_loop3A_1397, %parallel_loop3A_1460 : vector<16xf32>
        %parallel_loop3A_1462 = arith.index_cast %parallel_loop3A_1385 : i32 to index
        %parallel_loop3A_1463 = arith.constant 448 : index
        %parallel_loop3A_1464 = tpu.vector_load %arg4[%parallel_loop3A_1462, %parallel_loop3A_1463] {strides = array<i32>} : memref<40x1000xf32, #tpu.memory_space<vmem>>, vector<1x16xf32>,
        %parallel_loop3A_1465 = vector.shape_cast %parallel_loop3A_1464 : vector<1x16xf32> to vector<16xf32>
        %parallel_loop3A_1466 = arith.addf %parallel_loop3A_1398, %parallel_loop3A_1465 : vector<16xf32>
        %parallel_loop3A_1467 = arith.index_cast %parallel_loop3A_1385 : i32 to index
        %parallel_loop3A_1468 = arith.constant 464 : index
        %parallel_loop3A_1469 = tpu.vector_load %arg4[%parallel_loop3A_1467, %parallel_loop3A_1468] {strides = array<i32>} : memref<40x1000xf32, #tpu.memory_space<vmem>>, vector<1x16xf32>,
        %parallel_loop3A_1470 = vector.shape_cast %parallel_loop3A_1469 : vector<1x16xf32> to vector<16xf32>
        %parallel_loop3A_1471 = arith.addf %parallel_loop3A_1399, %parallel_loop3A_1470 : vector<16xf32>
        %parallel_loop3A_1472 = arith.index_cast %parallel_loop3A_1385 : i32 to index
        %parallel_loop3A_1473 = arith.constant 480 : index
        %parallel_loop3A_1474 = tpu.vector_load %arg4[%parallel_loop3A_1472, %parallel_loop3A_1473] {strides = array<i32>} : memref<40x1000xf32, #tpu.memory_space<vmem>>, vector<1x16xf32>,
        %parallel_loop3A_1475 = vector.shape_cast %parallel_loop3A_1474 : vector<1x16xf32> to vector<16xf32>
        %parallel_loop3A_1476 = arith.addf %parallel_loop3A_1400, %parallel_loop3A_1475 : vector<16xf32>
        %parallel_loop3A_1477 = arith.index_cast %parallel_loop3A_1385 : i32 to index
        %parallel_loop3A_1478 = arith.constant 496 : index
        %parallel_loop3A_1479 = tpu.vector_load %arg4[%parallel_loop3A_1477, %parallel_loop3A_1478] {strides = array<i32>} : memref<40x1000xf32, #tpu.memory_space<vmem>>, vector<1x16xf32>,
        %parallel_loop3A_1480 = vector.shape_cast %parallel_loop3A_1479 : vector<1x16xf32> to vector<16xf32>
        %parallel_loop3A_1481 = arith.addf %parallel_loop3A_1401, %parallel_loop3A_1480 : vector<16xf32>
        scf.yield %parallel_loop3A_1406, %parallel_loop3A_1411, %parallel_loop3A_1416, %parallel_loop3A_1421, %parallel_loop3A_1426, %parallel_loop3A_1431, %parallel_loop3A_1436, %parallel_loop3A_1441, %parallel_loop3A_1446, %parallel_loop3A_1451, %parallel_loop3A_1456, %parallel_loop3A_1461, %parallel_loop3A_1466, %parallel_loop3A_1471, %parallel_loop3A_1476, %parallel_loop3A_1481 : vector<16xf32>, vector<16xf32>, vector<16xf32>, vector<16xf32>, vector<16xf32>, vector<16xf32>, vector<16xf32>, vector<16xf32>, vector<16xf32>, vector<16xf32>, vector<16xf32>, vector<16xf32>, vector<16xf32>, vector<16xf32>, vector<16xf32>, vector<16xf32>
      } {sc.loop_unroll_factor = 2 : i64, sc.parallel_access}
      %mul3A_268 = arith.constant 1024 : i32
      %mul3A_269 = arith.muli %mul3A_70, %mul3A_268 : i32
      %add3A_270 = arith.constant 256 : i32
      %add3A_271 = arith.addi %mul3A_269, %add3A_270 : i32
      %swap3A_272 = arith.index_cast %add3A_271 : i32 to index
      %swap3A_273 = tpu.vector_load %arg6[%swap3A_272] {strides = array<i32>} : memref<24576xf32, #tpu.memory_space<vmem>>, vector<16xf32>,
      %swap3A_274 = vector.shape_cast %swap3A_273 : vector<16xf32> to vector<16xf32>
      %swap3A_275 = vector.shape_cast %parallel_loop3A_267#0 : vector<16xf32> to vector<16xf32>
      tpu.vector_store %arg6[%swap3A_272], %swap3A_275 {strides = array<i32>} : memref<24576xf32, #tpu.memory_space<vmem>>, vector<16xf32>,
      %mul3A_276 = arith.constant 1024 : i32
      %mul3A_277 = arith.muli %mul3A_70, %mul3A_276 : i32
      %add3A_278 = arith.constant 272 : i32
      %add3A_279 = arith.addi %mul3A_277, %add3A_278 : i32
      %swap3A_280 = arith.index_cast %add3A_279 : i32 to index
      %swap3A_281 = tpu.vector_load %arg6[%swap3A_280] {strides = array<i32>} : memref<24576xf32, #tpu.memory_space<vmem>>, vector<16xf32>,
      %swap3A_282 = vector.shape_cast %swap3A_281 : vector<16xf32> to vector<16xf32>
      %swap3A_283 = vector.shape_cast %parallel_loop3A_267#1 : vector<16xf32> to vector<16xf32>
      tpu.vector_store %arg6[%swap3A_280], %swap3A_283 {strides = array<i32>} : memref<24576xf32, #tpu.memory_space<vmem>>, vector<16xf32>,
      %mul3A_284 = arith.constant 1024 : i32
      %mul3A_285 = arith.muli %mul3A_70, %mul3A_284 : i32
      %add3A_286 = arith.constant 288 : i32
      %add3A_287 = arith.addi %mul3A_285, %add3A_286 : i32
      %swap3A_288 = arith.index_cast %add3A_287 : i32 to index
      %swap3A_289 = tpu.vector_load %arg6[%swap3A_288] {strides = array<i32>} : memref<24576xf32, #tpu.memory_space<vmem>>, vector<16xf32>,
      %swap3A_290 = vector.shape_cast %swap3A_289 : vector<16xf32> to vector<16xf32>
      %swap3A_291 = vector.shape_cast %parallel_loop3A_267#2 : vector<16xf32> to vector<16xf32>
      tpu.vector_store %arg6[%swap3A_288], %swap3A_291 {strides = array<i32>} : memref<24576xf32, #tpu.memory_space<vmem>>, vector<16xf32>,
      %mul3A_292 = arith.constant 1024 : i32
      %mul3A_293 = arith.muli %mul3A_70, %mul3A_292 : i32
      %add3A_294 = arith.constant 304 : i32
      %add3A_295 = arith.addi %mul3A_293, %add3A_294 : i32
      %swap3A_296 = arith.index_cast %add3A_295 : i32 to index
      %swap3A_297 = tpu.vector_load %arg6[%swap3A_296] {strides = array<i32>} : memref<24576xf32, #tpu.memory_space<vmem>>, vector<16xf32>,
      %swap3A_298 = vector.shape_cast %swap3A_297 : vector<16xf32> to vector<16xf32>
      %swap3A_299 = vector.shape_cast %parallel_loop3A_267#3 : vector<16xf32> to vector<16xf32>
      tpu.vector_store %arg6[%swap3A_296], %swap3A_299 {strides = array<i32>} : memref<24576xf32, #tpu.memory_space<vmem>>, vector<16xf32>,
      %mul3A_300 = arith.constant 1024 : i32
      %mul3A_301 = arith.muli %mul3A_70, %mul3A_300 : i32
      %add3A_302 = arith.constant 320 : i32
      %add3A_303 = arith.addi %mul3A_301, %add3A_302 : i32
      %swap3A_304 = arith.index_cast %add3A_303 : i32 to index
      %swap3A_305 = tpu.vector_load %arg6[%swap3A_304] {strides = array<i32>} : memref<24576xf32, #tpu.memory_space<vmem>>, vector<16xf32>,
      %swap3A_306 = vector.shape_cast %swap3A_305 : vector<16xf32> to vector<16xf32>
      %swap3A_307 = vector.shape_cast %parallel_loop3A_267#4 : vector<16xf32> to vector<16xf32>
      tpu.vector_store %arg6[%swap3A_304], %swap3A_307 {strides = array<i32>} : memref<24576xf32, #tpu.memory_space<vmem>>, vector<16xf32>,
      %mul3A_308 = arith.constant 1024 : i32
      %mul3A_309 = arith.muli %mul3A_70, %mul3A_308 : i32
      %add3A_310 = arith.constant 336 : i32
      %add3A_311 = arith.addi %mul3A_309, %add3A_310 : i32
      %swap3A_312 = arith.index_cast %add3A_311 : i32 to index
      %swap3A_313 = tpu.vector_load %arg6[%swap3A_312] {strides = array<i32>} : memref<24576xf32, #tpu.memory_space<vmem>>, vector<16xf32>,
      %swap3A_314 = vector.shape_cast %swap3A_313 : vector<16xf32> to vector<16xf32>
      %swap3A_315 = vector.shape_cast %parallel_loop3A_267#5 : vector<16xf32> to vector<16xf32>
      tpu.vector_store %arg6[%swap3A_312], %swap3A_315 {strides = array<i32>} : memref<24576xf32, #tpu.memory_space<vmem>>, vector<16xf32>,
      %mul3A_316 = arith.constant 1024 : i32
      %mul3A_317 = arith.muli %mul3A_70, %mul3A_316 : i32
      %add3A_318 = arith.constant 352 : i32
      %add3A_319 = arith.addi %mul3A_317, %add3A_318 : i32
      %swap3A_320 = arith.index_cast %add3A_319 : i32 to index
      %swap3A_321 = tpu.vector_load %arg6[%swap3A_320] {strides = array<i32>} : memref<24576xf32, #tpu.memory_space<vmem>>, vector<16xf32>,
      %swap3A_322 = vector.shape_cast %swap3A_321 : vector<16xf32> to vector<16xf32>
      %swap3A_323 = vector.shape_cast %parallel_loop3A_267#6 : vector<16xf32> to vector<16xf32>
      tpu.vector_store %arg6[%swap3A_320], %swap3A_323 {strides = array<i32>} : memref<24576xf32, #tpu.memory_space<vmem>>, vector<16xf32>,
      %mul3A_324 = arith.constant 1024 : i32
      %mul3A_325 = arith.muli %mul3A_70, %mul3A_324 : i32
      %add3A_326 = arith.constant 368 : i32
      %add3A_327 = arith.addi %mul3A_325, %add3A_326 : i32
      %swap3A_328 = arith.index_cast %add3A_327 : i32 to index
      %swap3A_329 = tpu.vector_load %arg6[%swap3A_328] {strides = array<i32>} : memref<24576xf32, #tpu.memory_space<vmem>>, vector<16xf32>,
      %swap3A_330 = vector.shape_cast %swap3A_329 : vector<16xf32> to vector<16xf32>
      %swap3A_331 = vector.shape_cast %parallel_loop3A_267#7 : vector<16xf32> to vector<16xf32>
      tpu.vector_store %arg6[%swap3A_328], %swap3A_331 {strides = array<i32>} : memref<24576xf32, #tpu.memory_space<vmem>>, vector<16xf32>,
      %mul3A_332 = arith.constant 1024 : i32
      %mul3A_333 = arith.muli %mul3A_70, %mul3A_332 : i32
      %add3A_334 = arith.constant 384 : i32
      %add3A_335 = arith.addi %mul3A_333, %add3A_334 : i32
      %swap3A_336 = arith.index_cast %add3A_335 : i32 to index
      %swap3A_337 = tpu.vector_load %arg6[%swap3A_336] {strides = array<i32>} : memref<24576xf32, #tpu.memory_space<vmem>>, vector<16xf32>,
      %swap3A_338 = vector.shape_cast %swap3A_337 : vector<16xf32> to vector<16xf32>
      %swap3A_339 = vector.shape_cast %parallel_loop3A_267#8 : vector<16xf32> to vector<16xf32>
      tpu.vector_store %arg6[%swap3A_336], %swap3A_339 {strides = array<i32>} : memref<24576xf32, #tpu.memory_space<vmem>>, vector<16xf32>,
      %mul3A_340 = arith.constant 1024 : i32
      %mul3A_341 = arith.muli %mul3A_70, %mul3A_340 : i32
      %add3A_342 = arith.constant 400 : i32
      %add3A_343 = arith.addi %mul3A_341, %add3A_342 : i32
      %swap3A_344 = arith.index_cast %add3A_343 : i32 to index
      %swap3A_345 = tpu.vector_load %arg6[%swap3A_344] {strides = array<i32>} : memref<24576xf32, #tpu.memory_space<vmem>>, vector<16xf32>,
      %swap3A_346 = vector.shape_cast %swap3A_345 : vector<16xf32> to vector<16xf32>
      %swap3A_347 = vector.shape_cast %parallel_loop3A_267#9 : vector<16xf32> to vector<16xf32>
      tpu.vector_store %arg6[%swap3A_344], %swap3A_347 {strides = array<i32>} : memref<24576xf32, #tpu.memory_space<vmem>>, vector<16xf32>,
      %mul3A_348 = arith.constant 1024 : i32
      %mul3A_349 = arith.muli %mul3A_70, %mul3A_348 : i32
      %add3A_350 = arith.constant 416 : i32
      %add3A_351 = arith.addi %mul3A_349, %add3A_350 : i32
      %swap3A_352 = arith.index_cast %add3A_351 : i32 to index
      %swap3A_353 = tpu.vector_load %arg6[%swap3A_352] {strides = array<i32>} : memref<24576xf32, #tpu.memory_space<vmem>>, vector<16xf32>,
      %swap3A_354 = vector.shape_cast %swap3A_353 : vector<16xf32> to vector<16xf32>
      %swap3A_355 = vector.shape_cast %parallel_loop3A_267#10 : vector<16xf32> to vector<16xf32>
      tpu.vector_store %arg6[%swap3A_352], %swap3A_355 {strides = array<i32>} : memref<24576xf32, #tpu.memory_space<vmem>>, vector<16xf32>,
      %mul3A_356 = arith.constant 1024 : i32
      %mul3A_357 = arith.muli %mul3A_70, %mul3A_356 : i32
      %add3A_358 = arith.constant 432 : i32
      %add3A_359 = arith.addi %mul3A_357, %add3A_358 : i32
      %swap3A_360 = arith.index_cast %add3A_359 : i32 to index
      %swap3A_361 = tpu.vector_load %arg6[%swap3A_360] {strides = array<i32>} : memref<24576xf32, #tpu.memory_space<vmem>>, vector<16xf32>,
      %swap3A_362 = vector.shape_cast %swap3A_361 : vector<16xf32> to vector<16xf32>
      %swap3A_363 = vector.shape_cast %parallel_loop3A_267#11 : vector<16xf32> to vector<16xf32>
      tpu.vector_store %arg6[%swap3A_360], %swap3A_363 {strides = array<i32>} : memref<24576xf32, #tpu.memory_space<vmem>>, vector<16xf32>,
      %mul3A_364 = arith.constant 1024 : i32
      %mul3A_365 = arith.muli %mul3A_70, %mul3A_364 : i32
      %add3A_366 = arith.constant 448 : i32
      %add3A_367 = arith.addi %mul3A_365, %add3A_366 : i32
      %swap3A_368 = arith.index_cast %add3A_367 : i32 to index
      %swap3A_369 = tpu.vector_load %arg6[%swap3A_368] {strides = array<i32>} : memref<24576xf32, #tpu.memory_space<vmem>>, vector<16xf32>,
      %swap3A_370 = vector.shape_cast %swap3A_369 : vector<16xf32> to vector<16xf32>
      %swap3A_371 = vector.shape_cast %parallel_loop3A_267#12 : vector<16xf32> to vector<16xf32>
      tpu.vector_store %arg6[%swap3A_368], %swap3A_371 {strides = array<i32>} : memref<24576xf32, #tpu.memory_space<vmem>>, vector<16xf32>,
      %mul3A_372 = arith.constant 1024 : i32
      %mul3A_373 = arith.muli %mul3A_70, %mul3A_372 : i32
      %add3A_374 = arith.constant 464 : i32
      %add3A_375 = arith.addi %mul3A_373, %add3A_374 : i32
      %swap3A_376 = arith.index_cast %add3A_375 : i32 to index
      %swap3A_377 = tpu.vector_load %arg6[%swap3A_376] {strides = array<i32>} : memref<24576xf32, #tpu.memory_space<vmem>>, vector<16xf32>,
      %swap3A_378 = vector.shape_cast %swap3A_377 : vector<16xf32> to vector<16xf32>
      %swap3A_379 = vector.shape_cast %parallel_loop3A_267#13 : vector<16xf32> to vector<16xf32>
      tpu.vector_store %arg6[%swap3A_376], %swap3A_379 {strides = array<i32>} : memref<24576xf32, #tpu.memory_space<vmem>>, vector<16xf32>,
      %mul3A_380 = arith.constant 1024 : i32
      %mul3A_381 = arith.muli %mul3A_70, %mul3A_380 : i32
      %add3A_382 = arith.constant 480 : i32
      %add3A_383 = arith.addi %mul3A_381, %add3A_382 : i32
      %swap3A_384 = arith.index_cast %add3A_383 : i32 to index
      %swap3A_385 = tpu.vector_load %arg6[%swap3A_384] {strides = array<i32>} : memref<24576xf32, #tpu.memory_space<vmem>>, vector<16xf32>,
      %swap3A_386 = vector.shape_cast %swap3A_385 : vector<16xf32> to vector<16xf32>
      %swap3A_387 = vector.shape_cast %parallel_loop3A_267#14 : vector<16xf32> to vector<16xf32>
      tpu.vector_store %arg6[%swap3A_384], %swap3A_387 {strides = array<i32>} : memref<24576xf32, #tpu.memory_space<vmem>>, vector<16xf32>,
      %mul3A_388 = arith.constant 1024 : i32
      %mul3A_389 = arith.muli %mul3A_70, %mul3A_388 : i32
      %add3A_390 = arith.constant 496 : i32
      %add3A_391 = arith.addi %mul3A_389, %add3A_390 : i32
      %swap3A_392 = arith.index_cast %add3A_391 : i32 to index
      %swap3A_393 = tpu.vector_load %arg6[%swap3A_392] {strides = array<i32>} : memref<24576xf32, #tpu.memory_space<vmem>>, vector<16xf32>,
      %swap3A_394 = vector.shape_cast %swap3A_393 : vector<16xf32> to vector<16xf32>
      %swap3A_395 = vector.shape_cast %parallel_loop3A_267#15 : vector<16xf32> to vector<16xf32>
      tpu.vector_store %arg6[%swap3A_392], %swap3A_395 {strides = array<i32>} : memref<24576xf32, #tpu.memory_space<vmem>>, vector<16xf32>,
      %broadcast_in_dim3A_396 = arith.constant 0.000000e+00 : f32
      %broadcast_in_dim3A_397 = vector.broadcast %broadcast_in_dim3A_396 : f32 to vector<16xf32>
      %broadcast_in_dim3A_398 = arith.constant 0.000000e+00 : f32
      %broadcast_in_dim3A_399 = vector.broadcast %broadcast_in_dim3A_398 : f32 to vector<16xf32>
      %broadcast_in_dim3A_400 = arith.constant 0.000000e+00 : f32
      %broadcast_in_dim3A_401 = vector.broadcast %broadcast_in_dim3A_400 : f32 to vector<16xf32>
      %broadcast_in_dim3A_402 = arith.constant 0.000000e+00 : f32
      %broadcast_in_dim3A_403 = vector.broadcast %broadcast_in_dim3A_402 : f32 to vector<16xf32>
      %broadcast_in_dim3A_404 = arith.constant 0.000000e+00 : f32
      %broadcast_in_dim3A_405 = vector.broadcast %broadcast_in_dim3A_404 : f32 to vector<16xf32>
      %broadcast_in_dim3A_406 = arith.constant 0.000000e+00 : f32
      %broadcast_in_dim3A_407 = vector.broadcast %broadcast_in_dim3A_406 : f32 to vector<16xf32>
      %broadcast_in_dim3A_408 = arith.constant 0.000000e+00 : f32
      %broadcast_in_dim3A_409 = vector.broadcast %broadcast_in_dim3A_408 : f32 to vector<16xf32>
      %broadcast_in_dim3A_410 = arith.constant 0.000000e+00 : f32
      %broadcast_in_dim3A_411 = vector.broadcast %broadcast_in_dim3A_410 : f32 to vector<16xf32>
      %broadcast_in_dim3A_412 = arith.constant 0.000000e+00 : f32
      %broadcast_in_dim3A_413 = vector.broadcast %broadcast_in_dim3A_412 : f32 to vector<16xf32>
      %broadcast_in_dim3A_414 = arith.constant 0.000000e+00 : f32
      %broadcast_in_dim3A_415 = vector.broadcast %broadcast_in_dim3A_414 : f32 to vector<16xf32>
      %broadcast_in_dim3A_416 = arith.constant 0.000000e+00 : f32
      %broadcast_in_dim3A_417 = vector.broadcast %broadcast_in_dim3A_416 : f32 to vector<16xf32>
      %broadcast_in_dim3A_418 = arith.constant 0.000000e+00 : f32
      %broadcast_in_dim3A_419 = vector.broadcast %broadcast_in_dim3A_418 : f32 to vector<16xf32>
      %broadcast_in_dim3A_420 = arith.constant 0.000000e+00 : f32
      %broadcast_in_dim3A_421 = vector.broadcast %broadcast_in_dim3A_420 : f32 to vector<16xf32>
      %broadcast_in_dim3A_422 = arith.constant 0.000000e+00 : f32
      %broadcast_in_dim3A_423 = vector.broadcast %broadcast_in_dim3A_422 : f32 to vector<16xf32>
      %broadcast_in_dim3A_424 = arith.constant 0.000000e+00 : f32
      %broadcast_in_dim3A_425 = vector.broadcast %broadcast_in_dim3A_424 : f32 to vector<16xf32>
      %broadcast_in_dim3A_426 = arith.constant 0.000000e+00 : f32
      %broadcast_in_dim3A_427 = vector.broadcast %broadcast_in_dim3A_426 : f32 to vector<16xf32>
      %parallel_loop3A_428 = arith.constant 0 : i32
      %parallel_loop3A_429 = arith.constant 40 : i32
      %parallel_loop3A_430 = arith.constant 1 : i32
      %parallel_loop3A_431:16 = scf.for %parallel_loop3A_1385 = %parallel_loop3A_428 to %parallel_loop3A_429 step %parallel_loop3A_430 iter_args(%parallel_loop3A_1386 = %broadcast_in_dim3A_397, %parallel_loop3A_1387 = %broadcast_in_dim3A_399, %parallel_loop3A_1388 = %broadcast_in_dim3A_401, %parallel_loop3A_1389 = %broadcast_in_dim3A_403, %parallel_loop3A_1390 = %broadcast_in_dim3A_405, %parallel_loop3A_1391 = %broadcast_in_dim3A_407, %parallel_loop3A_1392 = %broadcast_in_dim3A_409, %parallel_loop3A_1393 = %broadcast_in_dim3A_411, %parallel_loop3A_1394 = %broadcast_in_dim3A_413, %parallel_loop3A_1395 = %broadcast_in_dim3A_415, %parallel_loop3A_1396 = %broadcast_in_dim3A_417, %parallel_loop3A_1397 = %broadcast_in_dim3A_419, %parallel_loop3A_1398 = %broadcast_in_dim3A_421, %parallel_loop3A_1399 = %broadcast_in_dim3A_423, %parallel_loop3A_1400 = %broadcast_in_dim3A_425, %parallel_loop3A_1401 = %broadcast_in_dim3A_427) -> (vector<16xf32>, vector<16xf32>, vector<16xf32>, vector<16xf32>, vector<16xf32>, vector<16xf32>, vector<16xf32>, vector<16xf32>, vector<16xf32>, vector<16xf32>, vector<16xf32>, vector<16xf32>, vector<16xf32>, vector<16xf32>, vector<16xf32>, vector<16xf32>)  : i32 {
        %parallel_loop3A_1402 = arith.index_cast %parallel_loop3A_1385 : i32 to index
        %parallel_loop3A_1403 = arith.constant 512 : index
        %parallel_loop3A_1404 = tpu.vector_load %arg4[%parallel_loop3A_1402, %parallel_loop3A_1403] {strides = array<i32>} : memref<40x1000xf32, #tpu.memory_space<vmem>>, vector<1x16xf32>,
        %parallel_loop3A_1405 = vector.shape_cast %parallel_loop3A_1404 : vector<1x16xf32> to vector<16xf32>
        %parallel_loop3A_1406 = arith.addf %parallel_loop3A_1386, %parallel_loop3A_1405 : vector<16xf32>
        %parallel_loop3A_1407 = arith.index_cast %parallel_loop3A_1385 : i32 to index
        %parallel_loop3A_1408 = arith.constant 528 : index
        %parallel_loop3A_1409 = tpu.vector_load %arg4[%parallel_loop3A_1407, %parallel_loop3A_1408] {strides = array<i32>} : memref<40x1000xf32, #tpu.memory_space<vmem>>, vector<1x16xf32>,
        %parallel_loop3A_1410 = vector.shape_cast %parallel_loop3A_1409 : vector<1x16xf32> to vector<16xf32>
        %parallel_loop3A_1411 = arith.addf %parallel_loop3A_1387, %parallel_loop3A_1410 : vector<16xf32>
        %parallel_loop3A_1412 = arith.index_cast %parallel_loop3A_1385 : i32 to index
        %parallel_loop3A_1413 = arith.constant 544 : index
        %parallel_loop3A_1414 = tpu.vector_load %arg4[%parallel_loop3A_1412, %parallel_loop3A_1413] {strides = array<i32>} : memref<40x1000xf32, #tpu.memory_space<vmem>>, vector<1x16xf32>,
        %parallel_loop3A_1415 = vector.shape_cast %parallel_loop3A_1414 : vector<1x16xf32> to vector<16xf32>
        %parallel_loop3A_1416 = arith.addf %parallel_loop3A_1388, %parallel_loop3A_1415 : vector<16xf32>
        %parallel_loop3A_1417 = arith.index_cast %parallel_loop3A_1385 : i32 to index
        %parallel_loop3A_1418 = arith.constant 560 : index
        %parallel_loop3A_1419 = tpu.vector_load %arg4[%parallel_loop3A_1417, %parallel_loop3A_1418] {strides = array<i32>} : memref<40x1000xf32, #tpu.memory_space<vmem>>, vector<1x16xf32>,
        %parallel_loop3A_1420 = vector.shape_cast %parallel_loop3A_1419 : vector<1x16xf32> to vector<16xf32>
        %parallel_loop3A_1421 = arith.addf %parallel_loop3A_1389, %parallel_loop3A_1420 : vector<16xf32>
        %parallel_loop3A_1422 = arith.index_cast %parallel_loop3A_1385 : i32 to index
        %parallel_loop3A_1423 = arith.constant 576 : index
        %parallel_loop3A_1424 = tpu.vector_load %arg4[%parallel_loop3A_1422, %parallel_loop3A_1423] {strides = array<i32>} : memref<40x1000xf32, #tpu.memory_space<vmem>>, vector<1x16xf32>,
        %parallel_loop3A_1425 = vector.shape_cast %parallel_loop3A_1424 : vector<1x16xf32> to vector<16xf32>
        %parallel_loop3A_1426 = arith.addf %parallel_loop3A_1390, %parallel_loop3A_1425 : vector<16xf32>
        %parallel_loop3A_1427 = arith.index_cast %parallel_loop3A_1385 : i32 to index
        %parallel_loop3A_1428 = arith.constant 592 : index
        %parallel_loop3A_1429 = tpu.vector_load %arg4[%parallel_loop3A_1427, %parallel_loop3A_1428] {strides = array<i32>} : memref<40x1000xf32, #tpu.memory_space<vmem>>, vector<1x16xf32>,
        %parallel_loop3A_1430 = vector.shape_cast %parallel_loop3A_1429 : vector<1x16xf32> to vector<16xf32>
        %parallel_loop3A_1431 = arith.addf %parallel_loop3A_1391, %parallel_loop3A_1430 : vector<16xf32>
        %parallel_loop3A_1432 = arith.index_cast %parallel_loop3A_1385 : i32 to index
        %parallel_loop3A_1433 = arith.constant 608 : index
        %parallel_loop3A_1434 = tpu.vector_load %arg4[%parallel_loop3A_1432, %parallel_loop3A_1433] {strides = array<i32>} : memref<40x1000xf32, #tpu.memory_space<vmem>>, vector<1x16xf32>,
        %parallel_loop3A_1435 = vector.shape_cast %parallel_loop3A_1434 : vector<1x16xf32> to vector<16xf32>
        %parallel_loop3A_1436 = arith.addf %parallel_loop3A_1392, %parallel_loop3A_1435 : vector<16xf32>
        %parallel_loop3A_1437 = arith.index_cast %parallel_loop3A_1385 : i32 to index
        %parallel_loop3A_1438 = arith.constant 624 : index
        %parallel_loop3A_1439 = tpu.vector_load %arg4[%parallel_loop3A_1437, %parallel_loop3A_1438] {strides = array<i32>} : memref<40x1000xf32, #tpu.memory_space<vmem>>, vector<1x16xf32>,
        %parallel_loop3A_1440 = vector.shape_cast %parallel_loop3A_1439 : vector<1x16xf32> to vector<16xf32>
        %parallel_loop3A_1441 = arith.addf %parallel_loop3A_1393, %parallel_loop3A_1440 : vector<16xf32>
        %parallel_loop3A_1442 = arith.index_cast %parallel_loop3A_1385 : i32 to index
        %parallel_loop3A_1443 = arith.constant 640 : index
        %parallel_loop3A_1444 = tpu.vector_load %arg4[%parallel_loop3A_1442, %parallel_loop3A_1443] {strides = array<i32>} : memref<40x1000xf32, #tpu.memory_space<vmem>>, vector<1x16xf32>,
        %parallel_loop3A_1445 = vector.shape_cast %parallel_loop3A_1444 : vector<1x16xf32> to vector<16xf32>
        %parallel_loop3A_1446 = arith.addf %parallel_loop3A_1394, %parallel_loop3A_1445 : vector<16xf32>
        %parallel_loop3A_1447 = arith.index_cast %parallel_loop3A_1385 : i32 to index
        %parallel_loop3A_1448 = arith.constant 656 : index
        %parallel_loop3A_1449 = tpu.vector_load %arg4[%parallel_loop3A_1447, %parallel_loop3A_1448] {strides = array<i32>} : memref<40x1000xf32, #tpu.memory_space<vmem>>, vector<1x16xf32>,
        %parallel_loop3A_1450 = vector.shape_cast %parallel_loop3A_1449 : vector<1x16xf32> to vector<16xf32>
        %parallel_loop3A_1451 = arith.addf %parallel_loop3A_1395, %parallel_loop3A_1450 : vector<16xf32>
        %parallel_loop3A_1452 = arith.index_cast %parallel_loop3A_1385 : i32 to index
        %parallel_loop3A_1453 = arith.constant 672 : index
        %parallel_loop3A_1454 = tpu.vector_load %arg4[%parallel_loop3A_1452, %parallel_loop3A_1453] {strides = array<i32>} : memref<40x1000xf32, #tpu.memory_space<vmem>>, vector<1x16xf32>,
        %parallel_loop3A_1455 = vector.shape_cast %parallel_loop3A_1454 : vector<1x16xf32> to vector<16xf32>
        %parallel_loop3A_1456 = arith.addf %parallel_loop3A_1396, %parallel_loop3A_1455 : vector<16xf32>
        %parallel_loop3A_1457 = arith.index_cast %parallel_loop3A_1385 : i32 to index
        %parallel_loop3A_1458 = arith.constant 688 : index
        %parallel_loop3A_1459 = tpu.vector_load %arg4[%parallel_loop3A_1457, %parallel_loop3A_1458] {strides = array<i32>} : memref<40x1000xf32, #tpu.memory_space<vmem>>, vector<1x16xf32>,
        %parallel_loop3A_1460 = vector.shape_cast %parallel_loop3A_1459 : vector<1x16xf32> to vector<16xf32>
        %parallel_loop3A_1461 = arith.addf %parallel_loop3A_1397, %parallel_loop3A_1460 : vector<16xf32>
        %parallel_loop3A_1462 = arith.index_cast %parallel_loop3A_1385 : i32 to index
        %parallel_loop3A_1463 = arith.constant 704 : index
        %parallel_loop3A_1464 = tpu.vector_load %arg4[%parallel_loop3A_1462, %parallel_loop3A_1463] {strides = array<i32>} : memref<40x1000xf32, #tpu.memory_space<vmem>>, vector<1x16xf32>,
        %parallel_loop3A_1465 = vector.shape_cast %parallel_loop3A_1464 : vector<1x16xf32> to vector<16xf32>
        %parallel_loop3A_1466 = arith.addf %parallel_loop3A_1398, %parallel_loop3A_1465 : vector<16xf32>
        %parallel_loop3A_1467 = arith.index_cast %parallel_loop3A_1385 : i32 to index
        %parallel_loop3A_1468 = arith.constant 720 : index
        %parallel_loop3A_1469 = tpu.vector_load %arg4[%parallel_loop3A_1467, %parallel_loop3A_1468] {strides = array<i32>} : memref<40x1000xf32, #tpu.memory_space<vmem>>, vector<1x16xf32>,
        %parallel_loop3A_1470 = vector.shape_cast %parallel_loop3A_1469 : vector<1x16xf32> to vector<16xf32>
        %parallel_loop3A_1471 = arith.addf %parallel_loop3A_1399, %parallel_loop3A_1470 : vector<16xf32>
        %parallel_loop3A_1472 = arith.index_cast %parallel_loop3A_1385 : i32 to index
        %parallel_loop3A_1473 = arith.constant 736 : index
        %parallel_loop3A_1474 = tpu.vector_load %arg4[%parallel_loop3A_1472, %parallel_loop3A_1473] {strides = array<i32>} : memref<40x1000xf32, #tpu.memory_space<vmem>>, vector<1x16xf32>,
        %parallel_loop3A_1475 = vector.shape_cast %parallel_loop3A_1474 : vector<1x16xf32> to vector<16xf32>
        %parallel_loop3A_1476 = arith.addf %parallel_loop3A_1400, %parallel_loop3A_1475 : vector<16xf32>
        %parallel_loop3A_1477 = arith.index_cast %parallel_loop3A_1385 : i32 to index
        %parallel_loop3A_1478 = arith.constant 752 : index
        %parallel_loop3A_1479 = tpu.vector_load %arg4[%parallel_loop3A_1477, %parallel_loop3A_1478] {strides = array<i32>} : memref<40x1000xf32, #tpu.memory_space<vmem>>, vector<1x16xf32>,
        %parallel_loop3A_1480 = vector.shape_cast %parallel_loop3A_1479 : vector<1x16xf32> to vector<16xf32>
        %parallel_loop3A_1481 = arith.addf %parallel_loop3A_1401, %parallel_loop3A_1480 : vector<16xf32>
        scf.yield %parallel_loop3A_1406, %parallel_loop3A_1411, %parallel_loop3A_1416, %parallel_loop3A_1421, %parallel_loop3A_1426, %parallel_loop3A_1431, %parallel_loop3A_1436, %parallel_loop3A_1441, %parallel_loop3A_1446, %parallel_loop3A_1451, %parallel_loop3A_1456, %parallel_loop3A_1461, %parallel_loop3A_1466, %parallel_loop3A_1471, %parallel_loop3A_1476, %parallel_loop3A_1481 : vector<16xf32>, vector<16xf32>, vector<16xf32>, vector<16xf32>, vector<16xf32>, vector<16xf32>, vector<16xf32>, vector<16xf32>, vector<16xf32>, vector<16xf32>, vector<16xf32>, vector<16xf32>, vector<16xf32>, vector<16xf32>, vector<16xf32>, vector<16xf32>
      } {sc.loop_unroll_factor = 2 : i64, sc.parallel_access}
      %mul3A_432 = arith.constant 1024 : i32
      %mul3A_433 = arith.muli %mul3A_70, %mul3A_432 : i32
      %add3A_434 = arith.constant 512 : i32
      %add3A_435 = arith.addi %mul3A_433, %add3A_434 : i32
      %swap3A_436 = arith.index_cast %add3A_435 : i32 to index
      %swap3A_437 = tpu.vector_load %arg6[%swap3A_436] {strides = array<i32>} : memref<24576xf32, #tpu.memory_space<vmem>>, vector<16xf32>,
      %swap3A_438 = vector.shape_cast %swap3A_437 : vector<16xf32> to vector<16xf32>
      %swap3A_439 = vector.shape_cast %parallel_loop3A_431#0 : vector<16xf32> to vector<16xf32>
      tpu.vector_store %arg6[%swap3A_436], %swap3A_439 {strides = array<i32>} : memref<24576xf32, #tpu.memory_space<vmem>>, vector<16xf32>,
      %mul3A_440 = arith.constant 1024 : i32
      %mul3A_441 = arith.muli %mul3A_70, %mul3A_440 : i32
      %add3A_442 = arith.constant 528 : i32
      %add3A_443 = arith.addi %mul3A_441, %add3A_442 : i32
      %swap3A_444 = arith.index_cast %add3A_443 : i32 to index
      %swap3A_445 = tpu.vector_load %arg6[%swap3A_444] {strides = array<i32>} : memref<24576xf32, #tpu.memory_space<vmem>>, vector<16xf32>,
      %swap3A_446 = vector.shape_cast %swap3A_445 : vector<16xf32> to vector<16xf32>
      %swap3A_447 = vector.shape_cast %parallel_loop3A_431#1 : vector<16xf32> to vector<16xf32>
      tpu.vector_store %arg6[%swap3A_444], %swap3A_447 {strides = array<i32>} : memref<24576xf32, #tpu.memory_space<vmem>>, vector<16xf32>,
      %mul3A_448 = arith.constant 1024 : i32
      %mul3A_449 = arith.muli %mul3A_70, %mul3A_448 : i32
      %add3A_450 = arith.constant 544 : i32
      %add3A_451 = arith.addi %mul3A_449, %add3A_450 : i32
      %swap3A_452 = arith.index_cast %add3A_451 : i32 to index
      %swap3A_453 = tpu.vector_load %arg6[%swap3A_452] {strides = array<i32>} : memref<24576xf32, #tpu.memory_space<vmem>>, vector<16xf32>,
      %swap3A_454 = vector.shape_cast %swap3A_453 : vector<16xf32> to vector<16xf32>
      %swap3A_455 = vector.shape_cast %parallel_loop3A_431#2 : vector<16xf32> to vector<16xf32>
      tpu.vector_store %arg6[%swap3A_452], %swap3A_455 {strides = array<i32>} : memref<24576xf32, #tpu.memory_space<vmem>>, vector<16xf32>,
      %mul3A_456 = arith.constant 1024 : i32
      %mul3A_457 = arith.muli %mul3A_70, %mul3A_456 : i32
      %add3A_458 = arith.constant 560 : i32
      %add3A_459 = arith.addi %mul3A_457, %add3A_458 : i32
      %swap3A_460 = arith.index_cast %add3A_459 : i32 to index
      %swap3A_461 = tpu.vector_load %arg6[%swap3A_460] {strides = array<i32>} : memref<24576xf32, #tpu.memory_space<vmem>>, vector<16xf32>,
      %swap3A_462 = vector.shape_cast %swap3A_461 : vector<16xf32> to vector<16xf32>
      %swap3A_463 = vector.shape_cast %parallel_loop3A_431#3 : vector<16xf32> to vector<16xf32>
      tpu.vector_store %arg6[%swap3A_460], %swap3A_463 {strides = array<i32>} : memref<24576xf32, #tpu.memory_space<vmem>>, vector<16xf32>,
      %mul3A_464 = arith.constant 1024 : i32
      %mul3A_465 = arith.muli %mul3A_70, %mul3A_464 : i32
      %add3A_466 = arith.constant 576 : i32
      %add3A_467 = arith.addi %mul3A_465, %add3A_466 : i32
      %swap3A_468 = arith.index_cast %add3A_467 : i32 to index
      %swap3A_469 = tpu.vector_load %arg6[%swap3A_468] {strides = array<i32>} : memref<24576xf32, #tpu.memory_space<vmem>>, vector<16xf32>,
      %swap3A_470 = vector.shape_cast %swap3A_469 : vector<16xf32> to vector<16xf32>
      %swap3A_471 = vector.shape_cast %parallel_loop3A_431#4 : vector<16xf32> to vector<16xf32>
      tpu.vector_store %arg6[%swap3A_468], %swap3A_471 {strides = array<i32>} : memref<24576xf32, #tpu.memory_space<vmem>>, vector<16xf32>,
      %mul3A_472 = arith.constant 1024 : i32
      %mul3A_473 = arith.muli %mul3A_70, %mul3A_472 : i32
      %add3A_474 = arith.constant 592 : i32
      %add3A_475 = arith.addi %mul3A_473, %add3A_474 : i32
      %swap3A_476 = arith.index_cast %add3A_475 : i32 to index
      %swap3A_477 = tpu.vector_load %arg6[%swap3A_476] {strides = array<i32>} : memref<24576xf32, #tpu.memory_space<vmem>>, vector<16xf32>,
      %swap3A_478 = vector.shape_cast %swap3A_477 : vector<16xf32> to vector<16xf32>
      %swap3A_479 = vector.shape_cast %parallel_loop3A_431#5 : vector<16xf32> to vector<16xf32>
      tpu.vector_store %arg6[%swap3A_476], %swap3A_479 {strides = array<i32>} : memref<24576xf32, #tpu.memory_space<vmem>>, vector<16xf32>,
      %mul3A_480 = arith.constant 1024 : i32
      %mul3A_481 = arith.muli %mul3A_70, %mul3A_480 : i32
      %add3A_482 = arith.constant 608 : i32
      %add3A_483 = arith.addi %mul3A_481, %add3A_482 : i32
      %swap3A_484 = arith.index_cast %add3A_483 : i32 to index
      %swap3A_485 = tpu.vector_load %arg6[%swap3A_484] {strides = array<i32>} : memref<24576xf32, #tpu.memory_space<vmem>>, vector<16xf32>,
      %swap3A_486 = vector.shape_cast %swap3A_485 : vector<16xf32> to vector<16xf32>
      %swap3A_487 = vector.shape_cast %parallel_loop3A_431#6 : vector<16xf32> to vector<16xf32>
      tpu.vector_store %arg6[%swap3A_484], %swap3A_487 {strides = array<i32>} : memref<24576xf32, #tpu.memory_space<vmem>>, vector<16xf32>,
      %mul3A_488 = arith.constant 1024 : i32
      %mul3A_489 = arith.muli %mul3A_70, %mul3A_488 : i32
      %add3A_490 = arith.constant 624 : i32
      %add3A_491 = arith.addi %mul3A_489, %add3A_490 : i32
      %swap3A_492 = arith.index_cast %add3A_491 : i32 to index
      %swap3A_493 = tpu.vector_load %arg6[%swap3A_492] {strides = array<i32>} : memref<24576xf32, #tpu.memory_space<vmem>>, vector<16xf32>,
      %swap3A_494 = vector.shape_cast %swap3A_493 : vector<16xf32> to vector<16xf32>
      %swap3A_495 = vector.shape_cast %parallel_loop3A_431#7 : vector<16xf32> to vector<16xf32>
      tpu.vector_store %arg6[%swap3A_492], %swap3A_495 {strides = array<i32>} : memref<24576xf32, #tpu.memory_space<vmem>>, vector<16xf32>,
      %mul3A_496 = arith.constant 1024 : i32
      %mul3A_497 = arith.muli %mul3A_70, %mul3A_496 : i32
      %add3A_498 = arith.constant 640 : i32
      %add3A_499 = arith.addi %mul3A_497, %add3A_498 : i32
      %swap3A_500 = arith.index_cast %add3A_499 : i32 to index
      %swap3A_501 = tpu.vector_load %arg6[%swap3A_500] {strides = array<i32>} : memref<24576xf32, #tpu.memory_space<vmem>>, vector<16xf32>,
      %swap3A_502 = vector.shape_cast %swap3A_501 : vector<16xf32> to vector<16xf32>
      %swap3A_503 = vector.shape_cast %parallel_loop3A_431#8 : vector<16xf32> to vector<16xf32>
      tpu.vector_store %arg6[%swap3A_500], %swap3A_503 {strides = array<i32>} : memref<24576xf32, #tpu.memory_space<vmem>>, vector<16xf32>,
      %mul3A_504 = arith.constant 1024 : i32
      %mul3A_505 = arith.muli %mul3A_70, %mul3A_504 : i32
      %add3A_506 = arith.constant 656 : i32
      %add3A_507 = arith.addi %mul3A_505, %add3A_506 : i32
      %swap3A_508 = arith.index_cast %add3A_507 : i32 to index
      %swap3A_509 = tpu.vector_load %arg6[%swap3A_508] {strides = array<i32>} : memref<24576xf32, #tpu.memory_space<vmem>>, vector<16xf32>,
      %swap3A_510 = vector.shape_cast %swap3A_509 : vector<16xf32> to vector<16xf32>
      %swap3A_511 = vector.shape_cast %parallel_loop3A_431#9 : vector<16xf32> to vector<16xf32>
      tpu.vector_store %arg6[%swap3A_508], %swap3A_511 {strides = array<i32>} : memref<24576xf32, #tpu.memory_space<vmem>>, vector<16xf32>,
      %mul3A_512 = arith.constant 1024 : i32
      %mul3A_513 = arith.muli %mul3A_70, %mul3A_512 : i32
      %add3A_514 = arith.constant 672 : i32
      %add3A_515 = arith.addi %mul3A_513, %add3A_514 : i32
      %swap3A_516 = arith.index_cast %add3A_515 : i32 to index
      %swap3A_517 = tpu.vector_load %arg6[%swap3A_516] {strides = array<i32>} : memref<24576xf32, #tpu.memory_space<vmem>>, vector<16xf32>,
      %swap3A_518 = vector.shape_cast %swap3A_517 : vector<16xf32> to vector<16xf32>
      %swap3A_519 = vector.shape_cast %parallel_loop3A_431#10 : vector<16xf32> to vector<16xf32>
      tpu.vector_store %arg6[%swap3A_516], %swap3A_519 {strides = array<i32>} : memref<24576xf32, #tpu.memory_space<vmem>>, vector<16xf32>,
      %mul3A_520 = arith.constant 1024 : i32
      %mul3A_521 = arith.muli %mul3A_70, %mul3A_520 : i32
      %add3A_522 = arith.constant 688 : i32
      %add3A_523 = arith.addi %mul3A_521, %add3A_522 : i32
      %swap3A_524 = arith.index_cast %add3A_523 : i32 to index
      %swap3A_525 = tpu.vector_load %arg6[%swap3A_524] {strides = array<i32>} : memref<24576xf32, #tpu.memory_space<vmem>>, vector<16xf32>,
      %swap3A_526 = vector.shape_cast %swap3A_525 : vector<16xf32> to vector<16xf32>
      %swap3A_527 = vector.shape_cast %parallel_loop3A_431#11 : vector<16xf32> to vector<16xf32>
      tpu.vector_store %arg6[%swap3A_524], %swap3A_527 {strides = array<i32>} : memref<24576xf32, #tpu.memory_space<vmem>>, vector<16xf32>,
      %mul3A_528 = arith.constant 1024 : i32
      %mul3A_529 = arith.muli %mul3A_70, %mul3A_528 : i32
      %add3A_530 = arith.constant 704 : i32
      %add3A_531 = arith.addi %mul3A_529, %add3A_530 : i32
      %swap3A_532 = arith.index_cast %add3A_531 : i32 to index
      %swap3A_533 = tpu.vector_load %arg6[%swap3A_532] {strides = array<i32>} : memref<24576xf32, #tpu.memory_space<vmem>>, vector<16xf32>,
      %swap3A_534 = vector.shape_cast %swap3A_533 : vector<16xf32> to vector<16xf32>
      %swap3A_535 = vector.shape_cast %parallel_loop3A_431#12 : vector<16xf32> to vector<16xf32>
      tpu.vector_store %arg6[%swap3A_532], %swap3A_535 {strides = array<i32>} : memref<24576xf32, #tpu.memory_space<vmem>>, vector<16xf32>,
      %mul3A_536 = arith.constant 1024 : i32
      %mul3A_537 = arith.muli %mul3A_70, %mul3A_536 : i32
      %add3A_538 = arith.constant 720 : i32
      %add3A_539 = arith.addi %mul3A_537, %add3A_538 : i32
      %swap3A_540 = arith.index_cast %add3A_539 : i32 to index
      %swap3A_541 = tpu.vector_load %arg6[%swap3A_540] {strides = array<i32>} : memref<24576xf32, #tpu.memory_space<vmem>>, vector<16xf32>,
      %swap3A_542 = vector.shape_cast %swap3A_541 : vector<16xf32> to vector<16xf32>
      %swap3A_543 = vector.shape_cast %parallel_loop3A_431#13 : vector<16xf32> to vector<16xf32>
      tpu.vector_store %arg6[%swap3A_540], %swap3A_543 {strides = array<i32>} : memref<24576xf32, #tpu.memory_space<vmem>>, vector<16xf32>,
      %mul3A_544 = arith.constant 1024 : i32
      %mul3A_545 = arith.muli %mul3A_70, %mul3A_544 : i32
      %add3A_546 = arith.constant 736 : i32
      %add3A_547 = arith.addi %mul3A_545, %add3A_546 : i32
      %swap3A_548 = arith.index_cast %add3A_547 : i32 to index
      %swap3A_549 = tpu.vector_load %arg6[%swap3A_548] {strides = array<i32>} : memref<24576xf32, #tpu.memory_space<vmem>>, vector<16xf32>,
      %swap3A_550 = vector.shape_cast %swap3A_549 : vector<16xf32> to vector<16xf32>
      %swap3A_551 = vector.shape_cast %parallel_loop3A_431#14 : vector<16xf32> to vector<16xf32>
      tpu.vector_store %arg6[%swap3A_548], %swap3A_551 {strides = array<i32>} : memref<24576xf32, #tpu.memory_space<vmem>>, vector<16xf32>,
      %mul3A_552 = arith.constant 1024 : i32
      %mul3A_553 = arith.muli %mul3A_70, %mul3A_552 : i32
      %add3A_554 = arith.constant 752 : i32
      %add3A_555 = arith.addi %mul3A_553, %add3A_554 : i32
      %swap3A_556 = arith.index_cast %add3A_555 : i32 to index
      %swap3A_557 = tpu.vector_load %arg6[%swap3A_556] {strides = array<i32>} : memref<24576xf32, #tpu.memory_space<vmem>>, vector<16xf32>,
      %swap3A_558 = vector.shape_cast %swap3A_557 : vector<16xf32> to vector<16xf32>
      %swap3A_559 = vector.shape_cast %parallel_loop3A_431#15 : vector<16xf32> to vector<16xf32>
      tpu.vector_store %arg6[%swap3A_556], %swap3A_559 {strides = array<i32>} : memref<24576xf32, #tpu.memory_space<vmem>>, vector<16xf32>,
      %broadcast_in_dim3A_560 = arith.constant 0.000000e+00 : f32
      %broadcast_in_dim3A_561 = vector.broadcast %broadcast_in_dim3A_560 : f32 to vector<16xf32>
      %broadcast_in_dim3A_562 = arith.constant 0.000000e+00 : f32
      %broadcast_in_dim3A_563 = vector.broadcast %broadcast_in_dim3A_562 : f32 to vector<16xf32>
      %broadcast_in_dim3A_564 = arith.constant 0.000000e+00 : f32
      %broadcast_in_dim3A_565 = vector.broadcast %broadcast_in_dim3A_564 : f32 to vector<16xf32>
      %broadcast_in_dim3A_566 = arith.constant 0.000000e+00 : f32
      %broadcast_in_dim3A_567 = vector.broadcast %broadcast_in_dim3A_566 : f32 to vector<16xf32>
      %broadcast_in_dim3A_568 = arith.constant 0.000000e+00 : f32
      %broadcast_in_dim3A_569 = vector.broadcast %broadcast_in_dim3A_568 : f32 to vector<16xf32>
      %broadcast_in_dim3A_570 = arith.constant 0.000000e+00 : f32
      %broadcast_in_dim3A_571 = vector.broadcast %broadcast_in_dim3A_570 : f32 to vector<16xf32>
      %broadcast_in_dim3A_572 = arith.constant 0.000000e+00 : f32
      %broadcast_in_dim3A_573 = vector.broadcast %broadcast_in_dim3A_572 : f32 to vector<16xf32>
      %broadcast_in_dim3A_574 = arith.constant 0.000000e+00 : f32
      %broadcast_in_dim3A_575 = vector.broadcast %broadcast_in_dim3A_574 : f32 to vector<16xf32>
      %broadcast_in_dim3A_576 = arith.constant 0.000000e+00 : f32
      %broadcast_in_dim3A_577 = vector.broadcast %broadcast_in_dim3A_576 : f32 to vector<16xf32>
      %broadcast_in_dim3A_578 = arith.constant 0.000000e+00 : f32
      %broadcast_in_dim3A_579 = vector.broadcast %broadcast_in_dim3A_578 : f32 to vector<16xf32>
      %broadcast_in_dim3A_580 = arith.constant 0.000000e+00 : f32
      %broadcast_in_dim3A_581 = vector.broadcast %broadcast_in_dim3A_580 : f32 to vector<16xf32>
      %broadcast_in_dim3A_582 = arith.constant 0.000000e+00 : f32
      %broadcast_in_dim3A_583 = vector.broadcast %broadcast_in_dim3A_582 : f32 to vector<16xf32>
      %broadcast_in_dim3A_584 = arith.constant 0.000000e+00 : f32
      %broadcast_in_dim3A_585 = vector.broadcast %broadcast_in_dim3A_584 : f32 to vector<16xf32>
      %broadcast_in_dim3A_586 = arith.constant 0.000000e+00 : f32
      %broadcast_in_dim3A_587 = vector.broadcast %broadcast_in_dim3A_586 : f32 to vector<16xf32>
      %broadcast_in_dim3A_588 = arith.constant 0.000000e+00 : f32
      %broadcast_in_dim3A_589 = vector.broadcast %broadcast_in_dim3A_588 : f32 to vector<16xf32>
      %parallel_loop3A_590 = arith.constant 0 : i32
      %parallel_loop3A_591 = arith.constant 40 : i32
      %parallel_loop3A_592 = arith.constant 1 : i32
      %parallel_loop3A_593:15 = scf.for %parallel_loop3A_1385 = %parallel_loop3A_590 to %parallel_loop3A_591 step %parallel_loop3A_592 iter_args(%parallel_loop3A_1386 = %broadcast_in_dim3A_561, %parallel_loop3A_1387 = %broadcast_in_dim3A_563, %parallel_loop3A_1388 = %broadcast_in_dim3A_565, %parallel_loop3A_1389 = %broadcast_in_dim3A_567, %parallel_loop3A_1390 = %broadcast_in_dim3A_569, %parallel_loop3A_1391 = %broadcast_in_dim3A_571, %parallel_loop3A_1392 = %broadcast_in_dim3A_573, %parallel_loop3A_1393 = %broadcast_in_dim3A_575, %parallel_loop3A_1394 = %broadcast_in_dim3A_577, %parallel_loop3A_1395 = %broadcast_in_dim3A_579, %parallel_loop3A_1396 = %broadcast_in_dim3A_581, %parallel_loop3A_1397 = %broadcast_in_dim3A_583, %parallel_loop3A_1398 = %broadcast_in_dim3A_585, %parallel_loop3A_1399 = %broadcast_in_dim3A_587, %parallel_loop3A_1400 = %broadcast_in_dim3A_589) -> (vector<16xf32>, vector<16xf32>, vector<16xf32>, vector<16xf32>, vector<16xf32>, vector<16xf32>, vector<16xf32>, vector<16xf32>, vector<16xf32>, vector<16xf32>, vector<16xf32>, vector<16xf32>, vector<16xf32>, vector<16xf32>, vector<16xf32>)  : i32 {
        %parallel_loop3A_1401 = arith.index_cast %parallel_loop3A_1385 : i32 to index
        %parallel_loop3A_1402 = arith.constant 768 : index
        %parallel_loop3A_1403 = tpu.vector_load %arg4[%parallel_loop3A_1401, %parallel_loop3A_1402] {strides = array<i32>} : memref<40x1000xf32, #tpu.memory_space<vmem>>, vector<1x16xf32>,
        %parallel_loop3A_1404 = vector.shape_cast %parallel_loop3A_1403 : vector<1x16xf32> to vector<16xf32>
        %parallel_loop3A_1405 = arith.addf %parallel_loop3A_1386, %parallel_loop3A_1404 : vector<16xf32>
        %parallel_loop3A_1406 = arith.index_cast %parallel_loop3A_1385 : i32 to index
        %parallel_loop3A_1407 = arith.constant 784 : index
        %parallel_loop3A_1408 = tpu.vector_load %arg4[%parallel_loop3A_1406, %parallel_loop3A_1407] {strides = array<i32>} : memref<40x1000xf32, #tpu.memory_space<vmem>>, vector<1x16xf32>,
        %parallel_loop3A_1409 = vector.shape_cast %parallel_loop3A_1408 : vector<1x16xf32> to vector<16xf32>
        %parallel_loop3A_1410 = arith.addf %parallel_loop3A_1387, %parallel_loop3A_1409 : vector<16xf32>
        %parallel_loop3A_1411 = arith.index_cast %parallel_loop3A_1385 : i32 to index
        %parallel_loop3A_1412 = arith.constant 800 : index
        %parallel_loop3A_1413 = tpu.vector_load %arg4[%parallel_loop3A_1411, %parallel_loop3A_1412] {strides = array<i32>} : memref<40x1000xf32, #tpu.memory_space<vmem>>, vector<1x16xf32>,
        %parallel_loop3A_1414 = vector.shape_cast %parallel_loop3A_1413 : vector<1x16xf32> to vector<16xf32>
        %parallel_loop3A_1415 = arith.addf %parallel_loop3A_1388, %parallel_loop3A_1414 : vector<16xf32>
        %parallel_loop3A_1416 = arith.index_cast %parallel_loop3A_1385 : i32 to index
        %parallel_loop3A_1417 = arith.constant 816 : index
        %parallel_loop3A_1418 = tpu.vector_load %arg4[%parallel_loop3A_1416, %parallel_loop3A_1417] {strides = array<i32>} : memref<40x1000xf32, #tpu.memory_space<vmem>>, vector<1x16xf32>,
        %parallel_loop3A_1419 = vector.shape_cast %parallel_loop3A_1418 : vector<1x16xf32> to vector<16xf32>
        %parallel_loop3A_1420 = arith.addf %parallel_loop3A_1389, %parallel_loop3A_1419 : vector<16xf32>
        %parallel_loop3A_1421 = arith.index_cast %parallel_loop3A_1385 : i32 to index
        %parallel_loop3A_1422 = arith.constant 832 : index
        %parallel_loop3A_1423 = tpu.vector_load %arg4[%parallel_loop3A_1421, %parallel_loop3A_1422] {strides = array<i32>} : memref<40x1000xf32, #tpu.memory_space<vmem>>, vector<1x16xf32>,
        %parallel_loop3A_1424 = vector.shape_cast %parallel_loop3A_1423 : vector<1x16xf32> to vector<16xf32>
        %parallel_loop3A_1425 = arith.addf %parallel_loop3A_1390, %parallel_loop3A_1424 : vector<16xf32>
        %parallel_loop3A_1426 = arith.index_cast %parallel_loop3A_1385 : i32 to index
        %parallel_loop3A_1427 = arith.constant 848 : index
        %parallel_loop3A_1428 = tpu.vector_load %arg4[%parallel_loop3A_1426, %parallel_loop3A_1427] {strides = array<i32>} : memref<40x1000xf32, #tpu.memory_space<vmem>>, vector<1x16xf32>,
        %parallel_loop3A_1429 = vector.shape_cast %parallel_loop3A_1428 : vector<1x16xf32> to vector<16xf32>
        %parallel_loop3A_1430 = arith.addf %parallel_loop3A_1391, %parallel_loop3A_1429 : vector<16xf32>
        %parallel_loop3A_1431 = arith.index_cast %parallel_loop3A_1385 : i32 to index
        %parallel_loop3A_1432 = arith.constant 864 : index
        %parallel_loop3A_1433 = tpu.vector_load %arg4[%parallel_loop3A_1431, %parallel_loop3A_1432] {strides = array<i32>} : memref<40x1000xf32, #tpu.memory_space<vmem>>, vector<1x16xf32>,
        %parallel_loop3A_1434 = vector.shape_cast %parallel_loop3A_1433 : vector<1x16xf32> to vector<16xf32>
        %parallel_loop3A_1435 = arith.addf %parallel_loop3A_1392, %parallel_loop3A_1434 : vector<16xf32>
        %parallel_loop3A_1436 = arith.index_cast %parallel_loop3A_1385 : i32 to index
        %parallel_loop3A_1437 = arith.constant 880 : index
        %parallel_loop3A_1438 = tpu.vector_load %arg4[%parallel_loop3A_1436, %parallel_loop3A_1437] {strides = array<i32>} : memref<40x1000xf32, #tpu.memory_space<vmem>>, vector<1x16xf32>,
        %parallel_loop3A_1439 = vector.shape_cast %parallel_loop3A_1438 : vector<1x16xf32> to vector<16xf32>
        %parallel_loop3A_1440 = arith.addf %parallel_loop3A_1393, %parallel_loop3A_1439 : vector<16xf32>
        %parallel_loop3A_1441 = arith.index_cast %parallel_loop3A_1385 : i32 to index
        %parallel_loop3A_1442 = arith.constant 896 : index
        %parallel_loop3A_1443 = tpu.vector_load %arg4[%parallel_loop3A_1441, %parallel_loop3A_1442] {strides = array<i32>} : memref<40x1000xf32, #tpu.memory_space<vmem>>, vector<1x16xf32>,
        %parallel_loop3A_1444 = vector.shape_cast %parallel_loop3A_1443 : vector<1x16xf32> to vector<16xf32>
        %parallel_loop3A_1445 = arith.addf %parallel_loop3A_1394, %parallel_loop3A_1444 : vector<16xf32>
        %parallel_loop3A_1446 = arith.index_cast %parallel_loop3A_1385 : i32 to index
        %parallel_loop3A_1447 = arith.constant 912 : index
        %parallel_loop3A_1448 = tpu.vector_load %arg4[%parallel_loop3A_1446, %parallel_loop3A_1447] {strides = array<i32>} : memref<40x1000xf32, #tpu.memory_space<vmem>>, vector<1x16xf32>,
        %parallel_loop3A_1449 = vector.shape_cast %parallel_loop3A_1448 : vector<1x16xf32> to vector<16xf32>
        %parallel_loop3A_1450 = arith.addf %parallel_loop3A_1395, %parallel_loop3A_1449 : vector<16xf32>
        %parallel_loop3A_1451 = arith.index_cast %parallel_loop3A_1385 : i32 to index
        %parallel_loop3A_1452 = arith.constant 928 : index
        %parallel_loop3A_1453 = tpu.vector_load %arg4[%parallel_loop3A_1451, %parallel_loop3A_1452] {strides = array<i32>} : memref<40x1000xf32, #tpu.memory_space<vmem>>, vector<1x16xf32>,
        %parallel_loop3A_1454 = vector.shape_cast %parallel_loop3A_1453 : vector<1x16xf32> to vector<16xf32>
        %parallel_loop3A_1455 = arith.addf %parallel_loop3A_1396, %parallel_loop3A_1454 : vector<16xf32>
        %parallel_loop3A_1456 = arith.index_cast %parallel_loop3A_1385 : i32 to index
        %parallel_loop3A_1457 = arith.constant 944 : index
        %parallel_loop3A_1458 = tpu.vector_load %arg4[%parallel_loop3A_1456, %parallel_loop3A_1457] {strides = array<i32>} : memref<40x1000xf32, #tpu.memory_space<vmem>>, vector<1x16xf32>,
        %parallel_loop3A_1459 = vector.shape_cast %parallel_loop3A_1458 : vector<1x16xf32> to vector<16xf32>
        %parallel_loop3A_1460 = arith.addf %parallel_loop3A_1397, %parallel_loop3A_1459 : vector<16xf32>
        %parallel_loop3A_1461 = arith.index_cast %parallel_loop3A_1385 : i32 to index
        %parallel_loop3A_1462 = arith.constant 960 : index
        %parallel_loop3A_1463 = tpu.vector_load %arg4[%parallel_loop3A_1461, %parallel_loop3A_1462] {strides = array<i32>} : memref<40x1000xf32, #tpu.memory_space<vmem>>, vector<1x16xf32>,
        %parallel_loop3A_1464 = vector.shape_cast %parallel_loop3A_1463 : vector<1x16xf32> to vector<16xf32>
        %parallel_loop3A_1465 = arith.addf %parallel_loop3A_1398, %parallel_loop3A_1464 : vector<16xf32>
        %parallel_loop3A_1466 = arith.index_cast %parallel_loop3A_1385 : i32 to index
        %parallel_loop3A_1467 = arith.constant 976 : index
        %parallel_loop3A_1468 = tpu.vector_load %arg4[%parallel_loop3A_1466, %parallel_loop3A_1467] {strides = array<i32>} : memref<40x1000xf32, #tpu.memory_space<vmem>>, vector<1x16xf32>,
        %parallel_loop3A_1469 = vector.shape_cast %parallel_loop3A_1468 : vector<1x16xf32> to vector<16xf32>
        %parallel_loop3A_1470 = arith.addf %parallel_loop3A_1399, %parallel_loop3A_1469 : vector<16xf32>
        %parallel_loop3A_1471 = arith.index_cast %parallel_loop3A_1385 : i32 to index
        %parallel_loop3A_1472 = arith.constant 984 : index
        %parallel_loop3A_1473 = tpu.vector_load %arg4[%parallel_loop3A_1471, %parallel_loop3A_1472] {strides = array<i32>} : memref<40x1000xf32, #tpu.memory_space<vmem>>, vector<1x16xf32>,
        %parallel_loop3A_1474 = vector.shape_cast %parallel_loop3A_1473 : vector<1x16xf32> to vector<16xf32>
        %parallel_loop3A_1475 = arith.addf %parallel_loop3A_1400, %parallel_loop3A_1474 : vector<16xf32>
        scf.yield %parallel_loop3A_1405, %parallel_loop3A_1410, %parallel_loop3A_1415, %parallel_loop3A_1420, %parallel_loop3A_1425, %parallel_loop3A_1430, %parallel_loop3A_1435, %parallel_loop3A_1440, %parallel_loop3A_1445, %parallel_loop3A_1450, %parallel_loop3A_1455, %parallel_loop3A_1460, %parallel_loop3A_1465, %parallel_loop3A_1470, %parallel_loop3A_1475 : vector<16xf32>, vector<16xf32>, vector<16xf32>, vector<16xf32>, vector<16xf32>, vector<16xf32>, vector<16xf32>, vector<16xf32>, vector<16xf32>, vector<16xf32>, vector<16xf32>, vector<16xf32>, vector<16xf32>, vector<16xf32>, vector<16xf32>
      } {sc.loop_unroll_factor = 2 : i64, sc.parallel_access}
      %mul3A_594 = arith.constant 1024 : i32
      %mul3A_595 = arith.muli %mul3A_70, %mul3A_594 : i32
      %add3A_596 = arith.constant 768 : i32
      %add3A_597 = arith.addi %mul3A_595, %add3A_596 : i32
      %swap3A_598 = arith.index_cast %add3A_597 : i32 to index
      %swap3A_599 = tpu.vector_load %arg6[%swap3A_598] {strides = array<i32>} : memref<24576xf32, #tpu.memory_space<vmem>>, vector<16xf32>,
      %swap3A_600 = vector.shape_cast %swap3A_599 : vector<16xf32> to vector<16xf32>
      %swap3A_601 = vector.shape_cast %parallel_loop3A_593#0 : vector<16xf32> to vector<16xf32>
      tpu.vector_store %arg6[%swap3A_598], %swap3A_601 {strides = array<i32>} : memref<24576xf32, #tpu.memory_space<vmem>>, vector<16xf32>,
      %mul3A_602 = arith.constant 1024 : i32
      %mul3A_603 = arith.muli %mul3A_70, %mul3A_602 : i32
      %add3A_604 = arith.constant 784 : i32
      %add3A_605 = arith.addi %mul3A_603, %add3A_604 : i32
      %swap3A_606 = arith.index_cast %add3A_605 : i32 to index
      %swap3A_607 = tpu.vector_load %arg6[%swap3A_606] {strides = array<i32>} : memref<24576xf32, #tpu.memory_space<vmem>>, vector<16xf32>,
      %swap3A_608 = vector.shape_cast %swap3A_607 : vector<16xf32> to vector<16xf32>
      %swap3A_609 = vector.shape_cast %parallel_loop3A_593#1 : vector<16xf32> to vector<16xf32>
      tpu.vector_store %arg6[%swap3A_606], %swap3A_609 {strides = array<i32>} : memref<24576xf32, #tpu.memory_space<vmem>>, vector<16xf32>,
      %mul3A_610 = arith.constant 1024 : i32
      %mul3A_611 = arith.muli %mul3A_70, %mul3A_610 : i32
      %add3A_612 = arith.constant 800 : i32
      %add3A_613 = arith.addi %mul3A_611, %add3A_612 : i32
      %swap3A_614 = arith.index_cast %add3A_613 : i32 to index
      %swap3A_615 = tpu.vector_load %arg6[%swap3A_614] {strides = array<i32>} : memref<24576xf32, #tpu.memory_space<vmem>>, vector<16xf32>,
      %swap3A_616 = vector.shape_cast %swap3A_615 : vector<16xf32> to vector<16xf32>
      %swap3A_617 = vector.shape_cast %parallel_loop3A_593#2 : vector<16xf32> to vector<16xf32>
      tpu.vector_store %arg6[%swap3A_614], %swap3A_617 {strides = array<i32>} : memref<24576xf32, #tpu.memory_space<vmem>>, vector<16xf32>,
      %mul3A_618 = arith.constant 1024 : i32
      %mul3A_619 = arith.muli %mul3A_70, %mul3A_618 : i32
      %add3A_620 = arith.constant 816 : i32
      %add3A_621 = arith.addi %mul3A_619, %add3A_620 : i32
      %swap3A_622 = arith.index_cast %add3A_621 : i32 to index
      %swap3A_623 = tpu.vector_load %arg6[%swap3A_622] {strides = array<i32>} : memref<24576xf32, #tpu.memory_space<vmem>>, vector<16xf32>,
      %swap3A_624 = vector.shape_cast %swap3A_623 : vector<16xf32> to vector<16xf32>
      %swap3A_625 = vector.shape_cast %parallel_loop3A_593#3 : vector<16xf32> to vector<16xf32>
      tpu.vector_store %arg6[%swap3A_622], %swap3A_625 {strides = array<i32>} : memref<24576xf32, #tpu.memory_space<vmem>>, vector<16xf32>,
      %mul3A_626 = arith.constant 1024 : i32
      %mul3A_627 = arith.muli %mul3A_70, %mul3A_626 : i32
      %add3A_628 = arith.constant 832 : i32
      %add3A_629 = arith.addi %mul3A_627, %add3A_628 : i32
      %swap3A_630 = arith.index_cast %add3A_629 : i32 to index
      %swap3A_631 = tpu.vector_load %arg6[%swap3A_630] {strides = array<i32>} : memref<24576xf32, #tpu.memory_space<vmem>>, vector<16xf32>,
      %swap3A_632 = vector.shape_cast %swap3A_631 : vector<16xf32> to vector<16xf32>
      %swap3A_633 = vector.shape_cast %parallel_loop3A_593#4 : vector<16xf32> to vector<16xf32>
      tpu.vector_store %arg6[%swap3A_630], %swap3A_633 {strides = array<i32>} : memref<24576xf32, #tpu.memory_space<vmem>>, vector<16xf32>,
      %mul3A_634 = arith.constant 1024 : i32
      %mul3A_635 = arith.muli %mul3A_70, %mul3A_634 : i32
      %add3A_636 = arith.constant 848 : i32
      %add3A_637 = arith.addi %mul3A_635, %add3A_636 : i32
      %swap3A_638 = arith.index_cast %add3A_637 : i32 to index
      %swap3A_639 = tpu.vector_load %arg6[%swap3A_638] {strides = array<i32>} : memref<24576xf32, #tpu.memory_space<vmem>>, vector<16xf32>,
      %swap3A_640 = vector.shape_cast %swap3A_639 : vector<16xf32> to vector<16xf32>
      %swap3A_641 = vector.shape_cast %parallel_loop3A_593#5 : vector<16xf32> to vector<16xf32>
      tpu.vector_store %arg6[%swap3A_638], %swap3A_641 {strides = array<i32>} : memref<24576xf32, #tpu.memory_space<vmem>>, vector<16xf32>,
      %mul3A_642 = arith.constant 1024 : i32
      %mul3A_643 = arith.muli %mul3A_70, %mul3A_642 : i32
      %add3A_644 = arith.constant 864 : i32
      %add3A_645 = arith.addi %mul3A_643, %add3A_644 : i32
      %swap3A_646 = arith.index_cast %add3A_645 : i32 to index
      %swap3A_647 = tpu.vector_load %arg6[%swap3A_646] {strides = array<i32>} : memref<24576xf32, #tpu.memory_space<vmem>>, vector<16xf32>,
      %swap3A_648 = vector.shape_cast %swap3A_647 : vector<16xf32> to vector<16xf32>
      %swap3A_649 = vector.shape_cast %parallel_loop3A_593#6 : vector<16xf32> to vector<16xf32>
      tpu.vector_store %arg6[%swap3A_646], %swap3A_649 {strides = array<i32>} : memref<24576xf32, #tpu.memory_space<vmem>>, vector<16xf32>,
      %mul3A_650 = arith.constant 1024 : i32
      %mul3A_651 = arith.muli %mul3A_70, %mul3A_650 : i32
      %add3A_652 = arith.constant 880 : i32
      %add3A_653 = arith.addi %mul3A_651, %add3A_652 : i32
      %swap3A_654 = arith.index_cast %add3A_653 : i32 to index
      %swap3A_655 = tpu.vector_load %arg6[%swap3A_654] {strides = array<i32>} : memref<24576xf32, #tpu.memory_space<vmem>>, vector<16xf32>,
      %swap3A_656 = vector.shape_cast %swap3A_655 : vector<16xf32> to vector<16xf32>
      %swap3A_657 = vector.shape_cast %parallel_loop3A_593#7 : vector<16xf32> to vector<16xf32>
      tpu.vector_store %arg6[%swap3A_654], %swap3A_657 {strides = array<i32>} : memref<24576xf32, #tpu.memory_space<vmem>>, vector<16xf32>,
      %mul3A_658 = arith.constant 1024 : i32
      %mul3A_659 = arith.muli %mul3A_70, %mul3A_658 : i32
      %add3A_660 = arith.constant 896 : i32
      %add3A_661 = arith.addi %mul3A_659, %add3A_660 : i32
      %swap3A_662 = arith.index_cast %add3A_661 : i32 to index
      %swap3A_663 = tpu.vector_load %arg6[%swap3A_662] {strides = array<i32>} : memref<24576xf32, #tpu.memory_space<vmem>>, vector<16xf32>,
      %swap3A_664 = vector.shape_cast %swap3A_663 : vector<16xf32> to vector<16xf32>
      %swap3A_665 = vector.shape_cast %parallel_loop3A_593#8 : vector<16xf32> to vector<16xf32>
      tpu.vector_store %arg6[%swap3A_662], %swap3A_665 {strides = array<i32>} : memref<24576xf32, #tpu.memory_space<vmem>>, vector<16xf32>,
      %mul3A_666 = arith.constant 1024 : i32
      %mul3A_667 = arith.muli %mul3A_70, %mul3A_666 : i32
      %add3A_668 = arith.constant 912 : i32
      %add3A_669 = arith.addi %mul3A_667, %add3A_668 : i32
      %swap3A_670 = arith.index_cast %add3A_669 : i32 to index
      %swap3A_671 = tpu.vector_load %arg6[%swap3A_670] {strides = array<i32>} : memref<24576xf32, #tpu.memory_space<vmem>>, vector<16xf32>,
      %swap3A_672 = vector.shape_cast %swap3A_671 : vector<16xf32> to vector<16xf32>
      %swap3A_673 = vector.shape_cast %parallel_loop3A_593#9 : vector<16xf32> to vector<16xf32>
      tpu.vector_store %arg6[%swap3A_670], %swap3A_673 {strides = array<i32>} : memref<24576xf32, #tpu.memory_space<vmem>>, vector<16xf32>,
      %mul3A_674 = arith.constant 1024 : i32
      %mul3A_675 = arith.muli %mul3A_70, %mul3A_674 : i32
      %add3A_676 = arith.constant 928 : i32
      %add3A_677 = arith.addi %mul3A_675, %add3A_676 : i32
      %swap3A_678 = arith.index_cast %add3A_677 : i32 to index
      %swap3A_679 = tpu.vector_load %arg6[%swap3A_678] {strides = array<i32>} : memref<24576xf32, #tpu.memory_space<vmem>>, vector<16xf32>,
      %swap3A_680 = vector.shape_cast %swap3A_679 : vector<16xf32> to vector<16xf32>
      %swap3A_681 = vector.shape_cast %parallel_loop3A_593#10 : vector<16xf32> to vector<16xf32>
      tpu.vector_store %arg6[%swap3A_678], %swap3A_681 {strides = array<i32>} : memref<24576xf32, #tpu.memory_space<vmem>>, vector<16xf32>,
      %mul3A_682 = arith.constant 1024 : i32
      %mul3A_683 = arith.muli %mul3A_70, %mul3A_682 : i32
      %add3A_684 = arith.constant 944 : i32
      %add3A_685 = arith.addi %mul3A_683, %add3A_684 : i32
      %swap3A_686 = arith.index_cast %add3A_685 : i32 to index
      %swap3A_687 = tpu.vector_load %arg6[%swap3A_686] {strides = array<i32>} : memref<24576xf32, #tpu.memory_space<vmem>>, vector<16xf32>,
      %swap3A_688 = vector.shape_cast %swap3A_687 : vector<16xf32> to vector<16xf32>
      %swap3A_689 = vector.shape_cast %parallel_loop3A_593#11 : vector<16xf32> to vector<16xf32>
      tpu.vector_store %arg6[%swap3A_686], %swap3A_689 {strides = array<i32>} : memref<24576xf32, #tpu.memory_space<vmem>>, vector<16xf32>,
      %mul3A_690 = arith.constant 1024 : i32
      %mul3A_691 = arith.muli %mul3A_70, %mul3A_690 : i32
      %add3A_692 = arith.constant 960 : i32
      %add3A_693 = arith.addi %mul3A_691, %add3A_692 : i32
      %swap3A_694 = arith.index_cast %add3A_693 : i32 to index
      %swap3A_695 = tpu.vector_load %arg6[%swap3A_694] {strides = array<i32>} : memref<24576xf32, #tpu.memory_space<vmem>>, vector<16xf32>,
      %swap3A_696 = vector.shape_cast %swap3A_695 : vector<16xf32> to vector<16xf32>
      %swap3A_697 = vector.shape_cast %parallel_loop3A_593#12 : vector<16xf32> to vector<16xf32>
      tpu.vector_store %arg6[%swap3A_694], %swap3A_697 {strides = array<i32>} : memref<24576xf32, #tpu.memory_space<vmem>>, vector<16xf32>,
      %mul3A_698 = arith.constant 1024 : i32
      %mul3A_699 = arith.muli %mul3A_70, %mul3A_698 : i32
      %add3A_700 = arith.constant 976 : i32
      %add3A_701 = arith.addi %mul3A_699, %add3A_700 : i32
      %swap3A_702 = arith.index_cast %add3A_701 : i32 to index
      %swap3A_703 = tpu.vector_load %arg6[%swap3A_702] {strides = array<i32>} : memref<24576xf32, #tpu.memory_space<vmem>>, vector<16xf32>,
      %swap3A_704 = vector.shape_cast %swap3A_703 : vector<16xf32> to vector<16xf32>
      %swap3A_705 = vector.shape_cast %parallel_loop3A_593#13 : vector<16xf32> to vector<16xf32>
      tpu.vector_store %arg6[%swap3A_702], %swap3A_705 {strides = array<i32>} : memref<24576xf32, #tpu.memory_space<vmem>>, vector<16xf32>,
      %mul3A_706 = arith.constant 1024 : i32
      %mul3A_707 = arith.muli %mul3A_70, %mul3A_706 : i32
      %add3A_708 = arith.constant 984 : i32
      %add3A_709 = arith.addi %mul3A_707, %add3A_708 : i32
      %swap3A_710 = arith.index_cast %add3A_709 : i32 to index
      %swap3A_711 = tpu.vector_load %arg6[%swap3A_710] {strides = array<i32>} : memref<24576xf32, #tpu.memory_space<vmem>>, vector<16xf32>,
      %swap3A_712 = vector.shape_cast %swap3A_711 : vector<16xf32> to vector<16xf32>
      %swap3A_713 = vector.shape_cast %parallel_loop3A_593#14 : vector<16xf32> to vector<16xf32>
      tpu.vector_store %arg6[%swap3A_710], %swap3A_713 {strides = array<i32>} : memref<24576xf32, #tpu.memory_space<vmem>>, vector<16xf32>,
      %lt3A_714 = arith.constant 9 : i32
      %lt3A_715 = arith.cmpi slt, %scan3A_58, %lt3A_714 : i32
      %convert_element_type3A = arith.extui %lt3A_715 : i1 to i32
      %cond3A = arith.constant 0 : i32
      %cond3A_716 = arith.cmpi ne, %convert_element_type3A, %cond3A : i32
      scf.if %cond3A_716 {
        %mul3A_1385 = arith.constant 2 : i32
        %mul3A_1386 = arith.muli %mul3A_1385, %scan3A_58 : i32
        %add3A_1387 = arith.constant 2 : i32
        %add3A_1388 = arith.addi %mul3A_1386, %add3A_1387 : i32
        %mul3A_1389 = arith.constant 40 : i32
        %mul3A_1390 = arith.muli %add3A_1388, %mul3A_1389 : i32
        %add3A_1391 = arith.addi %mul3A_32, %mul3A_1390 : i32
        %dma_start3A_1392 = arith.constant 0 : i32
        %dma_start3A_1393 = tpu.memref_slice %arg2[%add3A_30, %add3A_1391, %dma_start3A_1392] : memref<16x1600x1000xf32, #tpu.memory_space<hbm>> -> memref<1x40x1000xf32, #tpu.memory_space<hbm>>
        %dma_start3A_1394 = tpu.memref_squeeze %dma_start3A_1393 : memref<1x40x1000xf32, #tpu.memory_space<hbm>> -> memref<40x1000xf32, #tpu.memory_space<hbm>>
        %dma_start3A_1395 = arith.constant 0 : i32
        %dma_start3A_1396 = tpu.memref_slice %arg2[%add3A_30, %add3A_1391, %dma_start3A_1395] : memref<16x1600x1000xf32, #tpu.memory_space<hbm>> -> memref<1x40x1000xf32, #tpu.memory_space<hbm>>
        %dma_start3A_1397 = tpu.memref_squeeze %dma_start3A_1396 : memref<1x40x1000xf32, #tpu.memory_space<hbm>> -> memref<40x1000xf32, #tpu.memory_space<hbm>>
        tpu.enqueue_dma source(%dma_start3A_1397 : memref<40x1000xf32, #tpu.memory_space<hbm>>) target(%arg4 : memref<40x1000xf32, #tpu.memory_space<vmem>>) target_semaphore(%arg7 : memref<!tpu.dma_semaphore, #tpu.memory_space<semaphore_mem>>)
      } else {
      }
      %mul3A_717 = arith.constant 2 : i32
      %mul3A_718 = arith.muli %mul3A_717, %scan3A_58 : i32
      %add3A_719 = arith.constant 1 : i32
      %add3A_720 = arith.addi %mul3A_718, %add3A_719 : i32
      %mul3A_721 = arith.constant 40 : i32
      %mul3A_722 = arith.muli %add3A_720, %mul3A_721 : i32
      %add3A_723 = arith.addi %mul3A_32, %mul3A_722 : i32
      %dma_wait3A_724 = arith.constant 0 : i32
      %dma_wait3A_725 = tpu.memref_slice %arg2[%add3A_30, %add3A_723, %dma_wait3A_724] : memref<16x1600x1000xf32, #tpu.memory_space<hbm>> -> memref<1x40x1000xf32, #tpu.memory_space<hbm>>
      %dma_wait3A_726 = tpu.memref_squeeze %dma_wait3A_725 : memref<1x40x1000xf32, #tpu.memory_space<hbm>> -> memref<40x1000xf32, #tpu.memory_space<hbm>>
      %dma_wait3A_727 = arith.constant 0 : i32
      %dma_wait3A_728 = tpu.memref_slice %arg2[%add3A_30, %add3A_723, %dma_wait3A_727] : memref<16x1600x1000xf32, #tpu.memory_space<hbm>> -> memref<1x40x1000xf32, #tpu.memory_space<hbm>>
      %dma_wait3A_729 = tpu.memref_squeeze %dma_wait3A_728 : memref<1x40x1000xf32, #tpu.memory_space<hbm>> -> memref<40x1000xf32, #tpu.memory_space<hbm>>
      tpu.wait_dma2 semaphore(%arg8 : memref<!tpu.dma_semaphore, #tpu.memory_space<semaphore_mem>>) src(%dma_wait3A_729 : memref<40x1000xf32, #tpu.memory_space<hbm>>) dst(%arg5 : memref<40x1000xf32, #tpu.memory_space<vmem>>)
      %mul3A_730 = arith.constant 2 : i32
      %mul3A_731 = arith.muli %mul3A_730, %scan3A_58 : i32
      %add3A_732 = arith.constant 1 : i32
      %add3A_733 = arith.addi %mul3A_731, %add3A_732 : i32
      %broadcast_in_dim3A_734 = arith.constant 0.000000e+00 : f32
      %broadcast_in_dim3A_735 = vector.broadcast %broadcast_in_dim3A_734 : f32 to vector<16xf32>
      %broadcast_in_dim3A_736 = arith.constant 0.000000e+00 : f32
      %broadcast_in_dim3A_737 = vector.broadcast %broadcast_in_dim3A_736 : f32 to vector<16xf32>
      %broadcast_in_dim3A_738 = arith.constant 0.000000e+00 : f32
      %broadcast_in_dim3A_739 = vector.broadcast %broadcast_in_dim3A_738 : f32 to vector<16xf32>
      %broadcast_in_dim3A_740 = arith.constant 0.000000e+00 : f32
      %broadcast_in_dim3A_741 = vector.broadcast %broadcast_in_dim3A_740 : f32 to vector<16xf32>
      %broadcast_in_dim3A_742 = arith.constant 0.000000e+00 : f32
      %broadcast_in_dim3A_743 = vector.broadcast %broadcast_in_dim3A_742 : f32 to vector<16xf32>
      %broadcast_in_dim3A_744 = arith.constant 0.000000e+00 : f32
      %broadcast_in_dim3A_745 = vector.broadcast %broadcast_in_dim3A_744 : f32 to vector<16xf32>
      %broadcast_in_dim3A_746 = arith.constant 0.000000e+00 : f32
      %broadcast_in_dim3A_747 = vector.broadcast %broadcast_in_dim3A_746 : f32 to vector<16xf32>
      %broadcast_in_dim3A_748 = arith.constant 0.000000e+00 : f32
      %broadcast_in_dim3A_749 = vector.broadcast %broadcast_in_dim3A_748 : f32 to vector<16xf32>
      %broadcast_in_dim3A_750 = arith.constant 0.000000e+00 : f32
      %broadcast_in_dim3A_751 = vector.broadcast %broadcast_in_dim3A_750 : f32 to vector<16xf32>
      %broadcast_in_dim3A_752 = arith.constant 0.000000e+00 : f32
      %broadcast_in_dim3A_753 = vector.broadcast %broadcast_in_dim3A_752 : f32 to vector<16xf32>
      %broadcast_in_dim3A_754 = arith.constant 0.000000e+00 : f32
      %broadcast_in_dim3A_755 = vector.broadcast %broadcast_in_dim3A_754 : f32 to vector<16xf32>
      %broadcast_in_dim3A_756 = arith.constant 0.000000e+00 : f32
      %broadcast_in_dim3A_757 = vector.broadcast %broadcast_in_dim3A_756 : f32 to vector<16xf32>
      %broadcast_in_dim3A_758 = arith.constant 0.000000e+00 : f32
      %broadcast_in_dim3A_759 = vector.broadcast %broadcast_in_dim3A_758 : f32 to vector<16xf32>
      %broadcast_in_dim3A_760 = arith.constant 0.000000e+00 : f32
      %broadcast_in_dim3A_761 = vector.broadcast %broadcast_in_dim3A_760 : f32 to vector<16xf32>
      %broadcast_in_dim3A_762 = arith.constant 0.000000e+00 : f32
      %broadcast_in_dim3A_763 = vector.broadcast %broadcast_in_dim3A_762 : f32 to vector<16xf32>
      %broadcast_in_dim3A_764 = arith.constant 0.000000e+00 : f32
      %broadcast_in_dim3A_765 = vector.broadcast %broadcast_in_dim3A_764 : f32 to vector<16xf32>
      %parallel_loop3A_766 = arith.constant 0 : i32
      %parallel_loop3A_767 = arith.constant 40 : i32
      %parallel_loop3A_768 = arith.constant 1 : i32
      %parallel_loop3A_769:16 = scf.for %parallel_loop3A_1385 = %parallel_loop3A_766 to %parallel_loop3A_767 step %parallel_loop3A_768 iter_args(%parallel_loop3A_1386 = %broadcast_in_dim3A_735, %parallel_loop3A_1387 = %broadcast_in_dim3A_737, %parallel_loop3A_1388 = %broadcast_in_dim3A_739, %parallel_loop3A_1389 = %broadcast_in_dim3A_741, %parallel_loop3A_1390 = %broadcast_in_dim3A_743, %parallel_loop3A_1391 = %broadcast_in_dim3A_745, %parallel_loop3A_1392 = %broadcast_in_dim3A_747, %parallel_loop3A_1393 = %broadcast_in_dim3A_749, %parallel_loop3A_1394 = %broadcast_in_dim3A_751, %parallel_loop3A_1395 = %broadcast_in_dim3A_753, %parallel_loop3A_1396 = %broadcast_in_dim3A_755, %parallel_loop3A_1397 = %broadcast_in_dim3A_757, %parallel_loop3A_1398 = %broadcast_in_dim3A_759, %parallel_loop3A_1399 = %broadcast_in_dim3A_761, %parallel_loop3A_1400 = %broadcast_in_dim3A_763, %parallel_loop3A_1401 = %broadcast_in_dim3A_765) -> (vector<16xf32>, vector<16xf32>, vector<16xf32>, vector<16xf32>, vector<16xf32>, vector<16xf32>, vector<16xf32>, vector<16xf32>, vector<16xf32>, vector<16xf32>, vector<16xf32>, vector<16xf32>, vector<16xf32>, vector<16xf32>, vector<16xf32>, vector<16xf32>)  : i32 {
        %parallel_loop3A_1402 = arith.index_cast %parallel_loop3A_1385 : i32 to index
        %parallel_loop3A_1403 = arith.constant 0 : index
        %parallel_loop3A_1404 = tpu.vector_load %arg5[%parallel_loop3A_1402, %parallel_loop3A_1403] {strides = array<i32>} : memref<40x1000xf32, #tpu.memory_space<vmem>>, vector<1x16xf32>,
        %parallel_loop3A_1405 = vector.shape_cast %parallel_loop3A_1404 : vector<1x16xf32> to vector<16xf32>
        %parallel_loop3A_1406 = arith.addf %parallel_loop3A_1386, %parallel_loop3A_1405 : vector<16xf32>
        %parallel_loop3A_1407 = arith.index_cast %parallel_loop3A_1385 : i32 to index
        %parallel_loop3A_1408 = arith.constant 16 : index
        %parallel_loop3A_1409 = tpu.vector_load %arg5[%parallel_loop3A_1407, %parallel_loop3A_1408] {strides = array<i32>} : memref<40x1000xf32, #tpu.memory_space<vmem>>, vector<1x16xf32>,
        %parallel_loop3A_1410 = vector.shape_cast %parallel_loop3A_1409 : vector<1x16xf32> to vector<16xf32>
        %parallel_loop3A_1411 = arith.addf %parallel_loop3A_1387, %parallel_loop3A_1410 : vector<16xf32>
        %parallel_loop3A_1412 = arith.index_cast %parallel_loop3A_1385 : i32 to index
        %parallel_loop3A_1413 = arith.constant 32 : index
        %parallel_loop3A_1414 = tpu.vector_load %arg5[%parallel_loop3A_1412, %parallel_loop3A_1413] {strides = array<i32>} : memref<40x1000xf32, #tpu.memory_space<vmem>>, vector<1x16xf32>,
        %parallel_loop3A_1415 = vector.shape_cast %parallel_loop3A_1414 : vector<1x16xf32> to vector<16xf32>
        %parallel_loop3A_1416 = arith.addf %parallel_loop3A_1388, %parallel_loop3A_1415 : vector<16xf32>
        %parallel_loop3A_1417 = arith.index_cast %parallel_loop3A_1385 : i32 to index
        %parallel_loop3A_1418 = arith.constant 48 : index
        %parallel_loop3A_1419 = tpu.vector_load %arg5[%parallel_loop3A_1417, %parallel_loop3A_1418] {strides = array<i32>} : memref<40x1000xf32, #tpu.memory_space<vmem>>, vector<1x16xf32>,
        %parallel_loop3A_1420 = vector.shape_cast %parallel_loop3A_1419 : vector<1x16xf32> to vector<16xf32>
        %parallel_loop3A_1421 = arith.addf %parallel_loop3A_1389, %parallel_loop3A_1420 : vector<16xf32>
        %parallel_loop3A_1422 = arith.index_cast %parallel_loop3A_1385 : i32 to index
        %parallel_loop3A_1423 = arith.constant 64 : index
        %parallel_loop3A_1424 = tpu.vector_load %arg5[%parallel_loop3A_1422, %parallel_loop3A_1423] {strides = array<i32>} : memref<40x1000xf32, #tpu.memory_space<vmem>>, vector<1x16xf32>,
        %parallel_loop3A_1425 = vector.shape_cast %parallel_loop3A_1424 : vector<1x16xf32> to vector<16xf32>
        %parallel_loop3A_1426 = arith.addf %parallel_loop3A_1390, %parallel_loop3A_1425 : vector<16xf32>
        %parallel_loop3A_1427 = arith.index_cast %parallel_loop3A_1385 : i32 to index
        %parallel_loop3A_1428 = arith.constant 80 : index
        %parallel_loop3A_1429 = tpu.vector_load %arg5[%parallel_loop3A_1427, %parallel_loop3A_1428] {strides = array<i32>} : memref<40x1000xf32, #tpu.memory_space<vmem>>, vector<1x16xf32>,
        %parallel_loop3A_1430 = vector.shape_cast %parallel_loop3A_1429 : vector<1x16xf32> to vector<16xf32>
        %parallel_loop3A_1431 = arith.addf %parallel_loop3A_1391, %parallel_loop3A_1430 : vector<16xf32>
        %parallel_loop3A_1432 = arith.index_cast %parallel_loop3A_1385 : i32 to index
        %parallel_loop3A_1433 = arith.constant 96 : index
        %parallel_loop3A_1434 = tpu.vector_load %arg5[%parallel_loop3A_1432, %parallel_loop3A_1433] {strides = array<i32>} : memref<40x1000xf32, #tpu.memory_space<vmem>>, vector<1x16xf32>,
        %parallel_loop3A_1435 = vector.shape_cast %parallel_loop3A_1434 : vector<1x16xf32> to vector<16xf32>
        %parallel_loop3A_1436 = arith.addf %parallel_loop3A_1392, %parallel_loop3A_1435 : vector<16xf32>
        %parallel_loop3A_1437 = arith.index_cast %parallel_loop3A_1385 : i32 to index
        %parallel_loop3A_1438 = arith.constant 112 : index
        %parallel_loop3A_1439 = tpu.vector_load %arg5[%parallel_loop3A_1437, %parallel_loop3A_1438] {strides = array<i32>} : memref<40x1000xf32, #tpu.memory_space<vmem>>, vector<1x16xf32>,
        %parallel_loop3A_1440 = vector.shape_cast %parallel_loop3A_1439 : vector<1x16xf32> to vector<16xf32>
        %parallel_loop3A_1441 = arith.addf %parallel_loop3A_1393, %parallel_loop3A_1440 : vector<16xf32>
        %parallel_loop3A_1442 = arith.index_cast %parallel_loop3A_1385 : i32 to index
        %parallel_loop3A_1443 = arith.constant 128 : index
        %parallel_loop3A_1444 = tpu.vector_load %arg5[%parallel_loop3A_1442, %parallel_loop3A_1443] {strides = array<i32>} : memref<40x1000xf32, #tpu.memory_space<vmem>>, vector<1x16xf32>,
        %parallel_loop3A_1445 = vector.shape_cast %parallel_loop3A_1444 : vector<1x16xf32> to vector<16xf32>
        %parallel_loop3A_1446 = arith.addf %parallel_loop3A_1394, %parallel_loop3A_1445 : vector<16xf32>
        %parallel_loop3A_1447 = arith.index_cast %parallel_loop3A_1385 : i32 to index
        %parallel_loop3A_1448 = arith.constant 144 : index
        %parallel_loop3A_1449 = tpu.vector_load %arg5[%parallel_loop3A_1447, %parallel_loop3A_1448] {strides = array<i32>} : memref<40x1000xf32, #tpu.memory_space<vmem>>, vector<1x16xf32>,
        %parallel_loop3A_1450 = vector.shape_cast %parallel_loop3A_1449 : vector<1x16xf32> to vector<16xf32>
        %parallel_loop3A_1451 = arith.addf %parallel_loop3A_1395, %parallel_loop3A_1450 : vector<16xf32>
        %parallel_loop3A_1452 = arith.index_cast %parallel_loop3A_1385 : i32 to index
        %parallel_loop3A_1453 = arith.constant 160 : index
        %parallel_loop3A_1454 = tpu.vector_load %arg5[%parallel_loop3A_1452, %parallel_loop3A_1453] {strides = array<i32>} : memref<40x1000xf32, #tpu.memory_space<vmem>>, vector<1x16xf32>,
        %parallel_loop3A_1455 = vector.shape_cast %parallel_loop3A_1454 : vector<1x16xf32> to vector<16xf32>
        %parallel_loop3A_1456 = arith.addf %parallel_loop3A_1396, %parallel_loop3A_1455 : vector<16xf32>
        %parallel_loop3A_1457 = arith.index_cast %parallel_loop3A_1385 : i32 to index
        %parallel_loop3A_1458 = arith.constant 176 : index
        %parallel_loop3A_1459 = tpu.vector_load %arg5[%parallel_loop3A_1457, %parallel_loop3A_1458] {strides = array<i32>} : memref<40x1000xf32, #tpu.memory_space<vmem>>, vector<1x16xf32>,
        %parallel_loop3A_1460 = vector.shape_cast %parallel_loop3A_1459 : vector<1x16xf32> to vector<16xf32>
        %parallel_loop3A_1461 = arith.addf %parallel_loop3A_1397, %parallel_loop3A_1460 : vector<16xf32>
        %parallel_loop3A_1462 = arith.index_cast %parallel_loop3A_1385 : i32 to index
        %parallel_loop3A_1463 = arith.constant 192 : index
        %parallel_loop3A_1464 = tpu.vector_load %arg5[%parallel_loop3A_1462, %parallel_loop3A_1463] {strides = array<i32>} : memref<40x1000xf32, #tpu.memory_space<vmem>>, vector<1x16xf32>,
        %parallel_loop3A_1465 = vector.shape_cast %parallel_loop3A_1464 : vector<1x16xf32> to vector<16xf32>
        %parallel_loop3A_1466 = arith.addf %parallel_loop3A_1398, %parallel_loop3A_1465 : vector<16xf32>
        %parallel_loop3A_1467 = arith.index_cast %parallel_loop3A_1385 : i32 to index
        %parallel_loop3A_1468 = arith.constant 208 : index
        %parallel_loop3A_1469 = tpu.vector_load %arg5[%parallel_loop3A_1467, %parallel_loop3A_1468] {strides = array<i32>} : memref<40x1000xf32, #tpu.memory_space<vmem>>, vector<1x16xf32>,
        %parallel_loop3A_1470 = vector.shape_cast %parallel_loop3A_1469 : vector<1x16xf32> to vector<16xf32>
        %parallel_loop3A_1471 = arith.addf %parallel_loop3A_1399, %parallel_loop3A_1470 : vector<16xf32>
        %parallel_loop3A_1472 = arith.index_cast %parallel_loop3A_1385 : i32 to index
        %parallel_loop3A_1473 = arith.constant 224 : index
        %parallel_loop3A_1474 = tpu.vector_load %arg5[%parallel_loop3A_1472, %parallel_loop3A_1473] {strides = array<i32>} : memref<40x1000xf32, #tpu.memory_space<vmem>>, vector<1x16xf32>,
        %parallel_loop3A_1475 = vector.shape_cast %parallel_loop3A_1474 : vector<1x16xf32> to vector<16xf32>
        %parallel_loop3A_1476 = arith.addf %parallel_loop3A_1400, %parallel_loop3A_1475 : vector<16xf32>
        %parallel_loop3A_1477 = arith.index_cast %parallel_loop3A_1385 : i32 to index
        %parallel_loop3A_1478 = arith.constant 240 : index
        %parallel_loop3A_1479 = tpu.vector_load %arg5[%parallel_loop3A_1477, %parallel_loop3A_1478] {strides = array<i32>} : memref<40x1000xf32, #tpu.memory_space<vmem>>, vector<1x16xf32>,
        %parallel_loop3A_1480 = vector.shape_cast %parallel_loop3A_1479 : vector<1x16xf32> to vector<16xf32>
        %parallel_loop3A_1481 = arith.addf %parallel_loop3A_1401, %parallel_loop3A_1480 : vector<16xf32>
        scf.yield %parallel_loop3A_1406, %parallel_loop3A_1411, %parallel_loop3A_1416, %parallel_loop3A_1421, %parallel_loop3A_1426, %parallel_loop3A_1431, %parallel_loop3A_1436, %parallel_loop3A_1441, %parallel_loop3A_1446, %parallel_loop3A_1451, %parallel_loop3A_1456, %parallel_loop3A_1461, %parallel_loop3A_1466, %parallel_loop3A_1471, %parallel_loop3A_1476, %parallel_loop3A_1481 : vector<16xf32>, vector<16xf32>, vector<16xf32>, vector<16xf32>, vector<16xf32>, vector<16xf32>, vector<16xf32>, vector<16xf32>, vector<16xf32>, vector<16xf32>, vector<16xf32>, vector<16xf32>, vector<16xf32>, vector<16xf32>, vector<16xf32>, vector<16xf32>
      } {sc.loop_unroll_factor = 2 : i64, sc.parallel_access}
      %mul3A_770 = arith.constant 1024 : i32
      %mul3A_771 = arith.muli %add3A_733, %mul3A_770 : i32
      %add3A_772 = arith.constant 0 : i32
      %add3A_773 = arith.addi %mul3A_771, %add3A_772 : i32
      %swap3A_774 = arith.index_cast %add3A_773 : i32 to index
      %swap3A_775 = tpu.vector_load %arg6[%swap3A_774] {strides = array<i32>} : memref<24576xf32, #tpu.memory_space<vmem>>, vector<16xf32>,
      %swap3A_776 = vector.shape_cast %swap3A_775 : vector<16xf32> to vector<16xf32>
      %swap3A_777 = vector.shape_cast %parallel_loop3A_769#0 : vector<16xf32> to vector<16xf32>
      tpu.vector_store %arg6[%swap3A_774], %swap3A_777 {strides = array<i32>} : memref<24576xf32, #tpu.memory_space<vmem>>, vector<16xf32>,
      %mul3A_778 = arith.constant 1024 : i32
      %mul3A_779 = arith.muli %add3A_733, %mul3A_778 : i32
      %add3A_780 = arith.constant 16 : i32
      %add3A_781 = arith.addi %mul3A_779, %add3A_780 : i32
      %swap3A_782 = arith.index_cast %add3A_781 : i32 to index
      %swap3A_783 = tpu.vector_load %arg6[%swap3A_782] {strides = array<i32>} : memref<24576xf32, #tpu.memory_space<vmem>>, vector<16xf32>,
      %swap3A_784 = vector.shape_cast %swap3A_783 : vector<16xf32> to vector<16xf32>
      %swap3A_785 = vector.shape_cast %parallel_loop3A_769#1 : vector<16xf32> to vector<16xf32>
      tpu.vector_store %arg6[%swap3A_782], %swap3A_785 {strides = array<i32>} : memref<24576xf32, #tpu.memory_space<vmem>>, vector<16xf32>,
      %mul3A_786 = arith.constant 1024 : i32
      %mul3A_787 = arith.muli %add3A_733, %mul3A_786 : i32
      %add3A_788 = arith.constant 32 : i32
      %add3A_789 = arith.addi %mul3A_787, %add3A_788 : i32
      %swap3A_790 = arith.index_cast %add3A_789 : i32 to index
      %swap3A_791 = tpu.vector_load %arg6[%swap3A_790] {strides = array<i32>} : memref<24576xf32, #tpu.memory_space<vmem>>, vector<16xf32>,
      %swap3A_792 = vector.shape_cast %swap3A_791 : vector<16xf32> to vector<16xf32>
      %swap3A_793 = vector.shape_cast %parallel_loop3A_769#2 : vector<16xf32> to vector<16xf32>
      tpu.vector_store %arg6[%swap3A_790], %swap3A_793 {strides = array<i32>} : memref<24576xf32, #tpu.memory_space<vmem>>, vector<16xf32>,
      %mul3A_794 = arith.constant 1024 : i32
      %mul3A_795 = arith.muli %add3A_733, %mul3A_794 : i32
      %add3A_796 = arith.constant 48 : i32
      %add3A_797 = arith.addi %mul3A_795, %add3A_796 : i32
      %swap3A_798 = arith.index_cast %add3A_797 : i32 to index
      %swap3A_799 = tpu.vector_load %arg6[%swap3A_798] {strides = array<i32>} : memref<24576xf32, #tpu.memory_space<vmem>>, vector<16xf32>,
      %swap3A_800 = vector.shape_cast %swap3A_799 : vector<16xf32> to vector<16xf32>
      %swap3A_801 = vector.shape_cast %parallel_loop3A_769#3 : vector<16xf32> to vector<16xf32>
      tpu.vector_store %arg6[%swap3A_798], %swap3A_801 {strides = array<i32>} : memref<24576xf32, #tpu.memory_space<vmem>>, vector<16xf32>,
      %mul3A_802 = arith.constant 1024 : i32
      %mul3A_803 = arith.muli %add3A_733, %mul3A_802 : i32
      %add3A_804 = arith.constant 64 : i32
      %add3A_805 = arith.addi %mul3A_803, %add3A_804 : i32
      %swap3A_806 = arith.index_cast %add3A_805 : i32 to index
      %swap3A_807 = tpu.vector_load %arg6[%swap3A_806] {strides = array<i32>} : memref<24576xf32, #tpu.memory_space<vmem>>, vector<16xf32>,
      %swap3A_808 = vector.shape_cast %swap3A_807 : vector<16xf32> to vector<16xf32>
      %swap3A_809 = vector.shape_cast %parallel_loop3A_769#4 : vector<16xf32> to vector<16xf32>
      tpu.vector_store %arg6[%swap3A_806], %swap3A_809 {strides = array<i32>} : memref<24576xf32, #tpu.memory_space<vmem>>, vector<16xf32>,
      %mul3A_810 = arith.constant 1024 : i32
      %mul3A_811 = arith.muli %add3A_733, %mul3A_810 : i32
      %add3A_812 = arith.constant 80 : i32
      %add3A_813 = arith.addi %mul3A_811, %add3A_812 : i32
      %swap3A_814 = arith.index_cast %add3A_813 : i32 to index
      %swap3A_815 = tpu.vector_load %arg6[%swap3A_814] {strides = array<i32>} : memref<24576xf32, #tpu.memory_space<vmem>>, vector<16xf32>,
      %swap3A_816 = vector.shape_cast %swap3A_815 : vector<16xf32> to vector<16xf32>
      %swap3A_817 = vector.shape_cast %parallel_loop3A_769#5 : vector<16xf32> to vector<16xf32>
      tpu.vector_store %arg6[%swap3A_814], %swap3A_817 {strides = array<i32>} : memref<24576xf32, #tpu.memory_space<vmem>>, vector<16xf32>,
      %mul3A_818 = arith.constant 1024 : i32
      %mul3A_819 = arith.muli %add3A_733, %mul3A_818 : i32
      %add3A_820 = arith.constant 96 : i32
      %add3A_821 = arith.addi %mul3A_819, %add3A_820 : i32
      %swap3A_822 = arith.index_cast %add3A_821 : i32 to index
      %swap3A_823 = tpu.vector_load %arg6[%swap3A_822] {strides = array<i32>} : memref<24576xf32, #tpu.memory_space<vmem>>, vector<16xf32>,
      %swap3A_824 = vector.shape_cast %swap3A_823 : vector<16xf32> to vector<16xf32>
      %swap3A_825 = vector.shape_cast %parallel_loop3A_769#6 : vector<16xf32> to vector<16xf32>
      tpu.vector_store %arg6[%swap3A_822], %swap3A_825 {strides = array<i32>} : memref<24576xf32, #tpu.memory_space<vmem>>, vector<16xf32>,
      %mul3A_826 = arith.constant 1024 : i32
      %mul3A_827 = arith.muli %add3A_733, %mul3A_826 : i32
      %add3A_828 = arith.constant 112 : i32
      %add3A_829 = arith.addi %mul3A_827, %add3A_828 : i32
      %swap3A_830 = arith.index_cast %add3A_829 : i32 to index
      %swap3A_831 = tpu.vector_load %arg6[%swap3A_830] {strides = array<i32>} : memref<24576xf32, #tpu.memory_space<vmem>>, vector<16xf32>,
      %swap3A_832 = vector.shape_cast %swap3A_831 : vector<16xf32> to vector<16xf32>
      %swap3A_833 = vector.shape_cast %parallel_loop3A_769#7 : vector<16xf32> to vector<16xf32>
      tpu.vector_store %arg6[%swap3A_830], %swap3A_833 {strides = array<i32>} : memref<24576xf32, #tpu.memory_space<vmem>>, vector<16xf32>,
      %mul3A_834 = arith.constant 1024 : i32
      %mul3A_835 = arith.muli %add3A_733, %mul3A_834 : i32
      %add3A_836 = arith.constant 128 : i32
      %add3A_837 = arith.addi %mul3A_835, %add3A_836 : i32
      %swap3A_838 = arith.index_cast %add3A_837 : i32 to index
      %swap3A_839 = tpu.vector_load %arg6[%swap3A_838] {strides = array<i32>} : memref<24576xf32, #tpu.memory_space<vmem>>, vector<16xf32>,
      %swap3A_840 = vector.shape_cast %swap3A_839 : vector<16xf32> to vector<16xf32>
      %swap3A_841 = vector.shape_cast %parallel_loop3A_769#8 : vector<16xf32> to vector<16xf32>
      tpu.vector_store %arg6[%swap3A_838], %swap3A_841 {strides = array<i32>} : memref<24576xf32, #tpu.memory_space<vmem>>, vector<16xf32>,
      %mul3A_842 = arith.constant 1024 : i32
      %mul3A_843 = arith.muli %add3A_733, %mul3A_842 : i32
      %add3A_844 = arith.constant 144 : i32
      %add3A_845 = arith.addi %mul3A_843, %add3A_844 : i32
      %swap3A_846 = arith.index_cast %add3A_845 : i32 to index
      %swap3A_847 = tpu.vector_load %arg6[%swap3A_846] {strides = array<i32>} : memref<24576xf32, #tpu.memory_space<vmem>>, vector<16xf32>,
      %swap3A_848 = vector.shape_cast %swap3A_847 : vector<16xf32> to vector<16xf32>
      %swap3A_849 = vector.shape_cast %parallel_loop3A_769#9 : vector<16xf32> to vector<16xf32>
      tpu.vector_store %arg6[%swap3A_846], %swap3A_849 {strides = array<i32>} : memref<24576xf32, #tpu.memory_space<vmem>>, vector<16xf32>,
      %mul3A_850 = arith.constant 1024 : i32
      %mul3A_851 = arith.muli %add3A_733, %mul3A_850 : i32
      %add3A_852 = arith.constant 160 : i32
      %add3A_853 = arith.addi %mul3A_851, %add3A_852 : i32
      %swap3A_854 = arith.index_cast %add3A_853 : i32 to index
      %swap3A_855 = tpu.vector_load %arg6[%swap3A_854] {strides = array<i32>} : memref<24576xf32, #tpu.memory_space<vmem>>, vector<16xf32>,
      %swap3A_856 = vector.shape_cast %swap3A_855 : vector<16xf32> to vector<16xf32>
      %swap3A_857 = vector.shape_cast %parallel_loop3A_769#10 : vector<16xf32> to vector<16xf32>
      tpu.vector_store %arg6[%swap3A_854], %swap3A_857 {strides = array<i32>} : memref<24576xf32, #tpu.memory_space<vmem>>, vector<16xf32>,
      %mul3A_858 = arith.constant 1024 : i32
      %mul3A_859 = arith.muli %add3A_733, %mul3A_858 : i32
      %add3A_860 = arith.constant 176 : i32
      %add3A_861 = arith.addi %mul3A_859, %add3A_860 : i32
      %swap3A_862 = arith.index_cast %add3A_861 : i32 to index
      %swap3A_863 = tpu.vector_load %arg6[%swap3A_862] {strides = array<i32>} : memref<24576xf32, #tpu.memory_space<vmem>>, vector<16xf32>,
      %swap3A_864 = vector.shape_cast %swap3A_863 : vector<16xf32> to vector<16xf32>
      %swap3A_865 = vector.shape_cast %parallel_loop3A_769#11 : vector<16xf32> to vector<16xf32>
      tpu.vector_store %arg6[%swap3A_862], %swap3A_865 {strides = array<i32>} : memref<24576xf32, #tpu.memory_space<vmem>>, vector<16xf32>,
      %mul3A_866 = arith.constant 1024 : i32
      %mul3A_867 = arith.muli %add3A_733, %mul3A_866 : i32
      %add3A_868 = arith.constant 192 : i32
      %add3A_869 = arith.addi %mul3A_867, %add3A_868 : i32
      %swap3A_870 = arith.index_cast %add3A_869 : i32 to index
      %swap3A_871 = tpu.vector_load %arg6[%swap3A_870] {strides = array<i32>} : memref<24576xf32, #tpu.memory_space<vmem>>, vector<16xf32>,
      %swap3A_872 = vector.shape_cast %swap3A_871 : vector<16xf32> to vector<16xf32>
      %swap3A_873 = vector.shape_cast %parallel_loop3A_769#12 : vector<16xf32> to vector<16xf32>
      tpu.vector_store %arg6[%swap3A_870], %swap3A_873 {strides = array<i32>} : memref<24576xf32, #tpu.memory_space<vmem>>, vector<16xf32>,
      %mul3A_874 = arith.constant 1024 : i32
      %mul3A_875 = arith.muli %add3A_733, %mul3A_874 : i32
      %add3A_876 = arith.constant 208 : i32
      %add3A_877 = arith.addi %mul3A_875, %add3A_876 : i32
      %swap3A_878 = arith.index_cast %add3A_877 : i32 to index
      %swap3A_879 = tpu.vector_load %arg6[%swap3A_878] {strides = array<i32>} : memref<24576xf32, #tpu.memory_space<vmem>>, vector<16xf32>,
      %swap3A_880 = vector.shape_cast %swap3A_879 : vector<16xf32> to vector<16xf32>
      %swap3A_881 = vector.shape_cast %parallel_loop3A_769#13 : vector<16xf32> to vector<16xf32>
      tpu.vector_store %arg6[%swap3A_878], %swap3A_881 {strides = array<i32>} : memref<24576xf32, #tpu.memory_space<vmem>>, vector<16xf32>,
      %mul3A_882 = arith.constant 1024 : i32
      %mul3A_883 = arith.muli %add3A_733, %mul3A_882 : i32
      %add3A_884 = arith.constant 224 : i32
      %add3A_885 = arith.addi %mul3A_883, %add3A_884 : i32
      %swap3A_886 = arith.index_cast %add3A_885 : i32 to index
      %swap3A_887 = tpu.vector_load %arg6[%swap3A_886] {strides = array<i32>} : memref<24576xf32, #tpu.memory_space<vmem>>, vector<16xf32>,
      %swap3A_888 = vector.shape_cast %swap3A_887 : vector<16xf32> to vector<16xf32>
      %swap3A_889 = vector.shape_cast %parallel_loop3A_769#14 : vector<16xf32> to vector<16xf32>
      tpu.vector_store %arg6[%swap3A_886], %swap3A_889 {strides = array<i32>} : memref<24576xf32, #tpu.memory_space<vmem>>, vector<16xf32>,
      %mul3A_890 = arith.constant 1024 : i32
      %mul3A_891 = arith.muli %add3A_733, %mul3A_890 : i32
      %add3A_892 = arith.constant 240 : i32
      %add3A_893 = arith.addi %mul3A_891, %add3A_892 : i32
      %swap3A_894 = arith.index_cast %add3A_893 : i32 to index
      %swap3A_895 = tpu.vector_load %arg6[%swap3A_894] {strides = array<i32>} : memref<24576xf32, #tpu.memory_space<vmem>>, vector<16xf32>,
      %swap3A_896 = vector.shape_cast %swap3A_895 : vector<16xf32> to vector<16xf32>
      %swap3A_897 = vector.shape_cast %parallel_loop3A_769#15 : vector<16xf32> to vector<16xf32>
      tpu.vector_store %arg6[%swap3A_894], %swap3A_897 {strides = array<i32>} : memref<24576xf32, #tpu.memory_space<vmem>>, vector<16xf32>,
      %broadcast_in_dim3A_898 = arith.constant 0.000000e+00 : f32
      %broadcast_in_dim3A_899 = vector.broadcast %broadcast_in_dim3A_898 : f32 to vector<16xf32>
      %broadcast_in_dim3A_900 = arith.constant 0.000000e+00 : f32
      %broadcast_in_dim3A_901 = vector.broadcast %broadcast_in_dim3A_900 : f32 to vector<16xf32>
      %broadcast_in_dim3A_902 = arith.constant 0.000000e+00 : f32
      %broadcast_in_dim3A_903 = vector.broadcast %broadcast_in_dim3A_902 : f32 to vector<16xf32>
      %broadcast_in_dim3A_904 = arith.constant 0.000000e+00 : f32
      %broadcast_in_dim3A_905 = vector.broadcast %broadcast_in_dim3A_904 : f32 to vector<16xf32>
      %broadcast_in_dim3A_906 = arith.constant 0.000000e+00 : f32
      %broadcast_in_dim3A_907 = vector.broadcast %broadcast_in_dim3A_906 : f32 to vector<16xf32>
      %broadcast_in_dim3A_908 = arith.constant 0.000000e+00 : f32
      %broadcast_in_dim3A_909 = vector.broadcast %broadcast_in_dim3A_908 : f32 to vector<16xf32>
      %broadcast_in_dim3A_910 = arith.constant 0.000000e+00 : f32
      %broadcast_in_dim3A_911 = vector.broadcast %broadcast_in_dim3A_910 : f32 to vector<16xf32>
      %broadcast_in_dim3A_912 = arith.constant 0.000000e+00 : f32
      %broadcast_in_dim3A_913 = vector.broadcast %broadcast_in_dim3A_912 : f32 to vector<16xf32>
      %broadcast_in_dim3A_914 = arith.constant 0.000000e+00 : f32
      %broadcast_in_dim3A_915 = vector.broadcast %broadcast_in_dim3A_914 : f32 to vector<16xf32>
      %broadcast_in_dim3A_916 = arith.constant 0.000000e+00 : f32
      %broadcast_in_dim3A_917 = vector.broadcast %broadcast_in_dim3A_916 : f32 to vector<16xf32>
      %broadcast_in_dim3A_918 = arith.constant 0.000000e+00 : f32
      %broadcast_in_dim3A_919 = vector.broadcast %broadcast_in_dim3A_918 : f32 to vector<16xf32>
      %broadcast_in_dim3A_920 = arith.constant 0.000000e+00 : f32
      %broadcast_in_dim3A_921 = vector.broadcast %broadcast_in_dim3A_920 : f32 to vector<16xf32>
      %broadcast_in_dim3A_922 = arith.constant 0.000000e+00 : f32
      %broadcast_in_dim3A_923 = vector.broadcast %broadcast_in_dim3A_922 : f32 to vector<16xf32>
      %broadcast_in_dim3A_924 = arith.constant 0.000000e+00 : f32
      %broadcast_in_dim3A_925 = vector.broadcast %broadcast_in_dim3A_924 : f32 to vector<16xf32>
      %broadcast_in_dim3A_926 = arith.constant 0.000000e+00 : f32
      %broadcast_in_dim3A_927 = vector.broadcast %broadcast_in_dim3A_926 : f32 to vector<16xf32>
      %broadcast_in_dim3A_928 = arith.constant 0.000000e+00 : f32
      %broadcast_in_dim3A_929 = vector.broadcast %broadcast_in_dim3A_928 : f32 to vector<16xf32>
      %parallel_loop3A_930 = arith.constant 0 : i32
      %parallel_loop3A_931 = arith.constant 40 : i32
      %parallel_loop3A_932 = arith.constant 1 : i32
      %parallel_loop3A_933:16 = scf.for %parallel_loop3A_1385 = %parallel_loop3A_930 to %parallel_loop3A_931 step %parallel_loop3A_932 iter_args(%parallel_loop3A_1386 = %broadcast_in_dim3A_899, %parallel_loop3A_1387 = %broadcast_in_dim3A_901, %parallel_loop3A_1388 = %broadcast_in_dim3A_903, %parallel_loop3A_1389 = %broadcast_in_dim3A_905, %parallel_loop3A_1390 = %broadcast_in_dim3A_907, %parallel_loop3A_1391 = %broadcast_in_dim3A_909, %parallel_loop3A_1392 = %broadcast_in_dim3A_911, %parallel_loop3A_1393 = %broadcast_in_dim3A_913, %parallel_loop3A_1394 = %broadcast_in_dim3A_915, %parallel_loop3A_1395 = %broadcast_in_dim3A_917, %parallel_loop3A_1396 = %broadcast_in_dim3A_919, %parallel_loop3A_1397 = %broadcast_in_dim3A_921, %parallel_loop3A_1398 = %broadcast_in_dim3A_923, %parallel_loop3A_1399 = %broadcast_in_dim3A_925, %parallel_loop3A_1400 = %broadcast_in_dim3A_927, %parallel_loop3A_1401 = %broadcast_in_dim3A_929) -> (vector<16xf32>, vector<16xf32>, vector<16xf32>, vector<16xf32>, vector<16xf32>, vector<16xf32>, vector<16xf32>, vector<16xf32>, vector<16xf32>, vector<16xf32>, vector<16xf32>, vector<16xf32>, vector<16xf32>, vector<16xf32>, vector<16xf32>, vector<16xf32>)  : i32 {
        %parallel_loop3A_1402 = arith.index_cast %parallel_loop3A_1385 : i32 to index
        %parallel_loop3A_1403 = arith.constant 256 : index
        %parallel_loop3A_1404 = tpu.vector_load %arg5[%parallel_loop3A_1402, %parallel_loop3A_1403] {strides = array<i32>} : memref<40x1000xf32, #tpu.memory_space<vmem>>, vector<1x16xf32>,
        %parallel_loop3A_1405 = vector.shape_cast %parallel_loop3A_1404 : vector<1x16xf32> to vector<16xf32>
        %parallel_loop3A_1406 = arith.addf %parallel_loop3A_1386, %parallel_loop3A_1405 : vector<16xf32>
        %parallel_loop3A_1407 = arith.index_cast %parallel_loop3A_1385 : i32 to index
        %parallel_loop3A_1408 = arith.constant 272 : index
        %parallel_loop3A_1409 = tpu.vector_load %arg5[%parallel_loop3A_1407, %parallel_loop3A_1408] {strides = array<i32>} : memref<40x1000xf32, #tpu.memory_space<vmem>>, vector<1x16xf32>,
        %parallel_loop3A_1410 = vector.shape_cast %parallel_loop3A_1409 : vector<1x16xf32> to vector<16xf32>
        %parallel_loop3A_1411 = arith.addf %parallel_loop3A_1387, %parallel_loop3A_1410 : vector<16xf32>
        %parallel_loop3A_1412 = arith.index_cast %parallel_loop3A_1385 : i32 to index
        %parallel_loop3A_1413 = arith.constant 288 : index
        %parallel_loop3A_1414 = tpu.vector_load %arg5[%parallel_loop3A_1412, %parallel_loop3A_1413] {strides = array<i32>} : memref<40x1000xf32, #tpu.memory_space<vmem>>, vector<1x16xf32>,
        %parallel_loop3A_1415 = vector.shape_cast %parallel_loop3A_1414 : vector<1x16xf32> to vector<16xf32>
        %parallel_loop3A_1416 = arith.addf %parallel_loop3A_1388, %parallel_loop3A_1415 : vector<16xf32>
        %parallel_loop3A_1417 = arith.index_cast %parallel_loop3A_1385 : i32 to index
        %parallel_loop3A_1418 = arith.constant 304 : index
        %parallel_loop3A_1419 = tpu.vector_load %arg5[%parallel_loop3A_1417, %parallel_loop3A_1418] {strides = array<i32>} : memref<40x1000xf32, #tpu.memory_space<vmem>>, vector<1x16xf32>,
        %parallel_loop3A_1420 = vector.shape_cast %parallel_loop3A_1419 : vector<1x16xf32> to vector<16xf32>
        %parallel_loop3A_1421 = arith.addf %parallel_loop3A_1389, %parallel_loop3A_1420 : vector<16xf32>
        %parallel_loop3A_1422 = arith.index_cast %parallel_loop3A_1385 : i32 to index
        %parallel_loop3A_1423 = arith.constant 320 : index
        %parallel_loop3A_1424 = tpu.vector_load %arg5[%parallel_loop3A_1422, %parallel_loop3A_1423] {strides = array<i32>} : memref<40x1000xf32, #tpu.memory_space<vmem>>, vector<1x16xf32>,
        %parallel_loop3A_1425 = vector.shape_cast %parallel_loop3A_1424 : vector<1x16xf32> to vector<16xf32>
        %parallel_loop3A_1426 = arith.addf %parallel_loop3A_1390, %parallel_loop3A_1425 : vector<16xf32>
        %parallel_loop3A_1427 = arith.index_cast %parallel_loop3A_1385 : i32 to index
        %parallel_loop3A_1428 = arith.constant 336 : index
        %parallel_loop3A_1429 = tpu.vector_load %arg5[%parallel_loop3A_1427, %parallel_loop3A_1428] {strides = array<i32>} : memref<40x1000xf32, #tpu.memory_space<vmem>>, vector<1x16xf32>,
        %parallel_loop3A_1430 = vector.shape_cast %parallel_loop3A_1429 : vector<1x16xf32> to vector<16xf32>
        %parallel_loop3A_1431 = arith.addf %parallel_loop3A_1391, %parallel_loop3A_1430 : vector<16xf32>
        %parallel_loop3A_1432 = arith.index_cast %parallel_loop3A_1385 : i32 to index
        %parallel_loop3A_1433 = arith.constant 352 : index
        %parallel_loop3A_1434 = tpu.vector_load %arg5[%parallel_loop3A_1432, %parallel_loop3A_1433] {strides = array<i32>} : memref<40x1000xf32, #tpu.memory_space<vmem>>, vector<1x16xf32>,
        %parallel_loop3A_1435 = vector.shape_cast %parallel_loop3A_1434 : vector<1x16xf32> to vector<16xf32>
        %parallel_loop3A_1436 = arith.addf %parallel_loop3A_1392, %parallel_loop3A_1435 : vector<16xf32>
        %parallel_loop3A_1437 = arith.index_cast %parallel_loop3A_1385 : i32 to index
        %parallel_loop3A_1438 = arith.constant 368 : index
        %parallel_loop3A_1439 = tpu.vector_load %arg5[%parallel_loop3A_1437, %parallel_loop3A_1438] {strides = array<i32>} : memref<40x1000xf32, #tpu.memory_space<vmem>>, vector<1x16xf32>,
        %parallel_loop3A_1440 = vector.shape_cast %parallel_loop3A_1439 : vector<1x16xf32> to vector<16xf32>
        %parallel_loop3A_1441 = arith.addf %parallel_loop3A_1393, %parallel_loop3A_1440 : vector<16xf32>
        %parallel_loop3A_1442 = arith.index_cast %parallel_loop3A_1385 : i32 to index
        %parallel_loop3A_1443 = arith.constant 384 : index
        %parallel_loop3A_1444 = tpu.vector_load %arg5[%parallel_loop3A_1442, %parallel_loop3A_1443] {strides = array<i32>} : memref<40x1000xf32, #tpu.memory_space<vmem>>, vector<1x16xf32>,
        %parallel_loop3A_1445 = vector.shape_cast %parallel_loop3A_1444 : vector<1x16xf32> to vector<16xf32>
        %parallel_loop3A_1446 = arith.addf %parallel_loop3A_1394, %parallel_loop3A_1445 : vector<16xf32>
        %parallel_loop3A_1447 = arith.index_cast %parallel_loop3A_1385 : i32 to index
        %parallel_loop3A_1448 = arith.constant 400 : index
        %parallel_loop3A_1449 = tpu.vector_load %arg5[%parallel_loop3A_1447, %parallel_loop3A_1448] {strides = array<i32>} : memref<40x1000xf32, #tpu.memory_space<vmem>>, vector<1x16xf32>,
        %parallel_loop3A_1450 = vector.shape_cast %parallel_loop3A_1449 : vector<1x16xf32> to vector<16xf32>
        %parallel_loop3A_1451 = arith.addf %parallel_loop3A_1395, %parallel_loop3A_1450 : vector<16xf32>
        %parallel_loop3A_1452 = arith.index_cast %parallel_loop3A_1385 : i32 to index
        %parallel_loop3A_1453 = arith.constant 416 : index
        %parallel_loop3A_1454 = tpu.vector_load %arg5[%parallel_loop3A_1452, %parallel_loop3A_1453] {strides = array<i32>} : memref<40x1000xf32, #tpu.memory_space<vmem>>, vector<1x16xf32>,
        %parallel_loop3A_1455 = vector.shape_cast %parallel_loop3A_1454 : vector<1x16xf32> to vector<16xf32>
        %parallel_loop3A_1456 = arith.addf %parallel_loop3A_1396, %parallel_loop3A_1455 : vector<16xf32>
        %parallel_loop3A_1457 = arith.index_cast %parallel_loop3A_1385 : i32 to index
        %parallel_loop3A_1458 = arith.constant 432 : index
        %parallel_loop3A_1459 = tpu.vector_load %arg5[%parallel_loop3A_1457, %parallel_loop3A_1458] {strides = array<i32>} : memref<40x1000xf32, #tpu.memory_space<vmem>>, vector<1x16xf32>,
        %parallel_loop3A_1460 = vector.shape_cast %parallel_loop3A_1459 : vector<1x16xf32> to vector<16xf32>
        %parallel_loop3A_1461 = arith.addf %parallel_loop3A_1397, %parallel_loop3A_1460 : vector<16xf32>
        %parallel_loop3A_1462 = arith.index_cast %parallel_loop3A_1385 : i32 to index
        %parallel_loop3A_1463 = arith.constant 448 : index
        %parallel_loop3A_1464 = tpu.vector_load %arg5[%parallel_loop3A_1462, %parallel_loop3A_1463] {strides = array<i32>} : memref<40x1000xf32, #tpu.memory_space<vmem>>, vector<1x16xf32>,
        %parallel_loop3A_1465 = vector.shape_cast %parallel_loop3A_1464 : vector<1x16xf32> to vector<16xf32>
        %parallel_loop3A_1466 = arith.addf %parallel_loop3A_1398, %parallel_loop3A_1465 : vector<16xf32>
        %parallel_loop3A_1467 = arith.index_cast %parallel_loop3A_1385 : i32 to index
        %parallel_loop3A_1468 = arith.constant 464 : index
        %parallel_loop3A_1469 = tpu.vector_load %arg5[%parallel_loop3A_1467, %parallel_loop3A_1468] {strides = array<i32>} : memref<40x1000xf32, #tpu.memory_space<vmem>>, vector<1x16xf32>,
        %parallel_loop3A_1470 = vector.shape_cast %parallel_loop3A_1469 : vector<1x16xf32> to vector<16xf32>
        %parallel_loop3A_1471 = arith.addf %parallel_loop3A_1399, %parallel_loop3A_1470 : vector<16xf32>
        %parallel_loop3A_1472 = arith.index_cast %parallel_loop3A_1385 : i32 to index
        %parallel_loop3A_1473 = arith.constant 480 : index
        %parallel_loop3A_1474 = tpu.vector_load %arg5[%parallel_loop3A_1472, %parallel_loop3A_1473] {strides = array<i32>} : memref<40x1000xf32, #tpu.memory_space<vmem>>, vector<1x16xf32>,
        %parallel_loop3A_1475 = vector.shape_cast %parallel_loop3A_1474 : vector<1x16xf32> to vector<16xf32>
        %parallel_loop3A_1476 = arith.addf %parallel_loop3A_1400, %parallel_loop3A_1475 : vector<16xf32>
        %parallel_loop3A_1477 = arith.index_cast %parallel_loop3A_1385 : i32 to index
        %parallel_loop3A_1478 = arith.constant 496 : index
        %parallel_loop3A_1479 = tpu.vector_load %arg5[%parallel_loop3A_1477, %parallel_loop3A_1478] {strides = array<i32>} : memref<40x1000xf32, #tpu.memory_space<vmem>>, vector<1x16xf32>,
        %parallel_loop3A_1480 = vector.shape_cast %parallel_loop3A_1479 : vector<1x16xf32> to vector<16xf32>
        %parallel_loop3A_1481 = arith.addf %parallel_loop3A_1401, %parallel_loop3A_1480 : vector<16xf32>
        scf.yield %parallel_loop3A_1406, %parallel_loop3A_1411, %parallel_loop3A_1416, %parallel_loop3A_1421, %parallel_loop3A_1426, %parallel_loop3A_1431, %parallel_loop3A_1436, %parallel_loop3A_1441, %parallel_loop3A_1446, %parallel_loop3A_1451, %parallel_loop3A_1456, %parallel_loop3A_1461, %parallel_loop3A_1466, %parallel_loop3A_1471, %parallel_loop3A_1476, %parallel_loop3A_1481 : vector<16xf32>, vector<16xf32>, vector<16xf32>, vector<16xf32>, vector<16xf32>, vector<16xf32>, vector<16xf32>, vector<16xf32>, vector<16xf32>, vector<16xf32>, vector<16xf32>, vector<16xf32>, vector<16xf32>, vector<16xf32>, vector<16xf32>, vector<16xf32>
      } {sc.loop_unroll_factor = 2 : i64, sc.parallel_access}
      %mul3A_934 = arith.constant 1024 : i32
      %mul3A_935 = arith.muli %add3A_733, %mul3A_934 : i32
      %add3A_936 = arith.constant 256 : i32
      %add3A_937 = arith.addi %mul3A_935, %add3A_936 : i32
      %swap3A_938 = arith.index_cast %add3A_937 : i32 to index
      %swap3A_939 = tpu.vector_load %arg6[%swap3A_938] {strides = array<i32>} : memref<24576xf32, #tpu.memory_space<vmem>>, vector<16xf32>,
      %swap3A_940 = vector.shape_cast %swap3A_939 : vector<16xf32> to vector<16xf32>
      %swap3A_941 = vector.shape_cast %parallel_loop3A_933#0 : vector<16xf32> to vector<16xf32>
      tpu.vector_store %arg6[%swap3A_938], %swap3A_941 {strides = array<i32>} : memref<24576xf32, #tpu.memory_space<vmem>>, vector<16xf32>,
      %mul3A_942 = arith.constant 1024 : i32
      %mul3A_943 = arith.muli %add3A_733, %mul3A_942 : i32
      %add3A_944 = arith.constant 272 : i32
      %add3A_945 = arith.addi %mul3A_943, %add3A_944 : i32
      %swap3A_946 = arith.index_cast %add3A_945 : i32 to index
      %swap3A_947 = tpu.vector_load %arg6[%swap3A_946] {strides = array<i32>} : memref<24576xf32, #tpu.memory_space<vmem>>, vector<16xf32>,
      %swap3A_948 = vector.shape_cast %swap3A_947 : vector<16xf32> to vector<16xf32>
      %swap3A_949 = vector.shape_cast %parallel_loop3A_933#1 : vector<16xf32> to vector<16xf32>
      tpu.vector_store %arg6[%swap3A_946], %swap3A_949 {strides = array<i32>} : memref<24576xf32, #tpu.memory_space<vmem>>, vector<16xf32>,
      %mul3A_950 = arith.constant 1024 : i32
      %mul3A_951 = arith.muli %add3A_733, %mul3A_950 : i32
      %add3A_952 = arith.constant 288 : i32
      %add3A_953 = arith.addi %mul3A_951, %add3A_952 : i32
      %swap3A_954 = arith.index_cast %add3A_953 : i32 to index
      %swap3A_955 = tpu.vector_load %arg6[%swap3A_954] {strides = array<i32>} : memref<24576xf32, #tpu.memory_space<vmem>>, vector<16xf32>,
      %swap3A_956 = vector.shape_cast %swap3A_955 : vector<16xf32> to vector<16xf32>
      %swap3A_957 = vector.shape_cast %parallel_loop3A_933#2 : vector<16xf32> to vector<16xf32>
      tpu.vector_store %arg6[%swap3A_954], %swap3A_957 {strides = array<i32>} : memref<24576xf32, #tpu.memory_space<vmem>>, vector<16xf32>,
      %mul3A_958 = arith.constant 1024 : i32
      %mul3A_959 = arith.muli %add3A_733, %mul3A_958 : i32
      %add3A_960 = arith.constant 304 : i32
      %add3A_961 = arith.addi %mul3A_959, %add3A_960 : i32
      %swap3A_962 = arith.index_cast %add3A_961 : i32 to index
      %swap3A_963 = tpu.vector_load %arg6[%swap3A_962] {strides = array<i32>} : memref<24576xf32, #tpu.memory_space<vmem>>, vector<16xf32>,
      %swap3A_964 = vector.shape_cast %swap3A_963 : vector<16xf32> to vector<16xf32>
      %swap3A_965 = vector.shape_cast %parallel_loop3A_933#3 : vector<16xf32> to vector<16xf32>
      tpu.vector_store %arg6[%swap3A_962], %swap3A_965 {strides = array<i32>} : memref<24576xf32, #tpu.memory_space<vmem>>, vector<16xf32>,
      %mul3A_966 = arith.constant 1024 : i32
      %mul3A_967 = arith.muli %add3A_733, %mul3A_966 : i32
      %add3A_968 = arith.constant 320 : i32
      %add3A_969 = arith.addi %mul3A_967, %add3A_968 : i32
      %swap3A_970 = arith.index_cast %add3A_969 : i32 to index
      %swap3A_971 = tpu.vector_load %arg6[%swap3A_970] {strides = array<i32>} : memref<24576xf32, #tpu.memory_space<vmem>>, vector<16xf32>,
      %swap3A_972 = vector.shape_cast %swap3A_971 : vector<16xf32> to vector<16xf32>
      %swap3A_973 = vector.shape_cast %parallel_loop3A_933#4 : vector<16xf32> to vector<16xf32>
      tpu.vector_store %arg6[%swap3A_970], %swap3A_973 {strides = array<i32>} : memref<24576xf32, #tpu.memory_space<vmem>>, vector<16xf32>,
      %mul3A_974 = arith.constant 1024 : i32
      %mul3A_975 = arith.muli %add3A_733, %mul3A_974 : i32
      %add3A_976 = arith.constant 336 : i32
      %add3A_977 = arith.addi %mul3A_975, %add3A_976 : i32
      %swap3A_978 = arith.index_cast %add3A_977 : i32 to index
      %swap3A_979 = tpu.vector_load %arg6[%swap3A_978] {strides = array<i32>} : memref<24576xf32, #tpu.memory_space<vmem>>, vector<16xf32>,
      %swap3A_980 = vector.shape_cast %swap3A_979 : vector<16xf32> to vector<16xf32>
      %swap3A_981 = vector.shape_cast %parallel_loop3A_933#5 : vector<16xf32> to vector<16xf32>
      tpu.vector_store %arg6[%swap3A_978], %swap3A_981 {strides = array<i32>} : memref<24576xf32, #tpu.memory_space<vmem>>, vector<16xf32>,
      %mul3A_982 = arith.constant 1024 : i32
      %mul3A_983 = arith.muli %add3A_733, %mul3A_982 : i32
      %add3A_984 = arith.constant 352 : i32
      %add3A_985 = arith.addi %mul3A_983, %add3A_984 : i32
      %swap3A_986 = arith.index_cast %add3A_985 : i32 to index
      %swap3A_987 = tpu.vector_load %arg6[%swap3A_986] {strides = array<i32>} : memref<24576xf32, #tpu.memory_space<vmem>>, vector<16xf32>,
      %swap3A_988 = vector.shape_cast %swap3A_987 : vector<16xf32> to vector<16xf32>
      %swap3A_989 = vector.shape_cast %parallel_loop3A_933#6 : vector<16xf32> to vector<16xf32>
      tpu.vector_store %arg6[%swap3A_986], %swap3A_989 {strides = array<i32>} : memref<24576xf32, #tpu.memory_space<vmem>>, vector<16xf32>,
      %mul3A_990 = arith.constant 1024 : i32
      %mul3A_991 = arith.muli %add3A_733, %mul3A_990 : i32
      %add3A_992 = arith.constant 368 : i32
      %add3A_993 = arith.addi %mul3A_991, %add3A_992 : i32
      %swap3A_994 = arith.index_cast %add3A_993 : i32 to index
      %swap3A_995 = tpu.vector_load %arg6[%swap3A_994] {strides = array<i32>} : memref<24576xf32, #tpu.memory_space<vmem>>, vector<16xf32>,
      %swap3A_996 = vector.shape_cast %swap3A_995 : vector<16xf32> to vector<16xf32>
      %swap3A_997 = vector.shape_cast %parallel_loop3A_933#7 : vector<16xf32> to vector<16xf32>
      tpu.vector_store %arg6[%swap3A_994], %swap3A_997 {strides = array<i32>} : memref<24576xf32, #tpu.memory_space<vmem>>, vector<16xf32>,
      %mul3A_998 = arith.constant 1024 : i32
      %mul3A_999 = arith.muli %add3A_733, %mul3A_998 : i32
      %add3A_1000 = arith.constant 384 : i32
      %add3A_1001 = arith.addi %mul3A_999, %add3A_1000 : i32
      %swap3A_1002 = arith.index_cast %add3A_1001 : i32 to index
      %swap3A_1003 = tpu.vector_load %arg6[%swap3A_1002] {strides = array<i32>} : memref<24576xf32, #tpu.memory_space<vmem>>, vector<16xf32>,
      %swap3A_1004 = vector.shape_cast %swap3A_1003 : vector<16xf32> to vector<16xf32>
      %swap3A_1005 = vector.shape_cast %parallel_loop3A_933#8 : vector<16xf32> to vector<16xf32>
      tpu.vector_store %arg6[%swap3A_1002], %swap3A_1005 {strides = array<i32>} : memref<24576xf32, #tpu.memory_space<vmem>>, vector<16xf32>,
      %mul3A_1006 = arith.constant 1024 : i32
      %mul3A_1007 = arith.muli %add3A_733, %mul3A_1006 : i32
      %add3A_1008 = arith.constant 400 : i32
      %add3A_1009 = arith.addi %mul3A_1007, %add3A_1008 : i32
      %swap3A_1010 = arith.index_cast %add3A_1009 : i32 to index
      %swap3A_1011 = tpu.vector_load %arg6[%swap3A_1010] {strides = array<i32>} : memref<24576xf32, #tpu.memory_space<vmem>>, vector<16xf32>,
      %swap3A_1012 = vector.shape_cast %swap3A_1011 : vector<16xf32> to vector<16xf32>
      %swap3A_1013 = vector.shape_cast %parallel_loop3A_933#9 : vector<16xf32> to vector<16xf32>
      tpu.vector_store %arg6[%swap3A_1010], %swap3A_1013 {strides = array<i32>} : memref<24576xf32, #tpu.memory_space<vmem>>, vector<16xf32>,
      %mul3A_1014 = arith.constant 1024 : i32
      %mul3A_1015 = arith.muli %add3A_733, %mul3A_1014 : i32
      %add3A_1016 = arith.constant 416 : i32
      %add3A_1017 = arith.addi %mul3A_1015, %add3A_1016 : i32
      %swap3A_1018 = arith.index_cast %add3A_1017 : i32 to index
      %swap3A_1019 = tpu.vector_load %arg6[%swap3A_1018] {strides = array<i32>} : memref<24576xf32, #tpu.memory_space<vmem>>, vector<16xf32>,
      %swap3A_1020 = vector.shape_cast %swap3A_1019 : vector<16xf32> to vector<16xf32>
      %swap3A_1021 = vector.shape_cast %parallel_loop3A_933#10 : vector<16xf32> to vector<16xf32>
      tpu.vector_store %arg6[%swap3A_1018], %swap3A_1021 {strides = array<i32>} : memref<24576xf32, #tpu.memory_space<vmem>>, vector<16xf32>,
      %mul3A_1022 = arith.constant 1024 : i32
      %mul3A_1023 = arith.muli %add3A_733, %mul3A_1022 : i32
      %add3A_1024 = arith.constant 432 : i32
      %add3A_1025 = arith.addi %mul3A_1023, %add3A_1024 : i32
      %swap3A_1026 = arith.index_cast %add3A_1025 : i32 to index
      %swap3A_1027 = tpu.vector_load %arg6[%swap3A_1026] {strides = array<i32>} : memref<24576xf32, #tpu.memory_space<vmem>>, vector<16xf32>,
      %swap3A_1028 = vector.shape_cast %swap3A_1027 : vector<16xf32> to vector<16xf32>
      %swap3A_1029 = vector.shape_cast %parallel_loop3A_933#11 : vector<16xf32> to vector<16xf32>
      tpu.vector_store %arg6[%swap3A_1026], %swap3A_1029 {strides = array<i32>} : memref<24576xf32, #tpu.memory_space<vmem>>, vector<16xf32>,
      %mul3A_1030 = arith.constant 1024 : i32
      %mul3A_1031 = arith.muli %add3A_733, %mul3A_1030 : i32
      %add3A_1032 = arith.constant 448 : i32
      %add3A_1033 = arith.addi %mul3A_1031, %add3A_1032 : i32
      %swap3A_1034 = arith.index_cast %add3A_1033 : i32 to index
      %swap3A_1035 = tpu.vector_load %arg6[%swap3A_1034] {strides = array<i32>} : memref<24576xf32, #tpu.memory_space<vmem>>, vector<16xf32>,
      %swap3A_1036 = vector.shape_cast %swap3A_1035 : vector<16xf32> to vector<16xf32>
      %swap3A_1037 = vector.shape_cast %parallel_loop3A_933#12 : vector<16xf32> to vector<16xf32>
      tpu.vector_store %arg6[%swap3A_1034], %swap3A_1037 {strides = array<i32>} : memref<24576xf32, #tpu.memory_space<vmem>>, vector<16xf32>,
      %mul3A_1038 = arith.constant 1024 : i32
      %mul3A_1039 = arith.muli %add3A_733, %mul3A_1038 : i32
      %add3A_1040 = arith.constant 464 : i32
      %add3A_1041 = arith.addi %mul3A_1039, %add3A_1040 : i32
      %swap3A_1042 = arith.index_cast %add3A_1041 : i32 to index
      %swap3A_1043 = tpu.vector_load %arg6[%swap3A_1042] {strides = array<i32>} : memref<24576xf32, #tpu.memory_space<vmem>>, vector<16xf32>,
      %swap3A_1044 = vector.shape_cast %swap3A_1043 : vector<16xf32> to vector<16xf32>
      %swap3A_1045 = vector.shape_cast %parallel_loop3A_933#13 : vector<16xf32> to vector<16xf32>
      tpu.vector_store %arg6[%swap3A_1042], %swap3A_1045 {strides = array<i32>} : memref<24576xf32, #tpu.memory_space<vmem>>, vector<16xf32>,
      %mul3A_1046 = arith.constant 1024 : i32
      %mul3A_1047 = arith.muli %add3A_733, %mul3A_1046 : i32
      %add3A_1048 = arith.constant 480 : i32
      %add3A_1049 = arith.addi %mul3A_1047, %add3A_1048 : i32
      %swap3A_1050 = arith.index_cast %add3A_1049 : i32 to index
      %swap3A_1051 = tpu.vector_load %arg6[%swap3A_1050] {strides = array<i32>} : memref<24576xf32, #tpu.memory_space<vmem>>, vector<16xf32>,
      %swap3A_1052 = vector.shape_cast %swap3A_1051 : vector<16xf32> to vector<16xf32>
      %swap3A_1053 = vector.shape_cast %parallel_loop3A_933#14 : vector<16xf32> to vector<16xf32>
      tpu.vector_store %arg6[%swap3A_1050], %swap3A_1053 {strides = array<i32>} : memref<24576xf32, #tpu.memory_space<vmem>>, vector<16xf32>,
      %mul3A_1054 = arith.constant 1024 : i32
      %mul3A_1055 = arith.muli %add3A_733, %mul3A_1054 : i32
      %add3A_1056 = arith.constant 496 : i32
      %add3A_1057 = arith.addi %mul3A_1055, %add3A_1056 : i32
      %swap3A_1058 = arith.index_cast %add3A_1057 : i32 to index
      %swap3A_1059 = tpu.vector_load %arg6[%swap3A_1058] {strides = array<i32>} : memref<24576xf32, #tpu.memory_space<vmem>>, vector<16xf32>,
      %swap3A_1060 = vector.shape_cast %swap3A_1059 : vector<16xf32> to vector<16xf32>
      %swap3A_1061 = vector.shape_cast %parallel_loop3A_933#15 : vector<16xf32> to vector<16xf32>
      tpu.vector_store %arg6[%swap3A_1058], %swap3A_1061 {strides = array<i32>} : memref<24576xf32, #tpu.memory_space<vmem>>, vector<16xf32>,
      %broadcast_in_dim3A_1062 = arith.constant 0.000000e+00 : f32
      %broadcast_in_dim3A_1063 = vector.broadcast %broadcast_in_dim3A_1062 : f32 to vector<16xf32>
      %broadcast_in_dim3A_1064 = arith.constant 0.000000e+00 : f32
      %broadcast_in_dim3A_1065 = vector.broadcast %broadcast_in_dim3A_1064 : f32 to vector<16xf32>
      %broadcast_in_dim3A_1066 = arith.constant 0.000000e+00 : f32
      %broadcast_in_dim3A_1067 = vector.broadcast %broadcast_in_dim3A_1066 : f32 to vector<16xf32>
      %broadcast_in_dim3A_1068 = arith.constant 0.000000e+00 : f32
      %broadcast_in_dim3A_1069 = vector.broadcast %broadcast_in_dim3A_1068 : f32 to vector<16xf32>
      %broadcast_in_dim3A_1070 = arith.constant 0.000000e+00 : f32
      %broadcast_in_dim3A_1071 = vector.broadcast %broadcast_in_dim3A_1070 : f32 to vector<16xf32>
      %broadcast_in_dim3A_1072 = arith.constant 0.000000e+00 : f32
      %broadcast_in_dim3A_1073 = vector.broadcast %broadcast_in_dim3A_1072 : f32 to vector<16xf32>
      %broadcast_in_dim3A_1074 = arith.constant 0.000000e+00 : f32
      %broadcast_in_dim3A_1075 = vector.broadcast %broadcast_in_dim3A_1074 : f32 to vector<16xf32>
      %broadcast_in_dim3A_1076 = arith.constant 0.000000e+00 : f32
      %broadcast_in_dim3A_1077 = vector.broadcast %broadcast_in_dim3A_1076 : f32 to vector<16xf32>
      %broadcast_in_dim3A_1078 = arith.constant 0.000000e+00 : f32
      %broadcast_in_dim3A_1079 = vector.broadcast %broadcast_in_dim3A_1078 : f32 to vector<16xf32>
      %broadcast_in_dim3A_1080 = arith.constant 0.000000e+00 : f32
      %broadcast_in_dim3A_1081 = vector.broadcast %broadcast_in_dim3A_1080 : f32 to vector<16xf32>
      %broadcast_in_dim3A_1082 = arith.constant 0.000000e+00 : f32
      %broadcast_in_dim3A_1083 = vector.broadcast %broadcast_in_dim3A_1082 : f32 to vector<16xf32>
      %broadcast_in_dim3A_1084 = arith.constant 0.000000e+00 : f32
      %broadcast_in_dim3A_1085 = vector.broadcast %broadcast_in_dim3A_1084 : f32 to vector<16xf32>
      %broadcast_in_dim3A_1086 = arith.constant 0.000000e+00 : f32
      %broadcast_in_dim3A_1087 = vector.broadcast %broadcast_in_dim3A_1086 : f32 to vector<16xf32>
      %broadcast_in_dim3A_1088 = arith.constant 0.000000e+00 : f32
      %broadcast_in_dim3A_1089 = vector.broadcast %broadcast_in_dim3A_1088 : f32 to vector<16xf32>
      %broadcast_in_dim3A_1090 = arith.constant 0.000000e+00 : f32
      %broadcast_in_dim3A_1091 = vector.broadcast %broadcast_in_dim3A_1090 : f32 to vector<16xf32>
      %broadcast_in_dim3A_1092 = arith.constant 0.000000e+00 : f32
      %broadcast_in_dim3A_1093 = vector.broadcast %broadcast_in_dim3A_1092 : f32 to vector<16xf32>
      %parallel_loop3A_1094 = arith.constant 0 : i32
      %parallel_loop3A_1095 = arith.constant 40 : i32
      %parallel_loop3A_1096 = arith.constant 1 : i32
      %parallel_loop3A_1097:16 = scf.for %parallel_loop3A_1385 = %parallel_loop3A_1094 to %parallel_loop3A_1095 step %parallel_loop3A_1096 iter_args(%parallel_loop3A_1386 = %broadcast_in_dim3A_1063, %parallel_loop3A_1387 = %broadcast_in_dim3A_1065, %parallel_loop3A_1388 = %broadcast_in_dim3A_1067, %parallel_loop3A_1389 = %broadcast_in_dim3A_1069, %parallel_loop3A_1390 = %broadcast_in_dim3A_1071, %parallel_loop3A_1391 = %broadcast_in_dim3A_1073, %parallel_loop3A_1392 = %broadcast_in_dim3A_1075, %parallel_loop3A_1393 = %broadcast_in_dim3A_1077, %parallel_loop3A_1394 = %broadcast_in_dim3A_1079, %parallel_loop3A_1395 = %broadcast_in_dim3A_1081, %parallel_loop3A_1396 = %broadcast_in_dim3A_1083, %parallel_loop3A_1397 = %broadcast_in_dim3A_1085, %parallel_loop3A_1398 = %broadcast_in_dim3A_1087, %parallel_loop3A_1399 = %broadcast_in_dim3A_1089, %parallel_loop3A_1400 = %broadcast_in_dim3A_1091, %parallel_loop3A_1401 = %broadcast_in_dim3A_1093) -> (vector<16xf32>, vector<16xf32>, vector<16xf32>, vector<16xf32>, vector<16xf32>, vector<16xf32>, vector<16xf32>, vector<16xf32>, vector<16xf32>, vector<16xf32>, vector<16xf32>, vector<16xf32>, vector<16xf32>, vector<16xf32>, vector<16xf32>, vector<16xf32>)  : i32 {
        %parallel_loop3A_1402 = arith.index_cast %parallel_loop3A_1385 : i32 to index
        %parallel_loop3A_1403 = arith.constant 512 : index
        %parallel_loop3A_1404 = tpu.vector_load %arg5[%parallel_loop3A_1402, %parallel_loop3A_1403] {strides = array<i32>} : memref<40x1000xf32, #tpu.memory_space<vmem>>, vector<1x16xf32>,
        %parallel_loop3A_1405 = vector.shape_cast %parallel_loop3A_1404 : vector<1x16xf32> to vector<16xf32>
        %parallel_loop3A_1406 = arith.addf %parallel_loop3A_1386, %parallel_loop3A_1405 : vector<16xf32>
        %parallel_loop3A_1407 = arith.index_cast %parallel_loop3A_1385 : i32 to index
        %parallel_loop3A_1408 = arith.constant 528 : index
        %parallel_loop3A_1409 = tpu.vector_load %arg5[%parallel_loop3A_1407, %parallel_loop3A_1408] {strides = array<i32>} : memref<40x1000xf32, #tpu.memory_space<vmem>>, vector<1x16xf32>,
        %parallel_loop3A_1410 = vector.shape_cast %parallel_loop3A_1409 : vector<1x16xf32> to vector<16xf32>
        %parallel_loop3A_1411 = arith.addf %parallel_loop3A_1387, %parallel_loop3A_1410 : vector<16xf32>
        %parallel_loop3A_1412 = arith.index_cast %parallel_loop3A_1385 : i32 to index
        %parallel_loop3A_1413 = arith.constant 544 : index
        %parallel_loop3A_1414 = tpu.vector_load %arg5[%parallel_loop3A_1412, %parallel_loop3A_1413] {strides = array<i32>} : memref<40x1000xf32, #tpu.memory_space<vmem>>, vector<1x16xf32>,
        %parallel_loop3A_1415 = vector.shape_cast %parallel_loop3A_1414 : vector<1x16xf32> to vector<16xf32>
        %parallel_loop3A_1416 = arith.addf %parallel_loop3A_1388, %parallel_loop3A_1415 : vector<16xf32>
        %parallel_loop3A_1417 = arith.index_cast %parallel_loop3A_1385 : i32 to index
        %parallel_loop3A_1418 = arith.constant 560 : index
        %parallel_loop3A_1419 = tpu.vector_load %arg5[%parallel_loop3A_1417, %parallel_loop3A_1418] {strides = array<i32>} : memref<40x1000xf32, #tpu.memory_space<vmem>>, vector<1x16xf32>,
        %parallel_loop3A_1420 = vector.shape_cast %parallel_loop3A_1419 : vector<1x16xf32> to vector<16xf32>
        %parallel_loop3A_1421 = arith.addf %parallel_loop3A_1389, %parallel_loop3A_1420 : vector<16xf32>
        %parallel_loop3A_1422 = arith.index_cast %parallel_loop3A_1385 : i32 to index
        %parallel_loop3A_1423 = arith.constant 576 : index
        %parallel_loop3A_1424 = tpu.vector_load %arg5[%parallel_loop3A_1422, %parallel_loop3A_1423] {strides = array<i32>} : memref<40x1000xf32, #tpu.memory_space<vmem>>, vector<1x16xf32>,
        %parallel_loop3A_1425 = vector.shape_cast %parallel_loop3A_1424 : vector<1x16xf32> to vector<16xf32>
        %parallel_loop3A_1426 = arith.addf %parallel_loop3A_1390, %parallel_loop3A_1425 : vector<16xf32>
        %parallel_loop3A_1427 = arith.index_cast %parallel_loop3A_1385 : i32 to index
        %parallel_loop3A_1428 = arith.constant 592 : index
        %parallel_loop3A_1429 = tpu.vector_load %arg5[%parallel_loop3A_1427, %parallel_loop3A_1428] {strides = array<i32>} : memref<40x1000xf32, #tpu.memory_space<vmem>>, vector<1x16xf32>,
        %parallel_loop3A_1430 = vector.shape_cast %parallel_loop3A_1429 : vector<1x16xf32> to vector<16xf32>
        %parallel_loop3A_1431 = arith.addf %parallel_loop3A_1391, %parallel_loop3A_1430 : vector<16xf32>
        %parallel_loop3A_1432 = arith.index_cast %parallel_loop3A_1385 : i32 to index
        %parallel_loop3A_1433 = arith.constant 608 : index
        %parallel_loop3A_1434 = tpu.vector_load %arg5[%parallel_loop3A_1432, %parallel_loop3A_1433] {strides = array<i32>} : memref<40x1000xf32, #tpu.memory_space<vmem>>, vector<1x16xf32>,
        %parallel_loop3A_1435 = vector.shape_cast %parallel_loop3A_1434 : vector<1x16xf32> to vector<16xf32>
        %parallel_loop3A_1436 = arith.addf %parallel_loop3A_1392, %parallel_loop3A_1435 : vector<16xf32>
        %parallel_loop3A_1437 = arith.index_cast %parallel_loop3A_1385 : i32 to index
        %parallel_loop3A_1438 = arith.constant 624 : index
        %parallel_loop3A_1439 = tpu.vector_load %arg5[%parallel_loop3A_1437, %parallel_loop3A_1438] {strides = array<i32>} : memref<40x1000xf32, #tpu.memory_space<vmem>>, vector<1x16xf32>,
        %parallel_loop3A_1440 = vector.shape_cast %parallel_loop3A_1439 : vector<1x16xf32> to vector<16xf32>
        %parallel_loop3A_1441 = arith.addf %parallel_loop3A_1393, %parallel_loop3A_1440 : vector<16xf32>
        %parallel_loop3A_1442 = arith.index_cast %parallel_loop3A_1385 : i32 to index
        %parallel_loop3A_1443 = arith.constant 640 : index
        %parallel_loop3A_1444 = tpu.vector_load %arg5[%parallel_loop3A_1442, %parallel_loop3A_1443] {strides = array<i32>} : memref<40x1000xf32, #tpu.memory_space<vmem>>, vector<1x16xf32>,
        %parallel_loop3A_1445 = vector.shape_cast %parallel_loop3A_1444 : vector<1x16xf32> to vector<16xf32>
        %parallel_loop3A_1446 = arith.addf %parallel_loop3A_1394, %parallel_loop3A_1445 : vector<16xf32>
        %parallel_loop3A_1447 = arith.index_cast %parallel_loop3A_1385 : i32 to index
        %parallel_loop3A_1448 = arith.constant 656 : index
        %parallel_loop3A_1449 = tpu.vector_load %arg5[%parallel_loop3A_1447, %parallel_loop3A_1448] {strides = array<i32>} : memref<40x1000xf32, #tpu.memory_space<vmem>>, vector<1x16xf32>,
        %parallel_loop3A_1450 = vector.shape_cast %parallel_loop3A_1449 : vector<1x16xf32> to vector<16xf32>
        %parallel_loop3A_1451 = arith.addf %parallel_loop3A_1395, %parallel_loop3A_1450 : vector<16xf32>
        %parallel_loop3A_1452 = arith.index_cast %parallel_loop3A_1385 : i32 to index
        %parallel_loop3A_1453 = arith.constant 672 : index
        %parallel_loop3A_1454 = tpu.vector_load %arg5[%parallel_loop3A_1452, %parallel_loop3A_1453] {strides = array<i32>} : memref<40x1000xf32, #tpu.memory_space<vmem>>, vector<1x16xf32>,
        %parallel_loop3A_1455 = vector.shape_cast %parallel_loop3A_1454 : vector<1x16xf32> to vector<16xf32>
        %parallel_loop3A_1456 = arith.addf %parallel_loop3A_1396, %parallel_loop3A_1455 : vector<16xf32>
        %parallel_loop3A_1457 = arith.index_cast %parallel_loop3A_1385 : i32 to index
        %parallel_loop3A_1458 = arith.constant 688 : index
        %parallel_loop3A_1459 = tpu.vector_load %arg5[%parallel_loop3A_1457, %parallel_loop3A_1458] {strides = array<i32>} : memref<40x1000xf32, #tpu.memory_space<vmem>>, vector<1x16xf32>,
        %parallel_loop3A_1460 = vector.shape_cast %parallel_loop3A_1459 : vector<1x16xf32> to vector<16xf32>
        %parallel_loop3A_1461 = arith.addf %parallel_loop3A_1397, %parallel_loop3A_1460 : vector<16xf32>
        %parallel_loop3A_1462 = arith.index_cast %parallel_loop3A_1385 : i32 to index
        %parallel_loop3A_1463 = arith.constant 704 : index
        %parallel_loop3A_1464 = tpu.vector_load %arg5[%parallel_loop3A_1462, %parallel_loop3A_1463] {strides = array<i32>} : memref<40x1000xf32, #tpu.memory_space<vmem>>, vector<1x16xf32>,
        %parallel_loop3A_1465 = vector.shape_cast %parallel_loop3A_1464 : vector<1x16xf32> to vector<16xf32>
        %parallel_loop3A_1466 = arith.addf %parallel_loop3A_1398, %parallel_loop3A_1465 : vector<16xf32>
        %parallel_loop3A_1467 = arith.index_cast %parallel_loop3A_1385 : i32 to index
        %parallel_loop3A_1468 = arith.constant 720 : index
        %parallel_loop3A_1469 = tpu.vector_load %arg5[%parallel_loop3A_1467, %parallel_loop3A_1468] {strides = array<i32>} : memref<40x1000xf32, #tpu.memory_space<vmem>>, vector<1x16xf32>,
        %parallel_loop3A_1470 = vector.shape_cast %parallel_loop3A_1469 : vector<1x16xf32> to vector<16xf32>
        %parallel_loop3A_1471 = arith.addf %parallel_loop3A_1399, %parallel_loop3A_1470 : vector<16xf32>
        %parallel_loop3A_1472 = arith.index_cast %parallel_loop3A_1385 : i32 to index
        %parallel_loop3A_1473 = arith.constant 736 : index
        %parallel_loop3A_1474 = tpu.vector_load %arg5[%parallel_loop3A_1472, %parallel_loop3A_1473] {strides = array<i32>} : memref<40x1000xf32, #tpu.memory_space<vmem>>, vector<1x16xf32>,
        %parallel_loop3A_1475 = vector.shape_cast %parallel_loop3A_1474 : vector<1x16xf32> to vector<16xf32>
        %parallel_loop3A_1476 = arith.addf %parallel_loop3A_1400, %parallel_loop3A_1475 : vector<16xf32>
        %parallel_loop3A_1477 = arith.index_cast %parallel_loop3A_1385 : i32 to index
        %parallel_loop3A_1478 = arith.constant 752 : index
        %parallel_loop3A_1479 = tpu.vector_load %arg5[%parallel_loop3A_1477, %parallel_loop3A_1478] {strides = array<i32>} : memref<40x1000xf32, #tpu.memory_space<vmem>>, vector<1x16xf32>,
        %parallel_loop3A_1480 = vector.shape_cast %parallel_loop3A_1479 : vector<1x16xf32> to vector<16xf32>
        %parallel_loop3A_1481 = arith.addf %parallel_loop3A_1401, %parallel_loop3A_1480 : vector<16xf32>
        scf.yield %parallel_loop3A_1406, %parallel_loop3A_1411, %parallel_loop3A_1416, %parallel_loop3A_1421, %parallel_loop3A_1426, %parallel_loop3A_1431, %parallel_loop3A_1436, %parallel_loop3A_1441, %parallel_loop3A_1446, %parallel_loop3A_1451, %parallel_loop3A_1456, %parallel_loop3A_1461, %parallel_loop3A_1466, %parallel_loop3A_1471, %parallel_loop3A_1476, %parallel_loop3A_1481 : vector<16xf32>, vector<16xf32>, vector<16xf32>, vector<16xf32>, vector<16xf32>, vector<16xf32>, vector<16xf32>, vector<16xf32>, vector<16xf32>, vector<16xf32>, vector<16xf32>, vector<16xf32>, vector<16xf32>, vector<16xf32>, vector<16xf32>, vector<16xf32>
      } {sc.loop_unroll_factor = 2 : i64, sc.parallel_access}
      %mul3A_1098 = arith.constant 1024 : i32
      %mul3A_1099 = arith.muli %add3A_733, %mul3A_1098 : i32
      %add3A_1100 = arith.constant 512 : i32
      %add3A_1101 = arith.addi %mul3A_1099, %add3A_1100 : i32
      %swap3A_1102 = arith.index_cast %add3A_1101 : i32 to index
      %swap3A_1103 = tpu.vector_load %arg6[%swap3A_1102] {strides = array<i32>} : memref<24576xf32, #tpu.memory_space<vmem>>, vector<16xf32>,
      %swap3A_1104 = vector.shape_cast %swap3A_1103 : vector<16xf32> to vector<16xf32>
      %swap3A_1105 = vector.shape_cast %parallel_loop3A_1097#0 : vector<16xf32> to vector<16xf32>
      tpu.vector_store %arg6[%swap3A_1102], %swap3A_1105 {strides = array<i32>} : memref<24576xf32, #tpu.memory_space<vmem>>, vector<16xf32>,
      %mul3A_1106 = arith.constant 1024 : i32
      %mul3A_1107 = arith.muli %add3A_733, %mul3A_1106 : i32
      %add3A_1108 = arith.constant 528 : i32
      %add3A_1109 = arith.addi %mul3A_1107, %add3A_1108 : i32
      %swap3A_1110 = arith.index_cast %add3A_1109 : i32 to index
      %swap3A_1111 = tpu.vector_load %arg6[%swap3A_1110] {strides = array<i32>} : memref<24576xf32, #tpu.memory_space<vmem>>, vector<16xf32>,
      %swap3A_1112 = vector.shape_cast %swap3A_1111 : vector<16xf32> to vector<16xf32>
      %swap3A_1113 = vector.shape_cast %parallel_loop3A_1097#1 : vector<16xf32> to vector<16xf32>
      tpu.vector_store %arg6[%swap3A_1110], %swap3A_1113 {strides = array<i32>} : memref<24576xf32, #tpu.memory_space<vmem>>, vector<16xf32>,
      %mul3A_1114 = arith.constant 1024 : i32
      %mul3A_1115 = arith.muli %add3A_733, %mul3A_1114 : i32
      %add3A_1116 = arith.constant 544 : i32
      %add3A_1117 = arith.addi %mul3A_1115, %add3A_1116 : i32
      %swap3A_1118 = arith.index_cast %add3A_1117 : i32 to index
      %swap3A_1119 = tpu.vector_load %arg6[%swap3A_1118] {strides = array<i32>} : memref<24576xf32, #tpu.memory_space<vmem>>, vector<16xf32>,
      %swap3A_1120 = vector.shape_cast %swap3A_1119 : vector<16xf32> to vector<16xf32>
      %swap3A_1121 = vector.shape_cast %parallel_loop3A_1097#2 : vector<16xf32> to vector<16xf32>
      tpu.vector_store %arg6[%swap3A_1118], %swap3A_1121 {strides = array<i32>} : memref<24576xf32, #tpu.memory_space<vmem>>, vector<16xf32>,
      %mul3A_1122 = arith.constant 1024 : i32
      %mul3A_1123 = arith.muli %add3A_733, %mul3A_1122 : i32
      %add3A_1124 = arith.constant 560 : i32
      %add3A_1125 = arith.addi %mul3A_1123, %add3A_1124 : i32
      %swap3A_1126 = arith.index_cast %add3A_1125 : i32 to index
      %swap3A_1127 = tpu.vector_load %arg6[%swap3A_1126] {strides = array<i32>} : memref<24576xf32, #tpu.memory_space<vmem>>, vector<16xf32>,
      %swap3A_1128 = vector.shape_cast %swap3A_1127 : vector<16xf32> to vector<16xf32>
      %swap3A_1129 = vector.shape_cast %parallel_loop3A_1097#3 : vector<16xf32> to vector<16xf32>
      tpu.vector_store %arg6[%swap3A_1126], %swap3A_1129 {strides = array<i32>} : memref<24576xf32, #tpu.memory_space<vmem>>, vector<16xf32>,
      %mul3A_1130 = arith.constant 1024 : i32
      %mul3A_1131 = arith.muli %add3A_733, %mul3A_1130 : i32
      %add3A_1132 = arith.constant 576 : i32
      %add3A_1133 = arith.addi %mul3A_1131, %add3A_1132 : i32
      %swap3A_1134 = arith.index_cast %add3A_1133 : i32 to index
      %swap3A_1135 = tpu.vector_load %arg6[%swap3A_1134] {strides = array<i32>} : memref<24576xf32, #tpu.memory_space<vmem>>, vector<16xf32>,
      %swap3A_1136 = vector.shape_cast %swap3A_1135 : vector<16xf32> to vector<16xf32>
      %swap3A_1137 = vector.shape_cast %parallel_loop3A_1097#4 : vector<16xf32> to vector<16xf32>
      tpu.vector_store %arg6[%swap3A_1134], %swap3A_1137 {strides = array<i32>} : memref<24576xf32, #tpu.memory_space<vmem>>, vector<16xf32>,
      %mul3A_1138 = arith.constant 1024 : i32
      %mul3A_1139 = arith.muli %add3A_733, %mul3A_1138 : i32
      %add3A_1140 = arith.constant 592 : i32
      %add3A_1141 = arith.addi %mul3A_1139, %add3A_1140 : i32
      %swap3A_1142 = arith.index_cast %add3A_1141 : i32 to index
      %swap3A_1143 = tpu.vector_load %arg6[%swap3A_1142] {strides = array<i32>} : memref<24576xf32, #tpu.memory_space<vmem>>, vector<16xf32>,
      %swap3A_1144 = vector.shape_cast %swap3A_1143 : vector<16xf32> to vector<16xf32>
      %swap3A_1145 = vector.shape_cast %parallel_loop3A_1097#5 : vector<16xf32> to vector<16xf32>
      tpu.vector_store %arg6[%swap3A_1142], %swap3A_1145 {strides = array<i32>} : memref<24576xf32, #tpu.memory_space<vmem>>, vector<16xf32>,
      %mul3A_1146 = arith.constant 1024 : i32
      %mul3A_1147 = arith.muli %add3A_733, %mul3A_1146 : i32
      %add3A_1148 = arith.constant 608 : i32
      %add3A_1149 = arith.addi %mul3A_1147, %add3A_1148 : i32
      %swap3A_1150 = arith.index_cast %add3A_1149 : i32 to index
      %swap3A_1151 = tpu.vector_load %arg6[%swap3A_1150] {strides = array<i32>} : memref<24576xf32, #tpu.memory_space<vmem>>, vector<16xf32>,
      %swap3A_1152 = vector.shape_cast %swap3A_1151 : vector<16xf32> to vector<16xf32>
      %swap3A_1153 = vector.shape_cast %parallel_loop3A_1097#6 : vector<16xf32> to vector<16xf32>
      tpu.vector_store %arg6[%swap3A_1150], %swap3A_1153 {strides = array<i32>} : memref<24576xf32, #tpu.memory_space<vmem>>, vector<16xf32>,
      %mul3A_1154 = arith.constant 1024 : i32
      %mul3A_1155 = arith.muli %add3A_733, %mul3A_1154 : i32
      %add3A_1156 = arith.constant 624 : i32
      %add3A_1157 = arith.addi %mul3A_1155, %add3A_1156 : i32
      %swap3A_1158 = arith.index_cast %add3A_1157 : i32 to index
      %swap3A_1159 = tpu.vector_load %arg6[%swap3A_1158] {strides = array<i32>} : memref<24576xf32, #tpu.memory_space<vmem>>, vector<16xf32>,
      %swap3A_1160 = vector.shape_cast %swap3A_1159 : vector<16xf32> to vector<16xf32>
      %swap3A_1161 = vector.shape_cast %parallel_loop3A_1097#7 : vector<16xf32> to vector<16xf32>
      tpu.vector_store %arg6[%swap3A_1158], %swap3A_1161 {strides = array<i32>} : memref<24576xf32, #tpu.memory_space<vmem>>, vector<16xf32>,
      %mul3A_1162 = arith.constant 1024 : i32
      %mul3A_1163 = arith.muli %add3A_733, %mul3A_1162 : i32
      %add3A_1164 = arith.constant 640 : i32
      %add3A_1165 = arith.addi %mul3A_1163, %add3A_1164 : i32
      %swap3A_1166 = arith.index_cast %add3A_1165 : i32 to index
      %swap3A_1167 = tpu.vector_load %arg6[%swap3A_1166] {strides = array<i32>} : memref<24576xf32, #tpu.memory_space<vmem>>, vector<16xf32>,
      %swap3A_1168 = vector.shape_cast %swap3A_1167 : vector<16xf32> to vector<16xf32>
      %swap3A_1169 = vector.shape_cast %parallel_loop3A_1097#8 : vector<16xf32> to vector<16xf32>
      tpu.vector_store %arg6[%swap3A_1166], %swap3A_1169 {strides = array<i32>} : memref<24576xf32, #tpu.memory_space<vmem>>, vector<16xf32>,
      %mul3A_1170 = arith.constant 1024 : i32
      %mul3A_1171 = arith.muli %add3A_733, %mul3A_1170 : i32
      %add3A_1172 = arith.constant 656 : i32
      %add3A_1173 = arith.addi %mul3A_1171, %add3A_1172 : i32
      %swap3A_1174 = arith.index_cast %add3A_1173 : i32 to index
      %swap3A_1175 = tpu.vector_load %arg6[%swap3A_1174] {strides = array<i32>} : memref<24576xf32, #tpu.memory_space<vmem>>, vector<16xf32>,
      %swap3A_1176 = vector.shape_cast %swap3A_1175 : vector<16xf32> to vector<16xf32>
      %swap3A_1177 = vector.shape_cast %parallel_loop3A_1097#9 : vector<16xf32> to vector<16xf32>
      tpu.vector_store %arg6[%swap3A_1174], %swap3A_1177 {strides = array<i32>} : memref<24576xf32, #tpu.memory_space<vmem>>, vector<16xf32>,
      %mul3A_1178 = arith.constant 1024 : i32
      %mul3A_1179 = arith.muli %add3A_733, %mul3A_1178 : i32
      %add3A_1180 = arith.constant 672 : i32
      %add3A_1181 = arith.addi %mul3A_1179, %add3A_1180 : i32
      %swap3A_1182 = arith.index_cast %add3A_1181 : i32 to index
      %swap3A_1183 = tpu.vector_load %arg6[%swap3A_1182] {strides = array<i32>} : memref<24576xf32, #tpu.memory_space<vmem>>, vector<16xf32>,
      %swap3A_1184 = vector.shape_cast %swap3A_1183 : vector<16xf32> to vector<16xf32>
      %swap3A_1185 = vector.shape_cast %parallel_loop3A_1097#10 : vector<16xf32> to vector<16xf32>
      tpu.vector_store %arg6[%swap3A_1182], %swap3A_1185 {strides = array<i32>} : memref<24576xf32, #tpu.memory_space<vmem>>, vector<16xf32>,
      %mul3A_1186 = arith.constant 1024 : i32
      %mul3A_1187 = arith.muli %add3A_733, %mul3A_1186 : i32
      %add3A_1188 = arith.constant 688 : i32
      %add3A_1189 = arith.addi %mul3A_1187, %add3A_1188 : i32
      %swap3A_1190 = arith.index_cast %add3A_1189 : i32 to index
      %swap3A_1191 = tpu.vector_load %arg6[%swap3A_1190] {strides = array<i32>} : memref<24576xf32, #tpu.memory_space<vmem>>, vector<16xf32>,
      %swap3A_1192 = vector.shape_cast %swap3A_1191 : vector<16xf32> to vector<16xf32>
      %swap3A_1193 = vector.shape_cast %parallel_loop3A_1097#11 : vector<16xf32> to vector<16xf32>
      tpu.vector_store %arg6[%swap3A_1190], %swap3A_1193 {strides = array<i32>} : memref<24576xf32, #tpu.memory_space<vmem>>, vector<16xf32>,
      %mul3A_1194 = arith.constant 1024 : i32
      %mul3A_1195 = arith.muli %add3A_733, %mul3A_1194 : i32
      %add3A_1196 = arith.constant 704 : i32
      %add3A_1197 = arith.addi %mul3A_1195, %add3A_1196 : i32
      %swap3A_1198 = arith.index_cast %add3A_1197 : i32 to index
      %swap3A_1199 = tpu.vector_load %arg6[%swap3A_1198] {strides = array<i32>} : memref<24576xf32, #tpu.memory_space<vmem>>, vector<16xf32>,
      %swap3A_1200 = vector.shape_cast %swap3A_1199 : vector<16xf32> to vector<16xf32>
      %swap3A_1201 = vector.shape_cast %parallel_loop3A_1097#12 : vector<16xf32> to vector<16xf32>
      tpu.vector_store %arg6[%swap3A_1198], %swap3A_1201 {strides = array<i32>} : memref<24576xf32, #tpu.memory_space<vmem>>, vector<16xf32>,
      %mul3A_1202 = arith.constant 1024 : i32
      %mul3A_1203 = arith.muli %add3A_733, %mul3A_1202 : i32
      %add3A_1204 = arith.constant 720 : i32
      %add3A_1205 = arith.addi %mul3A_1203, %add3A_1204 : i32
      %swap3A_1206 = arith.index_cast %add3A_1205 : i32 to index
      %swap3A_1207 = tpu.vector_load %arg6[%swap3A_1206] {strides = array<i32>} : memref<24576xf32, #tpu.memory_space<vmem>>, vector<16xf32>,
      %swap3A_1208 = vector.shape_cast %swap3A_1207 : vector<16xf32> to vector<16xf32>
      %swap3A_1209 = vector.shape_cast %parallel_loop3A_1097#13 : vector<16xf32> to vector<16xf32>
      tpu.vector_store %arg6[%swap3A_1206], %swap3A_1209 {strides = array<i32>} : memref<24576xf32, #tpu.memory_space<vmem>>, vector<16xf32>,
      %mul3A_1210 = arith.constant 1024 : i32
      %mul3A_1211 = arith.muli %add3A_733, %mul3A_1210 : i32
      %add3A_1212 = arith.constant 736 : i32
      %add3A_1213 = arith.addi %mul3A_1211, %add3A_1212 : i32
      %swap3A_1214 = arith.index_cast %add3A_1213 : i32 to index
      %swap3A_1215 = tpu.vector_load %arg6[%swap3A_1214] {strides = array<i32>} : memref<24576xf32, #tpu.memory_space<vmem>>, vector<16xf32>,
      %swap3A_1216 = vector.shape_cast %swap3A_1215 : vector<16xf32> to vector<16xf32>
      %swap3A_1217 = vector.shape_cast %parallel_loop3A_1097#14 : vector<16xf32> to vector<16xf32>
      tpu.vector_store %arg6[%swap3A_1214], %swap3A_1217 {strides = array<i32>} : memref<24576xf32, #tpu.memory_space<vmem>>, vector<16xf32>,
      %mul3A_1218 = arith.constant 1024 : i32
      %mul3A_1219 = arith.muli %add3A_733, %mul3A_1218 : i32
      %add3A_1220 = arith.constant 752 : i32
      %add3A_1221 = arith.addi %mul3A_1219, %add3A_1220 : i32
      %swap3A_1222 = arith.index_cast %add3A_1221 : i32 to index
      %swap3A_1223 = tpu.vector_load %arg6[%swap3A_1222] {strides = array<i32>} : memref<24576xf32, #tpu.memory_space<vmem>>, vector<16xf32>,
      %swap3A_1224 = vector.shape_cast %swap3A_1223 : vector<16xf32> to vector<16xf32>
      %swap3A_1225 = vector.shape_cast %parallel_loop3A_1097#15 : vector<16xf32> to vector<16xf32>
      tpu.vector_store %arg6[%swap3A_1222], %swap3A_1225 {strides = array<i32>} : memref<24576xf32, #tpu.memory_space<vmem>>, vector<16xf32>,
      %broadcast_in_dim3A_1226 = arith.constant 0.000000e+00 : f32
      %broadcast_in_dim3A_1227 = vector.broadcast %broadcast_in_dim3A_1226 : f32 to vector<16xf32>
      %broadcast_in_dim3A_1228 = arith.constant 0.000000e+00 : f32
      %broadcast_in_dim3A_1229 = vector.broadcast %broadcast_in_dim3A_1228 : f32 to vector<16xf32>
      %broadcast_in_dim3A_1230 = arith.constant 0.000000e+00 : f32
      %broadcast_in_dim3A_1231 = vector.broadcast %broadcast_in_dim3A_1230 : f32 to vector<16xf32>
      %broadcast_in_dim3A_1232 = arith.constant 0.000000e+00 : f32
      %broadcast_in_dim3A_1233 = vector.broadcast %broadcast_in_dim3A_1232 : f32 to vector<16xf32>
      %broadcast_in_dim3A_1234 = arith.constant 0.000000e+00 : f32
      %broadcast_in_dim3A_1235 = vector.broadcast %broadcast_in_dim3A_1234 : f32 to vector<16xf32>
      %broadcast_in_dim3A_1236 = arith.constant 0.000000e+00 : f32
      %broadcast_in_dim3A_1237 = vector.broadcast %broadcast_in_dim3A_1236 : f32 to vector<16xf32>
      %broadcast_in_dim3A_1238 = arith.constant 0.000000e+00 : f32
      %broadcast_in_dim3A_1239 = vector.broadcast %broadcast_in_dim3A_1238 : f32 to vector<16xf32>
      %broadcast_in_dim3A_1240 = arith.constant 0.000000e+00 : f32
      %broadcast_in_dim3A_1241 = vector.broadcast %broadcast_in_dim3A_1240 : f32 to vector<16xf32>
      %broadcast_in_dim3A_1242 = arith.constant 0.000000e+00 : f32
      %broadcast_in_dim3A_1243 = vector.broadcast %broadcast_in_dim3A_1242 : f32 to vector<16xf32>
      %broadcast_in_dim3A_1244 = arith.constant 0.000000e+00 : f32
      %broadcast_in_dim3A_1245 = vector.broadcast %broadcast_in_dim3A_1244 : f32 to vector<16xf32>
      %broadcast_in_dim3A_1246 = arith.constant 0.000000e+00 : f32
      %broadcast_in_dim3A_1247 = vector.broadcast %broadcast_in_dim3A_1246 : f32 to vector<16xf32>
      %broadcast_in_dim3A_1248 = arith.constant 0.000000e+00 : f32
      %broadcast_in_dim3A_1249 = vector.broadcast %broadcast_in_dim3A_1248 : f32 to vector<16xf32>
      %broadcast_in_dim3A_1250 = arith.constant 0.000000e+00 : f32
      %broadcast_in_dim3A_1251 = vector.broadcast %broadcast_in_dim3A_1250 : f32 to vector<16xf32>
      %broadcast_in_dim3A_1252 = arith.constant 0.000000e+00 : f32
      %broadcast_in_dim3A_1253 = vector.broadcast %broadcast_in_dim3A_1252 : f32 to vector<16xf32>
      %broadcast_in_dim3A_1254 = arith.constant 0.000000e+00 : f32
      %broadcast_in_dim3A_1255 = vector.broadcast %broadcast_in_dim3A_1254 : f32 to vector<16xf32>
      %parallel_loop3A_1256 = arith.constant 0 : i32
      %parallel_loop3A_1257 = arith.constant 40 : i32
      %parallel_loop3A_1258 = arith.constant 1 : i32
      %parallel_loop3A_1259:15 = scf.for %parallel_loop3A_1385 = %parallel_loop3A_1256 to %parallel_loop3A_1257 step %parallel_loop3A_1258 iter_args(%parallel_loop3A_1386 = %broadcast_in_dim3A_1227, %parallel_loop3A_1387 = %broadcast_in_dim3A_1229, %parallel_loop3A_1388 = %broadcast_in_dim3A_1231, %parallel_loop3A_1389 = %broadcast_in_dim3A_1233, %parallel_loop3A_1390 = %broadcast_in_dim3A_1235, %parallel_loop3A_1391 = %broadcast_in_dim3A_1237, %parallel_loop3A_1392 = %broadcast_in_dim3A_1239, %parallel_loop3A_1393 = %broadcast_in_dim3A_1241, %parallel_loop3A_1394 = %broadcast_in_dim3A_1243, %parallel_loop3A_1395 = %broadcast_in_dim3A_1245, %parallel_loop3A_1396 = %broadcast_in_dim3A_1247, %parallel_loop3A_1397 = %broadcast_in_dim3A_1249, %parallel_loop3A_1398 = %broadcast_in_dim3A_1251, %parallel_loop3A_1399 = %broadcast_in_dim3A_1253, %parallel_loop3A_1400 = %broadcast_in_dim3A_1255) -> (vector<16xf32>, vector<16xf32>, vector<16xf32>, vector<16xf32>, vector<16xf32>, vector<16xf32>, vector<16xf32>, vector<16xf32>, vector<16xf32>, vector<16xf32>, vector<16xf32>, vector<16xf32>, vector<16xf32>, vector<16xf32>, vector<16xf32>)  : i32 {
        %parallel_loop3A_1401 = arith.index_cast %parallel_loop3A_1385 : i32 to index
        %parallel_loop3A_1402 = arith.constant 768 : index
        %parallel_loop3A_1403 = tpu.vector_load %arg5[%parallel_loop3A_1401, %parallel_loop3A_1402] {strides = array<i32>} : memref<40x1000xf32, #tpu.memory_space<vmem>>, vector<1x16xf32>,
        %parallel_loop3A_1404 = vector.shape_cast %parallel_loop3A_1403 : vector<1x16xf32> to vector<16xf32>
        %parallel_loop3A_1405 = arith.addf %parallel_loop3A_1386, %parallel_loop3A_1404 : vector<16xf32>
        %parallel_loop3A_1406 = arith.index_cast %parallel_loop3A_1385 : i32 to index
        %parallel_loop3A_1407 = arith.constant 784 : index
        %parallel_loop3A_1408 = tpu.vector_load %arg5[%parallel_loop3A_1406, %parallel_loop3A_1407] {strides = array<i32>} : memref<40x1000xf32, #tpu.memory_space<vmem>>, vector<1x16xf32>,
        %parallel_loop3A_1409 = vector.shape_cast %parallel_loop3A_1408 : vector<1x16xf32> to vector<16xf32>
        %parallel_loop3A_1410 = arith.addf %parallel_loop3A_1387, %parallel_loop3A_1409 : vector<16xf32>
        %parallel_loop3A_1411 = arith.index_cast %parallel_loop3A_1385 : i32 to index
        %parallel_loop3A_1412 = arith.constant 800 : index
        %parallel_loop3A_1413 = tpu.vector_load %arg5[%parallel_loop3A_1411, %parallel_loop3A_1412] {strides = array<i32>} : memref<40x1000xf32, #tpu.memory_space<vmem>>, vector<1x16xf32>,
        %parallel_loop3A_1414 = vector.shape_cast %parallel_loop3A_1413 : vector<1x16xf32> to vector<16xf32>
        %parallel_loop3A_1415 = arith.addf %parallel_loop3A_1388, %parallel_loop3A_1414 : vector<16xf32>
        %parallel_loop3A_1416 = arith.index_cast %parallel_loop3A_1385 : i32 to index
        %parallel_loop3A_1417 = arith.constant 816 : index
        %parallel_loop3A_1418 = tpu.vector_load %arg5[%parallel_loop3A_1416, %parallel_loop3A_1417] {strides = array<i32>} : memref<40x1000xf32, #tpu.memory_space<vmem>>, vector<1x16xf32>,
        %parallel_loop3A_1419 = vector.shape_cast %parallel_loop3A_1418 : vector<1x16xf32> to vector<16xf32>
        %parallel_loop3A_1420 = arith.addf %parallel_loop3A_1389, %parallel_loop3A_1419 : vector<16xf32>
        %parallel_loop3A_1421 = arith.index_cast %parallel_loop3A_1385 : i32 to index
        %parallel_loop3A_1422 = arith.constant 832 : index
        %parallel_loop3A_1423 = tpu.vector_load %arg5[%parallel_loop3A_1421, %parallel_loop3A_1422] {strides = array<i32>} : memref<40x1000xf32, #tpu.memory_space<vmem>>, vector<1x16xf32>,
        %parallel_loop3A_1424 = vector.shape_cast %parallel_loop3A_1423 : vector<1x16xf32> to vector<16xf32>
        %parallel_loop3A_1425 = arith.addf %parallel_loop3A_1390, %parallel_loop3A_1424 : vector<16xf32>
        %parallel_loop3A_1426 = arith.index_cast %parallel_loop3A_1385 : i32 to index
        %parallel_loop3A_1427 = arith.constant 848 : index
        %parallel_loop3A_1428 = tpu.vector_load %arg5[%parallel_loop3A_1426, %parallel_loop3A_1427] {strides = array<i32>} : memref<40x1000xf32, #tpu.memory_space<vmem>>, vector<1x16xf32>,
        %parallel_loop3A_1429 = vector.shape_cast %parallel_loop3A_1428 : vector<1x16xf32> to vector<16xf32>
        %parallel_loop3A_1430 = arith.addf %parallel_loop3A_1391, %parallel_loop3A_1429 : vector<16xf32>
        %parallel_loop3A_1431 = arith.index_cast %parallel_loop3A_1385 : i32 to index
        %parallel_loop3A_1432 = arith.constant 864 : index
        %parallel_loop3A_1433 = tpu.vector_load %arg5[%parallel_loop3A_1431, %parallel_loop3A_1432] {strides = array<i32>} : memref<40x1000xf32, #tpu.memory_space<vmem>>, vector<1x16xf32>,
        %parallel_loop3A_1434 = vector.shape_cast %parallel_loop3A_1433 : vector<1x16xf32> to vector<16xf32>
        %parallel_loop3A_1435 = arith.addf %parallel_loop3A_1392, %parallel_loop3A_1434 : vector<16xf32>
        %parallel_loop3A_1436 = arith.index_cast %parallel_loop3A_1385 : i32 to index
        %parallel_loop3A_1437 = arith.constant 880 : index
        %parallel_loop3A_1438 = tpu.vector_load %arg5[%parallel_loop3A_1436, %parallel_loop3A_1437] {strides = array<i32>} : memref<40x1000xf32, #tpu.memory_space<vmem>>, vector<1x16xf32>,
        %parallel_loop3A_1439 = vector.shape_cast %parallel_loop3A_1438 : vector<1x16xf32> to vector<16xf32>
        %parallel_loop3A_1440 = arith.addf %parallel_loop3A_1393, %parallel_loop3A_1439 : vector<16xf32>
        %parallel_loop3A_1441 = arith.index_cast %parallel_loop3A_1385 : i32 to index
        %parallel_loop3A_1442 = arith.constant 896 : index
        %parallel_loop3A_1443 = tpu.vector_load %arg5[%parallel_loop3A_1441, %parallel_loop3A_1442] {strides = array<i32>} : memref<40x1000xf32, #tpu.memory_space<vmem>>, vector<1x16xf32>,
        %parallel_loop3A_1444 = vector.shape_cast %parallel_loop3A_1443 : vector<1x16xf32> to vector<16xf32>
        %parallel_loop3A_1445 = arith.addf %parallel_loop3A_1394, %parallel_loop3A_1444 : vector<16xf32>
        %parallel_loop3A_1446 = arith.index_cast %parallel_loop3A_1385 : i32 to index
        %parallel_loop3A_1447 = arith.constant 912 : index
        %parallel_loop3A_1448 = tpu.vector_load %arg5[%parallel_loop3A_1446, %parallel_loop3A_1447] {strides = array<i32>} : memref<40x1000xf32, #tpu.memory_space<vmem>>, vector<1x16xf32>,
        %parallel_loop3A_1449 = vector.shape_cast %parallel_loop3A_1448 : vector<1x16xf32> to vector<16xf32>
        %parallel_loop3A_1450 = arith.addf %parallel_loop3A_1395, %parallel_loop3A_1449 : vector<16xf32>
        %parallel_loop3A_1451 = arith.index_cast %parallel_loop3A_1385 : i32 to index
        %parallel_loop3A_1452 = arith.constant 928 : index
        %parallel_loop3A_1453 = tpu.vector_load %arg5[%parallel_loop3A_1451, %parallel_loop3A_1452] {strides = array<i32>} : memref<40x1000xf32, #tpu.memory_space<vmem>>, vector<1x16xf32>,
        %parallel_loop3A_1454 = vector.shape_cast %parallel_loop3A_1453 : vector<1x16xf32> to vector<16xf32>
        %parallel_loop3A_1455 = arith.addf %parallel_loop3A_1396, %parallel_loop3A_1454 : vector<16xf32>
        %parallel_loop3A_1456 = arith.index_cast %parallel_loop3A_1385 : i32 to index
        %parallel_loop3A_1457 = arith.constant 944 : index
        %parallel_loop3A_1458 = tpu.vector_load %arg5[%parallel_loop3A_1456, %parallel_loop3A_1457] {strides = array<i32>} : memref<40x1000xf32, #tpu.memory_space<vmem>>, vector<1x16xf32>,
        %parallel_loop3A_1459 = vector.shape_cast %parallel_loop3A_1458 : vector<1x16xf32> to vector<16xf32>
        %parallel_loop3A_1460 = arith.addf %parallel_loop3A_1397, %parallel_loop3A_1459 : vector<16xf32>
        %parallel_loop3A_1461 = arith.index_cast %parallel_loop3A_1385 : i32 to index
        %parallel_loop3A_1462 = arith.constant 960 : index
        %parallel_loop3A_1463 = tpu.vector_load %arg5[%parallel_loop3A_1461, %parallel_loop3A_1462] {strides = array<i32>} : memref<40x1000xf32, #tpu.memory_space<vmem>>, vector<1x16xf32>,
        %parallel_loop3A_1464 = vector.shape_cast %parallel_loop3A_1463 : vector<1x16xf32> to vector<16xf32>
        %parallel_loop3A_1465 = arith.addf %parallel_loop3A_1398, %parallel_loop3A_1464 : vector<16xf32>
        %parallel_loop3A_1466 = arith.index_cast %parallel_loop3A_1385 : i32 to index
        %parallel_loop3A_1467 = arith.constant 976 : index
        %parallel_loop3A_1468 = tpu.vector_load %arg5[%parallel_loop3A_1466, %parallel_loop3A_1467] {strides = array<i32>} : memref<40x1000xf32, #tpu.memory_space<vmem>>, vector<1x16xf32>,
        %parallel_loop3A_1469 = vector.shape_cast %parallel_loop3A_1468 : vector<1x16xf32> to vector<16xf32>
        %parallel_loop3A_1470 = arith.addf %parallel_loop3A_1399, %parallel_loop3A_1469 : vector<16xf32>
        %parallel_loop3A_1471 = arith.index_cast %parallel_loop3A_1385 : i32 to index
        %parallel_loop3A_1472 = arith.constant 984 : index
        %parallel_loop3A_1473 = tpu.vector_load %arg5[%parallel_loop3A_1471, %parallel_loop3A_1472] {strides = array<i32>} : memref<40x1000xf32, #tpu.memory_space<vmem>>, vector<1x16xf32>,
        %parallel_loop3A_1474 = vector.shape_cast %parallel_loop3A_1473 : vector<1x16xf32> to vector<16xf32>
        %parallel_loop3A_1475 = arith.addf %parallel_loop3A_1400, %parallel_loop3A_1474 : vector<16xf32>
        scf.yield %parallel_loop3A_1405, %parallel_loop3A_1410, %parallel_loop3A_1415, %parallel_loop3A_1420, %parallel_loop3A_1425, %parallel_loop3A_1430, %parallel_loop3A_1435, %parallel_loop3A_1440, %parallel_loop3A_1445, %parallel_loop3A_1450, %parallel_loop3A_1455, %parallel_loop3A_1460, %parallel_loop3A_1465, %parallel_loop3A_1470, %parallel_loop3A_1475 : vector<16xf32>, vector<16xf32>, vector<16xf32>, vector<16xf32>, vector<16xf32>, vector<16xf32>, vector<16xf32>, vector<16xf32>, vector<16xf32>, vector<16xf32>, vector<16xf32>, vector<16xf32>, vector<16xf32>, vector<16xf32>, vector<16xf32>
      } {sc.loop_unroll_factor = 2 : i64, sc.parallel_access}
      %mul3A_1260 = arith.constant 1024 : i32
      %mul3A_1261 = arith.muli %add3A_733, %mul3A_1260 : i32
      %add3A_1262 = arith.constant 768 : i32
      %add3A_1263 = arith.addi %mul3A_1261, %add3A_1262 : i32
      %swap3A_1264 = arith.index_cast %add3A_1263 : i32 to index
      %swap3A_1265 = tpu.vector_load %arg6[%swap3A_1264] {strides = array<i32>} : memref<24576xf32, #tpu.memory_space<vmem>>, vector<16xf32>,
      %swap3A_1266 = vector.shape_cast %swap3A_1265 : vector<16xf32> to vector<16xf32>
      %swap3A_1267 = vector.shape_cast %parallel_loop3A_1259#0 : vector<16xf32> to vector<16xf32>
      tpu.vector_store %arg6[%swap3A_1264], %swap3A_1267 {strides = array<i32>} : memref<24576xf32, #tpu.memory_space<vmem>>, vector<16xf32>,
      %mul3A_1268 = arith.constant 1024 : i32
      %mul3A_1269 = arith.muli %add3A_733, %mul3A_1268 : i32
      %add3A_1270 = arith.constant 784 : i32
      %add3A_1271 = arith.addi %mul3A_1269, %add3A_1270 : i32
      %swap3A_1272 = arith.index_cast %add3A_1271 : i32 to index
      %swap3A_1273 = tpu.vector_load %arg6[%swap3A_1272] {strides = array<i32>} : memref<24576xf32, #tpu.memory_space<vmem>>, vector<16xf32>,
      %swap3A_1274 = vector.shape_cast %swap3A_1273 : vector<16xf32> to vector<16xf32>
      %swap3A_1275 = vector.shape_cast %parallel_loop3A_1259#1 : vector<16xf32> to vector<16xf32>
      tpu.vector_store %arg6[%swap3A_1272], %swap3A_1275 {strides = array<i32>} : memref<24576xf32, #tpu.memory_space<vmem>>, vector<16xf32>,
      %mul3A_1276 = arith.constant 1024 : i32
      %mul3A_1277 = arith.muli %add3A_733, %mul3A_1276 : i32
      %add3A_1278 = arith.constant 800 : i32
      %add3A_1279 = arith.addi %mul3A_1277, %add3A_1278 : i32
      %swap3A_1280 = arith.index_cast %add3A_1279 : i32 to index
      %swap3A_1281 = tpu.vector_load %arg6[%swap3A_1280] {strides = array<i32>} : memref<24576xf32, #tpu.memory_space<vmem>>, vector<16xf32>,
      %swap3A_1282 = vector.shape_cast %swap3A_1281 : vector<16xf32> to vector<16xf32>
      %swap3A_1283 = vector.shape_cast %parallel_loop3A_1259#2 : vector<16xf32> to vector<16xf32>
      tpu.vector_store %arg6[%swap3A_1280], %swap3A_1283 {strides = array<i32>} : memref<24576xf32, #tpu.memory_space<vmem>>, vector<16xf32>,
      %mul3A_1284 = arith.constant 1024 : i32
      %mul3A_1285 = arith.muli %add3A_733, %mul3A_1284 : i32
      %add3A_1286 = arith.constant 816 : i32
      %add3A_1287 = arith.addi %mul3A_1285, %add3A_1286 : i32
      %swap3A_1288 = arith.index_cast %add3A_1287 : i32 to index
      %swap3A_1289 = tpu.vector_load %arg6[%swap3A_1288] {strides = array<i32>} : memref<24576xf32, #tpu.memory_space<vmem>>, vector<16xf32>,
      %swap3A_1290 = vector.shape_cast %swap3A_1289 : vector<16xf32> to vector<16xf32>
      %swap3A_1291 = vector.shape_cast %parallel_loop3A_1259#3 : vector<16xf32> to vector<16xf32>
      tpu.vector_store %arg6[%swap3A_1288], %swap3A_1291 {strides = array<i32>} : memref<24576xf32, #tpu.memory_space<vmem>>, vector<16xf32>,
      %mul3A_1292 = arith.constant 1024 : i32
      %mul3A_1293 = arith.muli %add3A_733, %mul3A_1292 : i32
      %add3A_1294 = arith.constant 832 : i32
      %add3A_1295 = arith.addi %mul3A_1293, %add3A_1294 : i32
      %swap3A_1296 = arith.index_cast %add3A_1295 : i32 to index
      %swap3A_1297 = tpu.vector_load %arg6[%swap3A_1296] {strides = array<i32>} : memref<24576xf32, #tpu.memory_space<vmem>>, vector<16xf32>,
      %swap3A_1298 = vector.shape_cast %swap3A_1297 : vector<16xf32> to vector<16xf32>
      %swap3A_1299 = vector.shape_cast %parallel_loop3A_1259#4 : vector<16xf32> to vector<16xf32>
      tpu.vector_store %arg6[%swap3A_1296], %swap3A_1299 {strides = array<i32>} : memref<24576xf32, #tpu.memory_space<vmem>>, vector<16xf32>,
      %mul3A_1300 = arith.constant 1024 : i32
      %mul3A_1301 = arith.muli %add3A_733, %mul3A_1300 : i32
      %add3A_1302 = arith.constant 848 : i32
      %add3A_1303 = arith.addi %mul3A_1301, %add3A_1302 : i32
      %swap3A_1304 = arith.index_cast %add3A_1303 : i32 to index
      %swap3A_1305 = tpu.vector_load %arg6[%swap3A_1304] {strides = array<i32>} : memref<24576xf32, #tpu.memory_space<vmem>>, vector<16xf32>,
      %swap3A_1306 = vector.shape_cast %swap3A_1305 : vector<16xf32> to vector<16xf32>
      %swap3A_1307 = vector.shape_cast %parallel_loop3A_1259#5 : vector<16xf32> to vector<16xf32>
      tpu.vector_store %arg6[%swap3A_1304], %swap3A_1307 {strides = array<i32>} : memref<24576xf32, #tpu.memory_space<vmem>>, vector<16xf32>,
      %mul3A_1308 = arith.constant 1024 : i32
      %mul3A_1309 = arith.muli %add3A_733, %mul3A_1308 : i32
      %add3A_1310 = arith.constant 864 : i32
      %add3A_1311 = arith.addi %mul3A_1309, %add3A_1310 : i32
      %swap3A_1312 = arith.index_cast %add3A_1311 : i32 to index
      %swap3A_1313 = tpu.vector_load %arg6[%swap3A_1312] {strides = array<i32>} : memref<24576xf32, #tpu.memory_space<vmem>>, vector<16xf32>,
      %swap3A_1314 = vector.shape_cast %swap3A_1313 : vector<16xf32> to vector<16xf32>
      %swap3A_1315 = vector.shape_cast %parallel_loop3A_1259#6 : vector<16xf32> to vector<16xf32>
      tpu.vector_store %arg6[%swap3A_1312], %swap3A_1315 {strides = array<i32>} : memref<24576xf32, #tpu.memory_space<vmem>>, vector<16xf32>,
      %mul3A_1316 = arith.constant 1024 : i32
      %mul3A_1317 = arith.muli %add3A_733, %mul3A_1316 : i32
      %add3A_1318 = arith.constant 880 : i32
      %add3A_1319 = arith.addi %mul3A_1317, %add3A_1318 : i32
      %swap3A_1320 = arith.index_cast %add3A_1319 : i32 to index
      %swap3A_1321 = tpu.vector_load %arg6[%swap3A_1320] {strides = array<i32>} : memref<24576xf32, #tpu.memory_space<vmem>>, vector<16xf32>,
      %swap3A_1322 = vector.shape_cast %swap3A_1321 : vector<16xf32> to vector<16xf32>
      %swap3A_1323 = vector.shape_cast %parallel_loop3A_1259#7 : vector<16xf32> to vector<16xf32>
      tpu.vector_store %arg6[%swap3A_1320], %swap3A_1323 {strides = array<i32>} : memref<24576xf32, #tpu.memory_space<vmem>>, vector<16xf32>,
      %mul3A_1324 = arith.constant 1024 : i32
      %mul3A_1325 = arith.muli %add3A_733, %mul3A_1324 : i32
      %add3A_1326 = arith.constant 896 : i32
      %add3A_1327 = arith.addi %mul3A_1325, %add3A_1326 : i32
      %swap3A_1328 = arith.index_cast %add3A_1327 : i32 to index
      %swap3A_1329 = tpu.vector_load %arg6[%swap3A_1328] {strides = array<i32>} : memref<24576xf32, #tpu.memory_space<vmem>>, vector<16xf32>,
      %swap3A_1330 = vector.shape_cast %swap3A_1329 : vector<16xf32> to vector<16xf32>
      %swap3A_1331 = vector.shape_cast %parallel_loop3A_1259#8 : vector<16xf32> to vector<16xf32>
      tpu.vector_store %arg6[%swap3A_1328], %swap3A_1331 {strides = array<i32>} : memref<24576xf32, #tpu.memory_space<vmem>>, vector<16xf32>,
      %mul3A_1332 = arith.constant 1024 : i32
      %mul3A_1333 = arith.muli %add3A_733, %mul3A_1332 : i32
      %add3A_1334 = arith.constant 912 : i32
      %add3A_1335 = arith.addi %mul3A_1333, %add3A_1334 : i32
      %swap3A_1336 = arith.index_cast %add3A_1335 : i32 to index
      %swap3A_1337 = tpu.vector_load %arg6[%swap3A_1336] {strides = array<i32>} : memref<24576xf32, #tpu.memory_space<vmem>>, vector<16xf32>,
      %swap3A_1338 = vector.shape_cast %swap3A_1337 : vector<16xf32> to vector<16xf32>
      %swap3A_1339 = vector.shape_cast %parallel_loop3A_1259#9 : vector<16xf32> to vector<16xf32>
      tpu.vector_store %arg6[%swap3A_1336], %swap3A_1339 {strides = array<i32>} : memref<24576xf32, #tpu.memory_space<vmem>>, vector<16xf32>,
      %mul3A_1340 = arith.constant 1024 : i32
      %mul3A_1341 = arith.muli %add3A_733, %mul3A_1340 : i32
      %add3A_1342 = arith.constant 928 : i32
      %add3A_1343 = arith.addi %mul3A_1341, %add3A_1342 : i32
      %swap3A_1344 = arith.index_cast %add3A_1343 : i32 to index
      %swap3A_1345 = tpu.vector_load %arg6[%swap3A_1344] {strides = array<i32>} : memref<24576xf32, #tpu.memory_space<vmem>>, vector<16xf32>,
      %swap3A_1346 = vector.shape_cast %swap3A_1345 : vector<16xf32> to vector<16xf32>
      %swap3A_1347 = vector.shape_cast %parallel_loop3A_1259#10 : vector<16xf32> to vector<16xf32>
      tpu.vector_store %arg6[%swap3A_1344], %swap3A_1347 {strides = array<i32>} : memref<24576xf32, #tpu.memory_space<vmem>>, vector<16xf32>,
      %mul3A_1348 = arith.constant 1024 : i32
      %mul3A_1349 = arith.muli %add3A_733, %mul3A_1348 : i32
      %add3A_1350 = arith.constant 944 : i32
      %add3A_1351 = arith.addi %mul3A_1349, %add3A_1350 : i32
      %swap3A_1352 = arith.index_cast %add3A_1351 : i32 to index
      %swap3A_1353 = tpu.vector_load %arg6[%swap3A_1352] {strides = array<i32>} : memref<24576xf32, #tpu.memory_space<vmem>>, vector<16xf32>,
      %swap3A_1354 = vector.shape_cast %swap3A_1353 : vector<16xf32> to vector<16xf32>
      %swap3A_1355 = vector.shape_cast %parallel_loop3A_1259#11 : vector<16xf32> to vector<16xf32>
      tpu.vector_store %arg6[%swap3A_1352], %swap3A_1355 {strides = array<i32>} : memref<24576xf32, #tpu.memory_space<vmem>>, vector<16xf32>,
      %mul3A_1356 = arith.constant 1024 : i32
      %mul3A_1357 = arith.muli %add3A_733, %mul3A_1356 : i32
      %add3A_1358 = arith.constant 960 : i32
      %add3A_1359 = arith.addi %mul3A_1357, %add3A_1358 : i32
      %swap3A_1360 = arith.index_cast %add3A_1359 : i32 to index
      %swap3A_1361 = tpu.vector_load %arg6[%swap3A_1360] {strides = array<i32>} : memref<24576xf32, #tpu.memory_space<vmem>>, vector<16xf32>,
      %swap3A_1362 = vector.shape_cast %swap3A_1361 : vector<16xf32> to vector<16xf32>
      %swap3A_1363 = vector.shape_cast %parallel_loop3A_1259#12 : vector<16xf32> to vector<16xf32>
      tpu.vector_store %arg6[%swap3A_1360], %swap3A_1363 {strides = array<i32>} : memref<24576xf32, #tpu.memory_space<vmem>>, vector<16xf32>,
      %mul3A_1364 = arith.constant 1024 : i32
      %mul3A_1365 = arith.muli %add3A_733, %mul3A_1364 : i32
      %add3A_1366 = arith.constant 976 : i32
      %add3A_1367 = arith.addi %mul3A_1365, %add3A_1366 : i32
      %swap3A_1368 = arith.index_cast %add3A_1367 : i32 to index
      %swap3A_1369 = tpu.vector_load %arg6[%swap3A_1368] {strides = array<i32>} : memref<24576xf32, #tpu.memory_space<vmem>>, vector<16xf32>,
      %swap3A_1370 = vector.shape_cast %swap3A_1369 : vector<16xf32> to vector<16xf32>
      %swap3A_1371 = vector.shape_cast %parallel_loop3A_1259#13 : vector<16xf32> to vector<16xf32>
      tpu.vector_store %arg6[%swap3A_1368], %swap3A_1371 {strides = array<i32>} : memref<24576xf32, #tpu.memory_space<vmem>>, vector<16xf32>,
      %mul3A_1372 = arith.constant 1024 : i32
      %mul3A_1373 = arith.muli %add3A_733, %mul3A_1372 : i32
      %add3A_1374 = arith.constant 984 : i32
      %add3A_1375 = arith.addi %mul3A_1373, %add3A_1374 : i32
      %swap3A_1376 = arith.index_cast %add3A_1375 : i32 to index
      %swap3A_1377 = tpu.vector_load %arg6[%swap3A_1376] {strides = array<i32>} : memref<24576xf32, #tpu.memory_space<vmem>>, vector<16xf32>,
      %swap3A_1378 = vector.shape_cast %swap3A_1377 : vector<16xf32> to vector<16xf32>
      %swap3A_1379 = vector.shape_cast %parallel_loop3A_1259#14 : vector<16xf32> to vector<16xf32>
      tpu.vector_store %arg6[%swap3A_1376], %swap3A_1379 {strides = array<i32>} : memref<24576xf32, #tpu.memory_space<vmem>>, vector<16xf32>,
      %lt3A_1380 = arith.constant 9 : i32
      %lt3A_1381 = arith.cmpi slt, %scan3A_58, %lt3A_1380 : i32
      %convert_element_type3A_1382 = arith.extui %lt3A_1381 : i1 to i32
      %cond3A_1383 = arith.constant 0 : i32
      %cond3A_1384 = arith.cmpi ne, %convert_element_type3A_1382, %cond3A_1383 : i32
      scf.if %cond3A_1384 {
        %mul3A_1385 = arith.constant 2 : i32
        %mul3A_1386 = arith.muli %mul3A_1385, %scan3A_58 : i32
        %add3A_1387 = arith.constant 3 : i32
        %add3A_1388 = arith.addi %mul3A_1386, %add3A_1387 : i32
        %mul3A_1389 = arith.constant 40 : i32
        %mul3A_1390 = arith.muli %add3A_1388, %mul3A_1389 : i32
        %add3A_1391 = arith.addi %mul3A_32, %mul3A_1390 : i32
        %dma_start3A_1392 = arith.constant 0 : i32
        %dma_start3A_1393 = tpu.memref_slice %arg2[%add3A_30, %add3A_1391, %dma_start3A_1392] : memref<16x1600x1000xf32, #tpu.memory_space<hbm>> -> memref<1x40x1000xf32, #tpu.memory_space<hbm>>
        %dma_start3A_1394 = tpu.memref_squeeze %dma_start3A_1393 : memref<1x40x1000xf32, #tpu.memory_space<hbm>> -> memref<40x1000xf32, #tpu.memory_space<hbm>>
        %dma_start3A_1395 = arith.constant 0 : i32
        %dma_start3A_1396 = tpu.memref_slice %arg2[%add3A_30, %add3A_1391, %dma_start3A_1395] : memref<16x1600x1000xf32, #tpu.memory_space<hbm>> -> memref<1x40x1000xf32, #tpu.memory_space<hbm>>
        %dma_start3A_1397 = tpu.memref_squeeze %dma_start3A_1396 : memref<1x40x1000xf32, #tpu.memory_space<hbm>> -> memref<40x1000xf32, #tpu.memory_space<hbm>>
        tpu.enqueue_dma source(%dma_start3A_1397 : memref<40x1000xf32, #tpu.memory_space<hbm>>) target(%arg5 : memref<40x1000xf32, #tpu.memory_space<vmem>>) target_semaphore(%arg8 : memref<!tpu.dma_semaphore, #tpu.memory_space<semaphore_mem>>)
      } else {
      }
    }
    %scan3A_52 = arith.constant 10 : i32
    %mul3A_53 = arith.constant 2 : i32
    %mul3A_54 = arith.muli %add3A_30, %mul3A_53 : i32
    %add3A_55 = arith.addi %mul3A_54, %select_n3A_28 : i32
    %mul3A_56 = arith.constant 24576 : i32
    %mul3A_57 = arith.muli %add3A_55, %mul3A_56 : i32
    "tpu.region"() ({
      %run_scoped3A = tpu.sem_alloc : memref<!tpu.dma_semaphore, #tpu.memory_space<semaphore_mem>>
      %dma_start3A_58 = tpu.memref_slice %arg3[%mul3A_57] : memref<786432xf32, #tpu.memory_space<hbm>> -> memref<24576xf32, #tpu.memory_space<hbm>>
      %dma_start3A_59 = tpu.memref_slice %arg3[%mul3A_57] : memref<786432xf32, #tpu.memory_space<hbm>> -> memref<24576xf32, #tpu.memory_space<hbm>>
      tpu.enqueue_dma source(%arg6 : memref<24576xf32, #tpu.memory_space<vmem>>) target(%dma_start3A_59 : memref<24576xf32, #tpu.memory_space<hbm>>) target_semaphore(%run_scoped3A : memref<!tpu.dma_semaphore, #tpu.memory_space<semaphore_mem>>)
      %dma_wait3A = tpu.memref_slice %arg3[%mul3A_57] : memref<786432xf32, #tpu.memory_space<hbm>> -> memref<24576xf32, #tpu.memory_space<hbm>>
      %dma_wait3A_60 = tpu.memref_slice %arg3[%mul3A_57] : memref<786432xf32, #tpu.memory_space<hbm>> -> memref<24576xf32, #tpu.memory_space<hbm>>
      tpu.wait_dma2 semaphore(%run_scoped3A : memref<!tpu.dma_semaphore, #tpu.memory_space<semaphore_mem>>) src(%arg6 : memref<24576xf32, #tpu.memory_space<vmem>>) dst(%dma_wait3A_60 : memref<24576xf32, #tpu.memory_space<hbm>>)
      tpu.yield
    }) : () -> ()
    return
  }
}

#map = affine_map<(d0, d1) -> (0)>
#map1 = affine_map<(d0, d1) -> (0, 0)>
module attributes {stable_mosaic.version = 14 : i64} {
  func.func @_stitch_sc(%arg0: i32, %arg1: i32, %arg2: memref<786432xf32, #tpu.memory_space<hbm>>, %arg3: memref<16x20480xf32, #tpu.memory_space<hbm>>, %arg4: memref<20480xf32, #tpu.memory_space<vmem>>, %arg5: memref<20480xf32, #tpu.memory_space<vmem>>, %arg6: memref<10240xf32, #tpu.memory_space<vmem>>, %arg7: memref<!tpu.dma_semaphore, #tpu.memory_space<semaphore_mem>>, %arg8: memref<!tpu.dma_semaphore, #tpu.memory_space<semaphore_mem>>) attributes {dimension_semantics = [#tpu.dimension_semantics<core_parallel>, #tpu.dimension_semantics<subcore_parallel>], iteration_bounds = array<i64: 2, 16>, scalar_prefetch = 0 : i64, scratch_operands = 5 : i64, tpu.core_type = #tpu.core_type<sc_vector_subcore>, window_params = [{transform_indices = #map}, {transform_indices = #map1}]} {
    %jit3A = arith.constant 2 : i32
    %div3A = arith.divsi %arg1, %jit3A : i32
    %sign3A = arith.constant 0 : i32
    %sign3A_0 = arith.cmpi sgt, %arg1, %sign3A : i32
    %sign3A_1 = arith.extui %sign3A_0 : i1 to i32
    %sign3A_2 = arith.constant 0 : i32
    %sign3A_3 = arith.cmpi slt, %arg1, %sign3A_2 : i32
    %sign3A_4 = arith.extui %sign3A_3 : i1 to i32
    %sign3A_5 = arith.subi %sign3A_1, %sign3A_4 : i32
    %sign3A_6 = arith.constant 0 : i32
    %sign3A_7 = arith.cmpi sgt, %jit3A, %sign3A_6 : i32
    %sign3A_8 = arith.extui %sign3A_7 : i1 to i32
    %sign3A_9 = arith.constant 0 : i32
    %sign3A_10 = arith.cmpi slt, %jit3A, %sign3A_9 : i32
    %sign3A_11 = arith.extui %sign3A_10 : i1 to i32
    %sign3A_12 = arith.subi %sign3A_8, %sign3A_11 : i32
    %ne3A = arith.cmpi ne, %sign3A_5, %sign3A_12 : i32
    %rem3A = arith.remsi %arg1, %jit3A : i32
    %ne3A_13 = arith.constant 0 : i32
    %ne3A_14 = arith.cmpi ne, %rem3A, %ne3A_13 : i32
    %and3A = arith.andi %ne3A, %ne3A_14 : i1
    %sub3A = arith.constant 1 : i32
    %sub3A_15 = arith.subi %div3A, %sub3A : i32
    %select_n3A = arith.select %and3A, %sub3A_15, %div3A : i32
    %jit3A_16 = arith.constant 2 : i32
    %eq3A = arith.constant 0 : i32
    %eq3A_17 = arith.cmpi eq, %jit3A_16, %eq3A : i32
    %jit3A_18 = arith.constant 1 : i32
    %select_n3A_19 = arith.select %eq3A_17, %jit3A_18, %jit3A_16 : i32
    %rem3A_20 = arith.remsi %arg1, %select_n3A_19 : i32
    %ne3A_21 = arith.constant 0 : i32
    %ne3A_22 = arith.cmpi ne, %rem3A_20, %ne3A_21 : i32
    %lt3A = arith.constant 0 : i32
    %lt3A_23 = arith.cmpi slt, %rem3A_20, %lt3A : i32
    %lt3A_24 = arith.constant 0 : i32
    %lt3A_25 = arith.cmpi slt, %select_n3A_19, %lt3A_24 : i32
    %ne3A_26 = arith.xori %lt3A_23, %lt3A_25 : i1
    %and3A_27 = arith.andi %ne3A_26, %ne3A_22 : i1
    %add3A = arith.addi %rem3A_20, %select_n3A_19 : i32
    %select_n3A_28 = arith.select %and3A_27, %add3A, %rem3A_20 : i32
    %mul3A = arith.constant 8 : i32
    %mul3A_29 = arith.muli %arg0, %mul3A : i32
    %add3A_30 = arith.addi %mul3A_29, %select_n3A : i32
    %mul3A_31 = arith.constant 10240 : i32
    %mul3A_32 = arith.muli %select_n3A_28, %mul3A_31 : i32
    %mul3A_33 = arith.constant 2 : i32
    %mul3A_34 = arith.muli %add3A_30, %mul3A_33 : i32
    %mul3A_35 = arith.constant 24576 : i32
    %mul3A_36 = arith.muli %mul3A_34, %mul3A_35 : i32
    %mul3A_37 = arith.constant 2 : i32
    %mul3A_38 = arith.muli %add3A_30, %mul3A_37 : i32
    %add3A_39 = arith.constant 1 : i32
    %add3A_40 = arith.addi %mul3A_38, %add3A_39 : i32
    %mul3A_41 = arith.constant 24576 : i32
    %mul3A_42 = arith.muli %add3A_40, %mul3A_41 : i32
    %dma_start3A = tpu.memref_slice %arg2[%mul3A_36] : memref<786432xf32, #tpu.memory_space<hbm>> -> memref<20480xf32, #tpu.memory_space<hbm>>
    %dma_start3A_43 = tpu.memref_slice %arg2[%mul3A_36] : memref<786432xf32, #tpu.memory_space<hbm>> -> memref<20480xf32, #tpu.memory_space<hbm>>
    tpu.enqueue_dma source(%dma_start3A_43 : memref<20480xf32, #tpu.memory_space<hbm>>) target(%arg4 : memref<20480xf32, #tpu.memory_space<vmem>>) target_semaphore(%arg7 : memref<!tpu.dma_semaphore, #tpu.memory_space<semaphore_mem>>)
    %dma_start3A_44 = tpu.memref_slice %arg2[%mul3A_42] : memref<786432xf32, #tpu.memory_space<hbm>> -> memref<20480xf32, #tpu.memory_space<hbm>>
    %dma_start3A_45 = tpu.memref_slice %arg2[%mul3A_42] : memref<786432xf32, #tpu.memory_space<hbm>> -> memref<20480xf32, #tpu.memory_space<hbm>>
    tpu.enqueue_dma source(%dma_start3A_45 : memref<20480xf32, #tpu.memory_space<hbm>>) target(%arg5 : memref<20480xf32, #tpu.memory_space<vmem>>) target_semaphore(%arg8 : memref<!tpu.dma_semaphore, #tpu.memory_space<semaphore_mem>>)
    %dma_wait3A = tpu.memref_slice %arg2[%mul3A_36] : memref<786432xf32, #tpu.memory_space<hbm>> -> memref<20480xf32, #tpu.memory_space<hbm>>
    %dma_wait3A_46 = tpu.memref_slice %arg2[%mul3A_36] : memref<786432xf32, #tpu.memory_space<hbm>> -> memref<20480xf32, #tpu.memory_space<hbm>>
    tpu.wait_dma2 semaphore(%arg7 : memref<!tpu.dma_semaphore, #tpu.memory_space<semaphore_mem>>) src(%dma_wait3A_46 : memref<20480xf32, #tpu.memory_space<hbm>>) dst(%arg4 : memref<20480xf32, #tpu.memory_space<vmem>>)
    %dma_wait3A_47 = tpu.memref_slice %arg2[%mul3A_42] : memref<786432xf32, #tpu.memory_space<hbm>> -> memref<20480xf32, #tpu.memory_space<hbm>>
    %dma_wait3A_48 = tpu.memref_slice %arg2[%mul3A_42] : memref<786432xf32, #tpu.memory_space<hbm>> -> memref<20480xf32, #tpu.memory_space<hbm>>
    tpu.wait_dma2 semaphore(%arg8 : memref<!tpu.dma_semaphore, #tpu.memory_space<semaphore_mem>>) src(%dma_wait3A_48 : memref<20480xf32, #tpu.memory_space<hbm>>) dst(%arg5 : memref<20480xf32, #tpu.memory_space<vmem>>)
    %broadcast_in_dim3A = arith.constant 0.000000e+00 : f32
    %broadcast_in_dim3A_49 = vector.broadcast %broadcast_in_dim3A : f32 to vector<16xf32>
    %iota3A = tpu.iota {dimensions = array<i32: 0>} : vector<16xi32>
    %add3A_50 = arith.constant 0 : i32
    %add3A_51 = vector.broadcast %add3A_50 : i32 to vector<16xi32>
    %add3A_52 = arith.addi %add3A_51, %iota3A : vector<16xi32>
    %convert_element_type3A = arith.sitofp %add3A_52 : vector<16xi32> to vector<16xf32>
    %mul3A_53 = arith.constant 5.000000e-02 : f32
    %mul3A_54 = vector.broadcast %mul3A_53 : f32 to vector<16xf32>
    %mul3A_55 = arith.mulf %convert_element_type3A, %mul3A_54 : vector<16xf32>
    %add3A_56 = arith.constant 1.000000e-03 : f32
    %add3A_57 = vector.broadcast %add3A_56 : f32 to vector<16xf32>
    %add3A_58 = arith.addf %mul3A_55, %add3A_57 : vector<16xf32>
    %convert_element_type3A_59 = arith.fptosi %add3A_58 : vector<16xf32> to vector<16xi32>
    %mul3A_60 = arith.constant 20 : i32
    %mul3A_61 = vector.broadcast %mul3A_60 : i32 to vector<16xi32>
    %mul3A_62 = arith.muli %mul3A_61, %convert_element_type3A_59 : vector<16xi32>
    %sub3A_63 = arith.subi %add3A_52, %mul3A_62 : vector<16xi32>
    %shift_left3A = arith.constant 10 : i32
    %shift_left3A_64 = vector.broadcast %shift_left3A : i32 to vector<16xi32>
    %shift_left3A_65 = arith.shli %sub3A_63, %shift_left3A_64 : vector<16xi32>
    %add3A_66 = arith.addi %shift_left3A_65, %convert_element_type3A_59 : vector<16xi32>
    %add3A_67 = arith.constant 16 : i32
    %add3A_68 = vector.broadcast %add3A_67 : i32 to vector<16xi32>
    %add3A_69 = arith.addi %add3A_68, %iota3A : vector<16xi32>
    %convert_element_type3A_70 = arith.sitofp %add3A_69 : vector<16xi32> to vector<16xf32>
    %mul3A_71 = arith.constant 5.000000e-02 : f32
    %mul3A_72 = vector.broadcast %mul3A_71 : f32 to vector<16xf32>
    %mul3A_73 = arith.mulf %convert_element_type3A_70, %mul3A_72 : vector<16xf32>
    %add3A_74 = arith.constant 1.000000e-03 : f32
    %add3A_75 = vector.broadcast %add3A_74 : f32 to vector<16xf32>
    %add3A_76 = arith.addf %mul3A_73, %add3A_75 : vector<16xf32>
    %convert_element_type3A_77 = arith.fptosi %add3A_76 : vector<16xf32> to vector<16xi32>
    %mul3A_78 = arith.constant 20 : i32
    %mul3A_79 = vector.broadcast %mul3A_78 : i32 to vector<16xi32>
    %mul3A_80 = arith.muli %mul3A_79, %convert_element_type3A_77 : vector<16xi32>
    %sub3A_81 = arith.subi %add3A_69, %mul3A_80 : vector<16xi32>
    %shift_left3A_82 = arith.constant 10 : i32
    %shift_left3A_83 = vector.broadcast %shift_left3A_82 : i32 to vector<16xi32>
    %shift_left3A_84 = arith.shli %sub3A_81, %shift_left3A_83 : vector<16xi32>
    %add3A_85 = arith.addi %shift_left3A_84, %convert_element_type3A_77 : vector<16xi32>
    %add3A_86 = arith.constant 32 : i32
    %add3A_87 = vector.broadcast %add3A_86 : i32 to vector<16xi32>
    %add3A_88 = arith.addi %add3A_87, %iota3A : vector<16xi32>
    %convert_element_type3A_89 = arith.sitofp %add3A_88 : vector<16xi32> to vector<16xf32>
    %mul3A_90 = arith.constant 5.000000e-02 : f32
    %mul3A_91 = vector.broadcast %mul3A_90 : f32 to vector<16xf32>
    %mul3A_92 = arith.mulf %convert_element_type3A_89, %mul3A_91 : vector<16xf32>
    %add3A_93 = arith.constant 1.000000e-03 : f32
    %add3A_94 = vector.broadcast %add3A_93 : f32 to vector<16xf32>
    %add3A_95 = arith.addf %mul3A_92, %add3A_94 : vector<16xf32>
    %convert_element_type3A_96 = arith.fptosi %add3A_95 : vector<16xf32> to vector<16xi32>
    %mul3A_97 = arith.constant 20 : i32
    %mul3A_98 = vector.broadcast %mul3A_97 : i32 to vector<16xi32>
    %mul3A_99 = arith.muli %mul3A_98, %convert_element_type3A_96 : vector<16xi32>
    %sub3A_100 = arith.subi %add3A_88, %mul3A_99 : vector<16xi32>
    %shift_left3A_101 = arith.constant 10 : i32
    %shift_left3A_102 = vector.broadcast %shift_left3A_101 : i32 to vector<16xi32>
    %shift_left3A_103 = arith.shli %sub3A_100, %shift_left3A_102 : vector<16xi32>
    %add3A_104 = arith.addi %shift_left3A_103, %convert_element_type3A_96 : vector<16xi32>
    %add3A_105 = arith.constant 48 : i32
    %add3A_106 = vector.broadcast %add3A_105 : i32 to vector<16xi32>
    %add3A_107 = arith.addi %add3A_106, %iota3A : vector<16xi32>
    %convert_element_type3A_108 = arith.sitofp %add3A_107 : vector<16xi32> to vector<16xf32>
    %mul3A_109 = arith.constant 5.000000e-02 : f32
    %mul3A_110 = vector.broadcast %mul3A_109 : f32 to vector<16xf32>
    %mul3A_111 = arith.mulf %convert_element_type3A_108, %mul3A_110 : vector<16xf32>
    %add3A_112 = arith.constant 1.000000e-03 : f32
    %add3A_113 = vector.broadcast %add3A_112 : f32 to vector<16xf32>
    %add3A_114 = arith.addf %mul3A_111, %add3A_113 : vector<16xf32>
    %convert_element_type3A_115 = arith.fptosi %add3A_114 : vector<16xf32> to vector<16xi32>
    %mul3A_116 = arith.constant 20 : i32
    %mul3A_117 = vector.broadcast %mul3A_116 : i32 to vector<16xi32>
    %mul3A_118 = arith.muli %mul3A_117, %convert_element_type3A_115 : vector<16xi32>
    %sub3A_119 = arith.subi %add3A_107, %mul3A_118 : vector<16xi32>
    %shift_left3A_120 = arith.constant 10 : i32
    %shift_left3A_121 = vector.broadcast %shift_left3A_120 : i32 to vector<16xi32>
    %shift_left3A_122 = arith.shli %sub3A_119, %shift_left3A_121 : vector<16xi32>
    %add3A_123 = arith.addi %shift_left3A_122, %convert_element_type3A_115 : vector<16xi32>
    %add3A_124 = arith.constant 64 : i32
    %add3A_125 = vector.broadcast %add3A_124 : i32 to vector<16xi32>
    %add3A_126 = arith.addi %add3A_125, %iota3A : vector<16xi32>
    %convert_element_type3A_127 = arith.sitofp %add3A_126 : vector<16xi32> to vector<16xf32>
    %mul3A_128 = arith.constant 5.000000e-02 : f32
    %mul3A_129 = vector.broadcast %mul3A_128 : f32 to vector<16xf32>
    %mul3A_130 = arith.mulf %convert_element_type3A_127, %mul3A_129 : vector<16xf32>
    %add3A_131 = arith.constant 1.000000e-03 : f32
    %add3A_132 = vector.broadcast %add3A_131 : f32 to vector<16xf32>
    %add3A_133 = arith.addf %mul3A_130, %add3A_132 : vector<16xf32>
    %convert_element_type3A_134 = arith.fptosi %add3A_133 : vector<16xf32> to vector<16xi32>
    %mul3A_135 = arith.constant 20 : i32
    %mul3A_136 = vector.broadcast %mul3A_135 : i32 to vector<16xi32>
    %mul3A_137 = arith.muli %mul3A_136, %convert_element_type3A_134 : vector<16xi32>
    %sub3A_138 = arith.subi %add3A_126, %mul3A_137 : vector<16xi32>
    %shift_left3A_139 = arith.constant 10 : i32
    %shift_left3A_140 = vector.broadcast %shift_left3A_139 : i32 to vector<16xi32>
    %shift_left3A_141 = arith.shli %sub3A_138, %shift_left3A_140 : vector<16xi32>
    %add3A_142 = arith.addi %shift_left3A_141, %convert_element_type3A_134 : vector<16xi32>
    %eq3A_143 = arith.constant 0 : i32
    %eq3A_144 = arith.cmpi eq, %select_n3A_28, %eq3A_143 : i32
    %convert_element_type3A_145 = arith.extui %eq3A_144 : i1 to i32
    %cond3A = arith.constant 2.500000e-02 : f32
    %cond3A_146 = arith.constant 0 : i32
    %cond3A_147 = arith.cmpi ne, %convert_element_type3A_145, %cond3A_146 : i32
    scf.if %cond3A_147 {
      %add3A_154 = arith.constant 0 : i32
      %add3A_155 = arith.addi %mul3A_32, %add3A_154 : i32
      %add3A_156 = vector.broadcast %add3A_155 : i32 to vector<16xi32>
      %add3A_157 = arith.addi %add3A_156, %iota3A : vector<16xi32>
      %convert_element_type3A_158 = arith.sitofp %add3A_157 : vector<16xi32> to vector<16xf32>
      %mul3A_159 = arith.constant 5.000000e-02 : f32
      %mul3A_160 = vector.broadcast %mul3A_159 : f32 to vector<16xf32>
      %mul3A_161 = arith.mulf %convert_element_type3A_158, %mul3A_160 : vector<16xf32>
      %add3A_162 = arith.constant 1.000000e-03 : f32
      %add3A_163 = vector.broadcast %add3A_162 : f32 to vector<16xf32>
      %add3A_164 = arith.addf %mul3A_161, %add3A_163 : vector<16xf32>
      %convert_element_type3A_165 = arith.fptosi %add3A_164 : vector<16xf32> to vector<16xi32>
      %mul3A_166 = arith.constant 20 : i32
      %mul3A_167 = vector.broadcast %mul3A_166 : i32 to vector<16xi32>
      %mul3A_168 = arith.muli %mul3A_167, %convert_element_type3A_165 : vector<16xi32>
      %sub3A_169 = arith.subi %add3A_157, %mul3A_168 : vector<16xi32>
      %shift_left3A_170 = arith.constant 10 : i32
      %shift_left3A_171 = vector.broadcast %shift_left3A_170 : i32 to vector<16xi32>
      %shift_left3A_172 = arith.shli %sub3A_169, %shift_left3A_171 : vector<16xi32>
      %min3A = arith.constant 999 : i32
      %min3A_173 = vector.broadcast %min3A : i32 to vector<16xi32>
      %min3A_174 = arith.minsi %convert_element_type3A_165, %min3A_173 : vector<16xi32>
      %add3A_175 = arith.addi %shift_left3A_172, %min3A_174 : vector<16xi32>
      %gather3A = tpu.vector_load_idx %arg4[%add3A_175] : memref<20480xf32, #tpu.memory_space<vmem>>[vector<16xi32>], vector<16xf32>,
      %le3A = arith.constant 999 : i32
      %le3A_176 = vector.broadcast %le3A : i32 to vector<16xi32>
      %le3A_177 = arith.cmpi sle, %convert_element_type3A_165, %le3A_176 : vector<16xi32>
      %select_n3A_178 = arith.select %le3A_177, %gather3A, %broadcast_in_dim3A_49 : vector<16xi1>, vector<16xf32>
      %sub3A_179 = arith.constant 1 : i32
      %sub3A_180 = vector.broadcast %sub3A_179 : i32 to vector<16xi32>
      %sub3A_181 = arith.subi %convert_element_type3A_165, %sub3A_180 : vector<16xi32>
      %max3A = arith.constant 0 : i32
      %max3A_182 = vector.broadcast %max3A : i32 to vector<16xi32>
      %max3A_183 = arith.maxsi %sub3A_181, %max3A_182 : vector<16xi32>
      %min3A_184 = arith.constant 999 : i32
      %min3A_185 = vector.broadcast %min3A_184 : i32 to vector<16xi32>
      %min3A_186 = arith.minsi %max3A_183, %min3A_185 : vector<16xi32>
      %add3A_187 = arith.addi %shift_left3A_172, %min3A_186 : vector<16xi32>
      %gather3A_188 = tpu.vector_load_idx %arg5[%add3A_187] : memref<20480xf32, #tpu.memory_space<vmem>>[vector<16xi32>], vector<16xf32>,
      %ge3A = arith.constant 1 : i32
      %ge3A_189 = vector.broadcast %ge3A : i32 to vector<16xi32>
      %ge3A_190 = arith.cmpi sge, %convert_element_type3A_165, %ge3A_189 : vector<16xi32>
      %le3A_191 = arith.constant 1000 : i32
      %le3A_192 = vector.broadcast %le3A_191 : i32 to vector<16xi32>
      %le3A_193 = arith.cmpi sle, %convert_element_type3A_165, %le3A_192 : vector<16xi32>
      %and3A_194 = arith.andi %ge3A_190, %le3A_193 : vector<16xi1>
      %select_n3A_195 = arith.select %and3A_194, %gather3A_188, %broadcast_in_dim3A_49 : vector<16xi1>, vector<16xf32>
      %add3A_196 = arith.addf %select_n3A_178, %select_n3A_195 : vector<16xf32>
      %mul3A_197 = vector.broadcast %cond3A : f32 to vector<16xf32>
      %mul3A_198 = arith.mulf %add3A_196, %mul3A_197 : vector<16xf32>
      %swap3A = arith.constant 0 : index
      %swap3A_199 = tpu.vector_load %arg6[%swap3A] {strides = array<i32>} : memref<10240xf32, #tpu.memory_space<vmem>>, vector<16xf32>,
      tpu.vector_store %arg6[%swap3A], %mul3A_198 {strides = array<i32>} : memref<10240xf32, #tpu.memory_space<vmem>>, vector<16xf32>,
      %add3A_200 = arith.constant 16 : i32
      %add3A_201 = arith.addi %mul3A_32, %add3A_200 : i32
      %add3A_202 = vector.broadcast %add3A_201 : i32 to vector<16xi32>
      %add3A_203 = arith.addi %add3A_202, %iota3A : vector<16xi32>
      %convert_element_type3A_204 = arith.sitofp %add3A_203 : vector<16xi32> to vector<16xf32>
      %mul3A_205 = arith.constant 5.000000e-02 : f32
      %mul3A_206 = vector.broadcast %mul3A_205 : f32 to vector<16xf32>
      %mul3A_207 = arith.mulf %convert_element_type3A_204, %mul3A_206 : vector<16xf32>
      %add3A_208 = arith.constant 1.000000e-03 : f32
      %add3A_209 = vector.broadcast %add3A_208 : f32 to vector<16xf32>
      %add3A_210 = arith.addf %mul3A_207, %add3A_209 : vector<16xf32>
      %convert_element_type3A_211 = arith.fptosi %add3A_210 : vector<16xf32> to vector<16xi32>
      %mul3A_212 = arith.constant 20 : i32
      %mul3A_213 = vector.broadcast %mul3A_212 : i32 to vector<16xi32>
      %mul3A_214 = arith.muli %mul3A_213, %convert_element_type3A_211 : vector<16xi32>
      %sub3A_215 = arith.subi %add3A_203, %mul3A_214 : vector<16xi32>
      %shift_left3A_216 = arith.constant 10 : i32
      %shift_left3A_217 = vector.broadcast %shift_left3A_216 : i32 to vector<16xi32>
      %shift_left3A_218 = arith.shli %sub3A_215, %shift_left3A_217 : vector<16xi32>
      %min3A_219 = arith.constant 999 : i32
      %min3A_220 = vector.broadcast %min3A_219 : i32 to vector<16xi32>
      %min3A_221 = arith.minsi %convert_element_type3A_211, %min3A_220 : vector<16xi32>
      %add3A_222 = arith.addi %shift_left3A_218, %min3A_221 : vector<16xi32>
      %gather3A_223 = tpu.vector_load_idx %arg4[%add3A_222] : memref<20480xf32, #tpu.memory_space<vmem>>[vector<16xi32>], vector<16xf32>,
      %le3A_224 = arith.constant 999 : i32
      %le3A_225 = vector.broadcast %le3A_224 : i32 to vector<16xi32>
      %le3A_226 = arith.cmpi sle, %convert_element_type3A_211, %le3A_225 : vector<16xi32>
      %select_n3A_227 = arith.select %le3A_226, %gather3A_223, %broadcast_in_dim3A_49 : vector<16xi1>, vector<16xf32>
      %sub3A_228 = arith.constant 1 : i32
      %sub3A_229 = vector.broadcast %sub3A_228 : i32 to vector<16xi32>
      %sub3A_230 = arith.subi %convert_element_type3A_211, %sub3A_229 : vector<16xi32>
      %max3A_231 = arith.constant 0 : i32
      %max3A_232 = vector.broadcast %max3A_231 : i32 to vector<16xi32>
      %max3A_233 = arith.maxsi %sub3A_230, %max3A_232 : vector<16xi32>
      %min3A_234 = arith.constant 999 : i32
      %min3A_235 = vector.broadcast %min3A_234 : i32 to vector<16xi32>
      %min3A_236 = arith.minsi %max3A_233, %min3A_235 : vector<16xi32>
      %add3A_237 = arith.addi %shift_left3A_218, %min3A_236 : vector<16xi32>
      %gather3A_238 = tpu.vector_load_idx %arg5[%add3A_237] : memref<20480xf32, #tpu.memory_space<vmem>>[vector<16xi32>], vector<16xf32>,
      %ge3A_239 = arith.constant 1 : i32
      %ge3A_240 = vector.broadcast %ge3A_239 : i32 to vector<16xi32>
      %ge3A_241 = arith.cmpi sge, %convert_element_type3A_211, %ge3A_240 : vector<16xi32>
      %le3A_242 = arith.constant 1000 : i32
      %le3A_243 = vector.broadcast %le3A_242 : i32 to vector<16xi32>
      %le3A_244 = arith.cmpi sle, %convert_element_type3A_211, %le3A_243 : vector<16xi32>
      %and3A_245 = arith.andi %ge3A_241, %le3A_244 : vector<16xi1>
      %select_n3A_246 = arith.select %and3A_245, %gather3A_238, %broadcast_in_dim3A_49 : vector<16xi1>, vector<16xf32>
      %add3A_247 = arith.addf %select_n3A_227, %select_n3A_246 : vector<16xf32>
      %mul3A_248 = vector.broadcast %cond3A : f32 to vector<16xf32>
      %mul3A_249 = arith.mulf %add3A_247, %mul3A_248 : vector<16xf32>
      %swap3A_250 = arith.constant 16 : index
      %swap3A_251 = tpu.vector_load %arg6[%swap3A_250] {strides = array<i32>} : memref<10240xf32, #tpu.memory_space<vmem>>, vector<16xf32>,
      tpu.vector_store %arg6[%swap3A_250], %mul3A_249 {strides = array<i32>} : memref<10240xf32, #tpu.memory_space<vmem>>, vector<16xf32>,
      %add3A_252 = arith.constant 32 : i32
      %add3A_253 = arith.addi %mul3A_32, %add3A_252 : i32
      %add3A_254 = vector.broadcast %add3A_253 : i32 to vector<16xi32>
      %add3A_255 = arith.addi %add3A_254, %iota3A : vector<16xi32>
      %convert_element_type3A_256 = arith.sitofp %add3A_255 : vector<16xi32> to vector<16xf32>
      %mul3A_257 = arith.constant 5.000000e-02 : f32
      %mul3A_258 = vector.broadcast %mul3A_257 : f32 to vector<16xf32>
      %mul3A_259 = arith.mulf %convert_element_type3A_256, %mul3A_258 : vector<16xf32>
      %add3A_260 = arith.constant 1.000000e-03 : f32
      %add3A_261 = vector.broadcast %add3A_260 : f32 to vector<16xf32>
      %add3A_262 = arith.addf %mul3A_259, %add3A_261 : vector<16xf32>
      %convert_element_type3A_263 = arith.fptosi %add3A_262 : vector<16xf32> to vector<16xi32>
      %mul3A_264 = arith.constant 20 : i32
      %mul3A_265 = vector.broadcast %mul3A_264 : i32 to vector<16xi32>
      %mul3A_266 = arith.muli %mul3A_265, %convert_element_type3A_263 : vector<16xi32>
      %sub3A_267 = arith.subi %add3A_255, %mul3A_266 : vector<16xi32>
      %shift_left3A_268 = arith.constant 10 : i32
      %shift_left3A_269 = vector.broadcast %shift_left3A_268 : i32 to vector<16xi32>
      %shift_left3A_270 = arith.shli %sub3A_267, %shift_left3A_269 : vector<16xi32>
      %min3A_271 = arith.constant 999 : i32
      %min3A_272 = vector.broadcast %min3A_271 : i32 to vector<16xi32>
      %min3A_273 = arith.minsi %convert_element_type3A_263, %min3A_272 : vector<16xi32>
      %add3A_274 = arith.addi %shift_left3A_270, %min3A_273 : vector<16xi32>
      %gather3A_275 = tpu.vector_load_idx %arg4[%add3A_274] : memref<20480xf32, #tpu.memory_space<vmem>>[vector<16xi32>], vector<16xf32>,
      %le3A_276 = arith.constant 999 : i32
      %le3A_277 = vector.broadcast %le3A_276 : i32 to vector<16xi32>
      %le3A_278 = arith.cmpi sle, %convert_element_type3A_263, %le3A_277 : vector<16xi32>
      %select_n3A_279 = arith.select %le3A_278, %gather3A_275, %broadcast_in_dim3A_49 : vector<16xi1>, vector<16xf32>
      %sub3A_280 = arith.constant 1 : i32
      %sub3A_281 = vector.broadcast %sub3A_280 : i32 to vector<16xi32>
      %sub3A_282 = arith.subi %convert_element_type3A_263, %sub3A_281 : vector<16xi32>
      %max3A_283 = arith.constant 0 : i32
      %max3A_284 = vector.broadcast %max3A_283 : i32 to vector<16xi32>
      %max3A_285 = arith.maxsi %sub3A_282, %max3A_284 : vector<16xi32>
      %min3A_286 = arith.constant 999 : i32
      %min3A_287 = vector.broadcast %min3A_286 : i32 to vector<16xi32>
      %min3A_288 = arith.minsi %max3A_285, %min3A_287 : vector<16xi32>
      %add3A_289 = arith.addi %shift_left3A_270, %min3A_288 : vector<16xi32>
      %gather3A_290 = tpu.vector_load_idx %arg5[%add3A_289] : memref<20480xf32, #tpu.memory_space<vmem>>[vector<16xi32>], vector<16xf32>,
      %ge3A_291 = arith.constant 1 : i32
      %ge3A_292 = vector.broadcast %ge3A_291 : i32 to vector<16xi32>
      %ge3A_293 = arith.cmpi sge, %convert_element_type3A_263, %ge3A_292 : vector<16xi32>
      %le3A_294 = arith.constant 1000 : i32
      %le3A_295 = vector.broadcast %le3A_294 : i32 to vector<16xi32>
      %le3A_296 = arith.cmpi sle, %convert_element_type3A_263, %le3A_295 : vector<16xi32>
      %and3A_297 = arith.andi %ge3A_293, %le3A_296 : vector<16xi1>
      %select_n3A_298 = arith.select %and3A_297, %gather3A_290, %broadcast_in_dim3A_49 : vector<16xi1>, vector<16xf32>
      %add3A_299 = arith.addf %select_n3A_279, %select_n3A_298 : vector<16xf32>
      %mul3A_300 = vector.broadcast %cond3A : f32 to vector<16xf32>
      %mul3A_301 = arith.mulf %add3A_299, %mul3A_300 : vector<16xf32>
      %swap3A_302 = arith.constant 32 : index
      %swap3A_303 = tpu.vector_load %arg6[%swap3A_302] {strides = array<i32>} : memref<10240xf32, #tpu.memory_space<vmem>>, vector<16xf32>,
      tpu.vector_store %arg6[%swap3A_302], %mul3A_301 {strides = array<i32>} : memref<10240xf32, #tpu.memory_space<vmem>>, vector<16xf32>,
      %add3A_304 = arith.constant 48 : i32
      %add3A_305 = arith.addi %mul3A_32, %add3A_304 : i32
      %add3A_306 = vector.broadcast %add3A_305 : i32 to vector<16xi32>
      %add3A_307 = arith.addi %add3A_306, %iota3A : vector<16xi32>
      %convert_element_type3A_308 = arith.sitofp %add3A_307 : vector<16xi32> to vector<16xf32>
      %mul3A_309 = arith.constant 5.000000e-02 : f32
      %mul3A_310 = vector.broadcast %mul3A_309 : f32 to vector<16xf32>
      %mul3A_311 = arith.mulf %convert_element_type3A_308, %mul3A_310 : vector<16xf32>
      %add3A_312 = arith.constant 1.000000e-03 : f32
      %add3A_313 = vector.broadcast %add3A_312 : f32 to vector<16xf32>
      %add3A_314 = arith.addf %mul3A_311, %add3A_313 : vector<16xf32>
      %convert_element_type3A_315 = arith.fptosi %add3A_314 : vector<16xf32> to vector<16xi32>
      %mul3A_316 = arith.constant 20 : i32
      %mul3A_317 = vector.broadcast %mul3A_316 : i32 to vector<16xi32>
      %mul3A_318 = arith.muli %mul3A_317, %convert_element_type3A_315 : vector<16xi32>
      %sub3A_319 = arith.subi %add3A_307, %mul3A_318 : vector<16xi32>
      %shift_left3A_320 = arith.constant 10 : i32
      %shift_left3A_321 = vector.broadcast %shift_left3A_320 : i32 to vector<16xi32>
      %shift_left3A_322 = arith.shli %sub3A_319, %shift_left3A_321 : vector<16xi32>
      %min3A_323 = arith.constant 999 : i32
      %min3A_324 = vector.broadcast %min3A_323 : i32 to vector<16xi32>
      %min3A_325 = arith.minsi %convert_element_type3A_315, %min3A_324 : vector<16xi32>
      %add3A_326 = arith.addi %shift_left3A_322, %min3A_325 : vector<16xi32>
      %gather3A_327 = tpu.vector_load_idx %arg4[%add3A_326] : memref<20480xf32, #tpu.memory_space<vmem>>[vector<16xi32>], vector<16xf32>,
      %le3A_328 = arith.constant 999 : i32
      %le3A_329 = vector.broadcast %le3A_328 : i32 to vector<16xi32>
      %le3A_330 = arith.cmpi sle, %convert_element_type3A_315, %le3A_329 : vector<16xi32>
      %select_n3A_331 = arith.select %le3A_330, %gather3A_327, %broadcast_in_dim3A_49 : vector<16xi1>, vector<16xf32>
      %sub3A_332 = arith.constant 1 : i32
      %sub3A_333 = vector.broadcast %sub3A_332 : i32 to vector<16xi32>
      %sub3A_334 = arith.subi %convert_element_type3A_315, %sub3A_333 : vector<16xi32>
      %max3A_335 = arith.constant 0 : i32
      %max3A_336 = vector.broadcast %max3A_335 : i32 to vector<16xi32>
      %max3A_337 = arith.maxsi %sub3A_334, %max3A_336 : vector<16xi32>
      %min3A_338 = arith.constant 999 : i32
      %min3A_339 = vector.broadcast %min3A_338 : i32 to vector<16xi32>
      %min3A_340 = arith.minsi %max3A_337, %min3A_339 : vector<16xi32>
      %add3A_341 = arith.addi %shift_left3A_322, %min3A_340 : vector<16xi32>
      %gather3A_342 = tpu.vector_load_idx %arg5[%add3A_341] : memref<20480xf32, #tpu.memory_space<vmem>>[vector<16xi32>], vector<16xf32>,
      %ge3A_343 = arith.constant 1 : i32
      %ge3A_344 = vector.broadcast %ge3A_343 : i32 to vector<16xi32>
      %ge3A_345 = arith.cmpi sge, %convert_element_type3A_315, %ge3A_344 : vector<16xi32>
      %le3A_346 = arith.constant 1000 : i32
      %le3A_347 = vector.broadcast %le3A_346 : i32 to vector<16xi32>
      %le3A_348 = arith.cmpi sle, %convert_element_type3A_315, %le3A_347 : vector<16xi32>
      %and3A_349 = arith.andi %ge3A_345, %le3A_348 : vector<16xi1>
      %select_n3A_350 = arith.select %and3A_349, %gather3A_342, %broadcast_in_dim3A_49 : vector<16xi1>, vector<16xf32>
      %add3A_351 = arith.addf %select_n3A_331, %select_n3A_350 : vector<16xf32>
      %mul3A_352 = vector.broadcast %cond3A : f32 to vector<16xf32>
      %mul3A_353 = arith.mulf %add3A_351, %mul3A_352 : vector<16xf32>
      %swap3A_354 = arith.constant 48 : index
      %swap3A_355 = tpu.vector_load %arg6[%swap3A_354] {strides = array<i32>} : memref<10240xf32, #tpu.memory_space<vmem>>, vector<16xf32>,
      tpu.vector_store %arg6[%swap3A_354], %mul3A_353 {strides = array<i32>} : memref<10240xf32, #tpu.memory_space<vmem>>, vector<16xf32>,
      %add3A_356 = arith.constant 64 : i32
      %add3A_357 = arith.addi %mul3A_32, %add3A_356 : i32
      %add3A_358 = vector.broadcast %add3A_357 : i32 to vector<16xi32>
      %add3A_359 = arith.addi %add3A_358, %iota3A : vector<16xi32>
      %convert_element_type3A_360 = arith.sitofp %add3A_359 : vector<16xi32> to vector<16xf32>
      %mul3A_361 = arith.constant 5.000000e-02 : f32
      %mul3A_362 = vector.broadcast %mul3A_361 : f32 to vector<16xf32>
      %mul3A_363 = arith.mulf %convert_element_type3A_360, %mul3A_362 : vector<16xf32>
      %add3A_364 = arith.constant 1.000000e-03 : f32
      %add3A_365 = vector.broadcast %add3A_364 : f32 to vector<16xf32>
      %add3A_366 = arith.addf %mul3A_363, %add3A_365 : vector<16xf32>
      %convert_element_type3A_367 = arith.fptosi %add3A_366 : vector<16xf32> to vector<16xi32>
      %mul3A_368 = arith.constant 20 : i32
      %mul3A_369 = vector.broadcast %mul3A_368 : i32 to vector<16xi32>
      %mul3A_370 = arith.muli %mul3A_369, %convert_element_type3A_367 : vector<16xi32>
      %sub3A_371 = arith.subi %add3A_359, %mul3A_370 : vector<16xi32>
      %shift_left3A_372 = arith.constant 10 : i32
      %shift_left3A_373 = vector.broadcast %shift_left3A_372 : i32 to vector<16xi32>
      %shift_left3A_374 = arith.shli %sub3A_371, %shift_left3A_373 : vector<16xi32>
      %min3A_375 = arith.constant 999 : i32
      %min3A_376 = vector.broadcast %min3A_375 : i32 to vector<16xi32>
      %min3A_377 = arith.minsi %convert_element_type3A_367, %min3A_376 : vector<16xi32>
      %add3A_378 = arith.addi %shift_left3A_374, %min3A_377 : vector<16xi32>
      %gather3A_379 = tpu.vector_load_idx %arg4[%add3A_378] : memref<20480xf32, #tpu.memory_space<vmem>>[vector<16xi32>], vector<16xf32>,
      %le3A_380 = arith.constant 999 : i32
      %le3A_381 = vector.broadcast %le3A_380 : i32 to vector<16xi32>
      %le3A_382 = arith.cmpi sle, %convert_element_type3A_367, %le3A_381 : vector<16xi32>
      %select_n3A_383 = arith.select %le3A_382, %gather3A_379, %broadcast_in_dim3A_49 : vector<16xi1>, vector<16xf32>
      %sub3A_384 = arith.constant 1 : i32
      %sub3A_385 = vector.broadcast %sub3A_384 : i32 to vector<16xi32>
      %sub3A_386 = arith.subi %convert_element_type3A_367, %sub3A_385 : vector<16xi32>
      %max3A_387 = arith.constant 0 : i32
      %max3A_388 = vector.broadcast %max3A_387 : i32 to vector<16xi32>
      %max3A_389 = arith.maxsi %sub3A_386, %max3A_388 : vector<16xi32>
      %min3A_390 = arith.constant 999 : i32
      %min3A_391 = vector.broadcast %min3A_390 : i32 to vector<16xi32>
      %min3A_392 = arith.minsi %max3A_389, %min3A_391 : vector<16xi32>
      %add3A_393 = arith.addi %shift_left3A_374, %min3A_392 : vector<16xi32>
      %gather3A_394 = tpu.vector_load_idx %arg5[%add3A_393] : memref<20480xf32, #tpu.memory_space<vmem>>[vector<16xi32>], vector<16xf32>,
      %ge3A_395 = arith.constant 1 : i32
      %ge3A_396 = vector.broadcast %ge3A_395 : i32 to vector<16xi32>
      %ge3A_397 = arith.cmpi sge, %convert_element_type3A_367, %ge3A_396 : vector<16xi32>
      %le3A_398 = arith.constant 1000 : i32
      %le3A_399 = vector.broadcast %le3A_398 : i32 to vector<16xi32>
      %le3A_400 = arith.cmpi sle, %convert_element_type3A_367, %le3A_399 : vector<16xi32>
      %and3A_401 = arith.andi %ge3A_397, %le3A_400 : vector<16xi1>
      %select_n3A_402 = arith.select %and3A_401, %gather3A_394, %broadcast_in_dim3A_49 : vector<16xi1>, vector<16xf32>
      %add3A_403 = arith.addf %select_n3A_383, %select_n3A_402 : vector<16xf32>
      %mul3A_404 = vector.broadcast %cond3A : f32 to vector<16xf32>
      %mul3A_405 = arith.mulf %add3A_403, %mul3A_404 : vector<16xf32>
      %swap3A_406 = arith.constant 64 : index
      %swap3A_407 = tpu.vector_load %arg6[%swap3A_406] {strides = array<i32>} : memref<10240xf32, #tpu.memory_space<vmem>>, vector<16xf32>,
      tpu.vector_store %arg6[%swap3A_406], %mul3A_405 {strides = array<i32>} : memref<10240xf32, #tpu.memory_space<vmem>>, vector<16xf32>,
      %parallel_loop3A = arith.constant 1 : i32
      %parallel_loop3A_408 = arith.constant 128 : i32
      %parallel_loop3A_409 = arith.constant 1 : i32
      scf.for %parallel_loop3A_410 = %parallel_loop3A to %parallel_loop3A_408 step %parallel_loop3A_409  : i32 {
        %parallel_loop3A_411 = arith.constant 4 : i32
        %parallel_loop3A_412 = arith.muli %parallel_loop3A_411, %parallel_loop3A_410 : i32
        %parallel_loop3A_413 = arith.constant 0 : i32
        %parallel_loop3A_414 = arith.addi %parallel_loop3A_413, %parallel_loop3A_412 : i32
        %parallel_loop3A_415 = vector.broadcast %parallel_loop3A_414 : i32 to vector<16xi32>
        %parallel_loop3A_416 = arith.addi %add3A_66, %parallel_loop3A_415 : vector<16xi32>
        %parallel_loop3A_417 = tpu.vector_load_idx %arg4[%parallel_loop3A_416] : memref<20480xf32, #tpu.memory_space<vmem>>[vector<16xi32>], vector<16xf32>,
        %parallel_loop3A_418 = arith.constant 1 : i32
        %parallel_loop3A_419 = vector.broadcast %parallel_loop3A_418 : i32 to vector<16xi32>
        %parallel_loop3A_420 = arith.subi %parallel_loop3A_416, %parallel_loop3A_419 : vector<16xi32>
        %parallel_loop3A_421 = tpu.vector_load_idx %arg5[%parallel_loop3A_420] : memref<20480xf32, #tpu.memory_space<vmem>>[vector<16xi32>], vector<16xf32>,
        %parallel_loop3A_422 = arith.addf %parallel_loop3A_417, %parallel_loop3A_421 : vector<16xf32>
        %parallel_loop3A_423 = vector.broadcast %cond3A : f32 to vector<16xf32>
        %parallel_loop3A_424 = arith.mulf %parallel_loop3A_422, %parallel_loop3A_423 : vector<16xf32>
        %parallel_loop3A_425 = arith.constant 5 : i32
        %parallel_loop3A_426 = arith.muli %parallel_loop3A_425, %parallel_loop3A_410 : i32
        %parallel_loop3A_427 = arith.constant 0 : i32
        %parallel_loop3A_428 = arith.addi %parallel_loop3A_426, %parallel_loop3A_427 : i32
        %parallel_loop3A_429 = arith.constant 16 : i32
        %parallel_loop3A_430 = arith.muli %parallel_loop3A_429, %parallel_loop3A_428 : i32
        %parallel_loop3A_431 = arith.index_cast %parallel_loop3A_430 : i32 to index
        %parallel_loop3A_432 = tpu.vector_load %arg6[%parallel_loop3A_431] {strides = array<i32>} : memref<10240xf32, #tpu.memory_space<vmem>>, vector<16xf32>,
        tpu.vector_store %arg6[%parallel_loop3A_431], %parallel_loop3A_424 {strides = array<i32>} : memref<10240xf32, #tpu.memory_space<vmem>>, vector<16xf32>,
        %parallel_loop3A_433 = arith.addi %add3A_85, %parallel_loop3A_415 : vector<16xi32>
        %parallel_loop3A_434 = tpu.vector_load_idx %arg4[%parallel_loop3A_433] : memref<20480xf32, #tpu.memory_space<vmem>>[vector<16xi32>], vector<16xf32>,
        %parallel_loop3A_435 = arith.constant 1 : i32
        %parallel_loop3A_436 = vector.broadcast %parallel_loop3A_435 : i32 to vector<16xi32>
        %parallel_loop3A_437 = arith.subi %parallel_loop3A_433, %parallel_loop3A_436 : vector<16xi32>
        %parallel_loop3A_438 = tpu.vector_load_idx %arg5[%parallel_loop3A_437] : memref<20480xf32, #tpu.memory_space<vmem>>[vector<16xi32>], vector<16xf32>,
        %parallel_loop3A_439 = arith.addf %parallel_loop3A_434, %parallel_loop3A_438 : vector<16xf32>
        %parallel_loop3A_440 = vector.broadcast %cond3A : f32 to vector<16xf32>
        %parallel_loop3A_441 = arith.mulf %parallel_loop3A_439, %parallel_loop3A_440 : vector<16xf32>
        %parallel_loop3A_442 = arith.constant 5 : i32
        %parallel_loop3A_443 = arith.muli %parallel_loop3A_442, %parallel_loop3A_410 : i32
        %parallel_loop3A_444 = arith.constant 1 : i32
        %parallel_loop3A_445 = arith.addi %parallel_loop3A_443, %parallel_loop3A_444 : i32
        %parallel_loop3A_446 = arith.constant 16 : i32
        %parallel_loop3A_447 = arith.muli %parallel_loop3A_446, %parallel_loop3A_445 : i32
        %parallel_loop3A_448 = arith.index_cast %parallel_loop3A_447 : i32 to index
        %parallel_loop3A_449 = tpu.vector_load %arg6[%parallel_loop3A_448] {strides = array<i32>} : memref<10240xf32, #tpu.memory_space<vmem>>, vector<16xf32>,
        tpu.vector_store %arg6[%parallel_loop3A_448], %parallel_loop3A_441 {strides = array<i32>} : memref<10240xf32, #tpu.memory_space<vmem>>, vector<16xf32>,
        %parallel_loop3A_450 = arith.addi %add3A_104, %parallel_loop3A_415 : vector<16xi32>
        %parallel_loop3A_451 = tpu.vector_load_idx %arg4[%parallel_loop3A_450] : memref<20480xf32, #tpu.memory_space<vmem>>[vector<16xi32>], vector<16xf32>,
        %parallel_loop3A_452 = arith.constant 1 : i32
        %parallel_loop3A_453 = vector.broadcast %parallel_loop3A_452 : i32 to vector<16xi32>
        %parallel_loop3A_454 = arith.subi %parallel_loop3A_450, %parallel_loop3A_453 : vector<16xi32>
        %parallel_loop3A_455 = tpu.vector_load_idx %arg5[%parallel_loop3A_454] : memref<20480xf32, #tpu.memory_space<vmem>>[vector<16xi32>], vector<16xf32>,
        %parallel_loop3A_456 = arith.addf %parallel_loop3A_451, %parallel_loop3A_455 : vector<16xf32>
        %parallel_loop3A_457 = vector.broadcast %cond3A : f32 to vector<16xf32>
        %parallel_loop3A_458 = arith.mulf %parallel_loop3A_456, %parallel_loop3A_457 : vector<16xf32>
        %parallel_loop3A_459 = arith.constant 5 : i32
        %parallel_loop3A_460 = arith.muli %parallel_loop3A_459, %parallel_loop3A_410 : i32
        %parallel_loop3A_461 = arith.constant 2 : i32
        %parallel_loop3A_462 = arith.addi %parallel_loop3A_460, %parallel_loop3A_461 : i32
        %parallel_loop3A_463 = arith.constant 16 : i32
        %parallel_loop3A_464 = arith.muli %parallel_loop3A_463, %parallel_loop3A_462 : i32
        %parallel_loop3A_465 = arith.index_cast %parallel_loop3A_464 : i32 to index
        %parallel_loop3A_466 = tpu.vector_load %arg6[%parallel_loop3A_465] {strides = array<i32>} : memref<10240xf32, #tpu.memory_space<vmem>>, vector<16xf32>,
        tpu.vector_store %arg6[%parallel_loop3A_465], %parallel_loop3A_458 {strides = array<i32>} : memref<10240xf32, #tpu.memory_space<vmem>>, vector<16xf32>,
        %parallel_loop3A_467 = arith.addi %add3A_123, %parallel_loop3A_415 : vector<16xi32>
        %parallel_loop3A_468 = tpu.vector_load_idx %arg4[%parallel_loop3A_467] : memref<20480xf32, #tpu.memory_space<vmem>>[vector<16xi32>], vector<16xf32>,
        %parallel_loop3A_469 = arith.constant 1 : i32
        %parallel_loop3A_470 = vector.broadcast %parallel_loop3A_469 : i32 to vector<16xi32>
        %parallel_loop3A_471 = arith.subi %parallel_loop3A_467, %parallel_loop3A_470 : vector<16xi32>
        %parallel_loop3A_472 = tpu.vector_load_idx %arg5[%parallel_loop3A_471] : memref<20480xf32, #tpu.memory_space<vmem>>[vector<16xi32>], vector<16xf32>,
        %parallel_loop3A_473 = arith.addf %parallel_loop3A_468, %parallel_loop3A_472 : vector<16xf32>
        %parallel_loop3A_474 = vector.broadcast %cond3A : f32 to vector<16xf32>
        %parallel_loop3A_475 = arith.mulf %parallel_loop3A_473, %parallel_loop3A_474 : vector<16xf32>
        %parallel_loop3A_476 = arith.constant 5 : i32
        %parallel_loop3A_477 = arith.muli %parallel_loop3A_476, %parallel_loop3A_410 : i32
        %parallel_loop3A_478 = arith.constant 3 : i32
        %parallel_loop3A_479 = arith.addi %parallel_loop3A_477, %parallel_loop3A_478 : i32
        %parallel_loop3A_480 = arith.constant 16 : i32
        %parallel_loop3A_481 = arith.muli %parallel_loop3A_480, %parallel_loop3A_479 : i32
        %parallel_loop3A_482 = arith.index_cast %parallel_loop3A_481 : i32 to index
        %parallel_loop3A_483 = tpu.vector_load %arg6[%parallel_loop3A_482] {strides = array<i32>} : memref<10240xf32, #tpu.memory_space<vmem>>, vector<16xf32>,
        tpu.vector_store %arg6[%parallel_loop3A_482], %parallel_loop3A_475 {strides = array<i32>} : memref<10240xf32, #tpu.memory_space<vmem>>, vector<16xf32>,
        %parallel_loop3A_484 = arith.addi %add3A_142, %parallel_loop3A_415 : vector<16xi32>
        %parallel_loop3A_485 = tpu.vector_load_idx %arg4[%parallel_loop3A_484] : memref<20480xf32, #tpu.memory_space<vmem>>[vector<16xi32>], vector<16xf32>,
        %parallel_loop3A_486 = arith.constant 1 : i32
        %parallel_loop3A_487 = vector.broadcast %parallel_loop3A_486 : i32 to vector<16xi32>
        %parallel_loop3A_488 = arith.subi %parallel_loop3A_484, %parallel_loop3A_487 : vector<16xi32>
        %parallel_loop3A_489 = tpu.vector_load_idx %arg5[%parallel_loop3A_488] : memref<20480xf32, #tpu.memory_space<vmem>>[vector<16xi32>], vector<16xf32>,
        %parallel_loop3A_490 = arith.addf %parallel_loop3A_485, %parallel_loop3A_489 : vector<16xf32>
        %parallel_loop3A_491 = vector.broadcast %cond3A : f32 to vector<16xf32>
        %parallel_loop3A_492 = arith.mulf %parallel_loop3A_490, %parallel_loop3A_491 : vector<16xf32>
        %parallel_loop3A_493 = arith.constant 5 : i32
        %parallel_loop3A_494 = arith.muli %parallel_loop3A_493, %parallel_loop3A_410 : i32
        %parallel_loop3A_495 = arith.constant 4 : i32
        %parallel_loop3A_496 = arith.addi %parallel_loop3A_494, %parallel_loop3A_495 : i32
        %parallel_loop3A_497 = arith.constant 16 : i32
        %parallel_loop3A_498 = arith.muli %parallel_loop3A_497, %parallel_loop3A_496 : i32
        %parallel_loop3A_499 = arith.index_cast %parallel_loop3A_498 : i32 to index
        %parallel_loop3A_500 = tpu.vector_load %arg6[%parallel_loop3A_499] {strides = array<i32>} : memref<10240xf32, #tpu.memory_space<vmem>>, vector<16xf32>,
        tpu.vector_store %arg6[%parallel_loop3A_499], %parallel_loop3A_492 {strides = array<i32>} : memref<10240xf32, #tpu.memory_space<vmem>>, vector<16xf32>,
      } {sc.loop_unroll_factor = 2 : i64, sc.parallel_access}
    } else {
    }
    %eq3A_148 = arith.constant 1 : i32
    %eq3A_149 = arith.cmpi eq, %select_n3A_28, %eq3A_148 : i32
    %convert_element_type3A_150 = arith.extui %eq3A_149 : i1 to i32
    %cond3A_151 = arith.constant 2.500000e-02 : f32
    %cond3A_152 = arith.constant 0 : i32
    %cond3A_153 = arith.cmpi ne, %convert_element_type3A_150, %cond3A_152 : i32
    scf.if %cond3A_153 {
      %parallel_loop3A = arith.constant 0 : i32
      %parallel_loop3A_154 = arith.constant 122 : i32
      %parallel_loop3A_155 = arith.constant 1 : i32
      scf.for %parallel_loop3A_257 = %parallel_loop3A to %parallel_loop3A_154 step %parallel_loop3A_155  : i32 {
        %parallel_loop3A_258 = arith.constant 4 : i32
        %parallel_loop3A_259 = arith.muli %parallel_loop3A_258, %parallel_loop3A_257 : i32
        %parallel_loop3A_260 = arith.constant 512 : i32
        %parallel_loop3A_261 = arith.addi %parallel_loop3A_260, %parallel_loop3A_259 : i32
        %parallel_loop3A_262 = vector.broadcast %parallel_loop3A_261 : i32 to vector<16xi32>
        %parallel_loop3A_263 = arith.addi %add3A_66, %parallel_loop3A_262 : vector<16xi32>
        %parallel_loop3A_264 = tpu.vector_load_idx %arg4[%parallel_loop3A_263] : memref<20480xf32, #tpu.memory_space<vmem>>[vector<16xi32>], vector<16xf32>,
        %parallel_loop3A_265 = arith.constant 1 : i32
        %parallel_loop3A_266 = vector.broadcast %parallel_loop3A_265 : i32 to vector<16xi32>
        %parallel_loop3A_267 = arith.subi %parallel_loop3A_263, %parallel_loop3A_266 : vector<16xi32>
        %parallel_loop3A_268 = tpu.vector_load_idx %arg5[%parallel_loop3A_267] : memref<20480xf32, #tpu.memory_space<vmem>>[vector<16xi32>], vector<16xf32>,
        %parallel_loop3A_269 = arith.addf %parallel_loop3A_264, %parallel_loop3A_268 : vector<16xf32>
        %parallel_loop3A_270 = vector.broadcast %cond3A_151 : f32 to vector<16xf32>
        %parallel_loop3A_271 = arith.mulf %parallel_loop3A_269, %parallel_loop3A_270 : vector<16xf32>
        %parallel_loop3A_272 = arith.constant 5 : i32
        %parallel_loop3A_273 = arith.muli %parallel_loop3A_272, %parallel_loop3A_257 : i32
        %parallel_loop3A_274 = arith.constant 0 : i32
        %parallel_loop3A_275 = arith.addi %parallel_loop3A_273, %parallel_loop3A_274 : i32
        %parallel_loop3A_276 = arith.constant 16 : i32
        %parallel_loop3A_277 = arith.muli %parallel_loop3A_276, %parallel_loop3A_275 : i32
        %parallel_loop3A_278 = arith.index_cast %parallel_loop3A_277 : i32 to index
        %parallel_loop3A_279 = tpu.vector_load %arg6[%parallel_loop3A_278] {strides = array<i32>} : memref<10240xf32, #tpu.memory_space<vmem>>, vector<16xf32>,
        tpu.vector_store %arg6[%parallel_loop3A_278], %parallel_loop3A_271 {strides = array<i32>} : memref<10240xf32, #tpu.memory_space<vmem>>, vector<16xf32>,
        %parallel_loop3A_280 = arith.addi %add3A_85, %parallel_loop3A_262 : vector<16xi32>
        %parallel_loop3A_281 = tpu.vector_load_idx %arg4[%parallel_loop3A_280] : memref<20480xf32, #tpu.memory_space<vmem>>[vector<16xi32>], vector<16xf32>,
        %parallel_loop3A_282 = arith.constant 1 : i32
        %parallel_loop3A_283 = vector.broadcast %parallel_loop3A_282 : i32 to vector<16xi32>
        %parallel_loop3A_284 = arith.subi %parallel_loop3A_280, %parallel_loop3A_283 : vector<16xi32>
        %parallel_loop3A_285 = tpu.vector_load_idx %arg5[%parallel_loop3A_284] : memref<20480xf32, #tpu.memory_space<vmem>>[vector<16xi32>], vector<16xf32>,
        %parallel_loop3A_286 = arith.addf %parallel_loop3A_281, %parallel_loop3A_285 : vector<16xf32>
        %parallel_loop3A_287 = vector.broadcast %cond3A_151 : f32 to vector<16xf32>
        %parallel_loop3A_288 = arith.mulf %parallel_loop3A_286, %parallel_loop3A_287 : vector<16xf32>
        %parallel_loop3A_289 = arith.constant 5 : i32
        %parallel_loop3A_290 = arith.muli %parallel_loop3A_289, %parallel_loop3A_257 : i32
        %parallel_loop3A_291 = arith.constant 1 : i32
        %parallel_loop3A_292 = arith.addi %parallel_loop3A_290, %parallel_loop3A_291 : i32
        %parallel_loop3A_293 = arith.constant 16 : i32
        %parallel_loop3A_294 = arith.muli %parallel_loop3A_293, %parallel_loop3A_292 : i32
        %parallel_loop3A_295 = arith.index_cast %parallel_loop3A_294 : i32 to index
        %parallel_loop3A_296 = tpu.vector_load %arg6[%parallel_loop3A_295] {strides = array<i32>} : memref<10240xf32, #tpu.memory_space<vmem>>, vector<16xf32>,
        tpu.vector_store %arg6[%parallel_loop3A_295], %parallel_loop3A_288 {strides = array<i32>} : memref<10240xf32, #tpu.memory_space<vmem>>, vector<16xf32>,
        %parallel_loop3A_297 = arith.addi %add3A_104, %parallel_loop3A_262 : vector<16xi32>
        %parallel_loop3A_298 = tpu.vector_load_idx %arg4[%parallel_loop3A_297] : memref<20480xf32, #tpu.memory_space<vmem>>[vector<16xi32>], vector<16xf32>,
        %parallel_loop3A_299 = arith.constant 1 : i32
        %parallel_loop3A_300 = vector.broadcast %parallel_loop3A_299 : i32 to vector<16xi32>
        %parallel_loop3A_301 = arith.subi %parallel_loop3A_297, %parallel_loop3A_300 : vector<16xi32>
        %parallel_loop3A_302 = tpu.vector_load_idx %arg5[%parallel_loop3A_301] : memref<20480xf32, #tpu.memory_space<vmem>>[vector<16xi32>], vector<16xf32>,
        %parallel_loop3A_303 = arith.addf %parallel_loop3A_298, %parallel_loop3A_302 : vector<16xf32>
        %parallel_loop3A_304 = vector.broadcast %cond3A_151 : f32 to vector<16xf32>
        %parallel_loop3A_305 = arith.mulf %parallel_loop3A_303, %parallel_loop3A_304 : vector<16xf32>
        %parallel_loop3A_306 = arith.constant 5 : i32
        %parallel_loop3A_307 = arith.muli %parallel_loop3A_306, %parallel_loop3A_257 : i32
        %parallel_loop3A_308 = arith.constant 2 : i32
        %parallel_loop3A_309 = arith.addi %parallel_loop3A_307, %parallel_loop3A_308 : i32
        %parallel_loop3A_310 = arith.constant 16 : i32
        %parallel_loop3A_311 = arith.muli %parallel_loop3A_310, %parallel_loop3A_309 : i32
        %parallel_loop3A_312 = arith.index_cast %parallel_loop3A_311 : i32 to index
        %parallel_loop3A_313 = tpu.vector_load %arg6[%parallel_loop3A_312] {strides = array<i32>} : memref<10240xf32, #tpu.memory_space<vmem>>, vector<16xf32>,
        tpu.vector_store %arg6[%parallel_loop3A_312], %parallel_loop3A_305 {strides = array<i32>} : memref<10240xf32, #tpu.memory_space<vmem>>, vector<16xf32>,
        %parallel_loop3A_314 = arith.addi %add3A_123, %parallel_loop3A_262 : vector<16xi32>
        %parallel_loop3A_315 = tpu.vector_load_idx %arg4[%parallel_loop3A_314] : memref<20480xf32, #tpu.memory_space<vmem>>[vector<16xi32>], vector<16xf32>,
        %parallel_loop3A_316 = arith.constant 1 : i32
        %parallel_loop3A_317 = vector.broadcast %parallel_loop3A_316 : i32 to vector<16xi32>
        %parallel_loop3A_318 = arith.subi %parallel_loop3A_314, %parallel_loop3A_317 : vector<16xi32>
        %parallel_loop3A_319 = tpu.vector_load_idx %arg5[%parallel_loop3A_318] : memref<20480xf32, #tpu.memory_space<vmem>>[vector<16xi32>], vector<16xf32>,
        %parallel_loop3A_320 = arith.addf %parallel_loop3A_315, %parallel_loop3A_319 : vector<16xf32>
        %parallel_loop3A_321 = vector.broadcast %cond3A_151 : f32 to vector<16xf32>
        %parallel_loop3A_322 = arith.mulf %parallel_loop3A_320, %parallel_loop3A_321 : vector<16xf32>
        %parallel_loop3A_323 = arith.constant 5 : i32
        %parallel_loop3A_324 = arith.muli %parallel_loop3A_323, %parallel_loop3A_257 : i32
        %parallel_loop3A_325 = arith.constant 3 : i32
        %parallel_loop3A_326 = arith.addi %parallel_loop3A_324, %parallel_loop3A_325 : i32
        %parallel_loop3A_327 = arith.constant 16 : i32
        %parallel_loop3A_328 = arith.muli %parallel_loop3A_327, %parallel_loop3A_326 : i32
        %parallel_loop3A_329 = arith.index_cast %parallel_loop3A_328 : i32 to index
        %parallel_loop3A_330 = tpu.vector_load %arg6[%parallel_loop3A_329] {strides = array<i32>} : memref<10240xf32, #tpu.memory_space<vmem>>, vector<16xf32>,
        tpu.vector_store %arg6[%parallel_loop3A_329], %parallel_loop3A_322 {strides = array<i32>} : memref<10240xf32, #tpu.memory_space<vmem>>, vector<16xf32>,
        %parallel_loop3A_331 = arith.addi %add3A_142, %parallel_loop3A_262 : vector<16xi32>
        %parallel_loop3A_332 = tpu.vector_load_idx %arg4[%parallel_loop3A_331] : memref<20480xf32, #tpu.memory_space<vmem>>[vector<16xi32>], vector<16xf32>,
        %parallel_loop3A_333 = arith.constant 1 : i32
        %parallel_loop3A_334 = vector.broadcast %parallel_loop3A_333 : i32 to vector<16xi32>
        %parallel_loop3A_335 = arith.subi %parallel_loop3A_331, %parallel_loop3A_334 : vector<16xi32>
        %parallel_loop3A_336 = tpu.vector_load_idx %arg5[%parallel_loop3A_335] : memref<20480xf32, #tpu.memory_space<vmem>>[vector<16xi32>], vector<16xf32>,
        %parallel_loop3A_337 = arith.addf %parallel_loop3A_332, %parallel_loop3A_336 : vector<16xf32>
        %parallel_loop3A_338 = vector.broadcast %cond3A_151 : f32 to vector<16xf32>
        %parallel_loop3A_339 = arith.mulf %parallel_loop3A_337, %parallel_loop3A_338 : vector<16xf32>
        %parallel_loop3A_340 = arith.constant 5 : i32
        %parallel_loop3A_341 = arith.muli %parallel_loop3A_340, %parallel_loop3A_257 : i32
        %parallel_loop3A_342 = arith.constant 4 : i32
        %parallel_loop3A_343 = arith.addi %parallel_loop3A_341, %parallel_loop3A_342 : i32
        %parallel_loop3A_344 = arith.constant 16 : i32
        %parallel_loop3A_345 = arith.muli %parallel_loop3A_344, %parallel_loop3A_343 : i32
        %parallel_loop3A_346 = arith.index_cast %parallel_loop3A_345 : i32 to index
        %parallel_loop3A_347 = tpu.vector_load %arg6[%parallel_loop3A_346] {strides = array<i32>} : memref<10240xf32, #tpu.memory_space<vmem>>, vector<16xf32>,
        tpu.vector_store %arg6[%parallel_loop3A_346], %parallel_loop3A_339 {strides = array<i32>} : memref<10240xf32, #tpu.memory_space<vmem>>, vector<16xf32>,
      } {sc.loop_unroll_factor = 2 : i64, sc.parallel_access}
      %add3A_156 = arith.constant 9760 : i32
      %add3A_157 = arith.addi %mul3A_32, %add3A_156 : i32
      %add3A_158 = vector.broadcast %add3A_157 : i32 to vector<16xi32>
      %add3A_159 = arith.addi %add3A_158, %iota3A : vector<16xi32>
      %convert_element_type3A_160 = arith.sitofp %add3A_159 : vector<16xi32> to vector<16xf32>
      %mul3A_161 = arith.constant 5.000000e-02 : f32
      %mul3A_162 = vector.broadcast %mul3A_161 : f32 to vector<16xf32>
      %mul3A_163 = arith.mulf %convert_element_type3A_160, %mul3A_162 : vector<16xf32>
      %add3A_164 = arith.constant 1.000000e-03 : f32
      %add3A_165 = vector.broadcast %add3A_164 : f32 to vector<16xf32>
      %add3A_166 = arith.addf %mul3A_163, %add3A_165 : vector<16xf32>
      %convert_element_type3A_167 = arith.fptosi %add3A_166 : vector<16xf32> to vector<16xi32>
      %mul3A_168 = arith.constant 20 : i32
      %mul3A_169 = vector.broadcast %mul3A_168 : i32 to vector<16xi32>
      %mul3A_170 = arith.muli %mul3A_169, %convert_element_type3A_167 : vector<16xi32>
      %sub3A_171 = arith.subi %add3A_159, %mul3A_170 : vector<16xi32>
      %shift_left3A_172 = arith.constant 10 : i32
      %shift_left3A_173 = vector.broadcast %shift_left3A_172 : i32 to vector<16xi32>
      %shift_left3A_174 = arith.shli %sub3A_171, %shift_left3A_173 : vector<16xi32>
      %min3A = arith.constant 999 : i32
      %min3A_175 = vector.broadcast %min3A : i32 to vector<16xi32>
      %min3A_176 = arith.minsi %convert_element_type3A_167, %min3A_175 : vector<16xi32>
      %add3A_177 = arith.addi %shift_left3A_174, %min3A_176 : vector<16xi32>
      %gather3A = tpu.vector_load_idx %arg4[%add3A_177] : memref<20480xf32, #tpu.memory_space<vmem>>[vector<16xi32>], vector<16xf32>,
      %le3A = arith.constant 999 : i32
      %le3A_178 = vector.broadcast %le3A : i32 to vector<16xi32>
      %le3A_179 = arith.cmpi sle, %convert_element_type3A_167, %le3A_178 : vector<16xi32>
      %select_n3A_180 = arith.select %le3A_179, %gather3A, %broadcast_in_dim3A_49 : vector<16xi1>, vector<16xf32>
      %sub3A_181 = arith.constant 1 : i32
      %sub3A_182 = vector.broadcast %sub3A_181 : i32 to vector<16xi32>
      %sub3A_183 = arith.subi %convert_element_type3A_167, %sub3A_182 : vector<16xi32>
      %max3A = arith.constant 0 : i32
      %max3A_184 = vector.broadcast %max3A : i32 to vector<16xi32>
      %max3A_185 = arith.maxsi %sub3A_183, %max3A_184 : vector<16xi32>
      %min3A_186 = arith.constant 999 : i32
      %min3A_187 = vector.broadcast %min3A_186 : i32 to vector<16xi32>
      %min3A_188 = arith.minsi %max3A_185, %min3A_187 : vector<16xi32>
      %add3A_189 = arith.addi %shift_left3A_174, %min3A_188 : vector<16xi32>
      %gather3A_190 = tpu.vector_load_idx %arg5[%add3A_189] : memref<20480xf32, #tpu.memory_space<vmem>>[vector<16xi32>], vector<16xf32>,
      %ge3A = arith.constant 1 : i32
      %ge3A_191 = vector.broadcast %ge3A : i32 to vector<16xi32>
      %ge3A_192 = arith.cmpi sge, %convert_element_type3A_167, %ge3A_191 : vector<16xi32>
      %le3A_193 = arith.constant 1000 : i32
      %le3A_194 = vector.broadcast %le3A_193 : i32 to vector<16xi32>
      %le3A_195 = arith.cmpi sle, %convert_element_type3A_167, %le3A_194 : vector<16xi32>
      %and3A_196 = arith.andi %ge3A_192, %le3A_195 : vector<16xi1>
      %select_n3A_197 = arith.select %and3A_196, %gather3A_190, %broadcast_in_dim3A_49 : vector<16xi1>, vector<16xf32>
      %add3A_198 = arith.addf %select_n3A_180, %select_n3A_197 : vector<16xf32>
      %mul3A_199 = vector.broadcast %cond3A_151 : f32 to vector<16xf32>
      %mul3A_200 = arith.mulf %add3A_198, %mul3A_199 : vector<16xf32>
      %swap3A = arith.constant 9760 : index
      %swap3A_201 = tpu.vector_load %arg6[%swap3A] {strides = array<i32>} : memref<10240xf32, #tpu.memory_space<vmem>>, vector<16xf32>,
      tpu.vector_store %arg6[%swap3A], %mul3A_200 {strides = array<i32>} : memref<10240xf32, #tpu.memory_space<vmem>>, vector<16xf32>,
      %add3A_202 = arith.constant 9776 : i32
      %add3A_203 = arith.addi %mul3A_32, %add3A_202 : i32
      %add3A_204 = vector.broadcast %add3A_203 : i32 to vector<16xi32>
      %add3A_205 = arith.addi %add3A_204, %iota3A : vector<16xi32>
      %convert_element_type3A_206 = arith.sitofp %add3A_205 : vector<16xi32> to vector<16xf32>
      %mul3A_207 = arith.constant 5.000000e-02 : f32
      %mul3A_208 = vector.broadcast %mul3A_207 : f32 to vector<16xf32>
      %mul3A_209 = arith.mulf %convert_element_type3A_206, %mul3A_208 : vector<16xf32>
      %add3A_210 = arith.constant 1.000000e-03 : f32
      %add3A_211 = vector.broadcast %add3A_210 : f32 to vector<16xf32>
      %add3A_212 = arith.addf %mul3A_209, %add3A_211 : vector<16xf32>
      %convert_element_type3A_213 = arith.fptosi %add3A_212 : vector<16xf32> to vector<16xi32>
      %mul3A_214 = arith.constant 20 : i32
      %mul3A_215 = vector.broadcast %mul3A_214 : i32 to vector<16xi32>
      %mul3A_216 = arith.muli %mul3A_215, %convert_element_type3A_213 : vector<16xi32>
      %sub3A_217 = arith.subi %add3A_205, %mul3A_216 : vector<16xi32>
      %shift_left3A_218 = arith.constant 10 : i32
      %shift_left3A_219 = vector.broadcast %shift_left3A_218 : i32 to vector<16xi32>
      %shift_left3A_220 = arith.shli %sub3A_217, %shift_left3A_219 : vector<16xi32>
      %min3A_221 = arith.constant 999 : i32
      %min3A_222 = vector.broadcast %min3A_221 : i32 to vector<16xi32>
      %min3A_223 = arith.minsi %convert_element_type3A_213, %min3A_222 : vector<16xi32>
      %add3A_224 = arith.addi %shift_left3A_220, %min3A_223 : vector<16xi32>
      %gather3A_225 = tpu.vector_load_idx %arg4[%add3A_224] : memref<20480xf32, #tpu.memory_space<vmem>>[vector<16xi32>], vector<16xf32>,
      %le3A_226 = arith.constant 999 : i32
      %le3A_227 = vector.broadcast %le3A_226 : i32 to vector<16xi32>
      %le3A_228 = arith.cmpi sle, %convert_element_type3A_213, %le3A_227 : vector<16xi32>
      %select_n3A_229 = arith.select %le3A_228, %gather3A_225, %broadcast_in_dim3A_49 : vector<16xi1>, vector<16xf32>
      %sub3A_230 = arith.constant 1 : i32
      %sub3A_231 = vector.broadcast %sub3A_230 : i32 to vector<16xi32>
      %sub3A_232 = arith.subi %convert_element_type3A_213, %sub3A_231 : vector<16xi32>
      %max3A_233 = arith.constant 0 : i32
      %max3A_234 = vector.broadcast %max3A_233 : i32 to vector<16xi32>
      %max3A_235 = arith.maxsi %sub3A_232, %max3A_234 : vector<16xi32>
      %min3A_236 = arith.constant 999 : i32
      %min3A_237 = vector.broadcast %min3A_236 : i32 to vector<16xi32>
      %min3A_238 = arith.minsi %max3A_235, %min3A_237 : vector<16xi32>
      %add3A_239 = arith.addi %shift_left3A_220, %min3A_238 : vector<16xi32>
      %gather3A_240 = tpu.vector_load_idx %arg5[%add3A_239] : memref<20480xf32, #tpu.memory_space<vmem>>[vector<16xi32>], vector<16xf32>,
      %ge3A_241 = arith.constant 1 : i32
      %ge3A_242 = vector.broadcast %ge3A_241 : i32 to vector<16xi32>
      %ge3A_243 = arith.cmpi sge, %convert_element_type3A_213, %ge3A_242 : vector<16xi32>
      %le3A_244 = arith.constant 1000 : i32
      %le3A_245 = vector.broadcast %le3A_244 : i32 to vector<16xi32>
      %le3A_246 = arith.cmpi sle, %convert_element_type3A_213, %le3A_245 : vector<16xi32>
      %and3A_247 = arith.andi %ge3A_243, %le3A_246 : vector<16xi1>
      %select_n3A_248 = arith.select %and3A_247, %gather3A_240, %broadcast_in_dim3A_49 : vector<16xi1>, vector<16xf32>
      %add3A_249 = arith.addf %select_n3A_229, %select_n3A_248 : vector<16xf32>
      %mul3A_250 = vector.broadcast %cond3A_151 : f32 to vector<16xf32>
      %mul3A_251 = arith.mulf %add3A_249, %mul3A_250 : vector<16xf32>
      %swap3A_252 = arith.constant 9776 : index
      %swap3A_253 = tpu.vector_load %arg6[%swap3A_252] {strides = array<i32>} : memref<10240xf32, #tpu.memory_space<vmem>>, vector<16xf32>,
      tpu.vector_store %arg6[%swap3A_252], %mul3A_251 {strides = array<i32>} : memref<10240xf32, #tpu.memory_space<vmem>>, vector<16xf32>,
      %parallel_loop3A_254 = arith.constant 612 : i32
      %parallel_loop3A_255 = arith.constant 640 : i32
      %parallel_loop3A_256 = arith.constant 1 : i32
      scf.for %parallel_loop3A_257 = %parallel_loop3A_254 to %parallel_loop3A_255 step %parallel_loop3A_256  : i32 {
        %parallel_loop3A_258 = arith.constant 16 : i32
        %parallel_loop3A_259 = arith.muli %parallel_loop3A_258, %parallel_loop3A_257 : i32
        %parallel_loop3A_260 = arith.index_cast %parallel_loop3A_259 : i32 to index
        %parallel_loop3A_261 = tpu.vector_load %arg6[%parallel_loop3A_260] {strides = array<i32>} : memref<10240xf32, #tpu.memory_space<vmem>>, vector<16xf32>,
        tpu.vector_store %arg6[%parallel_loop3A_260], %broadcast_in_dim3A_49 {strides = array<i32>} : memref<10240xf32, #tpu.memory_space<vmem>>, vector<16xf32>,
      } {sc.loop_unroll_factor = 1 : i64, sc.parallel_access}
    } else {
    }
    "tpu.region"() ({
      %run_scoped3A = tpu.sem_alloc : memref<!tpu.dma_semaphore, #tpu.memory_space<semaphore_mem>>
      %dma_start3A_154 = tpu.memref_slice %arg3[%add3A_30, %mul3A_32] : memref<16x20480xf32, #tpu.memory_space<hbm>> -> memref<1x10240xf32, #tpu.memory_space<hbm>>
      %dma_start3A_155 = tpu.memref_squeeze %dma_start3A_154 : memref<1x10240xf32, #tpu.memory_space<hbm>> -> memref<10240xf32, #tpu.memory_space<hbm>>
      %dma_start3A_156 = tpu.memref_slice %arg3[%add3A_30, %mul3A_32] : memref<16x20480xf32, #tpu.memory_space<hbm>> -> memref<1x10240xf32, #tpu.memory_space<hbm>>
      %dma_start3A_157 = tpu.memref_squeeze %dma_start3A_156 : memref<1x10240xf32, #tpu.memory_space<hbm>> -> memref<10240xf32, #tpu.memory_space<hbm>>
      tpu.enqueue_dma source(%arg6 : memref<10240xf32, #tpu.memory_space<vmem>>) target(%dma_start3A_157 : memref<10240xf32, #tpu.memory_space<hbm>>) target_semaphore(%run_scoped3A : memref<!tpu.dma_semaphore, #tpu.memory_space<semaphore_mem>>)
      %dma_wait3A_158 = tpu.memref_slice %arg3[%add3A_30, %mul3A_32] : memref<16x20480xf32, #tpu.memory_space<hbm>> -> memref<1x10240xf32, #tpu.memory_space<hbm>>
      %dma_wait3A_159 = tpu.memref_squeeze %dma_wait3A_158 : memref<1x10240xf32, #tpu.memory_space<hbm>> -> memref<10240xf32, #tpu.memory_space<hbm>>
      %dma_wait3A_160 = tpu.memref_slice %arg3[%add3A_30, %mul3A_32] : memref<16x20480xf32, #tpu.memory_space<hbm>> -> memref<1x10240xf32, #tpu.memory_space<hbm>>
      %dma_wait3A_161 = tpu.memref_squeeze %dma_wait3A_160 : memref<1x10240xf32, #tpu.memory_space<hbm>> -> memref<10240xf32, #tpu.memory_space<hbm>>
      tpu.wait_dma2 semaphore(%run_scoped3A : memref<!tpu.dma_semaphore, #tpu.memory_space<semaphore_mem>>) src(%arg6 : memref<10240xf32, #tpu.memory_space<vmem>>) dst(%dma_wait3A_161 : memref<10240xf32, #tpu.memory_space<hbm>>)
      tpu.yield
    }) : () -> ()
    return
  }
}

</mosaic_0001>

<sc_bundles>
// kernel: kernel.4.cloned.1.call-start
scs
__scs_entry_jumppad:
0x0: {  	(pc) =	sbr.rel $0x88, $3  }
0x1: {  	(tag) =	ssettag $0x0;
	lr =	simm.s32 $0x1  }
0x2: {  	[smem:$0x3FA0] =	sst lr;
	_ =	strace $0xD0000000  }
0x3: {  	_ = 	snop  }
0x4: {  	_ = 	snop  }
0x5: {  	_ = 	snop  }
0x6: {  	_ = 	snop  }
0x7: {  	_ = 	snop  }
__scs_overlays_trampoline_lowered:
0x8: {  	[smem:$0x3FAF] =	sst s0  }
0x9: {  	[smem:$0x3FB0] =	sst s1  }
0xa: {  	[smem:$0x3FB1] =	sst s2  }
0xb: {  	[smem:$0x3FB2] =	sst s3  }
0xc: {  	[smem:$0x3FB3] =	sst s4  }
0xd: {  	[smem:$0x3FB4] =	sst s5  }
0xe: {  	[smem:$0x3FB5] =	sst s6  }
0xf: {  	[smem:$0x3FB6] =	sst s7  }
0x10: {  	[smem:$0x3FB7] =	sst s8  }
0x11: {  	[smem:$0x3FB8] =	sst s9;
	s0 =	simm.s32 @!p0 $0x0  }
0x12: {  	s1 =	sld [smem:$0x3F9E];
	s0 =	simm.s32 @p0 $0x1  }
0x13: {  	[smem:$0x3FB9] =	sst s0;
	s0 =	simm.s32 @!p1 $0x0  }
0x14: {  	s2 =	sld [smem:$0x3F9D];
	s0 =	simm.s32 @p1 $0x1  }
0x15: {  	[smem:$0x3FBA] =	sst s0;
	s0 =	simm.s32 @!p2 $0x0  }
0x16: {  	s3 =	sld [smem:$0x3FDB];
	s0 =	simm.s32 @p2 $0x1  }
0x17: {  	s4 =	simm.s32 $0x1BF5;
	[smem:$0x3FBC] =	sst s0  }
0x18: {  	s0 =	sld [smem:$0x3F9F];
	_ =	swait.ge [sflag:s4], $0x0  }
0x19: {  	s7 =	sld [smem:$0x3FA0]  }
0x1a: {  	s8 =	sadd.s32 $0xFFFFE003, lr  }
0x1b: {  	s9 =	sadd.s32 $0xFFFFFEF7, lr;
	s5 =	simm.s32 $0xFFFFFFFF;
	p2 =	slt.u32 s8, $0xFFFFF086  }
0x1c: {  	p1 =	slt.u32 s9, $0xF7A;
	s5 =	simm.s32 @!p2 $0x0  }
0x1d: {  	s5 =	simm.s32 @p1 $0x1;
	p0 =	seq.s32 s7, s2  }
0x1e: {  	s7 =	smul.u32 @!p0 $0xF7A, s2;
	p2 =	seq.s32 @!p0 s5, $0x0  }
0x1f: {  	s9 =	smul.u32 $0xF7A, s1;
	s8 =	simm.s32 @!p0 $0x1BF5;
	p2 =	por !p2, p0  }
0x20: {  	[sflag:s8] =	ssyncset.s32 @!p0 $0xFFFFF086;
	s6 =	sadd.s32 @!p0 s3, s7;
	s7 =	simm.s32 @!p0 $0x108  }
0x21: {  	s3 =	sadd.s32 s3, s9;
	s6 =	sadd.s32 @!p0 $0x88, s6;
	s7 =	simm.s32 @p2 $0x1082  }
0x22: {  	[simem:s7], [sflag:s8] =	dma.local @!p0 [hbm:s6], $0xF7A  }
0x23: {  	s9 =	sor.u32 $0xD0000000, s2;
	s6 =	simm.s32 $0x108;
	_ =	swait.ge @!p0 [sflag:s8], $0x0  }
0x24: {  	s3 =	sadd.s32 $0x88, s3;
	s6 =	simm.s32 @!p1 $0x1082;
	[sflag:s4] =	ssyncset.s32 $0xFFFFF086  }
0x25: {  	[simem:s6], [sflag:s4] =	dma.local [hbm:s3], $0xF7A  }
0x26: {  	[smem:$0x3FA0] =	sst s1;
	(tag) =	ssettag s2;
	_ =	strace s9  }
0x27: {  	s1 =	sld [smem:$0x3FB0]  }
0x28: {  	s2 =	sld [smem:$0x3FB1]  }
0x29: {  	s4 =	sld [smem:$0x3FB3]  }
0x2a: {  	p0 =	seq.s32 s5, $0x0;
	s5 =	sld [smem:$0x3FB4]  }
0x2b: {  	s6 =	sld [smem:$0x3FB5]  }
0x2c: {  	s7 =	sld [smem:$0x3FB6]  }
0x2d: {  	s3 =	simm.s32 $0x108;
	s8 =	sld [smem:$0x3FB7]  }
0x2e: {  	s3 =	simm.s32 @!p0 $0x1082;
	s9 =	sld [smem:$0x3FB8]  }
0x2f: {  	lr =	sadd.s32 s0, s3;
	s0 =	sld [smem:$0x3FAF]  }
0x30: {  	s3 =	sld [smem:$0x3FB2]  }
0x31: {  	[smem:$0x3FBB] =	sst s10  }
0x32: {  	s10 =	sld [smem:$0x3FB9];
	_ =	sdelay $0x3  }
0x33: {  	p0 =	seq.s32 s10, $0x1;
	s10 =	sld [smem:$0x3FBB];
	_ =	sdelay $0x3  }
0x34: {  	[smem:$0x3FBB] =	sst s10  }
0x35: {  	s10 =	sld [smem:$0x3FBA];
	_ =	sdelay $0x3  }
0x36: {  	p1 =	seq.s32 s10, $0x1;
	s10 =	sld [smem:$0x3FBB];
	_ =	sdelay $0x3  }
0x37: {  	[smem:$0x3FBB] =	sst s10  }
0x38: {  	s10 =	sld [smem:$0x3FBC]  }
0x39: {  	_ = 	snop;
	(pc) =	sbr.ind lr, $3  }
0x3a: {  	_ = 	snop  }
0x3b: {  	_ = 	snop  }
0x3c: {  	p2 =	seq.s32 s10, $0x1;
	s10 =	sld [smem:$0x3FBB]  }
0x3d: {  	_ =	shalt  }
0x3e: {  	_ =	shalt  }
0x3f: {  	_ =	shalt  }
0x40: {  	_ =	shalt  }
0x41: {  	_ =	shalt  }
0x42: {  	_ =	shalt  }
0x43: {  	_ =	shalt  }
0x44: {  	_ =	shalt  }
0x45: {  	_ =	shalt  }
0x46: {  	_ =	shalt  }
0x47: {  	_ =	shalt  }
0x48: {  	_ =	shalt  }
0x49: {  	_ =	shalt  }
0x4a: {  	_ =	shalt  }
0x4b: {  	_ =	shalt  }
0x4c: {  	_ =	shalt  }
0x4d: {  	_ =	shalt  }
0x4e: {  	_ =	shalt  }
0x4f: {  	_ =	shalt  }
0x50: {  	_ =	shalt  }
0x51: {  	_ =	shalt  }
0x52: {  	_ =	shalt  }
0x53: {  	_ =	shalt  }
0x54: {  	_ =	shalt  }
0x55: {  	_ =	shalt  }
0x56: {  	_ =	shalt  }
0x57: {  	_ =	shalt  }
0x58: {  	_ =	shalt  }
0x59: {  	_ =	shalt  }
0x5a: {  	_ =	shalt  }
0x5b: {  	_ =	shalt  }
0x5c: {  	_ =	shalt  }
0x5d: {  	_ =	shalt  }
0x5e: {  	_ =	shalt  }
0x5f: {  	_ =	shalt  }
0x60: {  	_ =	shalt  }
0x61: {  	_ =	shalt  }
0x62: {  	_ =	shalt  }
0x63: {  	_ =	shalt  }
0x64: {  	_ =	shalt  }
0x65: {  	_ =	shalt  }
0x66: {  	_ =	shalt  }
0x67: {  	_ =	shalt  }
0x68: {  	_ =	shalt  }
0x69: {  	_ =	shalt  }
0x6a: {  	_ =	shalt  }
0x6b: {  	_ =	shalt  }
0x6c: {  	_ =	shalt  }
0x6d: {  	_ =	shalt  }
0x6e: {  	_ =	shalt  }
0x6f: {  	_ =	shalt  }
0x70: {  	_ =	shalt  }
0x71: {  	_ =	shalt  }
0x72: {  	_ =	shalt  }
0x73: {  	_ =	shalt  }
0x74: {  	_ =	shalt  }
0x75: {  	_ =	shalt  }
0x76: {  	_ =	shalt  }
0x77: {  	_ =	shalt  }
0x78: {  	_ =	shalt  }
0x79: {  	_ =	shalt  }
0x7a: {  	_ =	shalt  }
0x7b: {  	_ =	shalt  }
0x7c: {  	_ =	shalt  }
0x7d: {  	_ =	shalt  }
0x7e: {  	_ =	shalt  }
0x7f: {  	_ =	shalt  }
0x80: {  	_ =	shalt  }
0x81: {  	_ =	shalt  }
0x82: {  	_ =	shalt  }
0x83: {  	_ =	shalt  }
0x84: {  	_ =	shalt  }
0x85: {  	_ =	shalt  }
0x86: {  	_ =	shalt  }
0x87: {  	_ =	shalt  }
.Lfunc_end0:
.L_simem_size_0:
called_computation_lowered:
.L_overlay_start_0:
0x88: {  	s2 =	sld [smem:$0x3FD9]  }
0x89: {  	s3 =	sld [smem:$0x3FFE];
	_ =	sdelay $0x1  }
0x8a: {  	s1 =	srdreg.scid  }
0x8b: {  	s0 =	sand.u32 $0x1, s1  }
0x8c: {  	s17 =	sshll.u32 s0, $0xA;
	s2 =	sadd.s32 s3, s2  }
0x8d: {  	s2 =	sadd.s32 s2, s17  }
0x8e: {  	[smem:$0x3FC7] =	sst s2  }
0x8f: {  	_ = 	snop  }
0x90: {  	s2 =	sld [smem:$0x3FC9];
	(tm) =	ssettm $0x1  }
0x91: {  	s18 =	sld [smem:$0x3FFB];
	_ =	sdelay $0x3  }
0x92: {  	_ =	strace s18  }
0x93: {  	s3 =	sld [smem:$0x3FFC];
	_ =	sdelay $0x3  }
0x94: {  	_ =	strace s3  }
0x95: {  	s3 =	sld [smem:$0x3FFD];
	_ =	sdelay $0x3  }
0x96: {  	_ =	strace s3  }
0x97: {  	_ =	strace $0x8FFFFFFF  }
0x98: {  	s19 =	sld [smem:$0x3FDB];
	_ =	sdelay $0x1  }
0x99: {  	s4 =	simm.s32 $_scs_section_size  }
0x9a: {  	s5 =	simm.s32 $_size__tile_overlayer_lowered;
	s6 =	simm.s32 $_tile_overlayer_lowered  }
0x9b: {  	s22 =	simm.s32 $0x1BFF;
	s21 =	sshll.u32 s6, $0x1;
	s3 =	sadd.s32 s4, s19  }
0x9c: {  	s7 =	simm.s32 $0x0;
	s20 =	sshll.u32 s5, $0x1;
	s5 =	sadd.s32 s21, s3  }
0x9d: {  	[timem:s7], [sflag:s22] =	dma.local [hbm:s5], s20  }
0x9e: {  	_ =	swait.ge [sflag:s22], s20  }
0x9f: {  	s4 =	ssub.s32 $0x0, s20;
	[sflag:s22] =	ssyncset.done $0x0  }
0xa0: {  	[sflag:s22] =	ssyncadd.s32 s4;
	_ =	sdelay $0x1  }
0xa1: {  	s23 =	simm.s32 $0x1B8B  }
0xa2: {  	_ =	swait.ge [sflag:s23], $0x1  }
0xa3: {  	[sflag:s23] =	ssyncset.done $0x0  }
0xa4: {  	s25 =	simm.s32 $0x1B8E;
	s24 =	sld [smem:$0x3FFE];
	[sflag:s23] =	ssyncadd.s32 $0xFFFFFFFF  }
0xa5: {  	s26 =	simm.s32 $execute0_lowered;
	[smem:$0x3FD2] =	sst s25  }
0xa6: {  	s5 =	sshll.u32 s26, $0x1;
	_ =	strace $0x80000046;
	[dreg:$0x1] =	wrdreg $0xFFFFFFFF  }
0xa7: {  	s28 =	simm.s32 $_size_execute0_lowered;
	s3 =	sadd.s32 s3, s5;
	[dreg:$0x0] =	wrdreg $0x0  }
0xa8: {  	s5 =	sshll.u32 s28, $0x1;
	[dreg:$0x2] =	wrdreg s3  }
0xa9: {  	[dreg:$0x3] =	wrdreg s5  }
0xaa: {  	[dreg:$0x4] =	wrdreg $0xC0  }
0xab: {  	_ =	task [dreg:s7], $0x5FFFF  }
0xac: {  	[dreg:$0x1] =	wrdreg $0xFFFFFFFF  }
0xad: {  	[dreg:$0x0] =	wrdreg $0x60  }
0xae: {  	[dreg:$0x2] =	wrdreg s2  }
0xaf: {  	[dreg:$0x3] =	wrdreg s24  }
0xb0: {  	[dreg:$0x4] =	wrdreg $0x9  }
0xb1: {  	_ =	task.clear_ibuf [dreg:s7], $0x5FFFF;
	_ =	strace $0x90000046  }
0xb2: {  	s29 =	simm.s32 $0x9;
	_ =	strace $0x80000048  }
0xb3: {  	_ =	swait.ge [sflag:s29], $0x1  }
0xb4: {  	[sflag:s29] =	ssyncadd.s32 $0xFFFFFFFF  }
0xb5: {  	_ =	strace $0x90000048  }
0xb6: {  	_ =	sfence  }
0xb7: {  	s30 =	sld [smem:$0x0];
	_ =	sdelay $0x2  }
0xb8: {  	s31 =	sshll.u32 s1, $0xD;
	s1 =	sshrl.u32 s1, $0x2  }
0xb9: {  	s3 =	sand.u32 $0x4000, s31;
	s1 =	sadd.s32 s1, s30  }
0xba: {  	s0 =	sor.u32 s3, s0;
	s1 =	sshll.u32 s1, $0x11  }
0xbb: {  	s0 =	sor.u32 s1, s0  }
0xbc: {  	s0 =	sadd.s32 $0x8F2B, s0  }
0xbd: {  	[sflag:s0] =	ssyncadd.remote.s32 $0x1  }
0xbe: {  	_ =	sfence.sel $0xFFFF  }
0xbf: {  	[dreg:$0x0] =	wrdreg $0xFFFFFFFF;
	(pc) =	sbr.abs _section_cstart, $3  }
0xc0: {  	[dreg:$0x1] =	wrdreg $0xFFFFFFFF  }
0xc1: {  	_ =	task.clear_ibuf [dreg:s7], $0x2FFFF;
	_ =	strace $0x9FFFFFFF  }
0xc2: {  	(tm) =	ssettm $0x7FFFFFFF  }
0xc3: {  	_ =	shalt  }
tec
execute0_lowered:
.L_overlay_start_1:
0x0: {  	(tag) =	ssettag $0x1  }
0x1: {  	s1 =	srdreg.scid;
	s2 =	rddreg [dreg:$0x0]  }
0x2: {  	s0 =	stileid.u32;
	s6 =	rddreg [dreg:$0x1];
	s4 =	simm.s32 $0x0  }
0x3: {  	s11 =	simm.s32 $0xA000;
	s12 =	simm.s32 $0x1;
	s13 =	simm.s32 $0x2  }
0x4: {  	s14 =	simm.s32 $0x14000;
	s15 =	simm.s32 $0x3;
	s5 =	sand.u32 $0x1, s1  }
0x5: {  	s28 =	sshrl.u32 s0, $0x1;
	s8 =	sand.u32 $0x1, s0;
	s3 =	sshll.u32 s5, $0x3  }
0x6: {  	s16 =	simm.s32 $0x0;
	s9 =	smul.u32 $0xC8000, s8;
	s7 =	sor.u32 s28, s3  }
0x7: {  	v0 =	vimm.s32 $0xFEDCBA98;
	s1 =	rddreg [dreg:$0x2];
	s3 =	smul.u32 $0x190000, s7;
	s7 =	sshll.u32 s7, $0x1  }
0x8: {  	v1 =	vimm.s32 $0x76543210;
	v0 =	vunpack.c.l.s4.s8 v0;
	s10 =	ssub.s32 $0x2, s5;
	s7 =	sor.u32 s8, s7;
	s8 =	smul.u32 $0x320, s8  }
.Ltmp0:
0x9: {  	[smem:$0x7FF] =	sst s4;
	v1 =	vunpack.c.l.s4.s8 v1;
	s31 =	sshrl.u32 s10, $0x1;
	(pc) =	sbr.rel .LBB2_1-.Ltmp0, $4  }
0xa: {  	v0 =	vunpack.c.0.s8.s32 v0;
	s10 =	ssub.s32 s10, s31;
	s7 =	smul.u32 $0xC00, s7;
	s9 =	sadd.s32 s9, s3  }
0xb: {  	_ =	strace $0x80000047;
	v1 =	vunpack.c.0.s8.s32 v1;
	s10 =	smax.u32 s10, $0x1;
	s29 =	sshrl.u32 s9, $0x3  }
0xc: {  	v0 =	vand.u32 $0xF, v0;
	s30 =	sadd.s32 s7, s6;
	s5 =	sadd.s32 s2, s29;
	s7 =	sadd.s32 $0x50, s8  }
0xd: {  	vm0 =	vmmov $0xff;
	v0 =	vcombine.low v0, v1;
	s8 =	sadd.s32 $0x78, s8;
	s6 =	sadd.s32 $0x1400, s5;
	s9 =	sadd.s32 $0x800, s30  }
.LBB2_20:
0xe: {  	s16 =	sadd.s32 $0x1, s16  }
0xf: {  	p0 =	sne.s32 s16, s10  }
.Ltmp1:
0x10: {  	_ = 	snop;
	(pc) =	sbr.rel @!p0 .LBB2_21-.Ltmp1, $4  }
0x11: {  	[hbm4b:s9+s4] =	stream.linear.scatter [tilespmem:s14], [sflag:$0x3], $0x6000, $0x38;
	[tilespmem:$0x1A000] =	vst v63  }
0x12: {  	_ =	swait.ge [sflag:s15], $0x6000  }
0x13: {  	[sflag:s15] =	ssyncset.done $0x0  }
0x14: {  	[sflag:s15] =	ssyncadd.s32 $0xFFFFA000  }
.LBB2_1:
0x15: {  	[tilespmem:s4], [sflag:$0x1] =	stream.linear.gather [hbm4b:s5+s4], $0xA000, $0x38;
	[tilespmem:$0x1A000] =	vst v63  }
0x16: {  	s17 =	simm.s32 $0x0  }
0x17: {  	[tilespmem:s11], [sflag:$0x2] =	stream.linear.gather [hbm4b:s6+s4], $0xA000, $0x38;
	[tilespmem:$0x1A000] =	vst v63  }
.LBB2_2:
0x18: {  	_ =	swait.ge [sflag:s12], $0xA000;
	s18 =	simm.s32 $0x0  }
0x19: {  	[sflag:s12] =	ssyncset.done $0x0;
	s19 =	sand.u32 $0xE000, s18;
	s18 =	sand.u32 $0x380, s18  }
0x1a: {  	[sflag:s12] =	ssyncadd.s32 $0xFFFF6000;
	s18 =	sor.u32 s18, s19  }
0x1b: {  	v1 =	vld [tilespmem:s18+$0x470]  }
0x1c: {  	v3 =	vld [tilespmem:s18+$0x0]  }
0x1d: {  	v4 =	vld [tilespmem:s18+$0x10]  }
0x1e: {  	v5 =	vld [tilespmem:s18+$0x20]  }
0x1f: {  	v6 =	vld [tilespmem:s18+$0x30]  }
0x20: {  	v7 =	vld [tilespmem:s18+$0x40]  }
0x21: {  	v8 =	vld [tilespmem:s18+$0x50]  }
0x22: {  	v9 =	vld [tilespmem:s18+$0x60]  }
0x23: {  	v2 =	vimm.f32 $0.0e+00;
	v12 =	vld [tilespmem:s18+$0x70]  }
0x24: {  	v13 =	vld [tilespmem:s18+$0x400];
	v1 =	vadd.f32 v1, v2  }
0x25: {  	v16 =	vadd.f32 v3, v2;
	v15 =	vadd.f32 v4, v2  }
0x26: {  	v20 =	vld [tilespmem:s18+$0x410];
	v14 =	vadd.f32 v5, v2;
	v10 =	vadd.f32 v6, v2  }
0x27: {  	v19 =	vld [tilespmem:s18+$0x420];
	v11 =	vadd.f32 v7, v2;
	v7 =	vadd.f32 v8, v2  }
0x28: {  	v17 =	vld [tilespmem:s18+$0x430];
	v8 =	vadd.f32 v9, v2;
	v4 =	vadd.f32 v12, v2  }
0x29: {  	s20 =	simm.s32 $0x400;
	s19 =	simm.s32 $0x80;
	v18 =	vld [tilespmem:s18+$0x440];
	v9 =	vadd.f32 v13, v2;
	v12 =	vimm.f32 $0.0e+00;
	v5 =	vimm.f32 $0.0e+00  }
0x2a: {  	s21 =	sand.u32 $0xE000, s20;
	s20 =	simm.s32 $0x800;
	s22 =	sand.u32 $0x380, s19;
	v21 =	vld [tilespmem:s18+$0x450];
	v13 =	vimm.f32 $0.0e+00;
	v6 =	vimm.f32 $0.0e+00;
	v3 =	vimm.f32 $0.0e+00  }
.LBB2_3:
0x2b: {  	p0 =	sne.s32 s20, $0x9C00;
	v2 =	vadd.f32 v20, v2;
	v20 =	vld [tilespmem:s18+$0x460];
	s18 =	sor.u32 s22, s21  }
0x2c: {  	v22 =	vld [tilespmem:s18+$0x470];
	v12 =	vadd.f32 v19, v12  }
0x2d: {  	v19 =	vld [tilespmem:s18+$0x0];
	v5 =	vadd.f32 v17, v5  }
0x2e: {  	v17 =	vld [tilespmem:s18+$0x10];
	v13 =	vadd.f32 v18, v13  }
0x2f: {  	v18 =	vld [tilespmem:s18+$0x20];
	v6 =	vadd.f32 v21, v6  }
0x30: {  	v21 =	vld [tilespmem:s18+$0x30];
	v3 =	vadd.f32 v20, v3  }
0x31: {  	v20 =	vld [tilespmem:s18+$0x40];
	v1 =	vadd.f32 v22, v1  }
0x32: {  	v16 =	vadd.f32 v19, v16;
	v19 =	vld [tilespmem:s18+$0x50]  }
0x33: {  	v15 =	vadd.f32 v17, v15;
	v17 =	vld [tilespmem:s18+$0x60]  }
0x34: {  	v14 =	vadd.f32 v18, v14;
	v18 =	vld [tilespmem:s18+$0x70]  }
0x35: {  	v10 =	vadd.f32 v21, v10;
	v21 =	vld [tilespmem:s18+$0x400]  }
.Ltmp2:
0x36: {  	v11 =	vadd.f32 v20, v11;
	v20 =	vld [tilespmem:s18+$0x410];
	(pc) =	sbr.rel @p0 .LBB2_3-.Ltmp2, $4  }
0x37: {  	v7 =	vadd.f32 v19, v7;
	v19 =	vld [tilespmem:s18+$0x420]  }
0x38: {  	v8 =	vadd.f32 v17, v8;
	v17 =	vld [tilespmem:s18+$0x430]  }
0x39: {  	s19 =	sadd.s32 $0x80, s19;
	v4 =	vadd.f32 v18, v4;
	v18 =	vld [tilespmem:s18+$0x440]  }
0x3a: {  	s21 =	sand.u32 $0xE000, s20;
	s20 =	sadd.s32 $0x400, s20;
	s22 =	sand.u32 $0x380, s19;
	v9 =	vadd.f32 v21, v9;
	v21 =	vld [tilespmem:s18+$0x450]  }
0x3b: {  	s19 =	sor.u32 s22, s21;
	v22 =	vld [tilespmem:s18+$0x460]  }
0x3c: {  	v23 =	vld [tilespmem:s19+$0x470]  }
0x3d: {  	v24 =	vld [tilespmem:s19+$0x0]  }
0x3e: {  	v25 =	vld [tilespmem:s19+$0x10]  }
0x3f: {  	v26 =	vld [tilespmem:s19+$0x20]  }
0x40: {  	v27 =	vld [tilespmem:s19+$0x30]  }
0x41: {  	v28 =	vld [tilespmem:s19+$0x40]  }
0x42: {  	v29 =	vld [tilespmem:s19+$0x50]  }
0x43: {  	v30 =	vld [tilespmem:s19+$0x60]  }
0x44: {  	v31 =	vld [tilespmem:s19+$0x70]  }
0x45: {  	v32 =	vld [tilespmem:s19+$0x400]  }
0x46: {  	v33 =	vld [tilespmem:s19+$0x410]  }
0x47: {  	v34 =	vld [tilespmem:s19+$0x420]  }
0x48: {  	v35 =	vld [tilespmem:s19+$0x430]  }
0x49: {  	s29 =	sshll.u32 s17, $0xB;
	v36 =	vld [tilespmem:s19+$0x440];
	v16 =	vadd.f32 v24, v16  }
0x4a: {  	v62 =	vld [tilespmem:s19+$0x450];
	s18 =	sand.u32 $0x3FFFF800, s29;
	v15 =	vadd.f32 v25, v15  }
0x4b: {  	v63 =	vld [tilespmem:s19+$0x460];
	v14 =	vadd.f32 v26, v14;
	[tilespmem:s18+$0x14000] =	vst v16  }
0x4c: {  	v10 =	vadd.f32 v27, v10;
	[tilespmem:s18+$0x14010] =	vst v15  }
0x4d: {  	v11 =	vadd.f32 v28, v11;
	[tilespmem:s18+$0x14020] =	vst v14  }
0x4e: {  	v7 =	vadd.f32 v29, v7;
	[tilespmem:s18+$0x14030] =	vst v10  }
0x4f: {  	v8 =	vadd.f32 v30, v8;
	[tilespmem:s18+$0x14040] =	vst v11  }
0x50: {  	v2 =	vadd.f32 v20, v2;
	v4 =	vadd.f32 v31, v4;
	[tilespmem:s18+$0x14050] =	vst v7  }
0x51: {  	v5 =	vadd.f32 v17, v5;
	v9 =	vadd.f32 v32, v9;
	[tilespmem:s18+$0x14060] =	vst v8  }
0x52: {  	v2 =	vadd.f32 v33, v2;
	[tilespmem:s18+$0x14070] =	vst v4  }
0x53: {  	v5 =	vadd.f32 v35, v5;
	v7 =	vadd.f32 v19, v12;
	[tilespmem:s18+$0x14080] =	vst v9  }
0x54: {  	v1 =	vadd.f32 v23, v1;
	v4 =	vadd.f32 v18, v13;
	[tilespmem:s18+$0x14090] =	vst v2  }
0x55: {  	v6 =	vadd.f32 v21, v6;
	[tilespmem:s18+$0x140B0] =	vst v5;
	v7 =	vadd.f32 v34, v7  }
0x56: {  	v2 =	vadd.f32 v22, v3;
	[tilespmem:s18+$0x140F0] =	vst v1;
	v3 =	vadd.f32 v36, v4  }
0x57: {  	v4 =	vadd.f32 v62, v6;
	[tilespmem:s18+$0x140A0] =	vst v7  }
0x58: {  	s30 =	simm.s32 $0x0;
	v2 =	vadd.f32 v63, v2;
	[tilespmem:s18+$0x140C0] =	vst v3  }
0x59: {  	s20 =	sand.u32 $0xE000, s30;
	s19 =	sand.u32 $0x380, s30;
	[tilespmem:s18+$0x140D0] =	vst v4  }
0x5a: {  	s19 =	sor.u32 s19, s20;
	[tilespmem:s18+$0x140E0] =	vst v2  }
0x5b: {  	v1 =	vld [tilespmem:s19+$0xC70]  }
0x5c: {  	v3 =	vld [tilespmem:s19+$0x800]  }
0x5d: {  	v4 =	vld [tilespmem:s19+$0x810]  }
0x5e: {  	v5 =	vld [tilespmem:s19+$0x820]  }
0x5f: {  	v6 =	vld [tilespmem:s19+$0x830]  }
0x60: {  	v7 =	vld [tilespmem:s19+$0x840]  }
0x61: {  	v8 =	vld [tilespmem:s19+$0x850]  }
0x62: {  	v9 =	vld [tilespmem:s19+$0x860]  }
0x63: {  	v2 =	vimm.f32 $0.0e+00;
	v12 =	vld [tilespmem:s19+$0x870]  }
0x64: {  	v13 =	vld [tilespmem:s19+$0xC00];
	v1 =	vadd.f32 v1, v2  }
0x65: {  	v16 =	vadd.f32 v3, v2;
	v15 =	vadd.f32 v4, v2  }
0x66: {  	v20 =	vld [tilespmem:s19+$0xC10];
	v14 =	vadd.f32 v5, v2;
	v10 =	vadd.f32 v6, v2  }
0x67: {  	v19 =	vld [tilespmem:s19+$0xC20];
	v11 =	vadd.f32 v7, v2;
	v7 =	vadd.f32 v8, v2  }
0x68: {  	v17 =	vld [tilespmem:s19+$0xC30];
	v8 =	vadd.f32 v9, v2;
	v4 =	vadd.f32 v12, v2  }
0x69: {  	s31 =	simm.s32 $0x400;
	s20 =	simm.s32 $0x80;
	v18 =	vld [tilespmem:s19+$0xC40];
	v9 =	vadd.f32 v13, v2;
	v12 =	vimm.f32 $0.0e+00;
	v5 =	vimm.f32 $0.0e+00  }
0x6a: {  	s21 =	simm.s32 $0x800;
	s22 =	sand.u32 $0xE000, s31;
	s23 =	sand.u32 $0x380, s20;
	v21 =	vld [tilespmem:s19+$0xC50];
	v13 =	vimm.f32 $0.0e+00;
	v6 =	vimm.f32 $0.0e+00;
	v3 =	vimm.f32 $0.0e+00  }
.LBB2_5:
0x6b: {  	p0 =	sne.s32 s21, $0x9C00;
	v2 =	vadd.f32 v20, v2;
	v20 =	vld [tilespmem:s19+$0xC60];
	s19 =	sor.u32 s23, s22  }
0x6c: {  	v22 =	vld [tilespmem:s19+$0xC70];
	v12 =	vadd.f32 v19, v12  }
0x6d: {  	v19 =	vld [tilespmem:s19+$0x800];
	v5 =	vadd.f32 v17, v5  }
0x6e: {  	v17 =	vld [tilespmem:s19+$0x810];
	v13 =	vadd.f32 v18, v13  }
0x6f: {  	v18 =	vld [tilespmem:s19+$0x820];
	v6 =	vadd.f32 v21, v6  }
0x70: {  	v21 =	vld [tilespmem:s19+$0x830];
	v3 =	vadd.f32 v20, v3  }
0x71: {  	v20 =	vld [tilespmem:s19+$0x840];
	v1 =	vadd.f32 v22, v1  }
0x72: {  	v16 =	vadd.f32 v19, v16;
	v19 =	vld [tilespmem:s19+$0x850]  }
0x73: {  	v15 =	vadd.f32 v17, v15;
	v17 =	vld [tilespmem:s19+$0x860]  }
0x74: {  	v14 =	vadd.f32 v18, v14;
	v18 =	vld [tilespmem:s19+$0x870]  }
0x75: {  	v10 =	vadd.f32 v21, v10;
	v21 =	vld [tilespmem:s19+$0xC00]  }
.Ltmp3:
0x76: {  	v11 =	vadd.f32 v20, v11;
	v20 =	vld [tilespmem:s19+$0xC10];
	(pc) =	sbr.rel @p0 .LBB2_5-.Ltmp3, $4  }
0x77: {  	v7 =	vadd.f32 v19, v7;
	v19 =	vld [tilespmem:s19+$0xC20]  }
0x78: {  	v8 =	vadd.f32 v17, v8;
	v17 =	vld [tilespmem:s19+$0xC30]  }
0x79: {  	s20 =	sadd.s32 $0x80, s20;
	v4 =	vadd.f32 v18, v4;
	v18 =	vld [tilespmem:s19+$0xC40]  }
0x7a: {  	s22 =	sand.u32 $0xE000, s21;
	s21 =	sadd.s32 $0x400, s21;
	s23 =	sand.u32 $0x380, s20;
	v9 =	vadd.f32 v21, v9;
	v21 =	vld [tilespmem:s19+$0xC50]  }
0x7b: {  	s20 =	sor.u32 s23, s22;
	v22 =	vld [tilespmem:s19+$0xC60]  }
0x7c: {  	v23 =	vld [tilespmem:s20+$0xC70]  }
0x7d: {  	v24 =	vld [tilespmem:s20+$0x800]  }
0x7e: {  	v25 =	vld [tilespmem:s20+$0x810]  }
0x7f: {  	v26 =	vld [tilespmem:s20+$0x820]  }
0x80: {  	v27 =	vld [tilespmem:s20+$0x830]  }
0x81: {  	v28 =	vld [tilespmem:s20+$0x840]  }
0x82: {  	v29 =	vld [tilespmem:s20+$0x850]  }
0x83: {  	v30 =	vld [tilespmem:s20+$0x860]  }
0x84: {  	v31 =	vld [tilespmem:s20+$0x870]  }
0x85: {  	v32 =	vld [tilespmem:s20+$0xC00]  }
0x86: {  	v33 =	vld [tilespmem:s20+$0xC10]  }
0x87: {  	v34 =	vld [tilespmem:s20+$0xC20]  }
0x88: {  	v35 =	vld [tilespmem:s20+$0xC30]  }
0x89: {  	v36 =	vld [tilespmem:s20+$0xC40];
	v16 =	vadd.f32 v24, v16  }
0x8a: {  	v62 =	vld [tilespmem:s20+$0xC50];
	v15 =	vadd.f32 v25, v15  }
0x8b: {  	v63 =	vld [tilespmem:s20+$0xC60];
	v14 =	vadd.f32 v26, v14;
	[tilespmem:s18+$0x14100] =	vst v16  }
0x8c: {  	v10 =	vadd.f32 v27, v10;
	[tilespmem:s18+$0x14110] =	vst v15  }
0x8d: {  	v11 =	vadd.f32 v28, v11;
	[tilespmem:s18+$0x14120] =	vst v14  }
0x8e: {  	v7 =	vadd.f32 v29, v7;
	[tilespmem:s18+$0x14130] =	vst v10  }
0x8f: {  	v8 =	vadd.f32 v30, v8;
	[tilespmem:s18+$0x14140] =	vst v11  }
0x90: {  	v2 =	vadd.f32 v20, v2;
	v4 =	vadd.f32 v31, v4;
	[tilespmem:s18+$0x14150] =	vst v7  }
0x91: {  	v5 =	vadd.f32 v17, v5;
	v9 =	vadd.f32 v32, v9;
	[tilespmem:s18+$0x14160] =	vst v8  }
0x92: {  	v2 =	vadd.f32 v33, v2;
	[tilespmem:s18+$0x14170] =	vst v4  }
0x93: {  	v5 =	vadd.f32 v35, v5;
	v7 =	vadd.f32 v19, v12;
	[tilespmem:s18+$0x14180] =	vst v9  }
0x94: {  	v1 =	vadd.f32 v23, v1;
	v4 =	vadd.f32 v18, v13;
	[tilespmem:s18+$0x14190] =	vst v2  }
0x95: {  	v6 =	vadd.f32 v21, v6;
	[tilespmem:s18+$0x141B0] =	vst v5;
	v7 =	vadd.f32 v34, v7  }
0x96: {  	v2 =	vadd.f32 v22, v3;
	[tilespmem:s18+$0x141F0] =	vst v1;
	v3 =	vadd.f32 v36, v4  }
0x97: {  	v4 =	vadd.f32 v62, v6;
	[tilespmem:s18+$0x141A0] =	vst v7  }
0x98: {  	s30 =	simm.s32 $0x0;
	v2 =	vadd.f32 v63, v2;
	[tilespmem:s18+$0x141C0] =	vst v3  }
0x99: {  	s31 =	sand.u32 $0xE000, s30;
	s19 =	sand.u32 $0x380, s30;
	[tilespmem:s18+$0x141D0] =	vst v4  }
0x9a: {  	s19 =	sor.u32 s19, s31;
	[tilespmem:s18+$0x141E0] =	vst v2  }
0x9b: {  	v1 =	vld [tilespmem:s19+$0x1470]  }
0x9c: {  	v3 =	vld [tilespmem:s19+$0x1000]  }
0x9d: {  	v4 =	vld [tilespmem:s19+$0x1010]  }
0x9e: {  	v5 =	vld [tilespmem:s19+$0x1020]  }
0x9f: {  	v6 =	vld [tilespmem:s19+$0x1030]  }
0xa0: {  	v7 =	vld [tilespmem:s19+$0x1040]  }
0xa1: {  	v8 =	vld [tilespmem:s19+$0x1050]  }
0xa2: {  	v9 =	vld [tilespmem:s19+$0x1060]  }
0xa3: {  	v2 =	vimm.f32 $0.0e+00;
	v12 =	vld [tilespmem:s19+$0x1070]  }
0xa4: {  	v13 =	vld [tilespmem:s19+$0x1400];
	v1 =	vadd.f32 v1, v2  }
0xa5: {  	v16 =	vadd.f32 v3, v2;
	v15 =	vadd.f32 v4, v2  }
0xa6: {  	v20 =	vld [tilespmem:s19+$0x1410];
	v14 =	vadd.f32 v5, v2;
	v10 =	vadd.f32 v6, v2  }
0xa7: {  	v19 =	vld [tilespmem:s19+$0x1420];
	v11 =	vadd.f32 v7, v2;
	v7 =	vadd.f32 v8, v2  }
0xa8: {  	v17 =	vld [tilespmem:s19+$0x1430];
	v8 =	vadd.f32 v9, v2;
	v4 =	vadd.f32 v12, v2  }
0xa9: {  	s21 =	simm.s32 $0x400;
	s20 =	simm.s32 $0x80;
	v18 =	vld [tilespmem:s19+$0x1440];
	v9 =	vadd.f32 v13, v2;
	v12 =	vimm.f32 $0.0e+00;
	v5 =	vimm.f32 $0.0e+00  }
0xaa: {  	s22 =	sand.u32 $0xE000, s21;
	s21 =	simm.s32 $0x800;
	s23 =	sand.u32 $0x380, s20;
	v21 =	vld [tilespmem:s19+$0x1450];
	v13 =	vimm.f32 $0.0e+00;
	v6 =	vimm.f32 $0.0e+00;
	v3 =	vimm.f32 $0.0e+00  }
.LBB2_7:
0xab: {  	p0 =	sne.s32 s21, $0x9C00;
	v2 =	vadd.f32 v20, v2;
	v20 =	vld [tilespmem:s19+$0x1460];
	s19 =	sor.u32 s23, s22  }
0xac: {  	v22 =	vld [tilespmem:s19+$0x1470];
	v12 =	vadd.f32 v19, v12  }
0xad: {  	v19 =	vld [tilespmem:s19+$0x1000];
	v5 =	vadd.f32 v17, v5  }
0xae: {  	v17 =	vld [tilespmem:s19+$0x1010];
	v13 =	vadd.f32 v18, v13  }
0xaf: {  	v18 =	vld [tilespmem:s19+$0x1020];
	v6 =	vadd.f32 v21, v6  }
0xb0: {  	v21 =	vld [tilespmem:s19+$0x1030];
	v3 =	vadd.f32 v20, v3  }
0xb1: {  	v20 =	vld [tilespmem:s19+$0x1040];
	v1 =	vadd.f32 v22, v1  }
0xb2: {  	v16 =	vadd.f32 v19, v16;
	v19 =	vld [tilespmem:s19+$0x1050]  }
0xb3: {  	v15 =	vadd.f32 v17, v15;
	v17 =	vld [tilespmem:s19+$0x1060]  }
0xb4: {  	v14 =	vadd.f32 v18, v14;
	v18 =	vld [tilespmem:s19+$0x1070]  }
0xb5: {  	v10 =	vadd.f32 v21, v10;
	v21 =	vld [tilespmem:s19+$0x1400]  }
.Ltmp4:
0xb6: {  	v11 =	vadd.f32 v20, v11;
	v20 =	vld [tilespmem:s19+$0x1410];
	(pc) =	sbr.rel @p0 .LBB2_7-.Ltmp4, $4  }
0xb7: {  	v7 =	vadd.f32 v19, v7;
	v19 =	vld [tilespmem:s19+$0x1420]  }
0xb8: {  	v8 =	vadd.f32 v17, v8;
	v17 =	vld [tilespmem:s19+$0x1430]  }
0xb9: {  	s20 =	sadd.s32 $0x80, s20;
	v4 =	vadd.f32 v18, v4;
	v18 =	vld [tilespmem:s19+$0x1440]  }
0xba: {  	s22 =	sand.u32 $0xE000, s21;
	s21 =	sadd.s32 $0x400, s21;
	s23 =	sand.u32 $0x380, s20;
	v9 =	vadd.f32 v21, v9;
	v21 =	vld [tilespmem:s19+$0x1450]  }
0xbb: {  	s20 =	sor.u32 s23, s22;
	v22 =	vld [tilespmem:s19+$0x1460]  }
0xbc: {  	v23 =	vld [tilespmem:s20+$0x1470]  }
0xbd: {  	v24 =	vld [tilespmem:s20+$0x1000]  }
0xbe: {  	v25 =	vld [tilespmem:s20+$0x1010]  }
0xbf: {  	v26 =	vld [tilespmem:s20+$0x1020]  }
0xc0: {  	v27 =	vld [tilespmem:s20+$0x1030]  }
0xc1: {  	v28 =	vld [tilespmem:s20+$0x1040]  }
0xc2: {  	v29 =	vld [tilespmem:s20+$0x1050]  }
0xc3: {  	v30 =	vld [tilespmem:s20+$0x1060]  }
0xc4: {  	v31 =	vld [tilespmem:s20+$0x1070]  }
0xc5: {  	v32 =	vld [tilespmem:s20+$0x1400]  }
0xc6: {  	v33 =	vld [tilespmem:s20+$0x1410]  }
0xc7: {  	v34 =	vld [tilespmem:s20+$0x1420]  }
0xc8: {  	v35 =	vld [tilespmem:s20+$0x1430]  }
0xc9: {  	v36 =	vld [tilespmem:s20+$0x1440];
	v16 =	vadd.f32 v24, v16  }
0xca: {  	v62 =	vld [tilespmem:s20+$0x1450];
	v15 =	vadd.f32 v25, v15  }
0xcb: {  	v63 =	vld [tilespmem:s20+$0x1460];
	v14 =	vadd.f32 v26, v14;
	[tilespmem:s18+$0x14200] =	vst v16  }
0xcc: {  	v10 =	vadd.f32 v27, v10;
	[tilespmem:s18+$0x14210] =	vst v15  }
0xcd: {  	v11 =	vadd.f32 v28, v11;
	[tilespmem:s18+$0x14220] =	vst v14  }
0xce: {  	v7 =	vadd.f32 v29, v7;
	[tilespmem:s18+$0x14230] =	vst v10  }
0xcf: {  	v8 =	vadd.f32 v30, v8;
	[tilespmem:s18+$0x14240] =	vst v11  }
0xd0: {  	v2 =	vadd.f32 v20, v2;
	v4 =	vadd.f32 v31, v4;
	[tilespmem:s18+$0x14250] =	vst v7  }
0xd1: {  	v5 =	vadd.f32 v17, v5;
	v9 =	vadd.f32 v32, v9;
	[tilespmem:s18+$0x14260] =	vst v8  }
0xd2: {  	v2 =	vadd.f32 v33, v2;
	[tilespmem:s18+$0x14270] =	vst v4  }
0xd3: {  	v5 =	vadd.f32 v35, v5;
	v7 =	vadd.f32 v19, v12;
	[tilespmem:s18+$0x14280] =	vst v9  }
0xd4: {  	v1 =	vadd.f32 v23, v1;
	v4 =	vadd.f32 v18, v13;
	[tilespmem:s18+$0x14290] =	vst v2  }
0xd5: {  	v6 =	vadd.f32 v21, v6;
	[tilespmem:s18+$0x142B0] =	vst v5;
	v7 =	vadd.f32 v34, v7  }
0xd6: {  	v2 =	vadd.f32 v22, v3;
	[tilespmem:s18+$0x142F0] =	vst v1;
	v3 =	vadd.f32 v36, v4  }
0xd7: {  	s19 =	simm.s32 $0x0;
	v4 =	vadd.f32 v62, v6;
	[tilespmem:s18+$0x142A0] =	vst v7  }
0xd8: {  	s30 =	simm.s32 $0x0;
	s21 =	sand.u32 $0x7, s19;
	v2 =	vadd.f32 v63, v2;
	[tilespmem:s18+$0x142C0] =	vst v3  }
0xd9: {  	s31 =	sand.u32 $0x380, s19;
	s20 =	sand.u32 $0xE000, s30;
	s21 =	sshll.u32 s21, $0x7;
	[tilespmem:s18+$0x142D0] =	vst v4  }
0xda: {  	s20 =	sor.u32 s31, s20;
	s21 =	sadd.s32 $0x0, s21;
	[tilespmem:s18+$0x142E0] =	vst v2  }
0xdb: {  	s23 =	sor.u32 $0x1C60, s21;
	v1 =	vld [tilespmem:s20+$0x1870]  }
0xdc: {  	s24 =	sor.u32 $0x1C00, s21;
	v2 =	vld.msk [tilespmem:s23+$0x0], $0xff  }
0xdd: {  	s25 =	sor.u32 $0x1C10, s21;
	v3 =	vld [tilespmem:s24+$0x0]  }
0xde: {  	s26 =	sor.u32 $0x1C20, s21;
	v4 =	vld [tilespmem:s25+$0x0]  }
0xdf: {  	s28 =	sor.u32 $0x1C30, s21;
	v5 =	vld [tilespmem:s26+$0x0]  }
0xe0: {  	s29 =	sor.u32 $0x1C40, s21;
	v9 =	vld [tilespmem:s28+$0x0]  }
0xe1: {  	s21 =	sor.u32 $0x1C50, s21;
	v11 =	vld [tilespmem:s29+$0x0]  }
0xe2: {  	v12 =	vld [tilespmem:s21+$0x0]  }
0xe3: {  	v10 =	vimm.f32 $0.0e+00  }
0xe4: {  	v16 =	vimm.f32 $0.0e+00;
	v20 =	vld [tilespmem:s20+$0x1800];
	v6 =	vadd.f32 v1, v10;
	v1 =	vadd.f32 v2, v10  }
0xe5: {  	v14 =	vimm.f32 $0.0e+00;
	v18 =	vld [tilespmem:s20+$0x1810];
	v7 =	vadd.f32 v3, v10;
	v8 =	vadd.f32 v4, v10  }
0xe6: {  	s22 =	simm.s32 $0x1;
	s30 =	simm.s32 $0x80;
	v15 =	vimm.f32 $0.0e+00;
	v17 =	vld [tilespmem:s20+$0x1820];
	v5 =	vadd.f32 v5, v10;
	v4 =	vadd.f32 v9, v10  }
0xe7: {  	s31 =	simm.s32 $0x400;
	v13 =	vimm.f32 $0.0e+00;
	s21 =	simm.s32 $0xFFFF6400;
	s24 =	sand.u32 $0x380, s30;
	v19 =	vld [tilespmem:s20+$0x1830];
	v2 =	vadd.f32 v11, v10;
	v3 =	vadd.f32 v12, v10  }
0xe8: {  	s26 =	sand.u32 $0x7, s22;
	s25 =	sand.u32 $0xE000, s31;
	s23 =	simm.s32 $0x100;
	v21 =	vld [tilespmem:s20+$0x1840];
	v9 =	vadd.f32 v12, v10;
	v12 =	vimm.f32 $0.0e+00;
	v11 =	vimm.f32 $0.0e+00  }
.LBB2_9:
0xe9: {  	p0 =	sne.s32 s23, $0x1380;
	s26 =	sshll.u32 s26, $0x7;
	v10 =	vadd.f32 v20, v10;
	v20 =	vld [tilespmem:s20+$0x1850];
	s19 =	sadd.s32 $0x400, s19  }
0xea: {  	s26 =	sadd.s32 s26, s19;
	v16 =	vadd.f32 v18, v16;
	v18 =	vld [tilespmem:s20+$0x1860];
	s20 =	sor.u32 s24, s25  }
0xeb: {  	v22 =	vld [tilespmem:s20+$0x1870];
	s24 =	sor.u32 $0x1C00, s26;
	s25 =	sor.u32 $0x1C10, s26;
	s28 =	sor.u32 $0x1C60, s26;
	v14 =	vadd.f32 v17, v14  }
0xec: {  	s29 =	sor.u32 $0x1C20, s26;
	s30 =	sor.u32 $0x1C30, s26;
	s31 =	sor.u32 $0x1C40, s26;
	v17 =	vld.msk [tilespmem:s28+$0x0], $0xff;
	v12 =	vadd.f32 v19, v12  }
0xed: {  	v19 =	vld [tilespmem:s24+$0x0];
	s24 =	sor.u32 $0x1C50, s26;
	v15 =	vadd.f32 v21, v15  }
0xee: {  	v21 =	vld [tilespmem:s25+$0x0];
	v13 =	vadd.f32 v20, v13  }
0xef: {  	v23 =	vld [tilespmem:s29+$0x0];
	v11 =	vadd.f32 v18, v11  }
0xf0: {  	v24 =	vld [tilespmem:s30+$0x0]  }
0xf1: {  	v6 =	vadd.f32 v22, v6;
	v22 =	vld [tilespmem:s31+$0x0];
	v1 =	vadd.f32 v17, v1  }
0xf2: {  	v7 =	vadd.f32 v19, v7;
	v25 =	vld [tilespmem:s24+$0x0]  }
.Ltmp5:
0xf3: {  	v20 =	vld [tilespmem:s20+$0x1800];
	v8 =	vadd.f32 v21, v8;
	(pc) =	sbr.rel @p0 .LBB2_9-.Ltmp5, $4  }
0xf4: {  	v18 =	vld [tilespmem:s20+$0x1810];
	v5 =	vadd.f32 v23, v5  }
0xf5: {  	s21 =	sadd.s32 $0x400, s21;
	v17 =	vld [tilespmem:s20+$0x1820];
	v4 =	vadd.f32 v24, v4  }
0xf6: {  	s22 =	sadd.s32 $0x1, s22;
	s25 =	sadd.s32 $0xA000, s21;
	s24 =	sand.u32 $0x380, s23;
	v19 =	vld [tilespmem:s20+$0x1830];
	v2 =	vadd.f32 v22, v2  }
0xf7: {  	s26 =	sand.u32 $0x7, s22;
	s25 =	sand.u32 $0xE000, s25;
	s23 =	sadd.s32 $0x80, s23;
	v21 =	vld [tilespmem:s20+$0x1840];
	v3 =	vadd.f32 v25, v3;
	v9 =	vadd.f32 v25, v9  }
0xf8: {  	v22 =	vld [tilespmem:s20+$0x1850]  }
0xf9: {  	s31 =	sor.u32 s24, s25;
	v23 =	vld [tilespmem:s20+$0x1860]  }
0xfa: {  	v24 =	vld [tilespmem:s31+$0x1870]  }
0xfb: {  	v32 =	vld [tilespmem:s31+$0x1800]  }
0xfc: {  	v33 =	vld [tilespmem:s31+$0x1810]  }
0xfd: {  	v34 =	vld [tilespmem:s31+$0x1820]  }
0xfe: {  	s21 =	sshll.u32 s26, $0x7;
	s19 =	sadd.s32 $0x400, s19;
	v10 =	vadd.f32 v20, v10;
	v20 =	vld [tilespmem:s31+$0x1830]  }
0xff: {  	s19 =	sadd.s32 s21, s19;
	v16 =	vadd.f32 v18, v16;
	v18 =	vld [tilespmem:s31+$0x1840]  }
0x100: {  	s23 =	sor.u32 $0x1C60, s19;
	v14 =	vadd.f32 v17, v14;
	v17 =	vld [tilespmem:s31+$0x1850]  }
0x101: {  	s22 =	sor.u32 $0x1C00, s19;
	v25 =	vld.msk [tilespmem:s23+$0x0], $0xff  }
0x102: {  	s24 =	sor.u32 $0x1C10, s19;
	v26 =	vld [tilespmem:s22+$0x0]  }
0x103: {  	s25 =	sor.u32 $0x1C20, s19;
	v27 =	vld [tilespmem:s24+$0x0]  }
0x104: {  	s26 =	sor.u32 $0x1C30, s19;
	v28 =	vld [tilespmem:s25+$0x0]  }
0x105: {  	s28 =	sor.u32 $0x1C40, s19;
	v29 =	vld [tilespmem:s26+$0x0]  }
0x106: {  	v30 =	vld [tilespmem:s28+$0x0];
	v10 =	vadd.f32 v32, v10  }
0x107: {  	s19 =	sor.u32 $0x1C50, s19;
	v12 =	vadd.f32 v19, v12;
	v19 =	vld [tilespmem:s31+$0x1860];
	v16 =	vadd.f32 v33, v16  }
0x108: {  	v31 =	vld [tilespmem:s19+$0x0];
	v14 =	vadd.f32 v34, v14;
	[tilespmem:s18+$0x14300] =	vst v10  }
0x109: {  	v15 =	vadd.f32 v21, v15;
	v12 =	vadd.f32 v20, v12;
	[tilespmem:s18+$0x14310] =	vst v16  }
0x10a: {  	v11 =	vadd.f32 v23, v11;
	v6 =	vadd.f32 v24, v6;
	[tilespmem:s18+$0x14320] =	vst v14  }
0x10b: {  	v10 =	vadd.f32 v22, v13;
	v13 =	vadd.f32 v18, v15;
	[tilespmem:s18+$0x14330] =	vst v12  }
0x10c: {  	v11 =	vadd.f32 v19, v11;
	[tilespmem:s18+$0x14370] =	vst v6  }
0x10d: {  	v7 =	vadd.f32 v26, v7;
	[tilespmem:s18+$0x14340] =	vst v13  }
0x10e: {  	v8 =	vadd.f32 v27, v8;
	[tilespmem:s18+$0x14360] =	vst v11  }
0x10f: {  	p0 =	seq.s32 s17, $0x9;
	v5 =	vadd.f32 v28, v5;
	[tilespmem:s18+$0x14380] =	vst v7  }
0x110: {  	s19 =	smul.u32 @!p0 $0x50, s17;
	v1 =	vadd.f32 v25, v1;
	v4 =	vadd.f32 v29, v4;
	[tilespmem:s18+$0x14390] =	vst v8  }
0x111: {  	v6 =	vadd.f32 v31, v9;
	v2 =	vadd.f32 v30, v2;
	[tilespmem:s18+$0x143A0] =	vst v5  }
0x112: {  	s19 =	sadd.s32 @!p0 s19, s7;
	v3 =	vadd.f32 v31, v3;
	[tilespmem:s18+$0x143B0] =	vst v4  }
0x113: {  	s19 =	sshll.u32 @!p0 s19, $0xA;
	v10 =	vadd.f32 v17, v10;
	v5 =	vperm.xlane v6, v0;
	v1 =	vperm.xlane v1, v0;
	[tilespmem:s18+$0x143C0] =	vst v2  }
0x114: {  	s19 =	sadd.s32 @!p0 s3, s19;
	[tilespmem:s18+$0x143D0] =	vst v3  }
0x115: {  	s19 =	sshrl.u32 @!p0 s19, $0x3;
	[tilespmem:s18+$0x14350] =	vst v10;
	v1 =	vsel vm0, v5, v1  }
0x116: {  	s20 =	simm.s32 @!p0 $0x0;
	s19 =	sadd.s32 @!p0 s2, s19;
	[tilespmem:s18+$0x143D8] =	vst v1  }
0x117: {  	[tilespmem:s20], [sflag:$0x1] =	stream.linear.gather @!p0 [hbm4b:s19+s20], $0xA000, $0x38;
	[tilespmem:$0x1A000] =	vst v63  }
0x118: {  	s29 =	simm.s32 $0x0;
	_ =	swait.ge [sflag:s13], $0xA000  }
0x119: {  	s30 =	sand.u32 $0xE000, s29;
	s19 =	sand.u32 $0x380, s29;
	[sflag:s13] =	ssyncset.done $0x0  }
0x11a: {  	s19 =	sor.u32 s19, s30;
	[sflag:s13] =	ssyncadd.s32 $0xFFFF6000  }
0x11b: {  	v1 =	vld [tilespmem:s19+$0xA470]  }
0x11c: {  	v3 =	vld [tilespmem:s19+$0xA000]  }
0x11d: {  	v4 =	vld [tilespmem:s19+$0xA010]  }
0x11e: {  	v5 =	vld [tilespmem:s19+$0xA020]  }
0x11f: {  	v6 =	vld [tilespmem:s19+$0xA030]  }
0x120: {  	v7 =	vld [tilespmem:s19+$0xA040]  }
0x121: {  	v8 =	vld [tilespmem:s19+$0xA050]  }
0x122: {  	v9 =	vld [tilespmem:s19+$0xA060]  }
0x123: {  	v2 =	vimm.f32 $0.0e+00;
	v12 =	vld [tilespmem:s19+$0xA070]  }
0x124: {  	v13 =	vld [tilespmem:s19+$0xA400];
	v1 =	vadd.f32 v1, v2  }
0x125: {  	v16 =	vadd.f32 v3, v2;
	v15 =	vadd.f32 v4, v2  }
0x126: {  	v20 =	vld [tilespmem:s19+$0xA410];
	v14 =	vadd.f32 v5, v2;
	v10 =	vadd.f32 v6, v2  }
0x127: {  	v19 =	vld [tilespmem:s19+$0xA420];
	v11 =	vadd.f32 v7, v2;
	v7 =	vadd.f32 v8, v2  }
0x128: {  	v17 =	vld [tilespmem:s19+$0xA430];
	v8 =	vadd.f32 v9, v2;
	v4 =	vadd.f32 v12, v2  }
0x129: {  	s31 =	simm.s32 $0x400;
	s20 =	simm.s32 $0x80;
	v18 =	vld [tilespmem:s19+$0xA440];
	v9 =	vadd.f32 v13, v2;
	v12 =	vimm.f32 $0.0e+00;
	v5 =	vimm.f32 $0.0e+00  }
0x12a: {  	s21 =	simm.s32 $0x800;
	s22 =	sand.u32 $0xE000, s31;
	s23 =	sand.u32 $0x380, s20;
	v21 =	vld [tilespmem:s19+$0xA450];
	v13 =	vimm.f32 $0.0e+00;
	v6 =	vimm.f32 $0.0e+00;
	v3 =	vimm.f32 $0.0e+00  }
.LBB2_11:
0x12b: {  	p1 =	sne.s32 s21, $0x9C00;
	v2 =	vadd.f32 v20, v2;
	v20 =	vld [tilespmem:s19+$0xA460];
	s19 =	sor.u32 s23, s22  }
0x12c: {  	v22 =	vld [tilespmem:s19+$0xA470];
	v12 =	vadd.f32 v19, v12  }
0x12d: {  	v19 =	vld [tilespmem:s19+$0xA000];
	v5 =	vadd.f32 v17, v5  }
0x12e: {  	v17 =	vld [tilespmem:s19+$0xA010];
	v13 =	vadd.f32 v18, v13  }
0x12f: {  	v18 =	vld [tilespmem:s19+$0xA020];
	v6 =	vadd.f32 v21, v6  }
0x130: {  	v21 =	vld [tilespmem:s19+$0xA030];
	v3 =	vadd.f32 v20, v3  }
0x131: {  	v20 =	vld [tilespmem:s19+$0xA040];
	v1 =	vadd.f32 v22, v1  }
0x132: {  	v16 =	vadd.f32 v19, v16;
	v19 =	vld [tilespmem:s19+$0xA050]  }
0x133: {  	v15 =	vadd.f32 v17, v15;
	v17 =	vld [tilespmem:s19+$0xA060]  }
0x134: {  	v14 =	vadd.f32 v18, v14;
	v18 =	vld [tilespmem:s19+$0xA070]  }
0x135: {  	v10 =	vadd.f32 v21, v10;
	v21 =	vld [tilespmem:s19+$0xA400]  }
.Ltmp6:
0x136: {  	v11 =	vadd.f32 v20, v11;
	v20 =	vld [tilespmem:s19+$0xA410];
	(pc) =	sbr.rel @p1 .LBB2_11-.Ltmp6, $4  }
0x137: {  	v7 =	vadd.f32 v19, v7;
	v19 =	vld [tilespmem:s19+$0xA420]  }
0x138: {  	v8 =	vadd.f32 v17, v8;
	v17 =	vld [tilespmem:s19+$0xA430]  }
0x139: {  	s20 =	sadd.s32 $0x80, s20;
	v4 =	vadd.f32 v18, v4;
	v18 =	vld [tilespmem:s19+$0xA440]  }
0x13a: {  	s22 =	sand.u32 $0xE000, s21;
	s21 =	sadd.s32 $0x400, s21;
	s23 =	sand.u32 $0x380, s20;
	v9 =	vadd.f32 v21, v9;
	v21 =	vld [tilespmem:s19+$0xA450]  }
0x13b: {  	s20 =	sor.u32 s23, s22;
	v22 =	vld [tilespmem:s19+$0xA460]  }
0x13c: {  	v23 =	vld [tilespmem:s20+$0xA470]  }
0x13d: {  	v24 =	vld [tilespmem:s20+$0xA000]  }
0x13e: {  	v25 =	vld [tilespmem:s20+$0xA010]  }
0x13f: {  	v26 =	vld [tilespmem:s20+$0xA020]  }
0x140: {  	v27 =	vld [tilespmem:s20+$0xA030]  }
0x141: {  	v28 =	vld [tilespmem:s20+$0xA040]  }
0x142: {  	v29 =	vld [tilespmem:s20+$0xA050]  }
0x143: {  	v30 =	vld [tilespmem:s20+$0xA060]  }
0x144: {  	v31 =	vld [tilespmem:s20+$0xA070]  }
0x145: {  	v32 =	vld [tilespmem:s20+$0xA400]  }
0x146: {  	v33 =	vld [tilespmem:s20+$0xA410]  }
0x147: {  	v34 =	vld [tilespmem:s20+$0xA420]  }
0x148: {  	v35 =	vld [tilespmem:s20+$0xA430]  }
0x149: {  	v36 =	vld [tilespmem:s20+$0xA440];
	v16 =	vadd.f32 v24, v16  }
0x14a: {  	v62 =	vld [tilespmem:s20+$0xA450];
	v15 =	vadd.f32 v25, v15  }
0x14b: {  	v63 =	vld [tilespmem:s20+$0xA460];
	v14 =	vadd.f32 v26, v14;
	[tilespmem:s18+$0x14400] =	vst v16  }
0x14c: {  	v10 =	vadd.f32 v27, v10;
	[tilespmem:s18+$0x14410] =	vst v15  }
0x14d: {  	v11 =	vadd.f32 v28, v11;
	[tilespmem:s18+$0x14420] =	vst v14  }
0x14e: {  	v7 =	vadd.f32 v29, v7;
	[tilespmem:s18+$0x14430] =	vst v10  }
0x14f: {  	v8 =	vadd.f32 v30, v8;
	[tilespmem:s18+$0x14440] =	vst v11  }
0x150: {  	v2 =	vadd.f32 v20, v2;
	v4 =	vadd.f32 v31, v4;
	[tilespmem:s18+$0x14450] =	vst v7  }
0x151: {  	v5 =	vadd.f32 v17, v5;
	v9 =	vadd.f32 v32, v9;
	[tilespmem:s18+$0x14460] =	vst v8  }
0x152: {  	v2 =	vadd.f32 v33, v2;
	[tilespmem:s18+$0x14470] =	vst v4  }
0x153: {  	v5 =	vadd.f32 v35, v5;
	v7 =	vadd.f32 v19, v12;
	[tilespmem:s18+$0x14480] =	vst v9  }
0x154: {  	v1 =	vadd.f32 v23, v1;
	v4 =	vadd.f32 v18, v13;
	[tilespmem:s18+$0x14490] =	vst v2  }
0x155: {  	v6 =	vadd.f32 v21, v6;
	[tilespmem:s18+$0x144B0] =	vst v5;
	v7 =	vadd.f32 v34, v7  }
0x156: {  	v2 =	vadd.f32 v22, v3;
	[tilespmem:s18+$0x144F0] =	vst v1;
	v3 =	vadd.f32 v36, v4  }
0x157: {  	v4 =	vadd.f32 v62, v6;
	[tilespmem:s18+$0x144A0] =	vst v7  }
0x158: {  	s30 =	simm.s32 $0x0;
	v2 =	vadd.f32 v63, v2;
	[tilespmem:s18+$0x144C0] =	vst v3  }
0x159: {  	s31 =	sand.u32 $0xE000, s30;
	s19 =	sand.u32 $0x380, s30;
	[tilespmem:s18+$0x144D0] =	vst v4  }
0x15a: {  	s19 =	sor.u32 s19, s31;
	[tilespmem:s18+$0x144E0] =	vst v2  }
0x15b: {  	v1 =	vld [tilespmem:s19+$0xAC70]  }
0x15c: {  	v3 =	vld [tilespmem:s19+$0xA800]  }
0x15d: {  	v4 =	vld [tilespmem:s19+$0xA810]  }
0x15e: {  	v5 =	vld [tilespmem:s19+$0xA820]  }
0x15f: {  	v6 =	vld [tilespmem:s19+$0xA830]  }
0x160: {  	v7 =	vld [tilespmem:s19+$0xA840]  }
0x161: {  	v8 =	vld [tilespmem:s19+$0xA850]  }
0x162: {  	v9 =	vld [tilespmem:s19+$0xA860]  }
0x163: {  	v2 =	vimm.f32 $0.0e+00;
	v12 =	vld [tilespmem:s19+$0xA870]  }
0x164: {  	v13 =	vld [tilespmem:s19+$0xAC00];
	v1 =	vadd.f32 v1, v2  }
0x165: {  	v16 =	vadd.f32 v3, v2;
	v15 =	vadd.f32 v4, v2  }
0x166: {  	v20 =	vld [tilespmem:s19+$0xAC10];
	v14 =	vadd.f32 v5, v2;
	v10 =	vadd.f32 v6, v2  }
0x167: {  	v19 =	vld [tilespmem:s19+$0xAC20];
	v11 =	vadd.f32 v7, v2;
	v7 =	vadd.f32 v8, v2  }
0x168: {  	v17 =	vld [tilespmem:s19+$0xAC30];
	v8 =	vadd.f32 v9, v2;
	v4 =	vadd.f32 v12, v2  }
0x169: {  	s21 =	simm.s32 $0x400;
	s20 =	simm.s32 $0x80;
	v18 =	vld [tilespmem:s19+$0xAC40];
	v9 =	vadd.f32 v13, v2;
	v12 =	vimm.f32 $0.0e+00;
	v5 =	vimm.f32 $0.0e+00  }
0x16a: {  	s22 =	sand.u32 $0xE000, s21;
	s21 =	simm.s32 $0x800;
	s23 =	sand.u32 $0x380, s20;
	v21 =	vld [tilespmem:s19+$0xAC50];
	v13 =	vimm.f32 $0.0e+00;
	v6 =	vimm.f32 $0.0e+00;
	v3 =	vimm.f32 $0.0e+00  }
.LBB2_13:
0x16b: {  	p1 =	sne.s32 s21, $0x9C00;
	v2 =	vadd.f32 v20, v2;
	v20 =	vld [tilespmem:s19+$0xAC60];
	s19 =	sor.u32 s23, s22  }
0x16c: {  	v22 =	vld [tilespmem:s19+$0xAC70];
	v12 =	vadd.f32 v19, v12  }
0x16d: {  	v19 =	vld [tilespmem:s19+$0xA800];
	v5 =	vadd.f32 v17, v5  }
0x16e: {  	v17 =	vld [tilespmem:s19+$0xA810];
	v13 =	vadd.f32 v18, v13  }
0x16f: {  	v18 =	vld [tilespmem:s19+$0xA820];
	v6 =	vadd.f32 v21, v6  }
0x170: {  	v21 =	vld [tilespmem:s19+$0xA830];
	v3 =	vadd.f32 v20, v3  }
0x171: {  	v20 =	vld [tilespmem:s19+$0xA840];
	v1 =	vadd.f32 v22, v1  }
0x172: {  	v16 =	vadd.f32 v19, v16;
	v19 =	vld [tilespmem:s19+$0xA850]  }
0x173: {  	v15 =	vadd.f32 v17, v15;
	v17 =	vld [tilespmem:s19+$0xA860]  }
0x174: {  	v14 =	vadd.f32 v18, v14;
	v18 =	vld [tilespmem:s19+$0xA870]  }
0x175: {  	v10 =	vadd.f32 v21, v10;
	v21 =	vld [tilespmem:s19+$0xAC00]  }
.Ltmp7:
0x176: {  	v11 =	vadd.f32 v20, v11;
	v20 =	vld [tilespmem:s19+$0xAC10];
	(pc) =	sbr.rel @p1 .LBB2_13-.Ltmp7, $4  }
0x177: {  	v7 =	vadd.f32 v19, v7;
	v19 =	vld [tilespmem:s19+$0xAC20]  }
0x178: {  	v8 =	vadd.f32 v17, v8;
	v17 =	vld [tilespmem:s19+$0xAC30]  }
0x179: {  	s20 =	sadd.s32 $0x80, s20;
	v4 =	vadd.f32 v18, v4;
	v18 =	vld [tilespmem:s19+$0xAC40]  }
0x17a: {  	s22 =	sand.u32 $0xE000, s21;
	s21 =	sadd.s32 $0x400, s21;
	s23 =	sand.u32 $0x380, s20;
	v9 =	vadd.f32 v21, v9;
	v21 =	vld [tilespmem:s19+$0xAC50]  }
0x17b: {  	s20 =	sor.u32 s23, s22;
	v22 =	vld [tilespmem:s19+$0xAC60]  }
0x17c: {  	v23 =	vld [tilespmem:s20+$0xAC70]  }
0x17d: {  	v24 =	vld [tilespmem:s20+$0xA800]  }
0x17e: {  	v25 =	vld [tilespmem:s20+$0xA810]  }
0x17f: {  	v26 =	vld [tilespmem:s20+$0xA820]  }
0x180: {  	v27 =	vld [tilespmem:s20+$0xA830]  }
0x181: {  	v28 =	vld [tilespmem:s20+$0xA840]  }
0x182: {  	v29 =	vld [tilespmem:s20+$0xA850]  }
0x183: {  	v30 =	vld [tilespmem:s20+$0xA860]  }
0x184: {  	v31 =	vld [tilespmem:s20+$0xA870]  }
0x185: {  	v32 =	vld [tilespmem:s20+$0xAC00]  }
0x186: {  	v33 =	vld [tilespmem:s20+$0xAC10]  }
0x187: {  	v34 =	vld [tilespmem:s20+$0xAC20]  }
0x188: {  	v35 =	vld [tilespmem:s20+$0xAC30]  }
0x189: {  	v36 =	vld [tilespmem:s20+$0xAC40];
	v16 =	vadd.f32 v24, v16  }
0x18a: {  	v62 =	vld [tilespmem:s20+$0xAC50];
	v15 =	vadd.f32 v25, v15  }
0x18b: {  	v63 =	vld [tilespmem:s20+$0xAC60];
	v14 =	vadd.f32 v26, v14;
	[tilespmem:s18+$0x14500] =	vst v16  }
0x18c: {  	v10 =	vadd.f32 v27, v10;
	[tilespmem:s18+$0x14510] =	vst v15  }
0x18d: {  	v11 =	vadd.f32 v28, v11;
	[tilespmem:s18+$0x14520] =	vst v14  }
0x18e: {  	v7 =	vadd.f32 v29, v7;
	[tilespmem:s18+$0x14530] =	vst v10  }
0x18f: {  	v8 =	vadd.f32 v30, v8;
	[tilespmem:s18+$0x14540] =	vst v11  }
0x190: {  	v2 =	vadd.f32 v20, v2;
	v4 =	vadd.f32 v31, v4;
	[tilespmem:s18+$0x14550] =	vst v7  }
0x191: {  	v5 =	vadd.f32 v17, v5;
	v9 =	vadd.f32 v32, v9;
	[tilespmem:s18+$0x14560] =	vst v8  }
0x192: {  	v2 =	vadd.f32 v33, v2;
	[tilespmem:s18+$0x14570] =	vst v4  }
0x193: {  	v5 =	vadd.f32 v35, v5;
	v7 =	vadd.f32 v19, v12;
	[tilespmem:s18+$0x14580] =	vst v9  }
0x194: {  	v1 =	vadd.f32 v23, v1;
	v4 =	vadd.f32 v18, v13;
	[tilespmem:s18+$0x14590] =	vst v2  }
0x195: {  	v6 =	vadd.f32 v21, v6;
	[tilespmem:s18+$0x145B0] =	vst v5;
	v7 =	vadd.f32 v34, v7  }
0x196: {  	v2 =	vadd.f32 v22, v3;
	[tilespmem:s18+$0x145F0] =	vst v1;
	v3 =	vadd.f32 v36, v4  }
0x197: {  	v4 =	vadd.f32 v62, v6;
	[tilespmem:s18+$0x145A0] =	vst v7  }
0x198: {  	s30 =	simm.s32 $0x0;
	v2 =	vadd.f32 v63, v2;
	[tilespmem:s18+$0x145C0] =	vst v3  }
0x199: {  	s31 =	sand.u32 $0xE000, s30;
	s19 =	sand.u32 $0x380, s30;
	[tilespmem:s18+$0x145D0] =	vst v4  }
0x19a: {  	s19 =	sor.u32 s19, s31;
	[tilespmem:s18+$0x145E0] =	vst v2  }
0x19b: {  	v1 =	vld [tilespmem:s19+$0xB470]  }
0x19c: {  	v3 =	vld [tilespmem:s19+$0xB000]  }
0x19d: {  	v4 =	vld [tilespmem:s19+$0xB010]  }
0x19e: {  	v5 =	vld [tilespmem:s19+$0xB020]  }
0x19f: {  	v6 =	vld [tilespmem:s19+$0xB030]  }
0x1a0: {  	v7 =	vld [tilespmem:s19+$0xB040]  }
0x1a1: {  	v8 =	vld [tilespmem:s19+$0xB050]  }
0x1a2: {  	v9 =	vld [tilespmem:s19+$0xB060]  }
0x1a3: {  	v2 =	vimm.f32 $0.0e+00;
	v12 =	vld [tilespmem:s19+$0xB070]  }
0x1a4: {  	v13 =	vld [tilespmem:s19+$0xB400];
	v1 =	vadd.f32 v1, v2  }
0x1a5: {  	v16 =	vadd.f32 v3, v2;
	v15 =	vadd.f32 v4, v2  }
0x1a6: {  	v20 =	vld [tilespmem:s19+$0xB410];
	v14 =	vadd.f32 v5, v2;
	v10 =	vadd.f32 v6, v2  }
0x1a7: {  	v19 =	vld [tilespmem:s19+$0xB420];
	v11 =	vadd.f32 v7, v2;
	v7 =	vadd.f32 v8, v2  }
0x1a8: {  	v17 =	vld [tilespmem:s19+$0xB430];
	v8 =	vadd.f32 v9, v2;
	v4 =	vadd.f32 v12, v2  }
0x1a9: {  	s21 =	simm.s32 $0x400;
	s20 =	simm.s32 $0x80;
	v18 =	vld [tilespmem:s19+$0xB440];
	v9 =	vadd.f32 v13, v2;
	v12 =	vimm.f32 $0.0e+00;
	v5 =	vimm.f32 $0.0e+00  }
0x1aa: {  	s22 =	sand.u32 $0xE000, s21;
	s21 =	simm.s32 $0x800;
	s23 =	sand.u32 $0x380, s20;
	v21 =	vld [tilespmem:s19+$0xB450];
	v13 =	vimm.f32 $0.0e+00;
	v6 =	vimm.f32 $0.0e+00;
	v3 =	vimm.f32 $0.0e+00  }
.LBB2_15:
0x1ab: {  	p1 =	sne.s32 s21, $0x9C00;
	v2 =	vadd.f32 v20, v2;
	v20 =	vld [tilespmem:s19+$0xB460];
	s19 =	sor.u32 s23, s22  }
0x1ac: {  	v22 =	vld [tilespmem:s19+$0xB470];
	v12 =	vadd.f32 v19, v12  }
0x1ad: {  	v19 =	vld [tilespmem:s19+$0xB000];
	v5 =	vadd.f32 v17, v5  }
0x1ae: {  	v17 =	vld [tilespmem:s19+$0xB010];
	v13 =	vadd.f32 v18, v13  }
0x1af: {  	v18 =	vld [tilespmem:s19+$0xB020];
	v6 =	vadd.f32 v21, v6  }
0x1b0: {  	v21 =	vld [tilespmem:s19+$0xB030];
	v3 =	vadd.f32 v20, v3  }
0x1b1: {  	v20 =	vld [tilespmem:s19+$0xB040];
	v1 =	vadd.f32 v22, v1  }
0x1b2: {  	v16 =	vadd.f32 v19, v16;
	v19 =	vld [tilespmem:s19+$0xB050]  }
0x1b3: {  	v15 =	vadd.f32 v17, v15;
	v17 =	vld [tilespmem:s19+$0xB060]  }
0x1b4: {  	v14 =	vadd.f32 v18, v14;
	v18 =	vld [tilespmem:s19+$0xB070]  }
0x1b5: {  	v10 =	vadd.f32 v21, v10;
	v21 =	vld [tilespmem:s19+$0xB400]  }
.Ltmp8:
0x1b6: {  	v11 =	vadd.f32 v20, v11;
	v20 =	vld [tilespmem:s19+$0xB410];
	(pc) =	sbr.rel @p1 .LBB2_15-.Ltmp8, $4  }
0x1b7: {  	v7 =	vadd.f32 v19, v7;
	v19 =	vld [tilespmem:s19+$0xB420]  }
0x1b8: {  	v8 =	vadd.f32 v17, v8;
	v17 =	vld [tilespmem:s19+$0xB430]  }
0x1b9: {  	s20 =	sadd.s32 $0x80, s20;
	v4 =	vadd.f32 v18, v4;
	v18 =	vld [tilespmem:s19+$0xB440]  }
0x1ba: {  	s22 =	sand.u32 $0xE000, s21;
	s21 =	sadd.s32 $0x400, s21;
	s23 =	sand.u32 $0x380, s20;
	v9 =	vadd.f32 v21, v9;
	v21 =	vld [tilespmem:s19+$0xB450]  }
0x1bb: {  	s20 =	sor.u32 s23, s22;
	v22 =	vld [tilespmem:s19+$0xB460]  }
0x1bc: {  	v23 =	vld [tilespmem:s20+$0xB470]  }
0x1bd: {  	v24 =	vld [tilespmem:s20+$0xB000]  }
0x1be: {  	v25 =	vld [tilespmem:s20+$0xB010]  }
0x1bf: {  	v26 =	vld [tilespmem:s20+$0xB020]  }
0x1c0: {  	v27 =	vld [tilespmem:s20+$0xB030]  }
0x1c1: {  	v28 =	vld [tilespmem:s20+$0xB040]  }
0x1c2: {  	v29 =	vld [tilespmem:s20+$0xB050]  }
0x1c3: {  	v30 =	vld [tilespmem:s20+$0xB060]  }
0x1c4: {  	v31 =	vld [tilespmem:s20+$0xB070]  }
0x1c5: {  	v32 =	vld [tilespmem:s20+$0xB400]  }
0x1c6: {  	v33 =	vld [tilespmem:s20+$0xB410]  }
0x1c7: {  	v34 =	vld [tilespmem:s20+$0xB420]  }
0x1c8: {  	v35 =	vld [tilespmem:s20+$0xB430]  }
0x1c9: {  	v36 =	vld [tilespmem:s20+$0xB440];
	v16 =	vadd.f32 v24, v16  }
0x1ca: {  	v62 =	vld [tilespmem:s20+$0xB450];
	v15 =	vadd.f32 v25, v15  }
0x1cb: {  	v63 =	vld [tilespmem:s20+$0xB460];
	v14 =	vadd.f32 v26, v14;
	[tilespmem:s18+$0x14600] =	vst v16  }
0x1cc: {  	v10 =	vadd.f32 v27, v10;
	[tilespmem:s18+$0x14610] =	vst v15  }
0x1cd: {  	v11 =	vadd.f32 v28, v11;
	[tilespmem:s18+$0x14620] =	vst v14  }
0x1ce: {  	v7 =	vadd.f32 v29, v7;
	[tilespmem:s18+$0x14630] =	vst v10  }
0x1cf: {  	v8 =	vadd.f32 v30, v8;
	[tilespmem:s18+$0x14640] =	vst v11  }
0x1d0: {  	v2 =	vadd.f32 v20, v2;
	v4 =	vadd.f32 v31, v4;
	[tilespmem:s18+$0x14650] =	vst v7  }
0x1d1: {  	v5 =	vadd.f32 v17, v5;
	v9 =	vadd.f32 v32, v9;
	[tilespmem:s18+$0x14660] =	vst v8  }
0x1d2: {  	v2 =	vadd.f32 v33, v2;
	[tilespmem:s18+$0x14670] =	vst v4  }
0x1d3: {  	v5 =	vadd.f32 v35, v5;
	v7 =	vadd.f32 v19, v12;
	[tilespmem:s18+$0x14680] =	vst v9  }
0x1d4: {  	v1 =	vadd.f32 v23, v1;
	v4 =	vadd.f32 v18, v13;
	[tilespmem:s18+$0x14690] =	vst v2  }
0x1d5: {  	v6 =	vadd.f32 v21, v6;
	[tilespmem:s18+$0x146B0] =	vst v5;
	v7 =	vadd.f32 v34, v7  }
0x1d6: {  	v2 =	vadd.f32 v22, v3;
	[tilespmem:s18+$0x146F0] =	vst v1;
	v3 =	vadd.f32 v36, v4  }
0x1d7: {  	s19 =	simm.s32 $0x0;
	v4 =	vadd.f32 v62, v6;
	[tilespmem:s18+$0x146A0] =	vst v7  }
0x1d8: {  	s30 =	simm.s32 $0x0;
	s21 =	sand.u32 $0x7, s19;
	v2 =	vadd.f32 v63, v2;
	[tilespmem:s18+$0x146C0] =	vst v3  }
0x1d9: {  	s31 =	sand.u32 $0x380, s19;
	s20 =	sand.u32 $0xE000, s30;
	s21 =	sshll.u32 s21, $0x7;
	[tilespmem:s18+$0x146D0] =	vst v4  }
0x1da: {  	s20 =	sor.u32 s31, s20;
	s21 =	sadd.s32 $0x0, s21;
	[tilespmem:s18+$0x146E0] =	vst v2  }
0x1db: {  	s23 =	sor.u32 $0x1C60, s21;
	v1 =	vld [tilespmem:s20+$0xB870]  }
0x1dc: {  	s24 =	sor.u32 $0x1C00, s21;
	v2 =	vld.msk [tilespmem:s23+$0xA000], $0xff  }
0x1dd: {  	s25 =	sor.u32 $0x1C10, s21;
	v3 =	vld [tilespmem:s24+$0xA000]  }
0x1de: {  	s26 =	sor.u32 $0x1C20, s21;
	v4 =	vld [tilespmem:s25+$0xA000]  }
0x1df: {  	s28 =	sor.u32 $0x1C30, s21;
	v5 =	vld [tilespmem:s26+$0xA000]  }
0x1e0: {  	s29 =	sor.u32 $0x1C40, s21;
	v9 =	vld [tilespmem:s28+$0xA000]  }
0x1e1: {  	s21 =	sor.u32 $0x1C50, s21;
	v11 =	vld [tilespmem:s29+$0xA000]  }
0x1e2: {  	v12 =	vld [tilespmem:s21+$0xA000]  }
0x1e3: {  	v10 =	vimm.f32 $0.0e+00  }
0x1e4: {  	v16 =	vimm.f32 $0.0e+00;
	v20 =	vld [tilespmem:s20+$0xB800];
	v6 =	vadd.f32 v1, v10;
	v1 =	vadd.f32 v2, v10  }
0x1e5: {  	v14 =	vimm.f32 $0.0e+00;
	v18 =	vld [tilespmem:s20+$0xB810];
	v7 =	vadd.f32 v3, v10;
	v8 =	vadd.f32 v4, v10  }
0x1e6: {  	s22 =	simm.s32 $0x1;
	s30 =	simm.s32 $0x80;
	v15 =	vimm.f32 $0.0e+00;
	v17 =	vld [tilespmem:s20+$0xB820];
	v3 =	vadd.f32 v5, v10;
	v4 =	vadd.f32 v9, v10  }
0x1e7: {  	s31 =	simm.s32 $0x400;
	v13 =	vimm.f32 $0.0e+00;
	s21 =	simm.s32 $0xFFFF6400;
	s24 =	sand.u32 $0x380, s30;
	v19 =	vld [tilespmem:s20+$0xB830];
	v2 =	vadd.f32 v11, v10;
	v5 =	vadd.f32 v12, v10  }
0x1e8: {  	s26 =	sand.u32 $0x7, s22;
	s25 =	sand.u32 $0xE000, s31;
	s23 =	simm.s32 $0x100;
	v21 =	vld [tilespmem:s20+$0xB840];
	v9 =	vadd.f32 v12, v10;
	v12 =	vimm.f32 $0.0e+00;
	v11 =	vimm.f32 $0.0e+00  }
.LBB2_17:
0x1e9: {  	p1 =	sne.s32 s23, $0x1380;
	s26 =	sshll.u32 s26, $0x7;
	v10 =	vadd.f32 v20, v10;
	v20 =	vld [tilespmem:s20+$0xB850];
	s19 =	sadd.s32 $0x400, s19  }
0x1ea: {  	s26 =	sadd.s32 s26, s19;
	v16 =	vadd.f32 v18, v16;
	v18 =	vld [tilespmem:s20+$0xB860];
	s20 =	sor.u32 s24, s25  }
0x1eb: {  	v22 =	vld [tilespmem:s20+$0xB870];
	s24 =	sor.u32 $0x1C00, s26;
	s25 =	sor.u32 $0x1C10, s26;
	s28 =	sor.u32 $0x1C60, s26;
	v14 =	vadd.f32 v17, v14  }
0x1ec: {  	s29 =	sor.u32 $0x1C20, s26;
	s30 =	sor.u32 $0x1C30, s26;
	s31 =	sor.u32 $0x1C40, s26;
	v17 =	vld.msk [tilespmem:s28+$0xA000], $0xff;
	v12 =	vadd.f32 v19, v12  }
0x1ed: {  	v19 =	vld [tilespmem:s24+$0xA000];
	s24 =	sor.u32 $0x1C50, s26;
	v15 =	vadd.f32 v21, v15  }
0x1ee: {  	v21 =	vld [tilespmem:s25+$0xA000];
	v13 =	vadd.f32 v20, v13  }
0x1ef: {  	v23 =	vld [tilespmem:s29+$0xA000];
	v11 =	vadd.f32 v18, v11  }
0x1f0: {  	v24 =	vld [tilespmem:s30+$0xA000]  }
0x1f1: {  	v6 =	vadd.f32 v22, v6;
	v22 =	vld [tilespmem:s31+$0xA000];
	v1 =	vadd.f32 v17, v1  }
0x1f2: {  	v7 =	vadd.f32 v19, v7;
	v25 =	vld [tilespmem:s24+$0xA000]  }
.Ltmp9:
0x1f3: {  	v20 =	vld [tilespmem:s20+$0xB800];
	v8 =	vadd.f32 v21, v8;
	(pc) =	sbr.rel @p1 .LBB2_17-.Ltmp9, $4  }
0x1f4: {  	v18 =	vld [tilespmem:s20+$0xB810];
	v3 =	vadd.f32 v23, v3  }
0x1f5: {  	s21 =	sadd.s32 $0x400, s21;
	v17 =	vld [tilespmem:s20+$0xB820];
	v4 =	vadd.f32 v24, v4  }
0x1f6: {  	s22 =	sadd.s32 $0x1, s22;
	s25 =	sadd.s32 $0xA000, s21;
	s24 =	sand.u32 $0x380, s23;
	v19 =	vld [tilespmem:s20+$0xB830];
	v2 =	vadd.f32 v22, v2  }
0x1f7: {  	s26 =	sand.u32 $0x7, s22;
	s25 =	sand.u32 $0xE000, s25;
	s23 =	sadd.s32 $0x80, s23;
	v21 =	vld [tilespmem:s20+$0xB840];
	v5 =	vadd.f32 v25, v5;
	v9 =	vadd.f32 v25, v9  }
0x1f8: {  	v22 =	vld [tilespmem:s20+$0xB850]  }
0x1f9: {  	s25 =	sor.u32 s24, s25;
	v23 =	vld [tilespmem:s20+$0xB860]  }
0x1fa: {  	v24 =	vld [tilespmem:s25+$0xB870]  }
0x1fb: {  	v32 =	vld [tilespmem:s25+$0xB800]  }
0x1fc: {  	v33 =	vld [tilespmem:s25+$0xB810]  }
0x1fd: {  	v34 =	vld [tilespmem:s25+$0xB820]  }
0x1fe: {  	v56 =	vld [tilespmem:s25+$0xB830]  }
0x1ff: {  	s21 =	sshll.u32 s26, $0x7;
	s19 =	sadd.s32 $0x400, s19;
	v57 =	vld [tilespmem:s25+$0xB840]  }
0x200: {  	s19 =	sadd.s32 s21, s19;
	v58 =	vld [tilespmem:s25+$0xB850]  }
0x201: {  	v59 =	vld [tilespmem:s25+$0xB860];
	s26 =	sor.u32 $0x1C60, s19  }
0x202: {  	s22 =	sor.u32 $0x1C00, s19;
	v25 =	vld.msk [tilespmem:s26+$0xA000], $0xff  }
0x203: {  	s28 =	sor.u32 $0x1C10, s19;
	v26 =	vld [tilespmem:s22+$0xA000]  }
0x204: {  	v10 =	vadd.f32 v20, v10;
	s29 =	sor.u32 $0x1C20, s19;
	v27 =	vld [tilespmem:s28+$0xA000]  }
0x205: {  	v16 =	vadd.f32 v18, v16;
	s30 =	sor.u32 $0x1C30, s19;
	v28 =	vld [tilespmem:s29+$0xA000]  }
0x206: {  	s31 =	sor.u32 $0x1C40, s19;
	v14 =	vadd.f32 v17, v14;
	v29 =	vld [tilespmem:s30+$0xA000];
	v10 =	vadd.f32 v32, v10  }
0x207: {  	s19 =	sor.u32 $0x1C50, s19;
	v30 =	vld [tilespmem:s31+$0xA000];
	v12 =	vadd.f32 v19, v12;
	v16 =	vadd.f32 v33, v16  }
0x208: {  	v31 =	vld [tilespmem:s19+$0xA000];
	v15 =	vadd.f32 v21, v15;
	v14 =	vadd.f32 v34, v14;
	[tilespmem:s18+$0x14700] =	vst v10  }
0x209: {  	v12 =	vadd.f32 v56, v12;
	[tilespmem:s18+$0x14710] =	vst v16  }
0x20a: {  	v11 =	vadd.f32 v23, v11;
	v61 =	vadd.f32 v57, v15;
	[tilespmem:s18+$0x14720] =	vst v14  }
0x20b: {  	v60 =	vadd.f32 v22, v13;
	v6 =	vadd.f32 v24, v6;
	[tilespmem:s18+$0x14730] =	vst v12  }
0x20c: {  	v11 =	vadd.f32 v59, v11;
	[tilespmem:s18+$0x14740] =	vst v61  }
0x20d: {  	v10 =	vadd.f32 v58, v60;
	[tilespmem:s18+$0x14770] =	vst v6  }
0x20e: {  	v7 =	vadd.f32 v26, v7;
	[tilespmem:s18+$0x14760] =	vst v11  }
0x20f: {  	v8 =	vadd.f32 v27, v8;
	[tilespmem:s18+$0x14750] =	vst v10  }
0x210: {  	v1 =	vadd.f32 v25, v1;
	v3 =	vadd.f32 v28, v3;
	[tilespmem:s18+$0x14780] =	vst v7  }
0x211: {  	v4 =	vadd.f32 v29, v4;
	v62 =	vadd.f32 v31, v9;
	[tilespmem:s18+$0x14790] =	vst v8  }
.Ltmp10:
0x212: {  	v2 =	vadd.f32 v30, v2;
	[tilespmem:s18+$0x147A0] =	vst v3;
	(pc) =	sbr.rel @p0 .LBB2_20-.Ltmp10, $4  }
0x213: {  	v3 =	vadd.f32 v31, v5;
	v63 =	vperm.xlane v62, v0;
	v1 =	vperm.xlane v1, v0;
	[tilespmem:s18+$0x147B0] =	vst v4  }
0x214: {  	[tilespmem:s18+$0x147C0] =	vst v2  }
0x215: {  	v1 =	vsel vm0, v63, v1;
	[tilespmem:s18+$0x147D0] =	vst v3  }
0x216: {  	[tilespmem:s18+$0x147D8] =	vst v1  }
0x217: {  	s18 =	smul.u32 $0x50, s17;
	_ =	sdelay $0x1  }
0x218: {  	s18 =	sadd.s32 s18, s8  }
.Ltmp11:
0x219: {  	s18 =	sshll.u32 s18, $0xA;
	(pc) =	sbr.rel .LBB2_2-.Ltmp11, $4  }
0x21a: {  	s18 =	sadd.s32 s3, s18  }
0x21b: {  	s18 =	sshrl.u32 s18, $0x3  }
0x21c: {  	s17 =	sadd.s32 $0x1, s17;
	s18 =	sadd.s32 s2, s18  }
0x21d: {  	[tilespmem:s11], [sflag:$0x2] =	stream.linear.gather [hbm4b:s18+s4], $0xA000, $0x38;
	[tilespmem:$0x1A000] =	vst v63  }
.LBB2_21:
0x21e: {  	_ =	sfence.sel $0x180000  }
0x21f: {  	[bflag:$0x0] =	sbarrier.arrive $0xFFFF  }
0x220: {  	p0 =	sne.s32 s0, $0x0;
	_ =	strace $0x90000047  }
0x221: {  	s0 =	sadd.s32 @!p0 $0x100000, s1;
	[bflag:$0x2] =	sbarrier.arrive $0xFFFF  }
0x222: {  	[sflag:s0] =	ssyncadd.tile.s32 @!p0 $0x1;
	_ =	shalt  }
.Lfunc_end2:
_tile_overlayer_lowered:
.L_overlay_start_2:
0x223: {  	(tag) =	ssettag $0x2  }
0x224: {  	s0 =	rddreg [dreg:$0x0];
	s2 =	stileid.u32  }
0x225: {  	s1 =	rddreg [dreg:$0x1];
	p0 =	sne.s32 s2, $0x0  }
0x226: {  	s3 =	rddreg [dreg:$0x2];
	[bflag:$0x3] =	sbarrier.arrive $0xFFFF;
	s2 =	simm.s32 @!p0 $0x1C03  }
0x227: {  	[timem:s3], [sflag:s2] =	dma.local @!p0 [hbm:s0], s1  }
0x228: {  	s0 =	simm.s32 @!p0 $0x3  }
0x229: {  	_ =	swait.ge @!p0 [sflag:s0], s1  }
0x22a: {  	s1 =	ssub.s32 @!p0 $0x0, s1;
	[sflag:s0] =	ssyncset.done @!p0 $0x0  }
0x22b: {  	[sflag:s0] =	ssyncadd.s32 @!p0 s1  }
0x22c: {  	[bflag:$0x3] =	sbarrier.arrive $0xFFFF  }
0x22d: {  	_ =	shalt  }

// kernel: kernel.7.cloned.1.call-start
scs
__scs_entry_jumppad:
0x0: {  	(pc) =	sbr.rel $0x88, $3  }
0x1: {  	(tag) =	ssettag $0x0;
	lr =	simm.s32 $0x1  }
0x2: {  	[smem:$0x3FA0] =	sst lr;
	_ =	strace $0xD0000000  }
0x3: {  	_ = 	snop  }
0x4: {  	_ = 	snop  }
0x5: {  	_ = 	snop  }
0x6: {  	_ = 	snop  }
0x7: {  	_ = 	snop  }
__scs_overlays_trampoline_lowered:
0x8: {  	[smem:$0x3FAF] =	sst s0  }
0x9: {  	[smem:$0x3FB0] =	sst s1  }
0xa: {  	[smem:$0x3FB1] =	sst s2  }
0xb: {  	[smem:$0x3FB2] =	sst s3  }
0xc: {  	[smem:$0x3FB3] =	sst s4  }
0xd: {  	[smem:$0x3FB4] =	sst s5  }
0xe: {  	[smem:$0x3FB5] =	sst s6  }
0xf: {  	[smem:$0x3FB6] =	sst s7  }
0x10: {  	[smem:$0x3FB7] =	sst s8  }
0x11: {  	[smem:$0x3FB8] =	sst s9;
	s0 =	simm.s32 @!p0 $0x0  }
0x12: {  	s1 =	sld [smem:$0x3F9E];
	s0 =	simm.s32 @p0 $0x1  }
0x13: {  	[smem:$0x3FB9] =	sst s0;
	s0 =	simm.s32 @!p1 $0x0  }
0x14: {  	s2 =	sld [smem:$0x3F9D];
	s0 =	simm.s32 @p1 $0x1  }
0x15: {  	[smem:$0x3FBA] =	sst s0;
	s0 =	simm.s32 @!p2 $0x0  }
0x16: {  	s3 =	sld [smem:$0x3FDB];
	s0 =	simm.s32 @p2 $0x1  }
0x17: {  	s4 =	simm.s32 $0x1BF5;
	[smem:$0x3FBC] =	sst s0  }
0x18: {  	s0 =	sld [smem:$0x3F9F];
	_ =	swait.ge [sflag:s4], $0x0  }
0x19: {  	s7 =	sld [smem:$0x3FA0]  }
0x1a: {  	s8 =	sadd.s32 $0xFFFFE003, lr  }
0x1b: {  	s9 =	sadd.s32 $0xFFFFFEF7, lr;
	s5 =	simm.s32 $0xFFFFFFFF;
	p2 =	slt.u32 s8, $0xFFFFF086  }
0x1c: {  	p1 =	slt.u32 s9, $0xF7A;
	s5 =	simm.s32 @!p2 $0x0  }
0x1d: {  	s5 =	simm.s32 @p1 $0x1;
	p0 =	seq.s32 s7, s2  }
0x1e: {  	s7 =	smul.u32 @!p0 $0xF7A, s2;
	p2 =	seq.s32 @!p0 s5, $0x0  }
0x1f: {  	s9 =	smul.u32 $0xF7A, s1;
	s8 =	simm.s32 @!p0 $0x1BF5;
	p2 =	por !p2, p0  }
0x20: {  	[sflag:s8] =	ssyncset.s32 @!p0 $0xFFFFF086;
	s6 =	sadd.s32 @!p0 s3, s7;
	s7 =	simm.s32 @!p0 $0x108  }
0x21: {  	s3 =	sadd.s32 s3, s9;
	s6 =	sadd.s32 @!p0 $0x88, s6;
	s7 =	simm.s32 @p2 $0x1082  }
0x22: {  	[simem:s7], [sflag:s8] =	dma.local @!p0 [hbm:s6], $0xF7A  }
0x23: {  	s9 =	sor.u32 $0xD0000000, s2;
	s6 =	simm.s32 $0x108;
	_ =	swait.ge @!p0 [sflag:s8], $0x0  }
0x24: {  	s3 =	sadd.s32 $0x88, s3;
	s6 =	simm.s32 @!p1 $0x1082;
	[sflag:s4] =	ssyncset.s32 $0xFFFFF086  }
0x25: {  	[simem:s6], [sflag:s4] =	dma.local [hbm:s3], $0xF7A  }
0x26: {  	[smem:$0x3FA0] =	sst s1;
	(tag) =	ssettag s2;
	_ =	strace s9  }
0x27: {  	s1 =	sld [smem:$0x3FB0]  }
0x28: {  	s2 =	sld [smem:$0x3FB1]  }
0x29: {  	s4 =	sld [smem:$0x3FB3]  }
0x2a: {  	p0 =	seq.s32 s5, $0x0;
	s5 =	sld [smem:$0x3FB4]  }
0x2b: {  	s6 =	sld [smem:$0x3FB5]  }
0x2c: {  	s7 =	sld [smem:$0x3FB6]  }
0x2d: {  	s3 =	simm.s32 $0x108;
	s8 =	sld [smem:$0x3FB7]  }
0x2e: {  	s3 =	simm.s32 @!p0 $0x1082;
	s9 =	sld [smem:$0x3FB8]  }
0x2f: {  	lr =	sadd.s32 s0, s3;
	s0 =	sld [smem:$0x3FAF]  }
0x30: {  	s3 =	sld [smem:$0x3FB2]  }
0x31: {  	[smem:$0x3FBB] =	sst s10  }
0x32: {  	s10 =	sld [smem:$0x3FB9];
	_ =	sdelay $0x3  }
0x33: {  	p0 =	seq.s32 s10, $0x1;
	s10 =	sld [smem:$0x3FBB];
	_ =	sdelay $0x3  }
0x34: {  	[smem:$0x3FBB] =	sst s10  }
0x35: {  	s10 =	sld [smem:$0x3FBA];
	_ =	sdelay $0x3  }
0x36: {  	p1 =	seq.s32 s10, $0x1;
	s10 =	sld [smem:$0x3FBB];
	_ =	sdelay $0x3  }
0x37: {  	[smem:$0x3FBB] =	sst s10  }
0x38: {  	s10 =	sld [smem:$0x3FBC]  }
0x39: {  	_ = 	snop;
	(pc) =	sbr.ind lr, $3  }
0x3a: {  	_ = 	snop  }
0x3b: {  	_ = 	snop  }
0x3c: {  	p2 =	seq.s32 s10, $0x1;
	s10 =	sld [smem:$0x3FBB]  }
0x3d: {  	_ =	shalt  }
0x3e: {  	_ =	shalt  }
0x3f: {  	_ =	shalt  }
0x40: {  	_ =	shalt  }
0x41: {  	_ =	shalt  }
0x42: {  	_ =	shalt  }
0x43: {  	_ =	shalt  }
0x44: {  	_ =	shalt  }
0x45: {  	_ =	shalt  }
0x46: {  	_ =	shalt  }
0x47: {  	_ =	shalt  }
0x48: {  	_ =	shalt  }
0x49: {  	_ =	shalt  }
0x4a: {  	_ =	shalt  }
0x4b: {  	_ =	shalt  }
0x4c: {  	_ =	shalt  }
0x4d: {  	_ =	shalt  }
0x4e: {  	_ =	shalt  }
0x4f: {  	_ =	shalt  }
0x50: {  	_ =	shalt  }
0x51: {  	_ =	shalt  }
0x52: {  	_ =	shalt  }
0x53: {  	_ =	shalt  }
0x54: {  	_ =	shalt  }
0x55: {  	_ =	shalt  }
0x56: {  	_ =	shalt  }
0x57: {  	_ =	shalt  }
0x58: {  	_ =	shalt  }
0x59: {  	_ =	shalt  }
0x5a: {  	_ =	shalt  }
0x5b: {  	_ =	shalt  }
0x5c: {  	_ =	shalt  }
0x5d: {  	_ =	shalt  }
0x5e: {  	_ =	shalt  }
0x5f: {  	_ =	shalt  }
0x60: {  	_ =	shalt  }
0x61: {  	_ =	shalt  }
0x62: {  	_ =	shalt  }
0x63: {  	_ =	shalt  }
0x64: {  	_ =	shalt  }
0x65: {  	_ =	shalt  }
0x66: {  	_ =	shalt  }
0x67: {  	_ =	shalt  }
0x68: {  	_ =	shalt  }
0x69: {  	_ =	shalt  }
0x6a: {  	_ =	shalt  }
0x6b: {  	_ =	shalt  }
0x6c: {  	_ =	shalt  }
0x6d: {  	_ =	shalt  }
0x6e: {  	_ =	shalt  }
0x6f: {  	_ =	shalt  }
0x70: {  	_ =	shalt  }
0x71: {  	_ =	shalt  }
0x72: {  	_ =	shalt  }
0x73: {  	_ =	shalt  }
0x74: {  	_ =	shalt  }
0x75: {  	_ =	shalt  }
0x76: {  	_ =	shalt  }
0x77: {  	_ =	shalt  }
0x78: {  	_ =	shalt  }
0x79: {  	_ =	shalt  }
0x7a: {  	_ =	shalt  }
0x7b: {  	_ =	shalt  }
0x7c: {  	_ =	shalt  }
0x7d: {  	_ =	shalt  }
0x7e: {  	_ =	shalt  }
0x7f: {  	_ =	shalt  }
0x80: {  	_ =	shalt  }
0x81: {  	_ =	shalt  }
0x82: {  	_ =	shalt  }
0x83: {  	_ =	shalt  }
0x84: {  	_ =	shalt  }
0x85: {  	_ =	shalt  }
0x86: {  	_ =	shalt  }
0x87: {  	_ =	shalt  }
.Lfunc_end0:
.L_simem_size_0:
called_computation.1_lowered:
.L_overlay_start_0:
0x88: {  	s2 =	sld [smem:$0x3FD9]  }
0x89: {  	s3 =	sld [smem:$0x3FFE];
	_ =	sdelay $0x1  }
0x8a: {  	s1 =	srdreg.scid  }
0x8b: {  	s0 =	sand.u32 $0x1, s1  }
0x8c: {  	s16 =	sshll.u32 s0, $0xA;
	s2 =	sadd.s32 s3, s2  }
0x8d: {  	s2 =	sadd.s32 s2, s16  }
0x8e: {  	[smem:$0x3FC7] =	sst s2  }
0x8f: {  	_ = 	snop  }
0x90: {  	(tm) =	ssettm $0x1  }
0x91: {  	s17 =	sld [smem:$0x3FFB];
	_ =	sdelay $0x3  }
0x92: {  	_ =	strace s17  }
0x93: {  	s2 =	sld [smem:$0x3FFC];
	_ =	sdelay $0x3  }
0x94: {  	_ =	strace s2  }
0x95: {  	s2 =	sld [smem:$0x3FFD];
	_ =	sdelay $0x3  }
0x96: {  	_ =	strace s2  }
0x97: {  	_ =	strace $0x8FFFFFFF  }
0x98: {  	s18 =	sld [smem:$0x3FDB];
	_ =	sdelay $0x1  }
0x99: {  	s19 =	simm.s32 $_scs_section_size  }
0x9a: {  	s4 =	simm.s32 $_size__tile_overlayer_lowered;
	s5 =	simm.s32 $_tile_overlayer_lowered  }
0x9b: {  	s22 =	simm.s32 $0x1BFF;
	s21 =	sshll.u32 s5, $0x1;
	s2 =	sadd.s32 s19, s18  }
0x9c: {  	s6 =	simm.s32 $0x0;
	s20 =	sshll.u32 s4, $0x1;
	s4 =	sadd.s32 s21, s2  }
0x9d: {  	[timem:s6], [sflag:s22] =	dma.local [hbm:s4], s20  }
0x9e: {  	_ =	swait.ge [sflag:s22], s20  }
0x9f: {  	s3 =	ssub.s32 $0x0, s20;
	[sflag:s22] =	ssyncset.done $0x0  }
0xa0: {  	[sflag:s22] =	ssyncadd.s32 s3;
	_ =	sdelay $0x1  }
0xa1: {  	s23 =	simm.s32 $0x1B8B  }
0xa2: {  	_ =	swait.ge [sflag:s23], $0x1  }
0xa3: {  	[sflag:s23] =	ssyncset.done $0x0  }
0xa4: {  	s25 =	simm.s32 $0x1B8E;
	s24 =	sld [smem:$0x3FFE];
	[sflag:s23] =	ssyncadd.s32 $0xFFFFFFFF  }
0xa5: {  	s26 =	simm.s32 $execute0_lowered;
	[smem:$0x3FD2] =	sst s25  }
0xa6: {  	s4 =	sshll.u32 s26, $0x1;
	_ =	strace $0x80000049;
	[dreg:$0x1] =	wrdreg $0xFFFFFFFF  }
0xa7: {  	s28 =	simm.s32 $_size_execute0_lowered;
	s2 =	sadd.s32 s2, s4;
	[dreg:$0x0] =	wrdreg $0x0  }
0xa8: {  	s4 =	sshll.u32 s28, $0x1;
	[dreg:$0x2] =	wrdreg s2  }
0xa9: {  	[dreg:$0x3] =	wrdreg s4  }
0xaa: {  	[dreg:$0x4] =	wrdreg $0xC0  }
0xab: {  	_ =	task [dreg:s6], $0x5FFFF  }
0xac: {  	[dreg:$0x1] =	wrdreg $0xFFFFFFFF  }
0xad: {  	[dreg:$0x0] =	wrdreg $0x60  }
0xae: {  	[dreg:$0x2] =	wrdreg s24  }
0xaf: {  	[dreg:$0x3] =	wrdreg $0x9  }
0xb0: {  	_ =	task.clear_ibuf [dreg:s6], $0x4FFFF;
	_ =	strace $0x90000049  }
0xb1: {  	s29 =	simm.s32 $0x9;
	_ =	strace $0x8000004B  }
0xb2: {  	_ =	swait.ge [sflag:s29], $0x1  }
0xb3: {  	[sflag:s29] =	ssyncadd.s32 $0xFFFFFFFF  }
0xb4: {  	_ =	strace $0x9000004B  }
0xb5: {  	_ =	sfence  }
0xb6: {  	s30 =	sld [smem:$0x0];
	_ =	sdelay $0x2  }
0xb7: {  	s31 =	sshll.u32 s1, $0xD;
	s1 =	sshrl.u32 s1, $0x2  }
0xb8: {  	s3 =	sand.u32 $0x4000, s31;
	s1 =	sadd.s32 s1, s30  }
0xb9: {  	s0 =	sor.u32 s3, s0;
	s1 =	sshll.u32 s1, $0x11  }
0xba: {  	s0 =	sor.u32 s1, s0  }
0xbb: {  	s0 =	sadd.s32 $0x8F2B, s0  }
0xbc: {  	[sflag:s0] =	ssyncadd.remote.s32 $0x1  }
0xbd: {  	_ =	sfence.sel $0xFFFF  }
0xbe: {  	[dreg:$0x0] =	wrdreg $0xFFFFFFFF;
	(pc) =	sbr.abs _section_cstart, $3  }
0xbf: {  	[dreg:$0x1] =	wrdreg $0xFFFFFFFF  }
0xc0: {  	_ =	task.clear_ibuf [dreg:s6], $0x2FFFF;
	_ =	strace $0x9FFFFFFF  }
0xc1: {  	(tm) =	ssettm $0x7FFFFFFF  }
tec
execute0_lowered:
.L_overlay_start_1:
0x0: {  	(tag) =	ssettag $0x1  }
0x1: {  	v5 =	vlaneseq.u32  }
0x2: {  	vm2 =	vcmask $0x300;
	vm4 =	vcmask $0x704;
	vm3 =	vcmask $0xB08  }
0x3: {  	v8 =	vimm.s32 $0x2C00;
	v10 =	vimm.s32 $0x1C02;
	v11 =	vimm.s32 $0x1C01  }
0x4: {  	v12 =	vimm.s32 $0xC03;
	v13 =	vimm.s32 $0xC02;
	v14 =	vimm.s32 $0x2DFD  }
0x5: {  	v19 =	vimm.s32 $0x2DFC;
	v20 =	vimm.s32 $0x1DFE;
	v21 =	vimm.s32 $0x1DFD  }
0x6: {  	v22 =	vimm.s32 $0xDFF;
	v23 =	vimm.s32 $0xDFE;
	vm5 =	vcmask $0x1B18  }
0x7: {  	s0 =	stileid.u32;
	vm6 =	vcmask $0x1F1C;
	v9 =	vsel vm2, $0x3FFF, v8;
	v10 =	vsel vm2, $0x3001, v10  }
0x8: {  	s12 =	sand.u32 $0x1, s0;
	v11 =	vsel vm2, $0x3000, v11;
	v12 =	vsel vm2, $0x2002, v12;
	v13 =	vsel vm2, $0x2001, v13  }
0x9: {  	v8 =	vsel vm2, $0x4000, v8;
	v14 =	vsel vm2, $0x41FC, v14;
	v19 =	vsel vm2, $0x41FB, v19;
	s3 =	smul.u32 $0x2800, s12  }
0xa: {  	v20 =	vsel vm2, $0x31FD, v20;
	v21 =	vsel vm2, $0x31FC, v21;
	v22 =	vsel vm2, $0x21FE, v22  }
0xb: {  	v23 =	vsel vm2, $0x21FD, v23;
	v9 =	vsel vm4, $0x43FF, v9;
	v10 =	vsel vm4, $0x3401, v10;
	s1 =	sadd.s32 $0x2620, s3  }
0xc: {  	v11 =	vsel vm4, $0x3400, v11;
	v12 =	vsel vm4, $0x2402, v12;
	v0 =	vor.u32 s1, v5  }
0xd: {  	v13 =	vsel vm4, $0x2401, v13;
	v8 =	vsel vm4, $0x4400, v8;
	v1 =	vcvt.s32.f32 v0  }
0xe: {  	v14 =	vsel vm4, $0x45FC, v14;
	v19 =	vsel vm4, $0x45FB, v19;
	v20 =	vsel vm4, $0x35FD, v20  }
0xf: {  	v21 =	vsel vm4, $0x35FC, v21;
	v22 =	vsel vm4, $0x25FE, v22;
	v1 =	vmul.f32 $5.000000070e-02, v1  }
0x10: {  	v23 =	vsel vm4, $0x25FD, v23;
	v9 =	vsel vm3, $0x47FF, v9;
	v10 =	vsel vm3, $0x3801, v10;
	s26 =	sadd.s32 $0x2630, s3  }
0x11: {  	v11 =	vsel vm3, $0x3800, v11;
	v3 =	vor.u32 s26, v5;
	v1 =	vadd.f32 $1.000000050e-03, v1  }
0x12: {  	v12 =	vsel vm3, $0x2802, v12;
	v13 =	vsel vm3, $0x2801, v13;
	v2 =	vcvt.s32.f32 v3  }
0x13: {  	v8 =	vsel vm3, $0x4800, v8;
	v14 =	vsel vm3, $0x49FC, v14;
	v1 =	vtrunc.f32 v1  }
0x14: {  	v19 =	vsel vm3, $0x49FB, v19;
	v15 =	vcvt.f32.s32 v1;
	v1 =	vmul.f32 $5.000000070e-02, v2  }
0x15: {  	v20 =	vsel vm3, $0x39FD, v20;
	v21 =	vsel vm3, $0x39FC, v21;
	v22 =	vsel vm3, $0x29FE, v22  }
0x16: {  	v23 =	vsel vm3, $0x29FD, v23;
	v2 =	vmul.u32 $0x3FFFEC, v15;
	v1 =	vadd.f32 $1.000000050e-03, v1  }
0x17: {  	v5 =	vmul.u32 $0x400, v5;
	v16 =	vadd.s32 $0xFFFFFFFF, v15;
	vm1 =	vlt.s32 v15, $0x3E7  }
0x18: {  	vm0 =	vgt.s32 v16, $0x0;
	v0 =	vadd.s32 v0, v2;
	v1 =	vtrunc.f32 v1  }
0x19: {  	v2 =	vnsel vm0, $0x0, v16;
	v17 =	vcvt.f32.s32 v1;
	v1 =	vshll.u32 v0, $0xA  }
0x1a: {  	v0 =	vnsel vm1, $0x3E7, v15;
	v2 =	vmin.u32 v2, $0x3E7;
	vm1 =	vcmask $0xF0C  }
0x1b: {  	v0 =	vadd.s32 v0, v1;
	v1 =	vor.u32 v2, v1;
	v2 =	vimm.s32 $0x2C01  }
0x1c: {  	v9 =	vsel vm1, $0x4BFF, v9;
	v10 =	vsel vm1, $0x3C01, v10;
	v11 =	vsel vm1, $0x3C00, v11  }
0x1d: {  	v12 =	vsel vm1, $0x2C02, v12;
	v13 =	vsel vm1, $0x2C01, v13;
	v8 =	vsel vm1, $0x4C00, v8  }
0x1e: {  	v14 =	vsel vm1, $0x4DFC, v14;
	v19 =	vsel vm1, $0x4DFB, v19;
	v20 =	vsel vm1, $0x3DFD, v20  }
0x1f: {  	v21 =	vsel vm1, $0x3DFC, v21;
	v22 =	vsel vm1, $0x2DFE, v22;
	v23 =	vsel vm1, $0x2DFD, v23  }
0x20: {  	vm0 =	vlt.s32 v17, $0x3E7;
	v18 =	vadd.s32 $0xFFFFFFFF, v17;
	v2 =	vsel vm2, $0x4000, v2  }
0x21: {  	vm2 =	vcmask $0x1714;
	v24 =	vmul.u32 $0x3FFFEC, v17;
	v4 =	vnsel vm0, $0x3E7, v17  }
0x22: {  	vm0 =	vgt.s32 v18, $0x0;
	v2 =	vsel vm4, $0x4400, v2;
	vm4 =	vcmask $0x2724  }
0x23: {  	v6 =	vnsel vm0, $0x0, v18;
	v2 =	vsel vm3, $0x4800, v2;
	vm0 =	vcmask $0xF00  }
0x24: {  	v3 =	vadd.s32 v3, v24;
	v7 =	vsel vm1, $0x4C00, v2;
	v2 =	vimm.s32 $0x0  }
0x25: {  	vm3 =	vcmask $0x2320;
	v2 =	vsel vm0, $0x7, v2;
	vm0 =	vcmask $0x1310  }
0x26: {  	v24 =	vshll.u32 v3, $0xA;
	v7 =	vsel vm0, $0x1, v7;
	v8 =	vsel vm0, $0x0, v8  }
0x27: {  	v6 =	vmin.u32 v6, $0x3E7;
	v7 =	vsel vm2, $0x401, v7;
	v8 =	vsel vm2, $0x400, v8  }
0x28: {  	vm1 =	vcmask $0x2F2C;
	v7 =	vsel vm5, $0x801, v7;
	v8 =	vsel vm5, $0x800, v8  }
0x29: {  	v3 =	vadd.s32 v4, v24;
	v7 =	vsel vm6, $0xC01, v7;
	v8 =	vsel vm6, $0xC00, v8  }
0x2a: {  	v4 =	vsel vm3, $0x1001, v7;
	v7 =	vsel vm0, $0x0, v9;
	v9 =	vsel vm0, $0x4001, v10  }
0x2b: {  	v10 =	vsel vm0, $0x4000, v11;
	v11 =	vsel vm0, $0x3002, v12;
	v12 =	vsel vm0, $0x3001, v13  }
0x2c: {  	v13 =	vsel vm0, $0x1FD, v14;
	v14 =	vsel vm0, $0x1FC, v19;
	v19 =	vsel vm0, $0x41FD, v20  }
0x2d: {  	v20 =	vsel vm0, $0x41FC, v21;
	v21 =	vsel vm0, $0x31FE, v22;
	v22 =	vsel vm0, $0x31FD, v23  }
0x2e: {  	vm0 =	vcmask $0x2B28;
	v8 =	vsel vm3, $0x1000, v8;
	v23 =	vsel vm4, $0x1401, v4  }
0x2f: {  	v7 =	vsel vm2, $0x400, v7;
	v9 =	vsel vm2, $0x4401, v9;
	v10 =	vsel vm2, $0x4400, v10  }
0x30: {  	v11 =	vsel vm2, $0x3402, v11;
	v12 =	vsel vm2, $0x3401, v12;
	v13 =	vsel vm2, $0x5FD, v13  }
0x31: {  	v14 =	vsel vm2, $0x5FC, v14;
	v19 =	vsel vm2, $0x45FD, v19;
	v20 =	vsel vm2, $0x45FC, v20  }
0x32: {  	v21 =	vsel vm2, $0x35FE, v21;
	v22 =	vsel vm2, $0x35FD, v22;
	v4 =	vor.u32 v6, v24  }
0x33: {  	vm2 =	vcmask $0x3330;
	v24 =	vsel vm4, $0x1400, v8;
	v6 =	vsel vm0, $0x1801, v23  }
0x34: {  	v7 =	vsel vm5, $0x800, v7;
	v9 =	vsel vm5, $0x4801, v9;
	v10 =	vsel vm5, $0x4800, v10  }
0x35: {  	v11 =	vsel vm5, $0x3802, v11;
	v12 =	vsel vm5, $0x3801, v12;
	v13 =	vsel vm5, $0x9FD, v13  }
0x36: {  	v14 =	vsel vm5, $0x9FC, v14;
	v19 =	vsel vm5, $0x49FD, v19;
	v20 =	vsel vm5, $0x49FC, v20  }
0x37: {  	v21 =	vsel vm5, $0x39FE, v21;
	v22 =	vsel vm5, $0x39FD, v22;
	v23 =	vsel vm1, $0x1C01, v6  }
0x38: {  	v7 =	vsel vm6, $0xC00, v7;
	v9 =	vsel vm6, $0x4C01, v9;
	v10 =	vsel vm6, $0x4C00, v10  }
0x39: {  	v11 =	vsel vm6, $0x3C02, v11;
	v12 =	vsel vm6, $0x3C01, v12;
	v13 =	vsel vm6, $0xDFD, v13  }
0x3a: {  	v14 =	vsel vm6, $0xDFC, v14;
	v19 =	vsel vm6, $0x4DFD, v19;
	v20 =	vsel vm6, $0x4DFC, v20  }
0x3b: {  	v21 =	vsel vm6, $0x3DFE, v21;
	v22 =	vsel vm6, $0x3DFD, v22;
	v6 =	vadd.s32 $0xFFFFFFFF, v5  }
0x3c: {  	v23 =	vsel vm2, $0x2001, v23;
	v7 =	vsel vm3, $0x1000, v7;
	v9 =	vsel vm3, $0x2, v9  }
0x3d: {  	v10 =	vsel vm3, $0x1, v10;
	v11 =	vsel vm3, $0x4002, v11;
	v12 =	vsel vm3, $0x4001, v12  }
0x3e: {  	v13 =	vsel vm3, $0x11FD, v13;
	v14 =	vsel vm3, $0x11FC, v14;
	v19 =	vsel vm3, $0x1FE, v19  }
0x3f: {  	v20 =	vsel vm3, $0x1FD, v20;
	v21 =	vsel vm3, $0x41FE, v21;
	v22 =	vsel vm3, $0x41FD, v22  }
0x40: {  	vm3 =	vcmask $0x3734;
	v7 =	vsel vm4, $0x1400, v7;
	v9 =	vsel vm4, $0x402, v9  }
0x41: {  	v23 =	vsel vm3, $0x2401, v23;
	v10 =	vsel vm4, $0x401, v10;
	v11 =	vsel vm4, $0x4402, v11  }
0x42: {  	v12 =	vsel vm4, $0x4401, v12;
	v25 =	vsel vm4, $0x15FD, v13;
	v26 =	vsel vm4, $0x15FC, v14  }
0x43: {  	v19 =	vsel vm4, $0x5FE, v19;
	v20 =	vsel vm4, $0x5FD, v20;
	v21 =	vsel vm4, $0x45FE, v21  }
0x44: {  	v22 =	vsel vm4, $0x45FD, v22;
	vm4 =	vcmask $0x3B38;
	v13 =	vadd.s32 $0x1003, v5  }
0x45: {  	v14 =	vadd.s32 $0x1002, v5;
	v7 =	vsel vm0, $0x1800, v7;
	v9 =	vsel vm0, $0x802, v9  }
0x46: {  	v10 =	vsel vm0, $0x801, v10;
	v11 =	vsel vm0, $0x4802, v11;
	v12 =	vsel vm0, $0x4801, v12  }
0x47: {  	v19 =	vsel vm0, $0x9FE, v19;
	v20 =	vsel vm0, $0x9FD, v20;
	v21 =	vsel vm0, $0x49FE, v21  }
0x48: {  	v22 =	vsel vm0, $0x49FD, v22;
	v7 =	vsel vm1, $0x1C00, v7;
	v9 =	vsel vm1, $0xC02, v9  }
0x49: {  	v10 =	vsel vm1, $0xC01, v10;
	v11 =	vsel vm1, $0x4C02, v11;
	v12 =	vsel vm1, $0x4C01, v12  }
0x4a: {  	v19 =	vsel vm1, $0xDFE, v19;
	v20 =	vsel vm1, $0xDFD, v20;
	v21 =	vsel vm1, $0x4DFE, v21  }
0x4b: {  	v22 =	vsel vm1, $0x4DFD, v22;
	v7 =	vsel vm2, $0x2000, v7;
	v9 =	vsel vm2, $0x1002, v9  }
0x4c: {  	v10 =	vsel vm2, $0x1001, v10;
	v11 =	vsel vm2, $0x3, v11;
	v12 =	vsel vm2, $0x2, v12  }
0x4d: {  	v19 =	vsel vm2, $0x11FE, v19;
	v20 =	vsel vm2, $0x11FD, v20;
	v21 =	vsel vm2, $0x1FF, v21  }
0x4e: {  	v22 =	vsel vm2, $0x1FE, v22;
	v8 =	vsel vm3, $0x2400, v7;
	v7 =	vsel vm4, $0x2801, v23  }
0x4f: {  	v9 =	vsel vm3, $0x1402, v9;
	v10 =	vsel vm3, $0x1401, v10;
	v11 =	vsel vm3, $0x403, v11  }
0x50: {  	v12 =	vsel vm3, $0x402, v12;
	v23 =	vsel vm0, $0x1800, v24;
	v24 =	vsel vm0, $0x19FD, v25  }
0x51: {  	s28 =	srdreg.scid;
	s5 =	rddreg [dreg:$0x0];
	v25 =	vsel vm0, $0x19FC, v26;
	vm0 =	vlt.u32 v18, $0x3E8;
	v19 =	vsel vm3, $0x15FE, v19  }
0x52: {  	s10 =	simm.s32 $0xA000;
	s11 =	simm.s32 $0x3;
	s4 =	sand.u32 $0x1, s28;
	v20 =	vsel vm3, $0x15FD, v20;
	v21 =	vsel vm3, $0x5FF, v21;
	v22 =	vsel vm3, $0x5FE, v22  }
0x53: {  	s29 =	sshrl.u32 s0, $0x1;
	s8 =	sadd.s32 $0x800, s5;
	s2 =	sshll.u32 s4, $0x3;
	v26 =	vadd.s32 $0x11FE, v5;
	v8 =	vsel vm4, $0x2800, v8;
	v9 =	vsel vm4, $0x1802, v9  }
0x54: {  	s4 =	ssub.s32 $0x2, s4;
	p0 =	seq.s32 s12, $0x1;
	s6 =	sor.u32 s29, s2;
	v10 =	vsel vm4, $0x1801, v10;
	v11 =	vsel vm4, $0x803, v11;
	v12 =	vsel vm4, $0x802, v12  }
0x55: {  	p1 =	seq.s32 s12, $0x0;
	s12 =	simm.s32 $0x0;
	s7 =	smul.u32 $0x5000, s6;
	v18 =	vsel vm1, $0x1C00, v23;
	v23 =	vsel vm1, $0x1DFD, v24;
	v24 =	vsel vm1, $0x1DFC, v25  }
0x56: {  	s2 =	simm.s32 $0x0;
	s9 =	sshrl.u32 s4, $0x1;
	s30 =	smul.u32 $0xC000, s6;
	vm1 =	vlt.s32 v17, $0x3E8;
	v19 =	vsel vm4, $0x19FE, v19;
	v20 =	vsel vm4, $0x19FD, v20  }
0x57: {  	[smem:$0x7FF] =	sst s2;
	s6 =	smul.u32 $0x1800, s6;
	s9 =	ssub.s32 s4, s9;
	v21 =	vsel vm4, $0x9FF, v21;
	v22 =	vsel vm4, $0x9FE, v22;
	v25 =	vadd.s32 $0x11FF, v5  }
.Ltmp0:
0x58: {  	s1 =	rddreg [dreg:$0x1];
	s3 =	sadd.s32 s3, s7;
	v17 =	vsel vm2, $0x2000, v18;
	v18 =	vsel vm2, $0x21FD, v23;
	v23 =	vsel vm2, $0x21FC, v24;
	(pc) =	sbr.rel .LBB2_1-.Ltmp0, $4  }
0x59: {  	_ =	strace $0x8000004A;
	s7 =	sshrl.u32 s30, $0x3;
	s3 =	sshrl.u32 s3, $0x3;
	vm2 =	vlt.u32 v16, $0x3E8;
	v24 =	vor.u32 $0x1FB, v5;
	v16 =	vsel vm3, $0x2400, v17  }
0x5a: {  	s31 =	sadd.s32 s8, s7;
	s7 =	simm.s32 $0x5000;
	s5 =	sadd.s32 s3, s5;
	v17 =	vsel vm3, $0x25FD, v18;
	v18 =	vsel vm3, $0x25FC, v23;
	vm3 =	vlt.s32 v15, $0x3E8  }
0x5b: {  	s3 =	sadd.s32 s8, s6;
	s4 =	sadd.s32 $0xC00, s31;
	s6 =	smax.u32 s9, $0x1;
	v15 =	vimm.f32 $0.0e+00;
	v23 =	vor.u32 $0x1FC, v5;
	v16 =	vsel vm4, $0x2800, v16  }
0x5c: {  	s8 =	simm.s32 $0x1;
	s9 =	simm.s32 $0x2;
	s5 =	sadd.s32 $0x18800, s5;
	v17 =	vsel vm4, $0x29FD, v17;
	v18 =	vsel vm4, $0x29FC, v18;
	vm4 =	vmmov $0xf  }
.LBB2_10:
0x5d: {  	s12 =	sadd.s32 $0x1, s12  }
0x5e: {  	p2 =	sne.s32 s12, s6  }
.Ltmp1:
0x5f: {  	_ = 	snop;
	(pc) =	sbr.rel @!p2 .LBB2_11-.Ltmp1, $4  }
0x60: {  	[hbm4b:s5+s2] =	stream.linear.scatter [tilespmem:s10], [sflag:$0x3], $0x2800, $0x38;
	[tilespmem:$0xC800] =	vst v63  }
0x61: {  	_ =	swait.ge [sflag:s11], $0x2800  }
0x62: {  	[sflag:s11] =	ssyncset.done $0x0  }
0x63: {  	[sflag:s11] =	ssyncadd.s32 $0xFFFFD800  }
.LBB2_1:
0x64: {  	[tilespmem:s2], [sflag:$0x1] =	stream.linear.gather [hbm4b:s3+s2], $0x5000, $0x38;
	[tilespmem:$0xC800] =	vst v63  }
0x65: {  	_ = 	snop  }
0x66: {  	[tilespmem:s7], [sflag:$0x2] =	stream.linear.gather [hbm4b:s4+s2], $0x5000, $0x38;
	[tilespmem:$0xC800] =	vst v63  }
0x67: {  	_ =	swait.ge [sflag:s8], $0x5000  }
.Ltmp2:
0x68: {  	[sflag:s8] =	ssyncset.done $0x0;
	(pc) =	sbr.rel @p0 .LBB2_5-.Ltmp2, $4  }
0x69: {  	[sflag:s8] =	ssyncadd.s32 $0xFFFFB000  }
0x6a: {  	_ =	swait.ge [sflag:s9], $0x5000  }
0x6b: {  	[sflag:s9] =	ssyncset.done $0x0  }
0x6c: {  	[sflag:s9] =	ssyncadd.s32 $0xFFFFB000  }
0x6d: {  	_ =	sdelay $0x3  }
0x6e: {  	v27 =	vld.idx.msk [tilespmem:v5+s2+$0x0], $0xffff;
	_ =	sdelay $0x4  }
0x6f: {  	v27 =	vadd.f32 $0.0e+00, v27;
	_ =	sdelay $0x1  }
0x70: {  	v27 =	vmul.f32 $2.500000040e-02, v27;
	_ =	sdelay $0x1  }
0x71: {  	[tilespmem:$0xA000] =	vst v27  }
0x72: {  	v27 =	vld.idx.msk [tilespmem:v16+s7+$0x0], $0xffff  }
0x73: {  	v28 =	vld.idx.msk [tilespmem:v7+s2+$0x0], $0xffff;
	_ =	sdelay $0x3  }
0x74: {  	v27 =	vsel vm4, $0x0, v27  }
0x75: {  	v27 =	vadd.f32 v27, v28;
	_ =	sdelay $0x1  }
0x76: {  	v27 =	vmul.f32 $2.500000040e-02, v27;
	_ =	sdelay $0x1  }
0x77: {  	[tilespmem:$0xA010] =	vst v27  }
0x78: {  	v27 =	vld.idx.msk [tilespmem:v9+s2+$0x0], $0xffff  }
0x79: {  	v28 =	vld.idx.msk [tilespmem:v10+s7+$0x0], $0xffff;
	_ =	sdelay $0x4  }
0x7a: {  	v27 =	vadd.f32 v28, v27;
	_ =	sdelay $0x1  }
0x7b: {  	v27 =	vmul.f32 $2.500000040e-02, v27;
	_ =	sdelay $0x1  }
0x7c: {  	[tilespmem:$0xA020] =	vst v27  }
0x7d: {  	v27 =	vld.idx.msk [tilespmem:v11+s2+$0x0], $0xffff  }
0x7e: {  	v28 =	vld.idx.msk [tilespmem:v12+s7+$0x0], $0xffff;
	_ =	sdelay $0x4  }
0x7f: {  	v27 =	vadd.f32 v28, v27;
	_ =	sdelay $0x1  }
0x80: {  	v27 =	vmul.f32 $2.500000040e-02, v27;
	_ =	sdelay $0x1  }
0x81: {  	[tilespmem:$0xA030] =	vst v27  }
0x82: {  	v27 =	vld.idx.msk [tilespmem:v13+s2+$0x0], $0xffff  }
0x83: {  	v28 =	vld.idx.msk [tilespmem:v14+s7+$0x0], $0xffff;
	_ =	sdelay $0x3  }
0x84: {  	s15 =	simm.s32 $0x8  }
0x85: {  	v27 =	vadd.f32 v28, v27;
	v28 =	vor.u32 s15, v5  }
0x86: {  	v29 =	vadd.s32 s15, v6  }
0x87: {  	v27 =	vmul.f32 $2.500000040e-02, v27;
	_ =	sdelay $0x1  }
0x88: {  	s19 =	simm.s32 $0x4;
	[tilespmem:$0xA040] =	vst v27  }
0x89: {  	v30 =	vadd.s32 s19, v6;
	v28 =	vld.idx.msk [tilespmem:v28+s2+$0x0], $0xffff  }
0x8a: {  	v27 =	vor.u32 s19, v5;
	v29 =	vld.idx.msk [tilespmem:v29+s7+$0x0], $0xffff;
	_ =	sdelay $0x3  }
0x8b: {  	v30 =	vld.idx.msk [tilespmem:v30+s7+$0x0], $0xffff  }
0x8c: {  	v27 =	vld.idx.msk [tilespmem:v27+s2+$0x0], $0xffff;
	v28 =	vadd.f32 v29, v28;
	v29 =	vor.u32 s15, v7  }
0x8d: {  	v31 =	vadd.s32 s15, v8  }
0x8e: {  	v28 =	vmul.f32 $2.500000040e-02, v28  }
0x8f: {  	s13 =	simm.s32 $0xA070  }
0x90: {  	[tilespmem:s13+$0x30] =	vst v28  }
0x91: {  	v28 =	vor.u32 s19, v7;
	v27 =	vadd.f32 v30, v27;
	v29 =	vld.idx.msk [tilespmem:v29+s2+$0x0], $0xffff  }
0x92: {  	s18 =	simm.s32 $0x10;
	v30 =	vadd.s32 s19, v8;
	v31 =	vld.idx.msk [tilespmem:v31+s7+$0x0], $0xffff  }
0x93: {  	v32 =	vor.u32 s18, v5;
	v27 =	vmul.f32 $2.500000040e-02, v27  }
0x94: {  	s20 =	simm.s32 $0xC;
	v33 =	vadd.s32 s18, v6  }
0x95: {  	v34 =	vadd.s32 s20, v6;
	[tilespmem:s13+$0xFFFFFFE0] =	vst v27  }
0x96: {  	v27 =	vor.u32 s20, v5;
	v28 =	vld.idx.msk [tilespmem:v28+s2+$0x0], $0xffff  }
0x97: {  	v30 =	vld.idx.msk [tilespmem:v30+s7+$0x0], $0xffff;
	v29 =	vadd.f32 v31, v29;
	v31 =	vor.u32 s15, v9  }
0x98: {  	v35 =	vor.u32 s15, v10;
	v32 =	vld.idx.msk [tilespmem:v32+s2+$0x0], $0xffff  }
0x99: {  	v33 =	vld.idx.msk [tilespmem:v33+s7+$0x0], $0xffff;
	v29 =	vmul.f32 $2.500000040e-02, v29  }
0x9a: {  	v34 =	vld.idx.msk [tilespmem:v34+s7+$0x0], $0xffff  }
0x9b: {  	s21 =	simm.s32 $0x14;
	v27 =	vld.idx.msk [tilespmem:v27+s2+$0x0], $0xffff;
	[tilespmem:s13+$0x40] =	vst v29  }
0x9c: {  	v60 =	vor.u32 s21, v5;
	v28 =	vadd.f32 v30, v28;
	v30 =	vld.idx.msk [tilespmem:v31+s2+$0x0], $0xffff  }
0x9d: {  	v29 =	vor.u32 s19, v9;
	v35 =	vld.idx.msk [tilespmem:v35+s7+$0x0], $0xffff  }
0x9e: {  	v32 =	vadd.f32 v33, v32;
	v31 =	vor.u32 s19, v10;
	v28 =	vmul.f32 $2.500000040e-02, v28  }
0x9f: {  	v57 =	vor.u32 s18, v7  }
0xa0: {  	v36 =	vadd.s32 s18, v8;
	[tilespmem:s13+$0xFFFFFFF0] =	vst v28;
	v28 =	vmul.f32 $2.500000040e-02, v32  }
0xa1: {  	s14 =	simm.s32 $0xA110;
	v37 =	vor.u32 s20, v7;
	v63 =	vld.idx.msk [tilespmem:v60+s2+$0x0], $0xffff;
	v27 =	vadd.f32 v34, v27  }
0xa2: {  	s16 =	simm.s32 $0x18;
	v58 =	vadd.s32 s20, v8;
	v29 =	vld.idx.msk [tilespmem:v29+s2+$0x0], $0xffff;
	[tilespmem:s14+$0x30] =	vst v28;
	v28 =	vadd.f32 v35, v30  }
0xa3: {  	v62 =	vor.u32 s16, v5;
	v31 =	vld.idx.msk [tilespmem:v31+s7+$0x0], $0xffff;
	v27 =	vmul.f32 $2.500000040e-02, v27  }
0xa4: {  	v30 =	vor.u32 s15, v11;
	v33 =	vld.idx.msk [tilespmem:v57+s2+$0x0], $0xffff;
	v28 =	vmul.f32 $2.500000040e-02, v28  }
0xa5: {  	v59 =	vor.u32 s15, v12;
	[tilespmem:s14+$0xFFFFFFE0] =	vst v27;
	v27 =	vld.idx.msk [tilespmem:v36+s7+$0x0], $0xffff  }
0xa6: {  	v61 =	vld.idx.msk [tilespmem:v37+s2+$0x0], $0xffff;
	[tilespmem:s13+$0x50] =	vst v28;
	v28 =	vadd.s32 s16, v6  }
0xa7: {  	v38 =	vadd.s32 s21, v6;
	v32 =	vld.idx.msk [tilespmem:v58+s7+$0x0], $0xffff  }
0xa8: {  	v39 =	vor.u32 s19, v11;
	v45 =	vld.idx.msk [tilespmem:v62+s2+$0x0], $0xffff;
	v29 =	vadd.f32 v31, v29  }
0xa9: {  	v49 =	vor.u32 s19, v12;
	v30 =	vld.idx.msk [tilespmem:v30+s2+$0x0], $0xffff  }
0xaa: {  	v44 =	vor.u32 s18, v9;
	v31 =	vld.idx.msk [tilespmem:v59+s7+$0x0], $0xffff;
	v27 =	vadd.f32 v27, v33;
	v29 =	vmul.f32 $2.500000040e-02, v29  }
0xab: {  	v46 =	vor.u32 s18, v10;
	v28 =	vld.idx.msk [tilespmem:v28+s7+$0x0], $0xffff  }
0xac: {  	v40 =	vor.u32 s20, v9;
	v32 =	vadd.f32 v32, v61;
	v27 =	vmul.f32 $2.500000040e-02, v27;
	[tilespmem:s13+$0x0] =	vst v29;
	v29 =	vld.idx.msk [tilespmem:v38+s7+$0x0], $0xffff  }
0xad: {  	s17 =	simm.s32 $0x20;
	v47 =	vor.u32 s20, v10;
	v38 =	vld.idx.msk [tilespmem:v39+s2+$0x0], $0xffff  }
0xae: {  	v58 =	vadd.s32 s17, v6;
	v32 =	vmul.f32 $2.500000040e-02, v32;
	v42 =	vld.idx.msk [tilespmem:v49+s7+$0x0], $0xffff;
	[tilespmem:s14+$0x40] =	vst v27  }
0xaf: {  	v57 =	vor.u32 s17, v5;
	v27 =	vadd.f32 v31, v30;
	v31 =	vld.idx.msk [tilespmem:v44+s2+$0x0], $0xffff  }
0xb0: {  	v30 =	vor.u32 s15, v13;
	[tilespmem:s14+$0xFFFFFFF0] =	vst v32;
	v50 =	vld.idx.msk [tilespmem:v46+s7+$0x0], $0xffff  }
0xb1: {  	v48 =	vor.u32 s15, v14;
	v27 =	vmul.f32 $2.500000040e-02, v27;
	v51 =	vld.idx.msk [tilespmem:v40+s2+$0x0], $0xffff  }
0xb2: {  	v52 =	vor.u32 s16, v7;
	v36 =	vld.idx.msk [tilespmem:v47+s7+$0x0], $0xffff;
	v28 =	vadd.f32 v28, v45  }
0xb3: {  	v40 =	vld.idx.msk [tilespmem:v58+s7+$0x0], $0xffff;
	[tilespmem:s13+$0x60] =	vst v27;
	v27 =	vadd.s32 s16, v8  }
0xb4: {  	v53 =	vor.u32 s21, v7;
	v29 =	vadd.f32 v29, v63;
	v45 =	vld.idx.msk [tilespmem:v57+s2+$0x0], $0xffff;
	v28 =	vmul.f32 $2.500000040e-02, v28  }
0xb5: {  	s15 =	simm.s32 $0xA1B0;
	v41 =	vld.idx.msk [tilespmem:v30+s2+$0x0], $0xffff;
	v30 =	vadd.s32 s21, v8  }
0xb6: {  	v33 =	vld.idx.msk [tilespmem:v48+s7+$0x0], $0xffff;
	v29 =	vmul.f32 $2.500000040e-02, v29;
	[tilespmem:s15+$0x30] =	vst v28;
	v28 =	vadd.f32 v50, v31;
	v31 =	vor.u32 s18, v11  }
0xb7: {  	s22 =	simm.s32 $0x1C;
	v55 =	vor.u32 s18, v12;
	v54 =	vld.idx.msk [tilespmem:v52+s2+$0x0], $0xffff  }
0xb8: {  	[tilespmem:s15+$0xFFFFFFE0] =	vst v29;
	v29 =	vor.u32 s22, v5;
	v27 =	vld.idx.msk [tilespmem:v27+s7+$0x0], $0xffff;
	v28 =	vmul.f32 $2.500000040e-02, v28  }
0xb9: {  	v56 =	vld.idx.msk [tilespmem:v53+s2+$0x0], $0xffff  }
0xba: {  	v43 =	vadd.s32 s22, v6;
	v30 =	vld.idx.msk [tilespmem:v30+s7+$0x0], $0xffff;
	[tilespmem:s14+$0x50] =	vst v28  }
0xbb: {  	v60 =	vor.u32 s16, v10;
	v47 =	vor.u32 s19, v13;
	v38 =	vadd.f32 v42, v38;
	v31 =	vld.idx.msk [tilespmem:v31+s2+$0x0], $0xffff  }
0xbc: {  	v62 =	vor.u32 s18, v13;
	v44 =	vor.u32 s20, v11;
	v36 =	vadd.f32 v36, v51;
	v34 =	vld.idx.msk [tilespmem:v55+s7+$0x0], $0xffff  }
0xbd: {  	v38 =	vmul.f32 $2.500000040e-02, v38;
	v37 =	vld.idx.msk [tilespmem:v29+s2+$0x0], $0xffff;
	v29 =	vor.u32 s16, v9;
	v27 =	vadd.f32 v27, v54  }
0xbe: {  	v35 =	vor.u32 s22, v13;
	v49 =	vor.u32 s21, v10;
	v59 =	vmul.f32 $2.500000040e-02, v36  }
0xbf: {  	v43 =	vld.idx.msk [tilespmem:v43+s7+$0x0], $0xffff;
	v46 =	vor.u32 s21, v9;
	[tilespmem:s13+$0x10] =	vst v38;
	v30 =	vadd.f32 v30, v56;
	v61 =	vmul.f32 $2.500000040e-02, v27  }
0xc0: {  	v39 =	vor.u32 s22, v7;
	v32 =	vor.u32 s21, v12;
	v33 =	vadd.f32 v33, v41;
	v41 =	vld.idx.msk [tilespmem:v47+s2+$0x0], $0xffff;
	[tilespmem:s14+$0x0] =	vst v59  }
0xc1: {  	v42 =	vadd.s32 s22, v8;
	v36 =	vld.idx.msk [tilespmem:v44+s2+$0x0], $0xffff;
	v50 =	vmul.f32 $2.500000040e-02, v30;
	v31 =	vadd.f32 v34, v31;
	[tilespmem:s15+$0x40] =	vst v61  }
0xc2: {  	v48 =	vor.u32 s20, v12;
	v52 =	vor.u32 s18, v14;
	v45 =	vadd.f32 v40, v45;
	v51 =	vld.idx.msk [tilespmem:v29+s2+$0x0], $0xffff  }
0xc3: {  	v40 =	vor.u32 s22, v9;
	v38 =	vor.u32 s22, v12;
	[tilespmem:s15+$0xFFFFFFF0] =	vst v50;
	v63 =	vld.idx.msk [tilespmem:v60+s7+$0x0], $0xffff;
	v58 =	vmul.f32 $2.500000040e-02, v31  }
0xc4: {  	v47 =	vor.u32 s16, v11;
	v28 =	vor.u32 s19, v14;
	v54 =	vor.u32 s17, v7;
	v53 =	vld.idx.msk [tilespmem:v46+s2+$0x0], $0xffff  }
0xc5: {  	v56 =	vadd.s32 s17, v8;
	v27 =	vor.u32 s20, v13;
	v55 =	vld.idx.msk [tilespmem:v49+s7+$0x0], $0xffff;
	[tilespmem:s14+$0x60] =	vst v58  }
0xc6: {  	v30 =	vor.u32 s20, v14;
	v59 =	vadd.f32 v43, v37;
	v60 =	vmul.f32 $2.500000040e-02, v45;
	v44 =	vld.idx.msk [tilespmem:v62+s2+$0x0], $0xffff  }
0xc7: {  	s18 =	simm.s32 $0xA250;
	v43 =	vor.u32 s22, v10;
	v37 =	vor.u32 s22, v11;
	v61 =	vmul.f32 $2.500000040e-02, v33;
	v45 =	vld.idx.msk [tilespmem:v52+s7+$0x0], $0xffff  }
0xc8: {  	v33 =	vor.u32 s22, v14;
	v46 =	vld.idx.msk [tilespmem:v48+s7+$0x0], $0xffff;
	[tilespmem:s18+$0x30] =	vst v60;
	v62 =	vmul.f32 $2.500000040e-02, v59;
	v63 =	vadd.f32 v63, v51  }
0xc9: {  	v34 =	vor.u32 s21, v11;
	v29 =	vor.u32 s21, v13;
	[tilespmem:s13+$0x70] =	vst v61;
	v48 =	vor.u32 s16, v12;
	v49 =	vld.idx.msk [tilespmem:v54+s2+$0x0], $0xffff  }
0xca: {  	s19 =	simm.s32 $0x7;
	s20 =	simm.s32 $0x24;
	v31 =	vor.u32 s21, v14;
	[tilespmem:s18+$0xFFFFFFE0] =	vst v62;
	v51 =	vld.idx.msk [tilespmem:v56+s7+$0x0], $0xffff;
	v50 =	vadd.f32 v55, v53;
	v52 =	vmul.f32 $2.500000040e-02, v63  }
.LBB2_3:
0xcb: {  	v53 =	vor.u32 s20, v5;
	v54 =	vadd.s32 s20, v6;
	s21 =	sadd.s32 $0x4, s20;
	v55 =	vld.idx.msk [tilespmem:v39+s2+$0x0], $0xffff;
	v39 =	vor.u32 s20, v7  }
0xcc: {  	v44 =	vadd.f32 v45, v44;
	v56 =	vor.u32 s21, v5;
	v57 =	vld.idx.msk [tilespmem:v42+s7+$0x0], $0xffff;
	v42 =	vadd.s32 s20, v8;
	[tilespmem:s15+$0x50] =	vst v52  }
0xcd: {  	v45 =	vor.u32 s20, v9;
	v52 =	vor.u32 s20, v10;
	v58 =	vadd.s32 s21, v6;
	v47 =	vld.idx.msk [tilespmem:v47+s2+$0x0], $0xffff  }
0xce: {  	v59 =	vor.u32 s20, v11;
	v50 =	vmul.f32 $2.500000040e-02, v50;
	v44 =	vmul.f32 $2.500000040e-02, v44;
	v48 =	vld.idx.msk [tilespmem:v48+s7+$0x0], $0xffff  }
0xcf: {  	v60 =	vor.u32 s20, v12;
	v61 =	vor.u32 s20, v13;
	v36 =	vadd.f32 v46, v36;
	v46 =	vld.idx.msk [tilespmem:v28+s7+$0x0], $0xffff;
	v28 =	vmovc v30;
	v30 =	vmovc v31  }
0xd0: {  	s19 =	sadd.s32 $0x2, s19;
	v49 =	vadd.f32 v51, v49;
	v51 =	vor.u32 s17, v9;
	v31 =	vmovc v33;
	v33 =	vor.u32 s20, v14;
	v53 =	vld.idx.msk [tilespmem:v53+s2+$0x0], $0xffff;
	[tilespmem:s14+$0x70] =	vst v44  }
0xd1: {  	p2 =	slt.u32 s19, $0x7D;
	v36 =	vmul.f32 $2.500000040e-02, v36;
	v44 =	vld.idx.msk [tilespmem:v56+s2+$0x0], $0xffff;
	v56 =	vor.u32 s17, v10;
	[tilespmem:s15+$0x0] =	vst v50  }
0xd2: {  	v55 =	vadd.f32 v57, v55;
	v49 =	vmul.f32 $2.500000040e-02, v49;
	v50 =	vld.idx.msk [tilespmem:v58+s7+$0x0], $0xffff  }
0xd3: {  	v54 =	vld.idx.msk [tilespmem:v54+s7+$0x0], $0xffff;
	[tilespmem:s14+$0x10] =	vst v36  }
0xd4: {  	v55 =	vmul.f32 $2.500000040e-02, v55;
	v47 =	vadd.f32 v48, v47;
	v48 =	vor.u32 s16, v13;
	[tilespmem:s18+$0x40] =	vst v49;
	v36 =	vld.idx.msk [tilespmem:v34+s2+$0x0], $0xffff;
	v34 =	vmovc v37  }
0xd5: {  	v41 =	vadd.f32 v46, v41;
	v37 =	vmov v59;
	v49 =	vld.idx.msk [tilespmem:v51+s2+$0x0], $0xffff;
	v51 =	vor.u32 s16, v14;
	s16 =	smov.u32 s17;
	s17 =	smov.u32 s21  }
0xd6: {  	v46 =	vmul.f32 $2.500000040e-02, v47;
	[tilespmem:s18+$0xFFFFFFF0] =	vst v55;
	v55 =	vld.idx.msk [tilespmem:v56+s7+$0x0], $0xffff  }
0xd7: {  	v41 =	vmul.f32 $2.500000040e-02, v41;
	v56 =	vld.idx.msk [tilespmem:v40+s2+$0x0], $0xffff;
	v40 =	vmov v45  }
0xd8: {  	v45 =	vadd.f32 v50, v44;
	v50 =	vor.u32 s17, v7;
	v57 =	vld.idx.msk [tilespmem:v43+s7+$0x0], $0xffff;
	[tilespmem:s15+$0x60] =	vst v46;
	v43 =	vmov v52  }
0xd9: {  	v46 =	vadd.f32 v54, v53;
	v52 =	vadd.s32 s17, v8;
	v44 =	vld.idx.msk [tilespmem:v48+s2+$0x0], $0xffff;
	[tilespmem:s13+$0x20] =	vst v41;
	s13 =	smov.u32 s14;
	s14 =	smov.u32 s15;
	s15 =	smov.u32 s18  }
.Ltmp3:
0xda: {  	v41 =	vmul.f32 $2.500000040e-02, v45;
	v45 =	vld.idx.msk [tilespmem:v51+s7+$0x0], $0xffff;
	(pc) =	sbr.rel @p2 .LBB2_3-.Ltmp3, $4  }
0xdb: {  	s18 =	sadd.s32 $0xA0, s18;
	v48 =	vmul.f32 $2.500000040e-02, v46;
	v46 =	vld.idx.msk [tilespmem:v32+s7+$0x0], $0xffff;
	v32 =	vmov v38;
	v38 =	vmov v60  }
0xdc: {  	v47 =	vor.u32 s16, v11;
	v53 =	vadd.f32 v55, v49;
	[tilespmem:s18+$0x30] =	vst v41;
	v41 =	vld.idx.msk [tilespmem:v27+s2+$0x0], $0xffff;
	v27 =	vmovc v29;
	v29 =	vmov v35  }
0xdd: {  	v35 =	vmov v61;
	[tilespmem:s18+$0xFFFFFFE0] =	vst v48;
	v49 =	vld.idx.msk [tilespmem:v50+s2+$0x0], $0xffff;
	v48 =	vor.u32 s16, v12  }
0xde: {  	s20 =	sadd.s32 $0x8, s20;
	v50 =	vadd.f32 v57, v56;
	v51 =	vld.idx.msk [tilespmem:v52+s7+$0x0], $0xffff;
	v52 =	vmul.f32 $2.500000040e-02, v53  }
0xdf: {  	_ =	sdelay $0x3  }
0xe0: {  	v39 =	vld.idx.msk [tilespmem:v39+s2+$0x0], $0xffff  }
0xe1: {  	v42 =	vld.idx.msk [tilespmem:v42+s7+$0x0], $0xffff;
	_ =	sdelay $0x2  }
0xe2: {  	v62 =	vor.u32 s17, v9;
	v49 =	vadd.f32 v51, v49  }
0xe3: {  	v53 =	vor.u32 s17, v10  }
0xe4: {  	v39 =	vadd.f32 v42, v39;
	v49 =	vmul.f32 $2.500000040e-02, v49;
	_ =	sdelay $0x1  }
0xe5: {  	v39 =	vmul.f32 $2.500000040e-02, v39;
	[tilespmem:s18+$0x40] =	vst v49  }
0xe6: {  	v63 =	vld.idx.msk [tilespmem:v62+s2+$0x0], $0xffff  }
0xe7: {  	v49 =	vld.idx.msk [tilespmem:v53+s7+$0x0], $0xffff;
	[tilespmem:s18+$0xFFFFFFF0] =	vst v39  }
0xe8: {  	v39 =	vld.idx.msk [tilespmem:v40+s2+$0x0], $0xffff  }
0xe9: {  	v54 =	vld.idx.msk [tilespmem:v43+s7+$0x0], $0xffff;
	_ =	sdelay $0x2  }
0xea: {  	v55 =	vor.u32 s17, v11;
	[tilespmem:s15+$0x50] =	vst v52;
	v50 =	vmul.f32 $2.500000040e-02, v50;
	v42 =	vadd.f32 v49, v63  }
0xeb: {  	v56 =	vor.u32 s17, v12;
	v47 =	vld.idx.msk [tilespmem:v47+s2+$0x0], $0xffff  }
0xec: {  	v48 =	vld.idx.msk [tilespmem:v48+s7+$0x0], $0xffff;
	[tilespmem:s15+$0x0] =	vst v50;
	v39 =	vadd.f32 v54, v39;
	v42 =	vmul.f32 $2.500000040e-02, v42  }
0xed: {  	v34 =	vld.idx.msk [tilespmem:v34+s2+$0x0], $0xffff  }
0xee: {  	v32 =	vld.idx.msk [tilespmem:v32+s7+$0x0], $0xffff;
	v39 =	vmul.f32 $2.500000040e-02, v39;
	[tilespmem:s18+$0x50] =	vst v42  }
0xef: {  	v36 =	vadd.f32 v46, v36;
	v57 =	vld.idx.msk [tilespmem:v55+s2+$0x0], $0xffff  }
0xf0: {  	v42 =	vld.idx.msk [tilespmem:v56+s7+$0x0], $0xffff;
	[tilespmem:s18+$0x0] =	vst v39  }
0xf1: {  	v59 =	vor.u32 s16, v13;
	v36 =	vmul.f32 $2.500000040e-02, v36;
	v58 =	vadd.f32 v48, v47;
	v37 =	vld.idx.msk [tilespmem:v37+s2+$0x0], $0xffff  }
0xf2: {  	v60 =	vor.u32 s16, v14;
	v38 =	vld.idx.msk [tilespmem:v38+s7+$0x0], $0xffff  }
0xf3: {  	v28 =	vld.idx.msk [tilespmem:v28+s7+$0x0], $0xffff;
	[tilespmem:s14+$0x10] =	vst v36;
	v61 =	vmul.f32 $2.500000040e-02, v58;
	v32 =	vadd.f32 v32, v34  }
0xf4: {  	v27 =	vld.idx.msk [tilespmem:v27+s2+$0x0], $0xffff  }
0xf5: {  	v30 =	vld.idx.msk [tilespmem:v30+s7+$0x0], $0xffff;
	[tilespmem:s15+$0x60] =	vst v61;
	v32 =	vmul.f32 $2.500000040e-02, v32;
	v63 =	vor.u32 s17, v13;
	v62 =	vadd.f32 v42, v57  }
0xf6: {  	v47 =	vor.u32 s17, v14;
	v46 =	vld.idx.msk [tilespmem:v59+s2+$0x0], $0xffff  }
0xf7: {  	[tilespmem:s15+$0x10] =	vst v32;
	v49 =	vld.idx.msk [tilespmem:v60+s7+$0x0], $0xffff;
	v51 =	vadd.f32 v38, v37;
	v50 =	vmul.f32 $2.500000040e-02, v62  }
0xf8: {  	v29 =	vld.idx.msk [tilespmem:v29+s2+$0x0], $0xffff  }
0xf9: {  	v31 =	vld.idx.msk [tilespmem:v31+s7+$0x0], $0xffff;
	v34 =	vmul.f32 $2.500000040e-02, v51;
	[tilespmem:s18+$0x60] =	vst v50  }
0xfa: {  	v52 =	vld.idx.msk [tilespmem:v63+s2+$0x0], $0xffff  }
0xfb: {  	v53 =	vld.idx.msk [tilespmem:v47+s7+$0x0], $0xffff;
	[tilespmem:s18+$0x10] =	vst v34  }
0xfc: {  	v28 =	vadd.f32 v28, v41;
	v35 =	vld.idx.msk [tilespmem:v35+s2+$0x0], $0xffff  }
0xfd: {  	v27 =	vadd.f32 v30, v27;
	v33 =	vld.idx.msk [tilespmem:v33+s7+$0x0], $0xffff  }
0xfe: {  	v28 =	vmul.f32 $2.500000040e-02, v28;
	v36 =	vadd.f32 v49, v46  }
0xff: {  	v27 =	vmul.f32 $2.500000040e-02, v27;
	v56 =	vadd.f32 v31, v29  }
0x100: {  	[tilespmem:s13+$0x20] =	vst v28;
	v54 =	vadd.f32 v45, v44;
	v55 =	vmul.f32 $2.500000040e-02, v36  }
0x101: {  	[tilespmem:s14+$0x20] =	vst v27;
	v27 =	vmul.f32 $2.500000040e-02, v56;
	v32 =	vadd.f32 v53, v52  }
0x102: {  	[tilespmem:s15+$0x70] =	vst v55;
	v34 =	vmul.f32 $2.500000040e-02, v54;
	v58 =	vadd.f32 v33, v35  }
0x103: {  	[tilespmem:s15+$0x20] =	vst v27;
	v57 =	vmul.f32 $2.500000040e-02, v32  }
0x104: {  	[tilespmem:s14+$0x70] =	vst v34;
	v59 =	vmul.f32 $2.500000040e-02, v58  }
0x105: {  	[tilespmem:s18+$0x70] =	vst v57  }
0x106: {  	[tilespmem:s18+$0x20] =	vst v59  }
0x107: {  	v27 =	vld.idx.msk [tilespmem:v23+s2+$0x0], $0xffff  }
0x108: {  	v28 =	vld.idx.msk [tilespmem:v24+s7+$0x0], $0xffff;
	_ =	sdelay $0x4  }
0x109: {  	v27 =	vadd.f32 v28, v27;
	_ =	sdelay $0x1  }
0x10a: {  	v27 =	vmul.f32 $2.500000040e-02, v27;
	_ =	sdelay $0x1  }
0x10b: {  	[tilespmem:$0xC7B0] =	vst v27  }
0x10c: {  	v27 =	vld.idx.msk [tilespmem:v17+s2+$0x0], $0xffff  }
0x10d: {  	v60 =	vld.idx.msk [tilespmem:v18+s7+$0x0], $0xffff;
	_ =	sdelay $0x4  }
0x10e: {  	v27 =	vadd.f32 v60, v27;
	_ =	sdelay $0x1  }
0x10f: {  	v27 =	vmul.f32 $2.500000040e-02, v27;
	_ =	sdelay $0x1  }
0x110: {  	[tilespmem:$0xC7C0] =	vst v27  }
0x111: {  	v27 =	vld.idx.msk [tilespmem:v19+s2+$0x0], $0xffff  }
0x112: {  	v61 =	vld.idx.msk [tilespmem:v20+s7+$0x0], $0xffff;
	_ =	sdelay $0x4  }
0x113: {  	v27 =	vadd.f32 v61, v27;
	_ =	sdelay $0x1  }
0x114: {  	v27 =	vmul.f32 $2.500000040e-02, v27;
	_ =	sdelay $0x1  }
0x115: {  	[tilespmem:$0xC7D0] =	vst v27  }
0x116: {  	v27 =	vld.idx.msk [tilespmem:v21+s2+$0x0], $0xffff  }
0x117: {  	v62 =	vld.idx.msk [tilespmem:v22+s7+$0x0], $0xffff;
	_ =	sdelay $0x4  }
0x118: {  	v27 =	vadd.f32 v62, v27;
	_ =	sdelay $0x1  }
0x119: {  	v27 =	vmul.f32 $2.500000040e-02, v27;
	_ =	sdelay $0x1  }
0x11a: {  	[tilespmem:$0xC7E0] =	vst v27  }
0x11b: {  	v27 =	vld.idx.msk [tilespmem:v25+s2+$0x0], $0xffff  }
0x11c: {  	v63 =	vld.idx.msk [tilespmem:v26+s7+$0x0], $0xffff;
	_ =	sdelay $0x4  }
.Ltmp4:
0x11d: {  	v27 =	vadd.f32 v63, v27;
	(pc) =	sbr.rel @p1 .LBB2_10-.Ltmp4, $3  }
0x11e: {  	_ = 	snop  }
0x11f: {  	v27 =	vmul.f32 $2.500000040e-02, v27;
	_ =	sdelay $0x1  }
0x120: {  	[tilespmem:$0xC7F0] =	vst v27  }
.LBB2_5:
0x121: {  	s15 =	simm.s32 $0x204  }
0x122: {  	v27 =	vor.u32 s15, v5  }
0x123: {  	v28 =	vadd.s32 s15, v6;
	_ =	sdelay $0x2  }
0x124: {  	s19 =	simm.s32 $0x200  }
0x125: {  	v29 =	vor.u32 s19, v5;
	v27 =	vld.idx.msk [tilespmem:v27+s2+$0x0], $0xffff  }
0x126: {  	v30 =	vadd.s32 s19, v6;
	v28 =	vld.idx.msk [tilespmem:v28+s7+$0x0], $0xffff;
	_ =	sdelay $0x3  }
0x127: {  	v29 =	vld.idx.msk [tilespmem:v29+s2+$0x0], $0xffff  }
0x128: {  	v30 =	vld.idx.msk [tilespmem:v30+s7+$0x0], $0xffff;
	v27 =	vadd.f32 v28, v27;
	v28 =	vor.u32 s15, v7  }
0x129: {  	v31 =	vadd.s32 s15, v8  }
0x12a: {  	v27 =	vmul.f32 $2.500000040e-02, v27  }
0x12b: {  	s13 =	simm.s32 $0xA050  }
0x12c: {  	v32 =	vadd.s32 s19, v8;
	[tilespmem:s13+$0x0] =	vst v27  }
0x12d: {  	v39 =	vor.u32 s19, v7;
	v29 =	vadd.f32 v30, v29;
	v27 =	vand.u32 $0xFFF8, v32;
	v28 =	vld.idx.msk [tilespmem:v28+s2+$0x0], $0xffff  }
0x12e: {  	s18 =	simm.s32 $0x20C;
	v27 =	vor.u32 v2, v27;
	v30 =	vld.idx.msk [tilespmem:v31+s7+$0x0], $0xffff  }
0x12f: {  	v33 =	vadd.s32 s18, v6;
	v29 =	vmul.f32 $2.500000040e-02, v29  }
0x130: {  	s20 =	simm.s32 $0x208;
	v31 =	vor.u32 s18, v5  }
0x131: {  	v34 =	vadd.s32 s20, v6;
	[tilespmem:s13+$0xFFFFFFB0] =	vst v29  }
0x132: {  	v29 =	vor.u32 s20, v5;
	v32 =	vld.idx.msk [tilespmem:v39+s2+$0x0], $0xffff  }
0x133: {  	v27 =	vld.idx.msk [tilespmem:v27+s7+$0x0], $0xffff;
	v28 =	vadd.f32 v30, v28;
	v30 =	vor.u32 s15, v9  }
0x134: {  	v35 =	vor.u32 s15, v10;
	v33 =	vld.idx.msk [tilespmem:v33+s7+$0x0], $0xffff  }
0x135: {  	v31 =	vld.idx.msk [tilespmem:v31+s2+$0x0], $0xffff;
	v28 =	vmul.f32 $2.500000040e-02, v28  }
0x136: {  	v34 =	vld.idx.msk [tilespmem:v34+s7+$0x0], $0xffff  }
0x137: {  	v29 =	vld.idx.msk [tilespmem:v29+s2+$0x0], $0xffff;
	[tilespmem:s13+$0x10] =	vst v28  }
0x138: {  	v28 =	vor.u32 s19, v9;
	v27 =	vadd.f32 v27, v32;
	v30 =	vld.idx.msk [tilespmem:v30+s2+$0x0], $0xffff  }
0x139: {  	v40 =	vor.u32 s19, v10;
	v35 =	vld.idx.msk [tilespmem:v35+s7+$0x0], $0xffff  }
0x13a: {  	v41 =	vor.u32 s18, v7;
	v31 =	vadd.f32 v33, v31;
	v27 =	vmul.f32 $2.500000040e-02, v27  }
0x13b: {  	v36 =	vadd.s32 s20, v8;
	v37 =	vadd.s32 s18, v8;
	v38 =	vor.u32 s20, v7  }
0x13c: {  	v36 =	vand.u32 $0xFFF8, v36;
	[tilespmem:s13+$0xFFFFFFC0] =	vst v27;
	v27 =	vadd.f32 v34, v29;
	v29 =	vmul.f32 $2.500000040e-02, v31  }
0x13d: {  	s14 =	simm.s32 $0xA0F0;
	v31 =	vor.u32 v2, v36;
	v28 =	vld.idx.msk [tilespmem:v28+s2+$0x0], $0xffff  }
0x13e: {  	v32 =	vld.idx.msk [tilespmem:v40+s7+$0x0], $0xffff;
	v27 =	vmul.f32 $2.500000040e-02, v27;
	[tilespmem:s14+$0x0] =	vst v29;
	v29 =	vadd.f32 v35, v30;
	v30 =	vor.u32 s15, v11  }
0x13f: {  	s21 =	simm.s32 $0x210;
	v42 =	vor.u32 s15, v12;
	v33 =	vld.idx.msk [tilespmem:v41+s2+$0x0], $0xffff  }
0x140: {  	s16 =	simm.s32 $0x214;
	v43 =	vor.u32 s21, v5;
	[tilespmem:s14+$0xFFFFFFB0] =	vst v27;
	v27 =	vld.idx.msk [tilespmem:v37+s7+$0x0], $0xffff;
	v29 =	vmul.f32 $2.500000040e-02, v29  }
0x141: {  	v45 =	vor.u32 s16, v5;
	v44 =	vld.idx.msk [tilespmem:v38+s2+$0x0], $0xffff  }
0x142: {  	v31 =	vld.idx.msk [tilespmem:v31+s7+$0x0], $0xffff;
	[tilespmem:s13+$0x20] =	vst v29;
	v29 =	vadd.s32 s16, v6  }
0x143: {  	v46 =	vadd.s32 s21, v6;
	v30 =	vld.idx.msk [tilespmem:v30+s2+$0x0], $0xffff  }
0x144: {  	v39 =	vor.u32 s19, v11;
	v28 =	vadd.f32 v32, v28;
	v47 =	vld.idx.msk [tilespmem:v42+s7+$0x0], $0xffff  }
0x145: {  	v49 =	vor.u32 s18, v9;
	v48 =	vld.idx.msk [tilespmem:v43+s2+$0x0], $0xffff;
	v27 =	vadd.f32 v27, v33  }
0x146: {  	v51 =	vor.u32 s18, v10;
	v50 =	vld.idx.msk [tilespmem:v45+s2+$0x0], $0xffff;
	v28 =	vmul.f32 $2.500000040e-02, v28  }
0x147: {  	v55 =	vor.u32 s19, v12;
	v31 =	vadd.f32 v31, v44;
	v29 =	vld.idx.msk [tilespmem:v29+s7+$0x0], $0xffff;
	v27 =	vmul.f32 $2.500000040e-02, v27  }
0x148: {  	v40 =	vor.u32 s20, v9;
	[tilespmem:s13+$0xFFFFFFD0] =	vst v28;
	v28 =	vld.idx.msk [tilespmem:v46+s7+$0x0], $0xffff  }
0x149: {  	v52 =	vor.u32 s20, v10;
	v38 =	vld.idx.msk [tilespmem:v39+s2+$0x0], $0xffff;
	v31 =	vmul.f32 $2.500000040e-02, v31;
	[tilespmem:s14+$0x10] =	vst v27;
	v27 =	vadd.f32 v47, v30  }
0x14a: {  	v30 =	vor.u32 s15, v13;
	v53 =	vld.idx.msk [tilespmem:v49+s2+$0x0], $0xffff  }
0x14b: {  	v54 =	vor.u32 s15, v14;
	[tilespmem:s14+$0xFFFFFFC0] =	vst v31;
	v31 =	vld.idx.msk [tilespmem:v51+s7+$0x0], $0xffff;
	v27 =	vmul.f32 $2.500000040e-02, v27  }
0x14c: {  	v57 =	vor.u32 s16, v7;
	v39 =	vld.idx.msk [tilespmem:v55+s7+$0x0], $0xffff;
	v29 =	vadd.f32 v29, v50  }
0x14d: {  	v56 =	vadd.s32 s21, v8;
	v41 =	vor.u32 s21, v7;
	v40 =	vld.idx.msk [tilespmem:v40+s2+$0x0], $0xffff;
	[tilespmem:s13+$0x30] =	vst v27;
	v27 =	vadd.s32 s16, v8  }
0x14e: {  	v37 =	vand.u32 $0xFFF8, v56;
	v36 =	vld.idx.msk [tilespmem:v52+s7+$0x0], $0xffff;
	v28 =	vadd.f32 v28, v48;
	v29 =	vmul.f32 $2.500000040e-02, v29  }
0x14f: {  	s15 =	simm.s32 $0xA190;
	v34 =	vld.idx.msk [tilespmem:v30+s2+$0x0], $0xffff;
	v30 =	vor.u32 v2, v37  }
0x150: {  	v28 =	vmul.f32 $2.500000040e-02, v28;
	v37 =	vld.idx.msk [tilespmem:v54+s7+$0x0], $0xffff;
	[tilespmem:s15+$0x0] =	vst v29;
	v29 =	vadd.f32 v31, v53;
	v31 =	vor.u32 s18, v11  }
0x151: {  	s22 =	simm.s32 $0x218;
	v59 =	vor.u32 s18, v12;
	v58 =	vld.idx.msk [tilespmem:v57+s2+$0x0], $0xffff  }
0x152: {  	[tilespmem:s15+$0xFFFFFFB0] =	vst v28;
	v27 =	vld.idx.msk [tilespmem:v27+s7+$0x0], $0xffff;
	v28 =	vmul.f32 $2.500000040e-02, v29;
	v29 =	vor.u32 s22, v5  }
0x153: {  	s17 =	simm.s32 $0x21C;
	v43 =	vadd.s32 s22, v6;
	v60 =	vld.idx.msk [tilespmem:v41+s2+$0x0], $0xffff  }
0x154: {  	v42 =	vadd.s32 s17, v6;
	v30 =	vld.idx.msk [tilespmem:v30+s7+$0x0], $0xffff;
	[tilespmem:s14+$0x20] =	vst v28  }
0x155: {  	v61 =	vor.u32 s17, v5;
	v32 =	vor.u32 s21, v11;
	v31 =	vld.idx.msk [tilespmem:v31+s2+$0x0], $0xffff  }
0x156: {  	v44 =	vor.u32 s20, v11;
	v46 =	vor.u32 s16, v9;
	v36 =	vadd.f32 v36, v40;
	v33 =	vld.idx.msk [tilespmem:v59+s7+$0x0], $0xffff  }
0x157: {  	v47 =	vor.u32 s19, v13;
	v49 =	vor.u32 s21, v9;
	v45 =	vld.idx.msk [tilespmem:v29+s2+$0x0], $0xffff;
	v29 =	vadd.f32 v27, v58  }
0x158: {  	v51 =	vor.u32 s21, v10;
	v48 =	vor.u32 s16, v10;
	v52 =	vld.idx.msk [tilespmem:v43+s7+$0x0], $0xffff;
	v36 =	vmul.f32 $2.500000040e-02, v36  }
0x159: {  	v50 =	vld.idx.msk [tilespmem:v42+s7+$0x0], $0xffff;
	v42 =	vor.u32 s22, v7;
	v40 =	vor.u32 s20, v12;
	v62 =	vmul.f32 $2.500000040e-02, v29  }
0x15a: {  	v41 =	vld.idx.msk [tilespmem:v61+s2+$0x0], $0xffff;
	v61 =	vor.u32 s17, v7;
	v57 =	vor.u32 s18, v14;
	[tilespmem:s14+$0xFFFFFFD0] =	vst v36;
	v30 =	vadd.f32 v30, v60  }
0x15b: {  	v34 =	vadd.f32 v37, v34;
	v37 =	vor.u32 s22, v12;
	v28 =	vor.u32 s19, v14;
	v36 =	vld.idx.msk [tilespmem:v44+s2+$0x0], $0xffff;
	[tilespmem:s15+$0x10] =	vst v62  }
0x15c: {  	v44 =	vor.u32 s18, v13;
	v63 =	vmul.f32 $2.500000040e-02, v30;
	v56 =	vadd.f32 v33, v31;
	v53 =	vld.idx.msk [tilespmem:v46+s2+$0x0], $0xffff  }
0x15d: {  	v59 =	vadd.f32 v39, v38;
	v39 =	vor.u32 s22, v9;
	v34 =	vmul.f32 $2.500000040e-02, v34;
	v48 =	vld.idx.msk [tilespmem:v48+s7+$0x0], $0xffff  }
0x15e: {  	v38 =	vor.u32 s22, v11;
	v27 =	vor.u32 s20, v13;
	[tilespmem:s15+$0xFFFFFFC0] =	vst v63;
	v35 =	vmul.f32 $2.500000040e-02, v56;
	v46 =	vld.idx.msk [tilespmem:v40+s7+$0x0], $0xffff  }
0x15f: {  	v58 =	vadd.s32 s22, v8;
	[tilespmem:s13+$0x40] =	vst v34;
	v34 =	vor.u32 s22, v14;
	v60 =	vadd.f32 v50, v41;
	v49 =	vld.idx.msk [tilespmem:v49+s2+$0x0], $0xffff  }
0x160: {  	v43 =	vand.u32 $0xFFF8, v58;
	v62 =	vmul.f32 $2.500000040e-02, v59;
	v63 =	vadd.s32 s17, v8;
	v54 =	vld.idx.msk [tilespmem:v51+s7+$0x0], $0xffff;
	[tilespmem:s14+$0x30] =	vst v35  }
0x161: {  	v41 =	vor.u32 s22, v10;
	v55 =	vmul.f32 $2.500000040e-02, v60;
	v52 =	vadd.f32 v52, v45;
	v44 =	vld.idx.msk [tilespmem:v44+s2+$0x0], $0xffff  }
0x162: {  	s18 =	simm.s32 $0xA230;
	v29 =	vor.u32 s20, v14;
	v43 =	vor.u32 v2, v43;
	v33 =	vor.u32 s21, v12;
	[tilespmem:s13+$0xFFFFFFE0] =	vst v62;
	v45 =	vld.idx.msk [tilespmem:v57+s7+$0x0], $0xffff  }
0x163: {  	[tilespmem:s18+$0x0] =	vst v55;
	v52 =	vmul.f32 $2.500000040e-02, v52;
	v40 =	vld.idx.msk [tilespmem:v47+s2+$0x0], $0xffff;
	v47 =	vor.u32 s16, v11;
	v53 =	vadd.f32 v48, v53  }
0x164: {  	v30 =	vor.u32 s21, v13;
	v31 =	vor.u32 s21, v14;
	v50 =	vld.idx.msk [tilespmem:v61+s2+$0x0], $0xffff;
	v48 =	vor.u32 s16, v12  }
0x165: {  	s19 =	simm.s32 $0x6;
	s20 =	simm.s32 $0x220;
	v35 =	vor.u32 s22, v13;
	[tilespmem:s18+$0xFFFFFFB0] =	vst v52;
	v51 =	vld.idx.msk [tilespmem:v63+s7+$0x0], $0xffff;
	v49 =	vadd.f32 v54, v49;
	v52 =	vmul.f32 $2.500000040e-02, v53  }
.LBB2_6:
0x166: {  	v53 =	vor.u32 s20, v5;
	v54 =	vadd.s32 s20, v6;
	v55 =	vadd.s32 s20, v8;
	s21 =	sadd.s32 $0x4, s20;
	v56 =	vld.idx.msk [tilespmem:v42+s2+$0x0], $0xffff  }
0x167: {  	v44 =	vadd.f32 v45, v44;
	v55 =	vand.u32 $0xFFF8, v55;
	v57 =	vor.u32 s21, v5;
	v58 =	vld.idx.msk [tilespmem:v43+s7+$0x0], $0xffff;
	[tilespmem:s15+$0x20] =	vst v52  }
0x168: {  	v42 =	vor.u32 s20, v7;
	v45 =	vadd.s32 s21, v6;
	v43 =	vor.u32 v2, v55;
	v47 =	vld.idx.msk [tilespmem:v47+s2+$0x0], $0xffff  }
0x169: {  	v52 =	vor.u32 s20, v9;
	v55 =	vor.u32 s20, v10;
	v44 =	vmul.f32 $2.500000040e-02, v44;
	v48 =	vld.idx.msk [tilespmem:v48+s7+$0x0], $0xffff  }
0x16a: {  	v59 =	vor.u32 s20, v11;
	v60 =	vor.u32 s20, v12;
	v49 =	vmul.f32 $2.500000040e-02, v49;
	v61 =	vld.idx.msk [tilespmem:v28+s7+$0x0], $0xffff;
	v28 =	vmovc v29;
	v29 =	vmovc v31  }
0x16b: {  	s19 =	sadd.s32 $0x2, s19;
	v36 =	vadd.f32 v46, v36;
	v50 =	vadd.f32 v51, v50;
	v51 =	vor.u32 s17, v9;
	v53 =	vld.idx.msk [tilespmem:v53+s2+$0x0], $0xffff;
	[tilespmem:s14+$0x40] =	vst v44  }
0x16c: {  	v62 =	vor.u32 s20, v13;
	p2 =	slt.u32 s19, $0x78;
	v46 =	vor.u32 s17, v10;
	v31 =	vmovc v34;
	v34 =	vor.u32 s20, v14;
	v44 =	vld.idx.msk [tilespmem:v57+s2+$0x0], $0xffff;
	[tilespmem:s15+$0xFFFFFFD0] =	vst v49  }
0x16d: {  	v49 =	vadd.f32 v58, v56;
	v50 =	vmul.f32 $2.500000040e-02, v50;
	v56 =	vmul.f32 $2.500000040e-02, v36;
	v45 =	vld.idx.msk [tilespmem:v45+s7+$0x0], $0xffff  }
0x16e: {  	v54 =	vld.idx.msk [tilespmem:v54+s7+$0x0], $0xffff  }
0x16f: {  	v49 =	vmul.f32 $2.500000040e-02, v49;
	v47 =	vadd.f32 v48, v47;
	v48 =	vor.u32 s16, v13;
	[tilespmem:s18+$0x10] =	vst v50;
	v36 =	vld.idx.msk [tilespmem:v32+s2+$0x0], $0xffff;
	v32 =	vmovc v38  }
0x170: {  	v40 =	vadd.f32 v61, v40;
	v38 =	vmov v59;
	v50 =	vld.idx.msk [tilespmem:v51+s2+$0x0], $0xffff;
	v51 =	vor.u32 s16, v14;
	[tilespmem:s14+$0xFFFFFFE0] =	vst v56;
	s16 =	smov.u32 s17;
	s17 =	smov.u32 s21  }
0x171: {  	[tilespmem:s18+$0xFFFFFFC0] =	vst v49;
	v49 =	vld.idx.msk [tilespmem:v46+s7+$0x0], $0xffff;
	v46 =	vmul.f32 $2.500000040e-02, v47  }
0x172: {  	v40 =	vmul.f32 $2.500000040e-02, v40;
	v56 =	vld.idx.msk [tilespmem:v39+s2+$0x0], $0xffff;
	v39 =	vmov v52  }
0x173: {  	v45 =	vadd.f32 v45, v44;
	v52 =	vor.u32 s17, v7;
	v57 =	vld.idx.msk [tilespmem:v41+s7+$0x0], $0xffff;
	[tilespmem:s15+$0x30] =	vst v46;
	v41 =	vmov v55  }
0x174: {  	v46 =	vadd.f32 v54, v53;
	v53 =	vadd.s32 s17, v8;
	v44 =	vld.idx.msk [tilespmem:v48+s2+$0x0], $0xffff;
	[tilespmem:s13+$0xFFFFFFF0] =	vst v40;
	s13 =	smov.u32 s14;
	s14 =	smov.u32 s15;
	s15 =	smov.u32 s18  }
.Ltmp5:
0x175: {  	v40 =	vmul.f32 $2.500000040e-02, v45;
	v45 =	vld.idx.msk [tilespmem:v51+s7+$0x0], $0xffff;
	(pc) =	sbr.rel @p2 .LBB2_6-.Ltmp5, $4  }
0x176: {  	s18 =	sadd.s32 $0xA0, s18;
	v48 =	vmul.f32 $2.500000040e-02, v46;
	v46 =	vld.idx.msk [tilespmem:v33+s7+$0x0], $0xffff;
	v33 =	vmov v37;
	v37 =	vmov v60  }
0x177: {  	v47 =	vor.u32 s16, v11;
	v54 =	vadd.f32 v49, v50;
	[tilespmem:s18+$0x0] =	vst v40;
	v40 =	vld.idx.msk [tilespmem:v27+s2+$0x0], $0xffff;
	v27 =	vmovc v30;
	v30 =	vmov v35  }
0x178: {  	v35 =	vmov v62;
	[tilespmem:s18+$0xFFFFFFB0] =	vst v48;
	v50 =	vld.idx.msk [tilespmem:v52+s2+$0x0], $0xffff;
	v48 =	vor.u32 s16, v12  }
0x179: {  	s20 =	sadd.s32 $0x8, s20;
	v49 =	vadd.f32 v57, v56;
	v52 =	vmul.f32 $2.500000040e-02, v54;
	v51 =	vld.idx.msk [tilespmem:v53+s7+$0x0], $0xffff  }
0x17a: {  	_ =	sdelay $0x3  }
0x17b: {  	v42 =	vld.idx.msk [tilespmem:v42+s2+$0x0], $0xffff  }
0x17c: {  	v43 =	vld.idx.msk [tilespmem:v43+s7+$0x0], $0xffff;
	_ =	sdelay $0x2  }
0x17d: {  	v63 =	vor.u32 s17, v9;
	v50 =	vadd.f32 v51, v50  }
0x17e: {  	v53 =	vor.u32 s17, v10  }
0x17f: {  	v42 =	vadd.f32 v43, v42;
	v50 =	vmul.f32 $2.500000040e-02, v50;
	_ =	sdelay $0x1  }
0x180: {  	v42 =	vmul.f32 $2.500000040e-02, v42;
	[tilespmem:s18+$0x10] =	vst v50  }
0x181: {  	v56 =	vld.idx.msk [tilespmem:v63+s2+$0x0], $0xffff  }
0x182: {  	v50 =	vld.idx.msk [tilespmem:v53+s7+$0x0], $0xffff;
	[tilespmem:s18+$0xFFFFFFC0] =	vst v42  }
0x183: {  	v39 =	vld.idx.msk [tilespmem:v39+s2+$0x0], $0xffff  }
0x184: {  	v41 =	vld.idx.msk [tilespmem:v41+s7+$0x0], $0xffff;
	_ =	sdelay $0x2  }
0x185: {  	v58 =	vor.u32 s17, v11;
	[tilespmem:s15+$0x20] =	vst v52;
	v49 =	vmul.f32 $2.500000040e-02, v49;
	v57 =	vadd.f32 v50, v56  }
0x186: {  	v59 =	vor.u32 s17, v12;
	v47 =	vld.idx.msk [tilespmem:v47+s2+$0x0], $0xffff  }
0x187: {  	v48 =	vld.idx.msk [tilespmem:v48+s7+$0x0], $0xffff;
	[tilespmem:s15+$0xFFFFFFD0] =	vst v49;
	v39 =	vadd.f32 v41, v39;
	v42 =	vmul.f32 $2.500000040e-02, v57  }
0x188: {  	v32 =	vld.idx.msk [tilespmem:v32+s2+$0x0], $0xffff  }
0x189: {  	v33 =	vld.idx.msk [tilespmem:v33+s7+$0x0], $0xffff;
	v39 =	vmul.f32 $2.500000040e-02, v39;
	[tilespmem:s18+$0x20] =	vst v42  }
0x18a: {  	v36 =	vadd.f32 v46, v36;
	v60 =	vld.idx.msk [tilespmem:v58+s2+$0x0], $0xffff  }
0x18b: {  	v42 =	vld.idx.msk [tilespmem:v59+s7+$0x0], $0xffff;
	[tilespmem:s18+$0xFFFFFFD0] =	vst v39  }
0x18c: {  	v62 =	vor.u32 s16, v13;
	v36 =	vmul.f32 $2.500000040e-02, v36;
	v61 =	vadd.f32 v48, v47;
	v38 =	vld.idx.msk [tilespmem:v38+s2+$0x0], $0xffff  }
0x18d: {  	v63 =	vor.u32 s16, v14;
	v37 =	vld.idx.msk [tilespmem:v37+s7+$0x0], $0xffff  }
0x18e: {  	v28 =	vld.idx.msk [tilespmem:v28+s7+$0x0], $0xffff;
	[tilespmem:s14+$0xFFFFFFE0] =	vst v36;
	v43 =	vmul.f32 $2.500000040e-02, v61;
	v32 =	vadd.f32 v33, v32  }
0x18f: {  	v27 =	vld.idx.msk [tilespmem:v27+s2+$0x0], $0xffff  }
0x190: {  	v49 =	vor.u32 s17, v13;
	v29 =	vld.idx.msk [tilespmem:v29+s7+$0x0], $0xffff;
	[tilespmem:s15+$0x30] =	vst v43;
	v32 =	vmul.f32 $2.500000040e-02, v32;
	v46 =	vadd.f32 v42, v60  }
0x191: {  	v51 =	vor.u32 s17, v14;
	v50 =	vld.idx.msk [tilespmem:v62+s2+$0x0], $0xffff  }
0x192: {  	[tilespmem:s15+$0xFFFFFFE0] =	vst v32;
	v52 =	vld.idx.msk [tilespmem:v63+s7+$0x0], $0xffff;
	v54 =	vadd.f32 v37, v38;
	v53 =	vmul.f32 $2.500000040e-02, v46  }
0x193: {  	v30 =	vld.idx.msk [tilespmem:v30+s2+$0x0], $0xffff  }
0x194: {  	v31 =	vld.idx.msk [tilespmem:v31+s7+$0x0], $0xffff;
	v33 =	vmul.f32 $2.500000040e-02, v54;
	[tilespmem:s18+$0x30] =	vst v53  }
0x195: {  	v55 =	vld.idx.msk [tilespmem:v49+s2+$0x0], $0xffff  }
0x196: {  	v56 =	vld.idx.msk [tilespmem:v51+s7+$0x0], $0xffff;
	[tilespmem:s18+$0xFFFFFFE0] =	vst v33  }
0x197: {  	v28 =	vadd.f32 v28, v40;
	v35 =	vld.idx.msk [tilespmem:v35+s2+$0x0], $0xffff  }
0x198: {  	v27 =	vadd.f32 v29, v27;
	v34 =	vld.idx.msk [tilespmem:v34+s7+$0x0], $0xffff  }
0x199: {  	v28 =	vmul.f32 $2.500000040e-02, v28;
	v36 =	vadd.f32 v52, v50  }
0x19a: {  	v27 =	vmul.f32 $2.500000040e-02, v27;
	v59 =	vadd.f32 v31, v30  }
0x19b: {  	[tilespmem:s13+$0xFFFFFFF0] =	vst v28;
	v57 =	vadd.f32 v45, v44;
	v58 =	vmul.f32 $2.500000040e-02, v36  }
0x19c: {  	[tilespmem:s14+$0xFFFFFFF0] =	vst v27;
	v27 =	vmul.f32 $2.500000040e-02, v59;
	v32 =	vadd.f32 v56, v55  }
0x19d: {  	[tilespmem:s15+$0x40] =	vst v58;
	v33 =	vmul.f32 $2.500000040e-02, v57;
	v61 =	vadd.f32 v34, v35  }
0x19e: {  	[tilespmem:s15+$0xFFFFFFF0] =	vst v27;
	v60 =	vmul.f32 $2.500000040e-02, v32  }
0x19f: {  	[tilespmem:s14+$0x40] =	vst v33;
	v62 =	vmul.f32 $2.500000040e-02, v61  }
0x1a0: {  	[tilespmem:s18+$0x40] =	vst v60  }
0x1a1: {  	s31 =	simm.s32 $0x0;
	[tilespmem:s18+$0xFFFFFFF0] =	vst v62  }
0x1a2: {  	v27 =	vld.idx.msk [tilespmem:v0+s31+$0x0], $0xffff  }
0x1a3: {  	v28 =	vld.idx.msk [tilespmem:v1+s7+$0x0], $0xffff;
	_ =	sdelay $0x4  }
0x1a4: {  	v27 =	vnsel vm3, $0x0, v27;
	v28 =	vnsel vm2, $0x0, v28  }
0x1a5: {  	v27 =	vadd.f32 v28, v27;
	_ =	sdelay $0x1  }
0x1a6: {  	v27 =	vmul.f32 $2.500000040e-02, v27;
	_ =	sdelay $0x1  }
0x1a7: {  	[tilespmem:$0xC620] =	vst v27  }
0x1a8: {  	v27 =	vld.idx.msk [tilespmem:v3+s31+$0x0], $0xffff  }
0x1a9: {  	v63 =	vld.idx.msk [tilespmem:v4+s7+$0x0], $0xffff;
	_ =	sdelay $0x4  }
0x1aa: {  	v27 =	vnsel vm1, $0x0, v27;
	v28 =	vnsel vm0, $0x0, v63  }
0x1ab: {  	v27 =	vadd.f32 v28, v27;
	_ =	sdelay $0x1  }
0x1ac: {  	v27 =	vmul.f32 $2.500000040e-02, v27;
	_ =	sdelay $0x1  }
0x1ad: {  	s13 =	simm.s32 $0x40;
	s14 =	simm.s32 $0x0;
	[tilespmem:$0xC630] =	vst v27  }
.LBB2_8:
0x1ae: {  	p2 =	sne.s32 s13, $0x6C0;
	[tilespmem:s14+$0xC640] =	vst v15;
	s14 =	smov.u32 s13;
	s13 =	sadd.s32 $0x40, s13  }
.Ltmp6:
0x1af: {  	(pc) =	sbr.rel @p2 .LBB2_8-.Ltmp6, $2  }
0x1b0: {  	_ =	sdelay $0x2  }
0x1b1: {  	s14 =	sshra.s32 s14, $0x2  }
.Ltmp7:
0x1b2: {  	(pc) =	sbr.rel .LBB2_10-.Ltmp7, $2  }
0x1b3: {  	_ =	sdelay $0x2  }
0x1b4: {  	[tilespmem:s14+$0xC640] =	vst v15  }
.LBB2_11:
0x1b5: {  	_ =	sfence.sel $0x180000  }
0x1b6: {  	[bflag:$0x0] =	sbarrier.arrive $0xFFFF  }
0x1b7: {  	p0 =	sne.s32 s0, $0x0;
	_ =	strace $0x9000004A  }
0x1b8: {  	s0 =	sadd.s32 @!p0 $0x100000, s1;
	[bflag:$0x2] =	sbarrier.arrive $0xFFFF  }
0x1b9: {  	[sflag:s0] =	ssyncadd.tile.s32 @!p0 $0x1;
	_ =	shalt  }
.Lfunc_end2:
_tile_overlayer_lowered:
.L_overlay_start_2:
0x1ba: {  	(tag) =	ssettag $0x2  }
0x1bb: {  	s0 =	rddreg [dreg:$0x0];
	s2 =	stileid.u32  }
0x1bc: {  	s1 =	rddreg [dreg:$0x1];
	p0 =	sne.s32 s2, $0x0  }
0x1bd: {  	s3 =	rddreg [dreg:$0x2];
	[bflag:$0x3] =	sbarrier.arrive $0xFFFF;
	s2 =	simm.s32 @!p0 $0x1C03  }
0x1be: {  	[timem:s3], [sflag:s2] =	dma.local @!p0 [hbm:s0], s1  }
0x1bf: {  	s0 =	simm.s32 @!p0 $0x3  }
0x1c0: {  	_ =	swait.ge @!p0 [sflag:s0], s1  }
0x1c1: {  	s1 =	ssub.s32 @!p0 $0x0, s1;
	[sflag:s0] =	ssyncset.done @!p0 $0x0  }
0x1c2: {  	[sflag:s0] =	ssyncadd.s32 @!p0 s1  }
0x1c3: {  	[bflag:$0x3] =	sbarrier.arrive $0xFFFF  }
0x1c4: {  	_ =	shalt  }

</sc_bundles>
